<compile_context>
chip_gen: v7x
topology: tpu7x:2x2x1
jax: 0.10.2.dev20260603
libtpu: 0.0.44.dev20260713+nightly
codegen_flags: <defaults>
</compile_context>

<pallas_src>
import functools

import jax
import jax.numpy as jnp
from jax import lax
from jax.experimental import pallas as pl
from jax.experimental.pallas import tpu as pltpu
from jax.experimental.pallas import tpu_sc as plsc

N_NODES = 10000
D_IN = 128
H_OUT = 64
N_EDGES = 320000

NC = 2
NS = 16
CHUNK = 256
NK = 80
E_PAD = NK * NS * CHUNK
SLICE = 640
ACC_ROWS = SLICE * NS
DUMMY_DST = N_NODES
CW = 8

ROW_BLK = 1000
GRID = N_NODES // ROW_BLK


def _make_seg_sum(first_layer):
  out_type = [jax.ShapeDtypeStruct((ACC_ROWS, H_OUT), jnp.float32),
              jax.ShapeDtypeStruct((ACC_ROWS, H_OUT), jnp.float32)]
  if first_layer:
    out_type += [jax.ShapeDtypeStruct((ACC_ROWS, CW), jnp.float32),
                 jax.ShapeDtypeStruct((ACC_ROWS, CW), jnp.float32)]

  scratch = dict(
      acc_s=pltpu.VMEM_SHARED((ACC_ROWS, H_OUT), jnp.float32),
      rows_v=[pltpu.VMEM((CHUNK, H_OUT), jnp.float32) for _ in range(4)],
      idx_sv=[pltpu.VMEM((CHUNK,), jnp.int32) for _ in range(4)],
      idx_dv=[pltpu.VMEM((CHUNK,), jnp.int32) for _ in range(4)],
      sem_g=[pltpu.SemaphoreType.DMA for _ in range(4)],
      sem_s=[pltpu.SemaphoreType.DMA for _ in range(4)],
      sem_is=[pltpu.SemaphoreType.DMA for _ in range(4)],
      sem_id=[pltpu.SemaphoreType.DMA for _ in range(4)],
  )
  if first_layer:
    scratch.update(
        cnt_s=pltpu.VMEM_SHARED((ACC_ROWS, CW), jnp.float32),
        ones_v=pltpu.VMEM((CHUNK, CW), jnp.float32),
        sem_c=[pltpu.SemaphoreType.DMA for _ in range(4)],
    )

  mesh = plsc.VectorSubcoreMesh(core_axis_name="c", subcore_axis_name="s")

  @functools.partial(
      pl.kernel, out_type=out_type, mesh=mesh, scratch_types=scratch,
      compiler_params=pltpu.CompilerParams(use_tc_tiling_on_sc=False))
  def seg_sum(y_a, y_b, src_a, dst_a, src_b, dst_b, zero64, zero16, ones16,
              *args, acc_s, rows_v, idx_sv, idx_dv, sem_g, sem_s,
              sem_is, sem_id, cnt_s=None, ones_v=None, sem_c=None):
    if first_layer:
      sum_a, sum_b, cnt_a, cnt_b = args
    else:
      sum_a, sum_b = args
    c = lax.axis_index("c")
    s = lax.axis_index("s")
    my_rows = pl.ds(s * SLICE, SLICE)

    pltpu.sync_copy(zero64, acc_s.at[my_rows])
    if first_layer:
      pltpu.sync_copy(zero16, cnt_s.at[my_rows])
      pltpu.sync_copy(ones16, ones_v)
    plsc.subcore_barrier()

    for core_id, (y, src_t, dst_t) in enumerate(
        ((y_a, src_a, dst_a), (y_b, src_b, dst_b))):
      @pl.when(c == core_id)
      def _():
        base = s * NK

        def load_idx_s(m, p):
          pltpu.async_copy(src_t.at[base + m], idx_sv[p], sem_is[p])

        def wait_idx_s(m, p):
          pltpu.make_async_copy(src_t.at[base + m], idx_sv[p],
                                sem_is[p]).wait()

        def load_idx_d(m, p):
          pltpu.async_copy(dst_t.at[base + m], idx_dv[p], sem_id[p])

        def wait_idx_d(m, p):
          pltpu.make_async_copy(dst_t.at[base + m], idx_dv[p],
                                sem_id[p]).wait()

        def fire_gather(p):
          pltpu.async_copy(y.at[idx_sv[p]], rows_v[p], sem_g[p])

        def wait_gather(p):
          pltpu.make_async_copy(y.at[idx_sv[p]], rows_v[p], sem_g[p]).wait()

        def fire_scatter(p):
          pltpu.async_copy(rows_v[p], acc_s.at[idx_dv[p]], sem_s[p], add=True)
          if first_layer:
            pltpu.async_copy(ones_v, cnt_s.at[idx_dv[p]], sem_c[p], add=True)

        def drain_scatter(p):
          pltpu.make_async_copy(rows_v[p], acc_s.at[idx_dv[p]],
                                sem_s[p]).wait()
          if first_layer:
            pltpu.make_async_copy(ones_v, cnt_s.at[idx_dv[p]],
                                  sem_c[p]).wait()

        for m in range(4):
          load_idx_s(m, m)
        load_idx_d(0, 0)
        load_idx_d(1, 1)
        wait_idx_s(0, 0)
        fire_gather(0)
        wait_idx_s(1, 1)
        fire_gather(1)

        nk4 = NK // 4

        def body(k4, carry):
          for b in range(4):
            k = k4 * 4 + b
            p = b
            j2 = (b + 2) % 4

            def head():
              drain_scatter(j2)

            if b < 2:
              @pl.when(k4 > 0)
              def _():
                head()
            else:
              head()

            def stage_ahead():
              load_idx_d(k + 2, j2)
              wait_idx_s(k + 2, j2)
              fire_gather(j2)

            if b < 2:
              stage_ahead()
            else:
              @pl.when(k4 < nk4 - 1)
              def _():
                stage_ahead()

            wait_gather(p)
            @pl.when(k4 < nk4 - 1)
            def _():
              load_idx_s(k + 4, p)
            wait_idx_d(k, p)
            fire_scatter(p)
          return carry

        lax.fori_loop(0, nk4, body, 0)
        drain_scatter((NK - 2) % 4)
        drain_scatter((NK - 1) % 4)

    plsc.subcore_barrier()

    @pl.when(c == 0)
    def _():
      pltpu.sync_copy(acc_s.at[my_rows], sum_a.at[my_rows])
      if first_layer:
        pltpu.sync_copy(cnt_s.at[my_rows], cnt_a.at[my_rows])

    @pl.when(c == 1)
    def _():
      pltpu.sync_copy(acc_s.at[my_rows], sum_b.at[my_rows])
      if first_layer:
        pltpu.sync_copy(cnt_s.at[my_rows], cnt_b.at[my_rows])

  return seg_sum


_seg_sum_l1 = _make_seg_sum(True)
_seg_sum_l2 = _make_seg_sum(False)


def _mm(x, w):
  return jnp.dot(x, w, preferred_element_type=jnp.float32)


def _tc1_body(xu, xi, w1l_a, w1r_a, b1_a, w1l_b, w1r_b, b1_b,
              y1u, y1i, s1i, s1u):
  xu_b = xu[...]
  xi_b = xi[...]
  y1u[...] = _mm(xu_b, w1l_a[...])
  y1i[...] = _mm(xi_b, w1l_b[...])
  s1i[...] = _mm(xi_b, w1r_a[...]) + b1_a[...]
  s1u[...] = _mm(xu_b, w1r_b[...]) + b1_b[...]


def _tc2_body(sum_i, cnt_i, s1i, sum_u, cnt_u, s1u,
              w2l_a, w2r_a, b2_a, w2l_b, w2r_b, b2_b,
              z2u, z2i, s2i, s2u):
  ci = jnp.maximum(cnt_i[:, 0:1], 1.0)
  cu = jnp.maximum(cnt_u[:, 0:1], 1.0)
  h_i = jnp.maximum(sum_i[...] / ci + s1i[...], 0.0)
  h_u = jnp.maximum(sum_u[...] / cu + s1u[...], 0.0)
  z2u[...] = _mm(h_u, w2l_a[...])
  z2i[...] = _mm(h_i, w2l_b[...])
  s2i[...] = _mm(h_i, w2r_a[...]) + b2_a[...]
  s2u[...] = _mm(h_u, w2r_b[...]) + b2_b[...]


def _tc3_body(sum_i, cnt_i, s2i, sum_u, cnt_u, s2u, o_user, o_item):
  ci = jnp.maximum(cnt_i[:, 0:1], 1.0)
  cu = jnp.maximum(cnt_u[:, 0:1], 1.0)
  o_item[...] = sum_i[...] / ci + s2i[...]
  o_user[...] = sum_u[...] / cu + s2u[...]


def _row_spec(width):
  return pl.BlockSpec((ROW_BLK, width), lambda i: (i, 0))


def _full_spec(shape):
  return pl.BlockSpec(shape, lambda i: tuple(0 for _ in shape))


def _pad_edges(ei):
  ei = ei.astype(jnp.int32)
  pad = E_PAD - N_EDGES
  src = jnp.concatenate([ei[0], jnp.zeros((pad,), jnp.int32)])
  dst = jnp.concatenate([ei[1], jnp.full((pad,), DUMMY_DST, jnp.int32)])
  return (src.reshape(E_PAD // CHUNK, CHUNK),
          dst.reshape(E_PAD // CHUNK, CHUNK))


def kernel(x_user, x_item, edge_index_u2i, edge_index_i2u,
           W1l_u2i, W1r_u2i, b1_u2i, W1l_i2u, W1r_i2u, b1_i2u,
           W2l_u2i, W2r_u2i, b2_u2i, W2l_i2u, W2r_i2u, b2_i2u):
  src_a, dst_a = _pad_edges(edge_index_u2i)
  src_b, dst_b = _pad_edges(edge_index_i2u)
  zero64 = jnp.zeros((SLICE, H_OUT), jnp.float32)
  zero16 = jnp.zeros((SLICE, CW), jnp.float32)
  ones16 = jnp.ones((CHUNK, CW), jnp.float32)

  f32 = jnp.float32
  blk = jax.ShapeDtypeStruct((N_NODES, H_OUT), f32)

  y1u, y1i, s1i, s1u = pl.pallas_call(
      _tc1_body,
      grid=(GRID,),
      in_specs=[_row_spec(D_IN), _row_spec(D_IN),
                _full_spec((D_IN, H_OUT)), _full_spec((D_IN, H_OUT)),
                _full_spec((1, H_OUT)),
                _full_spec((D_IN, H_OUT)), _full_spec((D_IN, H_OUT)),
                _full_spec((1, H_OUT))],
      out_specs=[_row_spec(H_OUT)] * 4,
      out_shape=[blk] * 4,
  )(x_user, x_item, W1l_u2i, W1r_u2i, b1_u2i.reshape(1, H_OUT),
    W1l_i2u, W1r_i2u, b1_i2u.reshape(1, H_OUT))

  sum1_i, sum1_u, cnt_i, cnt_u = _seg_sum_l1(
      y1u, y1i, src_a, dst_a, src_b, dst_b, zero64, zero16, ones16)

  z2u, z2i, s2i, s2u = pl.pallas_call(
      _tc2_body,
      grid=(GRID,),
      in_specs=[_row_spec(H_OUT), _row_spec(CW), _row_spec(H_OUT),
                _row_spec(H_OUT), _row_spec(CW), _row_spec(H_OUT),
                _full_spec((H_OUT, H_OUT)), _full_spec((H_OUT, H_OUT)),
                _full_spec((1, H_OUT)),
                _full_spec((H_OUT, H_OUT)), _full_spec((H_OUT, H_OUT)),
                _full_spec((1, H_OUT))],
      out_specs=[_row_spec(H_OUT)] * 4,
      out_shape=[blk] * 4,
  )(sum1_i, cnt_i, s1i, sum1_u, cnt_u, s1u,
    W2l_u2i, W2r_u2i, b2_u2i.reshape(1, H_OUT),
    W2l_i2u, W2r_i2u, b2_i2u.reshape(1, H_OUT))

  sum2_i, sum2_u = _seg_sum_l2(
      z2u, z2i, src_a, dst_a, src_b, dst_b, zero64, zero16, ones16)

  o_user, o_item = pl.pallas_call(
      _tc3_body,
      grid=(GRID,),
      in_specs=[_row_spec(H_OUT), _row_spec(CW), _row_spec(H_OUT),
                _row_spec(H_OUT), _row_spec(CW), _row_spec(H_OUT)],
      out_specs=[_row_spec(H_OUT)] * 2,
      out_shape=[blk] * 2,
  )(sum2_i, cnt_i, s2i, sum2_u, cnt_u, s2u)

  return (o_user, o_item)

# --- scband reference (transcript-rebuilt; emitter-appended) ---
"""Pipeline reference for scband-hetero-sage-36077725286513 (READ-ONLY COPY).

The authoritative reference and input builder live on the scoring server;
editing this copy changes nothing except your own understanding.
"""

import jax, jax.numpy as jnp
import numpy as np

N_U = 10000
N_I = 10000
D = 128
H = 64
E = 320000


def _sage(x_src, x_dst, ei, Wl, bl, Wr, n_dst):
    # PyG SAGEConv: out = lin_l(mean_aggr(x_j)) + lin_r(x_dst)
    # lin_l has bias, lin_r has no bias; default aggr='mean'
    msgs = x_src[ei[0]]
    s = jax.ops.segment_sum(msgs, ei[1], num_segments=n_dst)
    cnt = jax.ops.segment_sum(jnp.ones((ei.shape[1],), x_src.dtype), ei[1], num_segments=n_dst)
    mean = s / jnp.clip(cnt, 1.0)[:, None]
    return mean @ Wl + bl + x_dst @ Wr


def setup_inputs(seed: int = 0) -> dict:
    key = jax.random.key(seed)
    ks = jax.random.split(key, 20)
    inp = {}
    inp["x_user"] = jax.random.normal(ks[0], (N_U, D), jnp.float32)
    inp["x_item"] = jax.random.normal(ks[1], (N_I, D), jnp.float32)
    inp["edge_index_u2i"] = jax.random.randint(ks[2], (2, E), 0, N_I)
    inp["edge_index_i2u"] = jax.random.randint(ks[3], (2, E), 0, N_U)
    s1 = 1.0 / np.sqrt(D)
    s2 = 1.0 / np.sqrt(H)
    # conv1 (in=D, out=H) per edge type
    inp["W1l_u2i"] = jax.random.normal(ks[4], (D, H), jnp.float32) * s1
    inp["W1r_u2i"] = jax.random.normal(ks[5], (D, H), jnp.float32) * s1
    inp["b1_u2i"] = jnp.zeros((H,), jnp.float32)
    inp["W1l_i2u"] = jax.random.normal(ks[6], (D, H), jnp.float32) * s1
    inp["W1r_i2u"] = jax.random.normal(ks[7], (D, H), jnp.float32) * s1
    inp["b1_i2u"] = jnp.zeros((H,), jnp.float32)
    # conv2 (in=H, out=H) per edge type
    inp["W2l_u2i"] = jax.random.normal(ks[8], (H, H), jnp.float32) * s2
    inp["W2r_u2i"] = jax.random.normal(ks[9], (H, H), jnp.float32) * s2
    inp["b2_u2i"] = jnp.zeros((H,), jnp.float32)
    inp["W2l_i2u"] = jax.random.normal(ks[10], (H, H), jnp.float32) * s2
    inp["W2r_i2u"] = jax.random.normal(ks[11], (H, H), jnp.float32) * s2
    inp["b2_i2u"] = jnp.zeros((H,), jnp.float32)
    return inp


def reference(x_user, x_item, edge_index_u2i, edge_index_i2u,
              W1l_u2i, W1r_u2i, b1_u2i, W1l_i2u, W1r_i2u, b1_i2u,
              W2l_u2i, W2r_u2i, b2_u2i, W2l_i2u, W2r_i2u, b2_i2u):
    # conv1 (HeteroConv, aggr='sum'; each dst type receives exactly one edge type)
    h_item = _sage(x_user, x_item, edge_index_u2i, W1l_u2i, b1_u2i, W1r_u2i, N_I)
    h_user = _sage(x_item, x_user, edge_index_i2u, W1l_i2u, b1_i2u, W1r_i2u, N_U)
    h_user = jax.nn.relu(h_user)
    h_item = jax.nn.relu(h_item)
    # conv2
    o_item = _sage(h_user, h_item, edge_index_u2i, W2l_u2i, b2_u2i, W2r_u2i, N_I)
    o_user = _sage(h_item, h_user, edge_index_i2u, W2l_i2u, b2_i2u, W2r_i2u, N_U)
    return (o_user, o_item)

if __name__ == "__main__":
    import jax
    _d = setup_inputs()
    print(jax.jit(kernel)(*tuple(_d.values())))

</pallas_src>

<mosaic_0001>
#map = affine_map<(d0, d1) -> (0, 0)>
module attributes {stable_mosaic.version = 14 : i64} {
  func.func @seg_sum(%arg0: i32, %arg1: i32, %arg2: memref<10000x64xf32, #tpu.memory_space<hbm>>, %arg3: memref<10000x64xf32, #tpu.memory_space<hbm>>, %arg4: memref<1280x256xi32, #tpu.memory_space<hbm>>, %arg5: memref<1280x256xi32, #tpu.memory_space<hbm>>, %arg6: memref<1280x256xi32, #tpu.memory_space<hbm>>, %arg7: memref<1280x256xi32, #tpu.memory_space<hbm>>, %arg8: memref<640x64xf32, #tpu.memory_space<hbm>>, %arg9: memref<640x8xf32, #tpu.memory_space<hbm>>, %arg10: memref<256x8xf32, #tpu.memory_space<hbm>>, %arg11: memref<10240x64xf32, #tpu.memory_space<hbm>>, %arg12: memref<10240x64xf32, #tpu.memory_space<hbm>>, %arg13: memref<10240x8xf32, #tpu.memory_space<hbm>>, %arg14: memref<10240x8xf32, #tpu.memory_space<hbm>>, %arg15: memref<10240x64xf32, #tpu.memory_space<vmem_shared>>, %arg16: memref<10240x8xf32, #tpu.memory_space<vmem_shared>>, %arg17: memref<256xi32, #tpu.memory_space<vmem>>, %arg18: memref<256xi32, #tpu.memory_space<vmem>>, %arg19: memref<256xi32, #tpu.memory_space<vmem>>, %arg20: memref<256xi32, #tpu.memory_space<vmem>>, %arg21: memref<256xi32, #tpu.memory_space<vmem>>, %arg22: memref<256xi32, #tpu.memory_space<vmem>>, %arg23: memref<256xi32, #tpu.memory_space<vmem>>, %arg24: memref<256xi32, #tpu.memory_space<vmem>>, %arg25: memref<256x8xf32, #tpu.memory_space<vmem>>, %arg26: memref<256x64xf32, #tpu.memory_space<vmem>>, %arg27: memref<256x64xf32, #tpu.memory_space<vmem>>, %arg28: memref<256x64xf32, #tpu.memory_space<vmem>>, %arg29: memref<256x64xf32, #tpu.memory_space<vmem>>, %arg30: memref<!tpu.dma_semaphore, #tpu.memory_space<semaphore_mem>>, %arg31: memref<!tpu.dma_semaphore, #tpu.memory_space<semaphore_mem>>, %arg32: memref<!tpu.dma_semaphore, #tpu.memory_space<semaphore_mem>>, %arg33: memref<!tpu.dma_semaphore, #tpu.memory_space<semaphore_mem>>, %arg34: memref<!tpu.dma_semaphore, #tpu.memory_space<semaphore_mem>>, %arg35: memref<!tpu.dma_semaphore, #tpu.memory_space<semaphore_mem>>, %arg36: memref<!tpu.dma_semaphore, #tpu.memory_space<semaphore_mem>>, %arg37: memref<!tpu.dma_semaphore, #tpu.memory_space<semaphore_mem>>, %arg38: memref<!tpu.dma_semaphore, #tpu.memory_space<semaphore_mem>>, %arg39: memref<!tpu.dma_semaphore, #tpu.memory_space<semaphore_mem>>, %arg40: memref<!tpu.dma_semaphore, #tpu.memory_space<semaphore_mem>>, %arg41: memref<!tpu.dma_semaphore, #tpu.memory_space<semaphore_mem>>, %arg42: memref<!tpu.dma_semaphore, #tpu.memory_space<semaphore_mem>>, %arg43: memref<!tpu.dma_semaphore, #tpu.memory_space<semaphore_mem>>, %arg44: memref<!tpu.dma_semaphore, #tpu.memory_space<semaphore_mem>>, %arg45: memref<!tpu.dma_semaphore, #tpu.memory_space<semaphore_mem>>, %arg46: memref<!tpu.dma_semaphore, #tpu.memory_space<semaphore_mem>>, %arg47: memref<!tpu.dma_semaphore, #tpu.memory_space<semaphore_mem>>, %arg48: memref<!tpu.dma_semaphore, #tpu.memory_space<semaphore_mem>>, %arg49: memref<!tpu.dma_semaphore, #tpu.memory_space<semaphore_mem>>) attributes {dimension_semantics = [#tpu.dimension_semantics<core_parallel>, #tpu.dimension_semantics<subcore_parallel>], iteration_bounds = array<i64: 2, 16>, scalar_prefetch = 0 : i64, scratch_operands = 35 : i64, tpu.core_type = #tpu.core_type<sc_vector_subcore>, window_params = [{transform_indices = #map}, {transform_indices = #map}, {transform_indices = #map}, {transform_indices = #map}, {transform_indices = #map}, {transform_indices = #map}, {transform_indices = #map}, {transform_indices = #map}, {transform_indices = #map}, {transform_indices = #map}, {transform_indices = #map}, {transform_indices = #map}, {transform_indices = #map}]} {
    %mul3A = arith.constant 640 : i32
    %mul3A_0 = arith.muli %arg1, %mul3A : i32
    "tpu.region"() ({
      %run_scoped3A = tpu.sem_alloc : memref<!tpu.dma_semaphore, #tpu.memory_space<semaphore_mem>>
      %dma_start3A = arith.constant 0 : i32
      %dma_start3A_19 = tpu.memref_slice %arg15[%mul3A_0, %dma_start3A] : memref<10240x64xf32, #tpu.memory_space<vmem_shared>> -> memref<640x64xf32, #tpu.memory_space<vmem_shared>>
      tpu.enqueue_dma source(%arg8 : memref<640x64xf32, #tpu.memory_space<hbm>>) target(%dma_start3A_19 : memref<640x64xf32, #tpu.memory_space<vmem_shared>>) target_semaphore(%run_scoped3A : memref<!tpu.dma_semaphore, #tpu.memory_space<semaphore_mem>>)
      %dma_wait3A = arith.constant 0 : i32
      %dma_wait3A_20 = tpu.memref_slice %arg15[%mul3A_0, %dma_wait3A] : memref<10240x64xf32, #tpu.memory_space<vmem_shared>> -> memref<640x64xf32, #tpu.memory_space<vmem_shared>>
      tpu.wait_dma2 semaphore(%run_scoped3A : memref<!tpu.dma_semaphore, #tpu.memory_space<semaphore_mem>>) src(%arg8 : memref<640x64xf32, #tpu.memory_space<hbm>>) dst(%dma_wait3A_20 : memref<640x64xf32, #tpu.memory_space<vmem_shared>>)
      tpu.yield
    }) : () -> ()
    "tpu.region"() ({
      %run_scoped3A = tpu.sem_alloc : memref<!tpu.dma_semaphore, #tpu.memory_space<semaphore_mem>>
      %dma_start3A = arith.constant 0 : i32
      %dma_start3A_19 = tpu.memref_slice %arg16[%mul3A_0, %dma_start3A] : memref<10240x8xf32, #tpu.memory_space<vmem_shared>> -> memref<640x8xf32, #tpu.memory_space<vmem_shared>>
      tpu.enqueue_dma source(%arg9 : memref<640x8xf32, #tpu.memory_space<hbm>>) target(%dma_start3A_19 : memref<640x8xf32, #tpu.memory_space<vmem_shared>>) target_semaphore(%run_scoped3A : memref<!tpu.dma_semaphore, #tpu.memory_space<semaphore_mem>>)
      %dma_wait3A = arith.constant 0 : i32
      %dma_wait3A_20 = tpu.memref_slice %arg16[%mul3A_0, %dma_wait3A] : memref<10240x8xf32, #tpu.memory_space<vmem_shared>> -> memref<640x8xf32, #tpu.memory_space<vmem_shared>>
      tpu.wait_dma2 semaphore(%run_scoped3A : memref<!tpu.dma_semaphore, #tpu.memory_space<semaphore_mem>>) src(%arg9 : memref<640x8xf32, #tpu.memory_space<hbm>>) dst(%dma_wait3A_20 : memref<640x8xf32, #tpu.memory_space<vmem_shared>>)
      tpu.yield
    }) : () -> ()
    "tpu.region"() ({
      %run_scoped3A = tpu.sem_alloc : memref<!tpu.dma_semaphore, #tpu.memory_space<semaphore_mem>>
      tpu.enqueue_dma source(%arg10 : memref<256x8xf32, #tpu.memory_space<hbm>>) target(%arg25 : memref<256x8xf32, #tpu.memory_space<vmem>>) target_semaphore(%run_scoped3A : memref<!tpu.dma_semaphore, #tpu.memory_space<semaphore_mem>>)
      tpu.wait_dma2 semaphore(%run_scoped3A : memref<!tpu.dma_semaphore, #tpu.memory_space<semaphore_mem>>) src(%arg10 : memref<256x8xf32, #tpu.memory_space<hbm>>) dst(%arg25 : memref<256x8xf32, #tpu.memory_space<vmem>>)
      tpu.yield
    }) : () -> ()
    %barrier3A = arith.constant 0 : index
    tpu.barrier barrier_id(%barrier3A)
    %eq3A = arith.constant 0 : i32
    %eq3A_1 = arith.cmpi eq, %arg0, %eq3A : i32
    %convert_element_type3A = arith.extui %eq3A_1 : i1 to i32
    %cond3A = arith.constant 0 : i32
    %cond3A_2 = arith.cmpi ne, %convert_element_type3A, %cond3A : i32
    scf.if %cond3A_2 {
      %mul3A_19 = arith.constant 80 : i32
      %mul3A_20 = arith.muli %arg1, %mul3A_19 : i32
      %add3A = arith.constant 0 : i32
      %add3A_21 = arith.addi %mul3A_20, %add3A : i32
      %dma_start3A = arith.constant 0 : i32
      %dma_start3A_22 = tpu.memref_slice %arg4[%add3A_21, %dma_start3A] : memref<1280x256xi32, #tpu.memory_space<hbm>> -> memref<1x256xi32, #tpu.memory_space<hbm>>
      %dma_start3A_23 = tpu.memref_squeeze %dma_start3A_22 : memref<1x256xi32, #tpu.memory_space<hbm>> -> memref<256xi32, #tpu.memory_space<hbm>>
      %dma_start3A_24 = arith.constant 0 : i32
      %dma_start3A_25 = tpu.memref_slice %arg4[%add3A_21, %dma_start3A_24] : memref<1280x256xi32, #tpu.memory_space<hbm>> -> memref<1x256xi32, #tpu.memory_space<hbm>>
      %dma_start3A_26 = tpu.memref_squeeze %dma_start3A_25 : memref<1x256xi32, #tpu.memory_space<hbm>> -> memref<256xi32, #tpu.memory_space<hbm>>
      tpu.enqueue_dma source(%dma_start3A_26 : memref<256xi32, #tpu.memory_space<hbm>>) target(%arg21 : memref<256xi32, #tpu.memory_space<vmem>>) target_semaphore(%arg42 : memref<!tpu.dma_semaphore, #tpu.memory_space<semaphore_mem>>)
      %add3A_27 = arith.constant 1 : i32
      %add3A_28 = arith.addi %mul3A_20, %add3A_27 : i32
      %dma_start3A_29 = arith.constant 0 : i32
      %dma_start3A_30 = tpu.memref_slice %arg4[%add3A_28, %dma_start3A_29] : memref<1280x256xi32, #tpu.memory_space<hbm>> -> memref<1x256xi32, #tpu.memory_space<hbm>>
      %dma_start3A_31 = tpu.memref_squeeze %dma_start3A_30 : memref<1x256xi32, #tpu.memory_space<hbm>> -> memref<256xi32, #tpu.memory_space<hbm>>
      %dma_start3A_32 = arith.constant 0 : i32
      %dma_start3A_33 = tpu.memref_slice %arg4[%add3A_28, %dma_start3A_32] : memref<1280x256xi32, #tpu.memory_space<hbm>> -> memref<1x256xi32, #tpu.memory_space<hbm>>
      %dma_start3A_34 = tpu.memref_squeeze %dma_start3A_33 : memref<1x256xi32, #tpu.memory_space<hbm>> -> memref<256xi32, #tpu.memory_space<hbm>>
      tpu.enqueue_dma source(%dma_start3A_34 : memref<256xi32, #tpu.memory_space<hbm>>) target(%arg22 : memref<256xi32, #tpu.memory_space<vmem>>) target_semaphore(%arg43 : memref<!tpu.dma_semaphore, #tpu.memory_space<semaphore_mem>>)
      %add3A_35 = arith.constant 2 : i32
      %add3A_36 = arith.addi %mul3A_20, %add3A_35 : i32
      %dma_start3A_37 = arith.constant 0 : i32
      %dma_start3A_38 = tpu.memref_slice %arg4[%add3A_36, %dma_start3A_37] : memref<1280x256xi32, #tpu.memory_space<hbm>> -> memref<1x256xi32, #tpu.memory_space<hbm>>
      %dma_start3A_39 = tpu.memref_squeeze %dma_start3A_38 : memref<1x256xi32, #tpu.memory_space<hbm>> -> memref<256xi32, #tpu.memory_space<hbm>>
      %dma_start3A_40 = arith.constant 0 : i32
      %dma_start3A_41 = tpu.memref_slice %arg4[%add3A_36, %dma_start3A_40] : memref<1280x256xi32, #tpu.memory_space<hbm>> -> memref<1x256xi32, #tpu.memory_space<hbm>>
      %dma_start3A_42 = tpu.memref_squeeze %dma_start3A_41 : memref<1x256xi32, #tpu.memory_space<hbm>> -> memref<256xi32, #tpu.memory_space<hbm>>
      tpu.enqueue_dma source(%dma_start3A_42 : memref<256xi32, #tpu.memory_space<hbm>>) target(%arg23 : memref<256xi32, #tpu.memory_space<vmem>>) target_semaphore(%arg44 : memref<!tpu.dma_semaphore, #tpu.memory_space<semaphore_mem>>)
      %add3A_43 = arith.constant 3 : i32
      %add3A_44 = arith.addi %mul3A_20, %add3A_43 : i32
      %dma_start3A_45 = arith.constant 0 : i32
      %dma_start3A_46 = tpu.memref_slice %arg4[%add3A_44, %dma_start3A_45] : memref<1280x256xi32, #tpu.memory_space<hbm>> -> memref<1x256xi32, #tpu.memory_space<hbm>>
      %dma_start3A_47 = tpu.memref_squeeze %dma_start3A_46 : memref<1x256xi32, #tpu.memory_space<hbm>> -> memref<256xi32, #tpu.memory_space<hbm>>
      %dma_start3A_48 = arith.constant 0 : i32
      %dma_start3A_49 = tpu.memref_slice %arg4[%add3A_44, %dma_start3A_48] : memref<1280x256xi32, #tpu.memory_space<hbm>> -> memref<1x256xi32, #tpu.memory_space<hbm>>
      %dma_start3A_50 = tpu.memref_squeeze %dma_start3A_49 : memref<1x256xi32, #tpu.memory_space<hbm>> -> memref<256xi32, #tpu.memory_space<hbm>>
      tpu.enqueue_dma source(%dma_start3A_50 : memref<256xi32, #tpu.memory_space<hbm>>) target(%arg24 : memref<256xi32, #tpu.memory_space<vmem>>) target_semaphore(%arg45 : memref<!tpu.dma_semaphore, #tpu.memory_space<semaphore_mem>>)
      %add3A_51 = arith.constant 0 : i32
      %add3A_52 = arith.addi %mul3A_20, %add3A_51 : i32
      %dma_start3A_53 = arith.constant 0 : i32
      %dma_start3A_54 = tpu.memref_slice %arg5[%add3A_52, %dma_start3A_53] : memref<1280x256xi32, #tpu.memory_space<hbm>> -> memref<1x256xi32, #tpu.memory_space<hbm>>
      %dma_start3A_55 = tpu.memref_squeeze %dma_start3A_54 : memref<1x256xi32, #tpu.memory_space<hbm>> -> memref<256xi32, #tpu.memory_space<hbm>>
      %dma_start3A_56 = arith.constant 0 : i32
      %dma_start3A_57 = tpu.memref_slice %arg5[%add3A_52, %dma_start3A_56] : memref<1280x256xi32, #tpu.memory_space<hbm>> -> memref<1x256xi32, #tpu.memory_space<hbm>>
      %dma_start3A_58 = tpu.memref_squeeze %dma_start3A_57 : memref<1x256xi32, #tpu.memory_space<hbm>> -> memref<256xi32, #tpu.memory_space<hbm>>
      tpu.enqueue_dma source(%dma_start3A_58 : memref<256xi32, #tpu.memory_space<hbm>>) target(%arg17 : memref<256xi32, #tpu.memory_space<vmem>>) target_semaphore(%arg38 : memref<!tpu.dma_semaphore, #tpu.memory_space<semaphore_mem>>)
      %add3A_59 = arith.constant 1 : i32
      %add3A_60 = arith.addi %mul3A_20, %add3A_59 : i32
      %dma_start3A_61 = arith.constant 0 : i32
      %dma_start3A_62 = tpu.memref_slice %arg5[%add3A_60, %dma_start3A_61] : memref<1280x256xi32, #tpu.memory_space<hbm>> -> memref<1x256xi32, #tpu.memory_space<hbm>>
      %dma_start3A_63 = tpu.memref_squeeze %dma_start3A_62 : memref<1x256xi32, #tpu.memory_space<hbm>> -> memref<256xi32, #tpu.memory_space<hbm>>
      %dma_start3A_64 = arith.constant 0 : i32
      %dma_start3A_65 = tpu.memref_slice %arg5[%add3A_60, %dma_start3A_64] : memref<1280x256xi32, #tpu.memory_space<hbm>> -> memref<1x256xi32, #tpu.memory_space<hbm>>
      %dma_start3A_66 = tpu.memref_squeeze %dma_start3A_65 : memref<1x256xi32, #tpu.memory_space<hbm>> -> memref<256xi32, #tpu.memory_space<hbm>>
      tpu.enqueue_dma source(%dma_start3A_66 : memref<256xi32, #tpu.memory_space<hbm>>) target(%arg18 : memref<256xi32, #tpu.memory_space<vmem>>) target_semaphore(%arg39 : memref<!tpu.dma_semaphore, #tpu.memory_space<semaphore_mem>>)
      %add3A_67 = arith.constant 0 : i32
      %add3A_68 = arith.addi %mul3A_20, %add3A_67 : i32
      %dma_wait3A = arith.constant 0 : i32
      %dma_wait3A_69 = tpu.memref_slice %arg4[%add3A_68, %dma_wait3A] : memref<1280x256xi32, #tpu.memory_space<hbm>> -> memref<1x256xi32, #tpu.memory_space<hbm>>
      %dma_wait3A_70 = tpu.memref_squeeze %dma_wait3A_69 : memref<1x256xi32, #tpu.memory_space<hbm>> -> memref<256xi32, #tpu.memory_space<hbm>>
      %dma_wait3A_71 = arith.constant 0 : i32
      %dma_wait3A_72 = tpu.memref_slice %arg4[%add3A_68, %dma_wait3A_71] : memref<1280x256xi32, #tpu.memory_space<hbm>> -> memref<1x256xi32, #tpu.memory_space<hbm>>
      %dma_wait3A_73 = tpu.memref_squeeze %dma_wait3A_72 : memref<1x256xi32, #tpu.memory_space<hbm>> -> memref<256xi32, #tpu.memory_space<hbm>>
      tpu.wait_dma2 semaphore(%arg42 : memref<!tpu.dma_semaphore, #tpu.memory_space<semaphore_mem>>) src(%dma_wait3A_73 : memref<256xi32, #tpu.memory_space<hbm>>) dst(%arg21 : memref<256xi32, #tpu.memory_space<vmem>>)
      %dma_start3A_74 = arith.constant 0 : i32
      %dma_start3A_75 = arith.constant 0 : i32
      %dma_start3A_76 = tpu.memref_slice %arg2[%dma_start3A_74, %dma_start3A_75] : memref<10000x64xf32, #tpu.memory_space<hbm>> -> memref<10000x64xf32, #tpu.memory_space<hbm>>
      tpu.enqueue_indirect_dma source(%dma_start3A_76 : memref<10000x64xf32, #tpu.memory_space<hbm>>) target(%arg26 : memref<256x64xf32, #tpu.memory_space<vmem>>) offsets(%arg21 : memref<256xi32, #tpu.memory_space<vmem>>) semaphore(%arg34 : memref<!tpu.dma_semaphore, #tpu.memory_space<semaphore_mem>>)
      %add3A_77 = arith.constant 1 : i32
      %add3A_78 = arith.addi %mul3A_20, %add3A_77 : i32
      %dma_wait3A_79 = arith.constant 0 : i32
      %dma_wait3A_80 = tpu.memref_slice %arg4[%add3A_78, %dma_wait3A_79] : memref<1280x256xi32, #tpu.memory_space<hbm>> -> memref<1x256xi32, #tpu.memory_space<hbm>>
      %dma_wait3A_81 = tpu.memref_squeeze %dma_wait3A_80 : memref<1x256xi32, #tpu.memory_space<hbm>> -> memref<256xi32, #tpu.memory_space<hbm>>
      %dma_wait3A_82 = arith.constant 0 : i32
      %dma_wait3A_83 = tpu.memref_slice %arg4[%add3A_78, %dma_wait3A_82] : memref<1280x256xi32, #tpu.memory_space<hbm>> -> memref<1x256xi32, #tpu.memory_space<hbm>>
      %dma_wait3A_84 = tpu.memref_squeeze %dma_wait3A_83 : memref<1x256xi32, #tpu.memory_space<hbm>> -> memref<256xi32, #tpu.memory_space<hbm>>
      tpu.wait_dma2 semaphore(%arg43 : memref<!tpu.dma_semaphore, #tpu.memory_space<semaphore_mem>>) src(%dma_wait3A_84 : memref<256xi32, #tpu.memory_space<hbm>>) dst(%arg22 : memref<256xi32, #tpu.memory_space<vmem>>)
      %dma_start3A_85 = arith.constant 0 : i32
      %dma_start3A_86 = arith.constant 0 : i32
      %dma_start3A_87 = tpu.memref_slice %arg2[%dma_start3A_85, %dma_start3A_86] : memref<10000x64xf32, #tpu.memory_space<hbm>> -> memref<10000x64xf32, #tpu.memory_space<hbm>>
      tpu.enqueue_indirect_dma source(%dma_start3A_87 : memref<10000x64xf32, #tpu.memory_space<hbm>>) target(%arg27 : memref<256x64xf32, #tpu.memory_space<vmem>>) offsets(%arg22 : memref<256xi32, #tpu.memory_space<vmem>>) semaphore(%arg35 : memref<!tpu.dma_semaphore, #tpu.memory_space<semaphore_mem>>)
      %scan3A = arith.constant 0 : i32
      %scan3A_88 = arith.constant 0 : i32
      %scan3A_89 = arith.constant 20 : i32
      %scan3A_90 = arith.addi %scan3A_88, %scan3A_89 : i32
      %scan3A_91 = arith.constant 1 : i32
      scf.for %scan3A_105 = %scan3A_88 to %scan3A_90 step %scan3A_91  : i32 {
        %mul3A_106 = arith.constant 4 : i32
        %mul3A_107 = arith.muli %scan3A_105, %mul3A_106 : i32
        %add3A_108 = arith.constant 0 : i32
        %add3A_109 = arith.addi %mul3A_107, %add3A_108 : i32
        %gt3A = arith.constant 0 : i32
        %gt3A_110 = arith.cmpi sgt, %scan3A_105, %gt3A : i32
        %convert_element_type3A_111 = arith.extui %gt3A_110 : i1 to i32
        %cond3A_112 = arith.constant 0 : i32
        %cond3A_113 = arith.cmpi ne, %convert_element_type3A_111, %cond3A_112 : i32
        scf.if %cond3A_113 {
          %dma_wait3A_278 = arith.constant 0 : i32
          %dma_wait3A_279 = arith.constant 0 : i32
          %dma_wait3A_280 = tpu.memref_slice %arg15[%dma_wait3A_278, %dma_wait3A_279] : memref<10240x64xf32, #tpu.memory_space<vmem_shared>> -> memref<10240x64xf32, #tpu.memory_space<vmem_shared>>
          tpu.wait_indirect_dma semaphore(%arg48 : memref<!tpu.dma_semaphore, #tpu.memory_space<semaphore_mem>>) src(%arg28 : memref<256x64xf32, #tpu.memory_space<vmem>>) dst(%dma_wait3A_280 : memref<10240x64xf32, #tpu.memory_space<vmem_shared>>)
          %dma_wait3A_281 = arith.constant 0 : i32
          %dma_wait3A_282 = arith.constant 0 : i32
          %dma_wait3A_283 = tpu.memref_slice %arg16[%dma_wait3A_281, %dma_wait3A_282] : memref<10240x8xf32, #tpu.memory_space<vmem_shared>> -> memref<10240x8xf32, #tpu.memory_space<vmem_shared>>
          tpu.wait_indirect_dma semaphore(%arg32 : memref<!tpu.dma_semaphore, #tpu.memory_space<semaphore_mem>>) src(%arg25 : memref<256x8xf32, #tpu.memory_space<vmem>>) dst(%dma_wait3A_283 : memref<10240x8xf32, #tpu.memory_space<vmem_shared>>)
        } else {
        }
        %add3A_114 = arith.constant 2 : i32
        %add3A_115 = arith.addi %add3A_109, %add3A_114 : i32
        %add3A_116 = arith.addi %mul3A_20, %add3A_115 : i32
        %dma_start3A_117 = arith.constant 0 : i32
        %dma_start3A_118 = tpu.memref_slice %arg5[%add3A_116, %dma_start3A_117] : memref<1280x256xi32, #tpu.memory_space<hbm>> -> memref<1x256xi32, #tpu.memory_space<hbm>>
        %dma_start3A_119 = tpu.memref_squeeze %dma_start3A_118 : memref<1x256xi32, #tpu.memory_space<hbm>> -> memref<256xi32, #tpu.memory_space<hbm>>
        %dma_start3A_120 = arith.constant 0 : i32
        %dma_start3A_121 = tpu.memref_slice %arg5[%add3A_116, %dma_start3A_120] : memref<1280x256xi32, #tpu.memory_space<hbm>> -> memref<1x256xi32, #tpu.memory_space<hbm>>
        %dma_start3A_122 = tpu.memref_squeeze %dma_start3A_121 : memref<1x256xi32, #tpu.memory_space<hbm>> -> memref<256xi32, #tpu.memory_space<hbm>>
        tpu.enqueue_dma source(%dma_start3A_122 : memref<256xi32, #tpu.memory_space<hbm>>) target(%arg19 : memref<256xi32, #tpu.memory_space<vmem>>) target_semaphore(%arg40 : memref<!tpu.dma_semaphore, #tpu.memory_space<semaphore_mem>>)
        %add3A_123 = arith.constant 2 : i32
        %add3A_124 = arith.addi %add3A_109, %add3A_123 : i32
        %add3A_125 = arith.addi %mul3A_20, %add3A_124 : i32
        %dma_wait3A_126 = arith.constant 0 : i32
        %dma_wait3A_127 = tpu.memref_slice %arg4[%add3A_125, %dma_wait3A_126] : memref<1280x256xi32, #tpu.memory_space<hbm>> -> memref<1x256xi32, #tpu.memory_space<hbm>>
        %dma_wait3A_128 = tpu.memref_squeeze %dma_wait3A_127 : memref<1x256xi32, #tpu.memory_space<hbm>> -> memref<256xi32, #tpu.memory_space<hbm>>
        %dma_wait3A_129 = arith.constant 0 : i32
        %dma_wait3A_130 = tpu.memref_slice %arg4[%add3A_125, %dma_wait3A_129] : memref<1280x256xi32, #tpu.memory_space<hbm>> -> memref<1x256xi32, #tpu.memory_space<hbm>>
        %dma_wait3A_131 = tpu.memref_squeeze %dma_wait3A_130 : memref<1x256xi32, #tpu.memory_space<hbm>> -> memref<256xi32, #tpu.memory_space<hbm>>
        tpu.wait_dma2 semaphore(%arg44 : memref<!tpu.dma_semaphore, #tpu.memory_space<semaphore_mem>>) src(%dma_wait3A_131 : memref<256xi32, #tpu.memory_space<hbm>>) dst(%arg23 : memref<256xi32, #tpu.memory_space<vmem>>)
        %dma_start3A_132 = arith.constant 0 : i32
        %dma_start3A_133 = arith.constant 0 : i32
        %dma_start3A_134 = tpu.memref_slice %arg2[%dma_start3A_132, %dma_start3A_133] : memref<10000x64xf32, #tpu.memory_space<hbm>> -> memref<10000x64xf32, #tpu.memory_space<hbm>>
        tpu.enqueue_indirect_dma source(%dma_start3A_134 : memref<10000x64xf32, #tpu.memory_space<hbm>>) target(%arg28 : memref<256x64xf32, #tpu.memory_space<vmem>>) offsets(%arg23 : memref<256xi32, #tpu.memory_space<vmem>>) semaphore(%arg36 : memref<!tpu.dma_semaphore, #tpu.memory_space<semaphore_mem>>)
        %dma_wait3A_135 = arith.constant 0 : i32
        %dma_wait3A_136 = arith.constant 0 : i32
        %dma_wait3A_137 = tpu.memref_slice %arg2[%dma_wait3A_135, %dma_wait3A_136] : memref<10000x64xf32, #tpu.memory_space<hbm>> -> memref<10000x64xf32, #tpu.memory_space<hbm>>
        tpu.wait_indirect_dma semaphore(%arg34 : memref<!tpu.dma_semaphore, #tpu.memory_space<semaphore_mem>>) src(%dma_wait3A_137 : memref<10000x64xf32, #tpu.memory_space<hbm>>) dst(%arg26 : memref<256x64xf32, #tpu.memory_space<vmem>>)
        %lt3A = arith.constant 19 : i32
        %lt3A_138 = arith.cmpi slt, %scan3A_105, %lt3A : i32
        %convert_element_type3A_139 = arith.extui %lt3A_138 : i1 to i32
        %cond3A_140 = arith.constant 0 : i32
        %cond3A_141 = arith.cmpi ne, %convert_element_type3A_139, %cond3A_140 : i32
        scf.if %cond3A_141 {
          %add3A_278 = arith.constant 4 : i32
          %add3A_279 = arith.addi %add3A_109, %add3A_278 : i32
          %add3A_280 = arith.addi %mul3A_20, %add3A_279 : i32
          %dma_start3A_281 = arith.constant 0 : i32
          %dma_start3A_282 = tpu.memref_slice %arg4[%add3A_280, %dma_start3A_281] : memref<1280x256xi32, #tpu.memory_space<hbm>> -> memref<1x256xi32, #tpu.memory_space<hbm>>
          %dma_start3A_283 = tpu.memref_squeeze %dma_start3A_282 : memref<1x256xi32, #tpu.memory_space<hbm>> -> memref<256xi32, #tpu.memory_space<hbm>>
          %dma_start3A_284 = arith.constant 0 : i32
          %dma_start3A_285 = tpu.memref_slice %arg4[%add3A_280, %dma_start3A_284] : memref<1280x256xi32, #tpu.memory_space<hbm>> -> memref<1x256xi32, #tpu.memory_space<hbm>>
          %dma_start3A_286 = tpu.memref_squeeze %dma_start3A_285 : memref<1x256xi32, #tpu.memory_space<hbm>> -> memref<256xi32, #tpu.memory_space<hbm>>
          tpu.enqueue_dma source(%dma_start3A_286 : memref<256xi32, #tpu.memory_space<hbm>>) target(%arg21 : memref<256xi32, #tpu.memory_space<vmem>>) target_semaphore(%arg42 : memref<!tpu.dma_semaphore, #tpu.memory_space<semaphore_mem>>)
        } else {
        }
        %add3A_142 = arith.addi %mul3A_20, %add3A_109 : i32
        %dma_wait3A_143 = arith.constant 0 : i32
        %dma_wait3A_144 = tpu.memref_slice %arg5[%add3A_142, %dma_wait3A_143] : memref<1280x256xi32, #tpu.memory_space<hbm>> -> memref<1x256xi32, #tpu.memory_space<hbm>>
        %dma_wait3A_145 = tpu.memref_squeeze %dma_wait3A_144 : memref<1x256xi32, #tpu.memory_space<hbm>> -> memref<256xi32, #tpu.memory_space<hbm>>
        %dma_wait3A_146 = arith.constant 0 : i32
        %dma_wait3A_147 = tpu.memref_slice %arg5[%add3A_142, %dma_wait3A_146] : memref<1280x256xi32, #tpu.memory_space<hbm>> -> memref<1x256xi32, #tpu.memory_space<hbm>>
        %dma_wait3A_148 = tpu.memref_squeeze %dma_wait3A_147 : memref<1x256xi32, #tpu.memory_space<hbm>> -> memref<256xi32, #tpu.memory_space<hbm>>
        tpu.wait_dma2 semaphore(%arg38 : memref<!tpu.dma_semaphore, #tpu.memory_space<semaphore_mem>>) src(%dma_wait3A_148 : memref<256xi32, #tpu.memory_space<hbm>>) dst(%arg17 : memref<256xi32, #tpu.memory_space<vmem>>)
        %dma_start3A_149 = arith.constant 0 : i32
        %dma_start3A_150 = arith.constant 0 : i32
        %dma_start3A_151 = tpu.memref_slice %arg15[%dma_start3A_149, %dma_start3A_150] : memref<10240x64xf32, #tpu.memory_space<vmem_shared>> -> memref<10240x64xf32, #tpu.memory_space<vmem_shared>>
        tpu.enqueue_indirect_dma source(%arg26 : memref<256x64xf32, #tpu.memory_space<vmem>>) target(%dma_start3A_151 : memref<10240x64xf32, #tpu.memory_space<vmem_shared>>) offsets(%arg17 : memref<256xi32, #tpu.memory_space<vmem>>) semaphore(%arg46 : memref<!tpu.dma_semaphore, #tpu.memory_space<semaphore_mem>>) {add = true}
        %dma_start3A_152 = arith.constant 0 : i32
        %dma_start3A_153 = arith.constant 0 : i32
        %dma_start3A_154 = tpu.memref_slice %arg16[%dma_start3A_152, %dma_start3A_153] : memref<10240x8xf32, #tpu.memory_space<vmem_shared>> -> memref<10240x8xf32, #tpu.memory_space<vmem_shared>>
        tpu.enqueue_indirect_dma source(%arg25 : memref<256x8xf32, #tpu.memory_space<vmem>>) target(%dma_start3A_154 : memref<10240x8xf32, #tpu.memory_space<vmem_shared>>) offsets(%arg17 : memref<256xi32, #tpu.memory_space<vmem>>) semaphore(%arg30 : memref<!tpu.dma_semaphore, #tpu.memory_space<semaphore_mem>>) {add = true}
        %mul3A_155 = arith.constant 4 : i32
        %mul3A_156 = arith.muli %scan3A_105, %mul3A_155 : i32
        %add3A_157 = arith.constant 1 : i32
        %add3A_158 = arith.addi %mul3A_156, %add3A_157 : i32
        %gt3A_159 = arith.constant 0 : i32
        %gt3A_160 = arith.cmpi sgt, %scan3A_105, %gt3A_159 : i32
        %convert_element_type3A_161 = arith.extui %gt3A_160 : i1 to i32
        %cond3A_162 = arith.constant 0 : i32
        %cond3A_163 = arith.cmpi ne, %convert_element_type3A_161, %cond3A_162 : i32
        scf.if %cond3A_163 {
          %dma_wait3A_278 = arith.constant 0 : i32
          %dma_wait3A_279 = arith.constant 0 : i32
          %dma_wait3A_280 = tpu.memref_slice %arg15[%dma_wait3A_278, %dma_wait3A_279] : memref<10240x64xf32, #tpu.memory_space<vmem_shared>> -> memref<10240x64xf32, #tpu.memory_space<vmem_shared>>
          tpu.wait_indirect_dma semaphore(%arg49 : memref<!tpu.dma_semaphore, #tpu.memory_space<semaphore_mem>>) src(%arg29 : memref<256x64xf32, #tpu.memory_space<vmem>>) dst(%dma_wait3A_280 : memref<10240x64xf32, #tpu.memory_space<vmem_shared>>)
          %dma_wait3A_281 = arith.constant 0 : i32
          %dma_wait3A_282 = arith.constant 0 : i32
          %dma_wait3A_283 = tpu.memref_slice %arg16[%dma_wait3A_281, %dma_wait3A_282] : memref<10240x8xf32, #tpu.memory_space<vmem_shared>> -> memref<10240x8xf32, #tpu.memory_space<vmem_shared>>
          tpu.wait_indirect_dma semaphore(%arg33 : memref<!tpu.dma_semaphore, #tpu.memory_space<semaphore_mem>>) src(%arg25 : memref<256x8xf32, #tpu.memory_space<vmem>>) dst(%dma_wait3A_283 : memref<10240x8xf32, #tpu.memory_space<vmem_shared>>)
        } else {
        }
        %add3A_164 = arith.constant 2 : i32
        %add3A_165 = arith.addi %add3A_158, %add3A_164 : i32
        %add3A_166 = arith.addi %mul3A_20, %add3A_165 : i32
        %dma_start3A_167 = arith.constant 0 : i32
        %dma_start3A_168 = tpu.memref_slice %arg5[%add3A_166, %dma_start3A_167] : memref<1280x256xi32, #tpu.memory_space<hbm>> -> memref<1x256xi32, #tpu.memory_space<hbm>>
        %dma_start3A_169 = tpu.memref_squeeze %dma_start3A_168 : memref<1x256xi32, #tpu.memory_space<hbm>> -> memref<256xi32, #tpu.memory_space<hbm>>
        %dma_start3A_170 = arith.constant 0 : i32
        %dma_start3A_171 = tpu.memref_slice %arg5[%add3A_166, %dma_start3A_170] : memref<1280x256xi32, #tpu.memory_space<hbm>> -> memref<1x256xi32, #tpu.memory_space<hbm>>
        %dma_start3A_172 = tpu.memref_squeeze %dma_start3A_171 : memref<1x256xi32, #tpu.memory_space<hbm>> -> memref<256xi32, #tpu.memory_space<hbm>>
        tpu.enqueue_dma source(%dma_start3A_172 : memref<256xi32, #tpu.memory_space<hbm>>) target(%arg20 : memref<256xi32, #tpu.memory_space<vmem>>) target_semaphore(%arg41 : memref<!tpu.dma_semaphore, #tpu.memory_space<semaphore_mem>>)
        %add3A_173 = arith.constant 2 : i32
        %add3A_174 = arith.addi %add3A_158, %add3A_173 : i32
        %add3A_175 = arith.addi %mul3A_20, %add3A_174 : i32
        %dma_wait3A_176 = arith.constant 0 : i32
        %dma_wait3A_177 = tpu.memref_slice %arg4[%add3A_175, %dma_wait3A_176] : memref<1280x256xi32, #tpu.memory_space<hbm>> -> memref<1x256xi32, #tpu.memory_space<hbm>>
        %dma_wait3A_178 = tpu.memref_squeeze %dma_wait3A_177 : memref<1x256xi32, #tpu.memory_space<hbm>> -> memref<256xi32, #tpu.memory_space<hbm>>
        %dma_wait3A_179 = arith.constant 0 : i32
        %dma_wait3A_180 = tpu.memref_slice %arg4[%add3A_175, %dma_wait3A_179] : memref<1280x256xi32, #tpu.memory_space<hbm>> -> memref<1x256xi32, #tpu.memory_space<hbm>>
        %dma_wait3A_181 = tpu.memref_squeeze %dma_wait3A_180 : memref<1x256xi32, #tpu.memory_space<hbm>> -> memref<256xi32, #tpu.memory_space<hbm>>
        tpu.wait_dma2 semaphore(%arg45 : memref<!tpu.dma_semaphore, #tpu.memory_space<semaphore_mem>>) src(%dma_wait3A_181 : memref<256xi32, #tpu.memory_space<hbm>>) dst(%arg24 : memref<256xi32, #tpu.memory_space<vmem>>)
        %dma_start3A_182 = arith.constant 0 : i32
        %dma_start3A_183 = arith.constant 0 : i32
        %dma_start3A_184 = tpu.memref_slice %arg2[%dma_start3A_182, %dma_start3A_183] : memref<10000x64xf32, #tpu.memory_space<hbm>> -> memref<10000x64xf32, #tpu.memory_space<hbm>>
        tpu.enqueue_indirect_dma source(%dma_start3A_184 : memref<10000x64xf32, #tpu.memory_space<hbm>>) target(%arg29 : memref<256x64xf32, #tpu.memory_space<vmem>>) offsets(%arg24 : memref<256xi32, #tpu.memory_space<vmem>>) semaphore(%arg37 : memref<!tpu.dma_semaphore, #tpu.memory_space<semaphore_mem>>)
        %dma_wait3A_185 = arith.constant 0 : i32
        %dma_wait3A_186 = arith.constant 0 : i32
        %dma_wait3A_187 = tpu.memref_slice %arg2[%dma_wait3A_185, %dma_wait3A_186] : memref<10000x64xf32, #tpu.memory_space<hbm>> -> memref<10000x64xf32, #tpu.memory_space<hbm>>
        tpu.wait_indirect_dma semaphore(%arg35 : memref<!tpu.dma_semaphore, #tpu.memory_space<semaphore_mem>>) src(%dma_wait3A_187 : memref<10000x64xf32, #tpu.memory_space<hbm>>) dst(%arg27 : memref<256x64xf32, #tpu.memory_space<vmem>>)
        %lt3A_188 = arith.constant 19 : i32
        %lt3A_189 = arith.cmpi slt, %scan3A_105, %lt3A_188 : i32
        %convert_element_type3A_190 = arith.extui %lt3A_189 : i1 to i32
        %cond3A_191 = arith.constant 0 : i32
        %cond3A_192 = arith.cmpi ne, %convert_element_type3A_190, %cond3A_191 : i32
        scf.if %cond3A_192 {
          %add3A_278 = arith.constant 4 : i32
          %add3A_279 = arith.addi %add3A_158, %add3A_278 : i32
          %add3A_280 = arith.addi %mul3A_20, %add3A_279 : i32
          %dma_start3A_281 = arith.constant 0 : i32
          %dma_start3A_282 = tpu.memref_slice %arg4[%add3A_280, %dma_start3A_281] : memref<1280x256xi32, #tpu.memory_space<hbm>> -> memref<1x256xi32, #tpu.memory_space<hbm>>
          %dma_start3A_283 = tpu.memref_squeeze %dma_start3A_282 : memref<1x256xi32, #tpu.memory_space<hbm>> -> memref<256xi32, #tpu.memory_space<hbm>>
          %dma_start3A_284 = arith.constant 0 : i32
          %dma_start3A_285 = tpu.memref_slice %arg4[%add3A_280, %dma_start3A_284] : memref<1280x256xi32, #tpu.memory_space<hbm>> -> memref<1x256xi32, #tpu.memory_space<hbm>>
          %dma_start3A_286 = tpu.memref_squeeze %dma_start3A_285 : memref<1x256xi32, #tpu.memory_space<hbm>> -> memref<256xi32, #tpu.memory_space<hbm>>
          tpu.enqueue_dma source(%dma_start3A_286 : memref<256xi32, #tpu.memory_space<hbm>>) target(%arg22 : memref<256xi32, #tpu.memory_space<vmem>>) target_semaphore(%arg43 : memref<!tpu.dma_semaphore, #tpu.memory_space<semaphore_mem>>)
        } else {
        }
        %add3A_193 = arith.addi %mul3A_20, %add3A_158 : i32
        %dma_wait3A_194 = arith.constant 0 : i32
        %dma_wait3A_195 = tpu.memref_slice %arg5[%add3A_193, %dma_wait3A_194] : memref<1280x256xi32, #tpu.memory_space<hbm>> -> memref<1x256xi32, #tpu.memory_space<hbm>>
        %dma_wait3A_196 = tpu.memref_squeeze %dma_wait3A_195 : memref<1x256xi32, #tpu.memory_space<hbm>> -> memref<256xi32, #tpu.memory_space<hbm>>
        %dma_wait3A_197 = arith.constant 0 : i32
        %dma_wait3A_198 = tpu.memref_slice %arg5[%add3A_193, %dma_wait3A_197] : memref<1280x256xi32, #tpu.memory_space<hbm>> -> memref<1x256xi32, #tpu.memory_space<hbm>>
        %dma_wait3A_199 = tpu.memref_squeeze %dma_wait3A_198 : memref<1x256xi32, #tpu.memory_space<hbm>> -> memref<256xi32, #tpu.memory_space<hbm>>
        tpu.wait_dma2 semaphore(%arg39 : memref<!tpu.dma_semaphore, #tpu.memory_space<semaphore_mem>>) src(%dma_wait3A_199 : memref<256xi32, #tpu.memory_space<hbm>>) dst(%arg18 : memref<256xi32, #tpu.memory_space<vmem>>)
        %dma_start3A_200 = arith.constant 0 : i32
        %dma_start3A_201 = arith.constant 0 : i32
        %dma_start3A_202 = tpu.memref_slice %arg15[%dma_start3A_200, %dma_start3A_201] : memref<10240x64xf32, #tpu.memory_space<vmem_shared>> -> memref<10240x64xf32, #tpu.memory_space<vmem_shared>>
        tpu.enqueue_indirect_dma source(%arg27 : memref<256x64xf32, #tpu.memory_space<vmem>>) target(%dma_start3A_202 : memref<10240x64xf32, #tpu.memory_space<vmem_shared>>) offsets(%arg18 : memref<256xi32, #tpu.memory_space<vmem>>) semaphore(%arg47 : memref<!tpu.dma_semaphore, #tpu.memory_space<semaphore_mem>>) {add = true}
        %dma_start3A_203 = arith.constant 0 : i32
        %dma_start3A_204 = arith.constant 0 : i32
        %dma_start3A_205 = tpu.memref_slice %arg16[%dma_start3A_203, %dma_start3A_204] : memref<10240x8xf32, #tpu.memory_space<vmem_shared>> -> memref<10240x8xf32, #tpu.memory_space<vmem_shared>>
        tpu.enqueue_indirect_dma source(%arg25 : memref<256x8xf32, #tpu.memory_space<vmem>>) target(%dma_start3A_205 : memref<10240x8xf32, #tpu.memory_space<vmem_shared>>) offsets(%arg18 : memref<256xi32, #tpu.memory_space<vmem>>) semaphore(%arg31 : memref<!tpu.dma_semaphore, #tpu.memory_space<semaphore_mem>>) {add = true}
        %mul3A_206 = arith.constant 4 : i32
        %mul3A_207 = arith.muli %scan3A_105, %mul3A_206 : i32
        %add3A_208 = arith.constant 2 : i32
        %add3A_209 = arith.addi %mul3A_207, %add3A_208 : i32
        %dma_wait3A_210 = arith.constant 0 : i32
        %dma_wait3A_211 = arith.constant 0 : i32
        %dma_wait3A_212 = tpu.memref_slice %arg15[%dma_wait3A_210, %dma_wait3A_211] : memref<10240x64xf32, #tpu.memory_space<vmem_shared>> -> memref<10240x64xf32, #tpu.memory_space<vmem_shared>>
        tpu.wait_indirect_dma semaphore(%arg46 : memref<!tpu.dma_semaphore, #tpu.memory_space<semaphore_mem>>) src(%arg26 : memref<256x64xf32, #tpu.memory_space<vmem>>) dst(%dma_wait3A_212 : memref<10240x64xf32, #tpu.memory_space<vmem_shared>>)
        %dma_wait3A_213 = arith.constant 0 : i32
        %dma_wait3A_214 = arith.constant 0 : i32
        %dma_wait3A_215 = tpu.memref_slice %arg16[%dma_wait3A_213, %dma_wait3A_214] : memref<10240x8xf32, #tpu.memory_space<vmem_shared>> -> memref<10240x8xf32, #tpu.memory_space<vmem_shared>>
        tpu.wait_indirect_dma semaphore(%arg30 : memref<!tpu.dma_semaphore, #tpu.memory_space<semaphore_mem>>) src(%arg25 : memref<256x8xf32, #tpu.memory_space<vmem>>) dst(%dma_wait3A_215 : memref<10240x8xf32, #tpu.memory_space<vmem_shared>>)
        %lt3A_216 = arith.constant 19 : i32
        %lt3A_217 = arith.cmpi slt, %scan3A_105, %lt3A_216 : i32
        %convert_element_type3A_218 = arith.extui %lt3A_217 : i1 to i32
        %cond3A_219 = arith.constant 0 : i32
        %cond3A_220 = arith.cmpi ne, %convert_element_type3A_218, %cond3A_219 : i32
        scf.if %cond3A_220 {
          %add3A_278 = arith.constant 2 : i32
          %add3A_279 = arith.addi %add3A_209, %add3A_278 : i32
          %add3A_280 = arith.addi %mul3A_20, %add3A_279 : i32
          %dma_start3A_281 = arith.constant 0 : i32
          %dma_start3A_282 = tpu.memref_slice %arg5[%add3A_280, %dma_start3A_281] : memref<1280x256xi32, #tpu.memory_space<hbm>> -> memref<1x256xi32, #tpu.memory_space<hbm>>
          %dma_start3A_283 = tpu.memref_squeeze %dma_start3A_282 : memref<1x256xi32, #tpu.memory_space<hbm>> -> memref<256xi32, #tpu.memory_space<hbm>>
          %dma_start3A_284 = arith.constant 0 : i32
          %dma_start3A_285 = tpu.memref_slice %arg5[%add3A_280, %dma_start3A_284] : memref<1280x256xi32, #tpu.memory_space<hbm>> -> memref<1x256xi32, #tpu.memory_space<hbm>>
          %dma_start3A_286 = tpu.memref_squeeze %dma_start3A_285 : memref<1x256xi32, #tpu.memory_space<hbm>> -> memref<256xi32, #tpu.memory_space<hbm>>
          tpu.enqueue_dma source(%dma_start3A_286 : memref<256xi32, #tpu.memory_space<hbm>>) target(%arg17 : memref<256xi32, #tpu.memory_space<vmem>>) target_semaphore(%arg38 : memref<!tpu.dma_semaphore, #tpu.memory_space<semaphore_mem>>)
          %add3A_287 = arith.constant 2 : i32
          %add3A_288 = arith.addi %add3A_209, %add3A_287 : i32
          %add3A_289 = arith.addi %mul3A_20, %add3A_288 : i32
          %dma_wait3A_290 = arith.constant 0 : i32
          %dma_wait3A_291 = tpu.memref_slice %arg4[%add3A_289, %dma_wait3A_290] : memref<1280x256xi32, #tpu.memory_space<hbm>> -> memref<1x256xi32, #tpu.memory_space<hbm>>
          %dma_wait3A_292 = tpu.memref_squeeze %dma_wait3A_291 : memref<1x256xi32, #tpu.memory_space<hbm>> -> memref<256xi32, #tpu.memory_space<hbm>>
          %dma_wait3A_293 = arith.constant 0 : i32
          %dma_wait3A_294 = tpu.memref_slice %arg4[%add3A_289, %dma_wait3A_293] : memref<1280x256xi32, #tpu.memory_space<hbm>> -> memref<1x256xi32, #tpu.memory_space<hbm>>
          %dma_wait3A_295 = tpu.memref_squeeze %dma_wait3A_294 : memref<1x256xi32, #tpu.memory_space<hbm>> -> memref<256xi32, #tpu.memory_space<hbm>>
          tpu.wait_dma2 semaphore(%arg42 : memref<!tpu.dma_semaphore, #tpu.memory_space<semaphore_mem>>) src(%dma_wait3A_295 : memref<256xi32, #tpu.memory_space<hbm>>) dst(%arg21 : memref<256xi32, #tpu.memory_space<vmem>>)
          %dma_start3A_296 = arith.constant 0 : i32
          %dma_start3A_297 = arith.constant 0 : i32
          %dma_start3A_298 = tpu.memref_slice %arg2[%dma_start3A_296, %dma_start3A_297] : memref<10000x64xf32, #tpu.memory_space<hbm>> -> memref<10000x64xf32, #tpu.memory_space<hbm>>
          tpu.enqueue_indirect_dma source(%dma_start3A_298 : memref<10000x64xf32, #tpu.memory_space<hbm>>) target(%arg26 : memref<256x64xf32, #tpu.memory_space<vmem>>) offsets(%arg21 : memref<256xi32, #tpu.memory_space<vmem>>) semaphore(%arg34 : memref<!tpu.dma_semaphore, #tpu.memory_space<semaphore_mem>>)
        } else {
        }
        %dma_wait3A_221 = arith.constant 0 : i32
        %dma_wait3A_222 = arith.constant 0 : i32
        %dma_wait3A_223 = tpu.memref_slice %arg2[%dma_wait3A_221, %dma_wait3A_222] : memref<10000x64xf32, #tpu.memory_space<hbm>> -> memref<10000x64xf32, #tpu.memory_space<hbm>>
        tpu.wait_indirect_dma semaphore(%arg36 : memref<!tpu.dma_semaphore, #tpu.memory_space<semaphore_mem>>) src(%dma_wait3A_223 : memref<10000x64xf32, #tpu.memory_space<hbm>>) dst(%arg28 : memref<256x64xf32, #tpu.memory_space<vmem>>)
        %lt3A_224 = arith.constant 19 : i32
        %lt3A_225 = arith.cmpi slt, %scan3A_105, %lt3A_224 : i32
        %convert_element_type3A_226 = arith.extui %lt3A_225 : i1 to i32
        %cond3A_227 = arith.constant 0 : i32
        %cond3A_228 = arith.cmpi ne, %convert_element_type3A_226, %cond3A_227 : i32
        scf.if %cond3A_228 {
          %add3A_278 = arith.constant 4 : i32
          %add3A_279 = arith.addi %add3A_209, %add3A_278 : i32
          %add3A_280 = arith.addi %mul3A_20, %add3A_279 : i32
          %dma_start3A_281 = arith.constant 0 : i32
          %dma_start3A_282 = tpu.memref_slice %arg4[%add3A_280, %dma_start3A_281] : memref<1280x256xi32, #tpu.memory_space<hbm>> -> memref<1x256xi32, #tpu.memory_space<hbm>>
          %dma_start3A_283 = tpu.memref_squeeze %dma_start3A_282 : memref<1x256xi32, #tpu.memory_space<hbm>> -> memref<256xi32, #tpu.memory_space<hbm>>
          %dma_start3A_284 = arith.constant 0 : i32
          %dma_start3A_285 = tpu.memref_slice %arg4[%add3A_280, %dma_start3A_284] : memref<1280x256xi32, #tpu.memory_space<hbm>> -> memref<1x256xi32, #tpu.memory_space<hbm>>
          %dma_start3A_286 = tpu.memref_squeeze %dma_start3A_285 : memref<1x256xi32, #tpu.memory_space<hbm>> -> memref<256xi32, #tpu.memory_space<hbm>>
          tpu.enqueue_dma source(%dma_start3A_286 : memref<256xi32, #tpu.memory_space<hbm>>) target(%arg23 : memref<256xi32, #tpu.memory_space<vmem>>) target_semaphore(%arg44 : memref<!tpu.dma_semaphore, #tpu.memory_space<semaphore_mem>>)
        } else {
        }
        %add3A_229 = arith.addi %mul3A_20, %add3A_209 : i32
        %dma_wait3A_230 = arith.constant 0 : i32
        %dma_wait3A_231 = tpu.memref_slice %arg5[%add3A_229, %dma_wait3A_230] : memref<1280x256xi32, #tpu.memory_space<hbm>> -> memref<1x256xi32, #tpu.memory_space<hbm>>
        %dma_wait3A_232 = tpu.memref_squeeze %dma_wait3A_231 : memref<1x256xi32, #tpu.memory_space<hbm>> -> memref<256xi32, #tpu.memory_space<hbm>>
        %dma_wait3A_233 = arith.constant 0 : i32
        %dma_wait3A_234 = tpu.memref_slice %arg5[%add3A_229, %dma_wait3A_233] : memref<1280x256xi32, #tpu.memory_space<hbm>> -> memref<1x256xi32, #tpu.memory_space<hbm>>
        %dma_wait3A_235 = tpu.memref_squeeze %dma_wait3A_234 : memref<1x256xi32, #tpu.memory_space<hbm>> -> memref<256xi32, #tpu.memory_space<hbm>>
        tpu.wait_dma2 semaphore(%arg40 : memref<!tpu.dma_semaphore, #tpu.memory_space<semaphore_mem>>) src(%dma_wait3A_235 : memref<256xi32, #tpu.memory_space<hbm>>) dst(%arg19 : memref<256xi32, #tpu.memory_space<vmem>>)
        %dma_start3A_236 = arith.constant 0 : i32
        %dma_start3A_237 = arith.constant 0 : i32
        %dma_start3A_238 = tpu.memref_slice %arg15[%dma_start3A_236, %dma_start3A_237] : memref<10240x64xf32, #tpu.memory_space<vmem_shared>> -> memref<10240x64xf32, #tpu.memory_space<vmem_shared>>
        tpu.enqueue_indirect_dma source(%arg28 : memref<256x64xf32, #tpu.memory_space<vmem>>) target(%dma_start3A_238 : memref<10240x64xf32, #tpu.memory_space<vmem_shared>>) offsets(%arg19 : memref<256xi32, #tpu.memory_space<vmem>>) semaphore(%arg48 : memref<!tpu.dma_semaphore, #tpu.memory_space<semaphore_mem>>) {add = true}
        %dma_start3A_239 = arith.constant 0 : i32
        %dma_start3A_240 = arith.constant 0 : i32
        %dma_start3A_241 = tpu.memref_slice %arg16[%dma_start3A_239, %dma_start3A_240] : memref<10240x8xf32, #tpu.memory_space<vmem_shared>> -> memref<10240x8xf32, #tpu.memory_space<vmem_shared>>
        tpu.enqueue_indirect_dma source(%arg25 : memref<256x8xf32, #tpu.memory_space<vmem>>) target(%dma_start3A_241 : memref<10240x8xf32, #tpu.memory_space<vmem_shared>>) offsets(%arg19 : memref<256xi32, #tpu.memory_space<vmem>>) semaphore(%arg32 : memref<!tpu.dma_semaphore, #tpu.memory_space<semaphore_mem>>) {add = true}
        %mul3A_242 = arith.constant 4 : i32
        %mul3A_243 = arith.muli %scan3A_105, %mul3A_242 : i32
        %add3A_244 = arith.constant 3 : i32
        %add3A_245 = arith.addi %mul3A_243, %add3A_244 : i32
        %dma_wait3A_246 = arith.constant 0 : i32
        %dma_wait3A_247 = arith.constant 0 : i32
        %dma_wait3A_248 = tpu.memref_slice %arg15[%dma_wait3A_246, %dma_wait3A_247] : memref<10240x64xf32, #tpu.memory_space<vmem_shared>> -> memref<10240x64xf32, #tpu.memory_space<vmem_shared>>
        tpu.wait_indirect_dma semaphore(%arg47 : memref<!tpu.dma_semaphore, #tpu.memory_space<semaphore_mem>>) src(%arg27 : memref<256x64xf32, #tpu.memory_space<vmem>>) dst(%dma_wait3A_248 : memref<10240x64xf32, #tpu.memory_space<vmem_shared>>)
        %dma_wait3A_249 = arith.constant 0 : i32
        %dma_wait3A_250 = arith.constant 0 : i32
        %dma_wait3A_251 = tpu.memref_slice %arg16[%dma_wait3A_249, %dma_wait3A_250] : memref<10240x8xf32, #tpu.memory_space<vmem_shared>> -> memref<10240x8xf32, #tpu.memory_space<vmem_shared>>
        tpu.wait_indirect_dma semaphore(%arg31 : memref<!tpu.dma_semaphore, #tpu.memory_space<semaphore_mem>>) src(%arg25 : memref<256x8xf32, #tpu.memory_space<vmem>>) dst(%dma_wait3A_251 : memref<10240x8xf32, #tpu.memory_space<vmem_shared>>)
        %lt3A_252 = arith.constant 19 : i32
        %lt3A_253 = arith.cmpi slt, %scan3A_105, %lt3A_252 : i32
        %convert_element_type3A_254 = arith.extui %lt3A_253 : i1 to i32
        %cond3A_255 = arith.constant 0 : i32
        %cond3A_256 = arith.cmpi ne, %convert_element_type3A_254, %cond3A_255 : i32
        scf.if %cond3A_256 {
          %add3A_278 = arith.constant 2 : i32
          %add3A_279 = arith.addi %add3A_245, %add3A_278 : i32
          %add3A_280 = arith.addi %mul3A_20, %add3A_279 : i32
          %dma_start3A_281 = arith.constant 0 : i32
          %dma_start3A_282 = tpu.memref_slice %arg5[%add3A_280, %dma_start3A_281] : memref<1280x256xi32, #tpu.memory_space<hbm>> -> memref<1x256xi32, #tpu.memory_space<hbm>>
          %dma_start3A_283 = tpu.memref_squeeze %dma_start3A_282 : memref<1x256xi32, #tpu.memory_space<hbm>> -> memref<256xi32, #tpu.memory_space<hbm>>
          %dma_start3A_284 = arith.constant 0 : i32
          %dma_start3A_285 = tpu.memref_slice %arg5[%add3A_280, %dma_start3A_284] : memref<1280x256xi32, #tpu.memory_space<hbm>> -> memref<1x256xi32, #tpu.memory_space<hbm>>
          %dma_start3A_286 = tpu.memref_squeeze %dma_start3A_285 : memref<1x256xi32, #tpu.memory_space<hbm>> -> memref<256xi32, #tpu.memory_space<hbm>>
          tpu.enqueue_dma source(%dma_start3A_286 : memref<256xi32, #tpu.memory_space<hbm>>) target(%arg18 : memref<256xi32, #tpu.memory_space<vmem>>) target_semaphore(%arg39 : memref<!tpu.dma_semaphore, #tpu.memory_space<semaphore_mem>>)
          %add3A_287 = arith.constant 2 : i32
          %add3A_288 = arith.addi %add3A_245, %add3A_287 : i32
          %add3A_289 = arith.addi %mul3A_20, %add3A_288 : i32
          %dma_wait3A_290 = arith.constant 0 : i32
          %dma_wait3A_291 = tpu.memref_slice %arg4[%add3A_289, %dma_wait3A_290] : memref<1280x256xi32, #tpu.memory_space<hbm>> -> memref<1x256xi32, #tpu.memory_space<hbm>>
          %dma_wait3A_292 = tpu.memref_squeeze %dma_wait3A_291 : memref<1x256xi32, #tpu.memory_space<hbm>> -> memref<256xi32, #tpu.memory_space<hbm>>
          %dma_wait3A_293 = arith.constant 0 : i32
          %dma_wait3A_294 = tpu.memref_slice %arg4[%add3A_289, %dma_wait3A_293] : memref<1280x256xi32, #tpu.memory_space<hbm>> -> memref<1x256xi32, #tpu.memory_space<hbm>>
          %dma_wait3A_295 = tpu.memref_squeeze %dma_wait3A_294 : memref<1x256xi32, #tpu.memory_space<hbm>> -> memref<256xi32, #tpu.memory_space<hbm>>
          tpu.wait_dma2 semaphore(%arg43 : memref<!tpu.dma_semaphore, #tpu.memory_space<semaphore_mem>>) src(%dma_wait3A_295 : memref<256xi32, #tpu.memory_space<hbm>>) dst(%arg22 : memref<256xi32, #tpu.memory_space<vmem>>)
          %dma_start3A_296 = arith.constant 0 : i32
          %dma_start3A_297 = arith.constant 0 : i32
          %dma_start3A_298 = tpu.memref_slice %arg2[%dma_start3A_296, %dma_start3A_297] : memref<10000x64xf32, #tpu.memory_space<hbm>> -> memref<10000x64xf32, #tpu.memory_space<hbm>>
          tpu.enqueue_indirect_dma source(%dma_start3A_298 : memref<10000x64xf32, #tpu.memory_space<hbm>>) target(%arg27 : memref<256x64xf32, #tpu.memory_space<vmem>>) offsets(%arg22 : memref<256xi32, #tpu.memory_space<vmem>>) semaphore(%arg35 : memref<!tpu.dma_semaphore, #tpu.memory_space<semaphore_mem>>)
        } else {
        }
        %dma_wait3A_257 = arith.constant 0 : i32
        %dma_wait3A_258 = arith.constant 0 : i32
        %dma_wait3A_259 = tpu.memref_slice %arg2[%dma_wait3A_257, %dma_wait3A_258] : memref<10000x64xf32, #tpu.memory_space<hbm>> -> memref<10000x64xf32, #tpu.memory_space<hbm>>
        tpu.wait_indirect_dma semaphore(%arg37 : memref<!tpu.dma_semaphore, #tpu.memory_space<semaphore_mem>>) src(%dma_wait3A_259 : memref<10000x64xf32, #tpu.memory_space<hbm>>) dst(%arg29 : memref<256x64xf32, #tpu.memory_space<vmem>>)
        %lt3A_260 = arith.constant 19 : i32
        %lt3A_261 = arith.cmpi slt, %scan3A_105, %lt3A_260 : i32
        %convert_element_type3A_262 = arith.extui %lt3A_261 : i1 to i32
        %cond3A_263 = arith.constant 0 : i32
        %cond3A_264 = arith.cmpi ne, %convert_element_type3A_262, %cond3A_263 : i32
        scf.if %cond3A_264 {
          %add3A_278 = arith.constant 4 : i32
          %add3A_279 = arith.addi %add3A_245, %add3A_278 : i32
          %add3A_280 = arith.addi %mul3A_20, %add3A_279 : i32
          %dma_start3A_281 = arith.constant 0 : i32
          %dma_start3A_282 = tpu.memref_slice %arg4[%add3A_280, %dma_start3A_281] : memref<1280x256xi32, #tpu.memory_space<hbm>> -> memref<1x256xi32, #tpu.memory_space<hbm>>
          %dma_start3A_283 = tpu.memref_squeeze %dma_start3A_282 : memref<1x256xi32, #tpu.memory_space<hbm>> -> memref<256xi32, #tpu.memory_space<hbm>>
          %dma_start3A_284 = arith.constant 0 : i32
          %dma_start3A_285 = tpu.memref_slice %arg4[%add3A_280, %dma_start3A_284] : memref<1280x256xi32, #tpu.memory_space<hbm>> -> memref<1x256xi32, #tpu.memory_space<hbm>>
          %dma_start3A_286 = tpu.memref_squeeze %dma_start3A_285 : memref<1x256xi32, #tpu.memory_space<hbm>> -> memref<256xi32, #tpu.memory_space<hbm>>
          tpu.enqueue_dma source(%dma_start3A_286 : memref<256xi32, #tpu.memory_space<hbm>>) target(%arg24 : memref<256xi32, #tpu.memory_space<vmem>>) target_semaphore(%arg45 : memref<!tpu.dma_semaphore, #tpu.memory_space<semaphore_mem>>)
        } else {
        }
        %add3A_265 = arith.addi %mul3A_20, %add3A_245 : i32
        %dma_wait3A_266 = arith.constant 0 : i32
        %dma_wait3A_267 = tpu.memref_slice %arg5[%add3A_265, %dma_wait3A_266] : memref<1280x256xi32, #tpu.memory_space<hbm>> -> memref<1x256xi32, #tpu.memory_space<hbm>>
        %dma_wait3A_268 = tpu.memref_squeeze %dma_wait3A_267 : memref<1x256xi32, #tpu.memory_space<hbm>> -> memref<256xi32, #tpu.memory_space<hbm>>
        %dma_wait3A_269 = arith.constant 0 : i32
        %dma_wait3A_270 = tpu.memref_slice %arg5[%add3A_265, %dma_wait3A_269] : memref<1280x256xi32, #tpu.memory_space<hbm>> -> memref<1x256xi32, #tpu.memory_space<hbm>>
        %dma_wait3A_271 = tpu.memref_squeeze %dma_wait3A_270 : memref<1x256xi32, #tpu.memory_space<hbm>> -> memref<256xi32, #tpu.memory_space<hbm>>
        tpu.wait_dma2 semaphore(%arg41 : memref<!tpu.dma_semaphore, #tpu.memory_space<semaphore_mem>>) src(%dma_wait3A_271 : memref<256xi32, #tpu.memory_space<hbm>>) dst(%arg20 : memref<256xi32, #tpu.memory_space<vmem>>)
        %dma_start3A_272 = arith.constant 0 : i32
        %dma_start3A_273 = arith.constant 0 : i32
        %dma_start3A_274 = tpu.memref_slice %arg15[%dma_start3A_272, %dma_start3A_273] : memref<10240x64xf32, #tpu.memory_space<vmem_shared>> -> memref<10240x64xf32, #tpu.memory_space<vmem_shared>>
        tpu.enqueue_indirect_dma source(%arg29 : memref<256x64xf32, #tpu.memory_space<vmem>>) target(%dma_start3A_274 : memref<10240x64xf32, #tpu.memory_space<vmem_shared>>) offsets(%arg20 : memref<256xi32, #tpu.memory_space<vmem>>) semaphore(%arg49 : memref<!tpu.dma_semaphore, #tpu.memory_space<semaphore_mem>>) {add = true}
        %dma_start3A_275 = arith.constant 0 : i32
        %dma_start3A_276 = arith.constant 0 : i32
        %dma_start3A_277 = tpu.memref_slice %arg16[%dma_start3A_275, %dma_start3A_276] : memref<10240x8xf32, #tpu.memory_space<vmem_shared>> -> memref<10240x8xf32, #tpu.memory_space<vmem_shared>>
        tpu.enqueue_indirect_dma source(%arg25 : memref<256x8xf32, #tpu.memory_space<vmem>>) target(%dma_start3A_277 : memref<10240x8xf32, #tpu.memory_space<vmem_shared>>) offsets(%arg20 : memref<256xi32, #tpu.memory_space<vmem>>) semaphore(%arg33 : memref<!tpu.dma_semaphore, #tpu.memory_space<semaphore_mem>>) {add = true}
      }
      %scan3A_92 = arith.constant 20 : i32
      %dma_wait3A_93 = arith.constant 0 : i32
      %dma_wait3A_94 = arith.constant 0 : i32
      %dma_wait3A_95 = tpu.memref_slice %arg15[%dma_wait3A_93, %dma_wait3A_94] : memref<10240x64xf32, #tpu.memory_space<vmem_shared>> -> memref<10240x64xf32, #tpu.memory_space<vmem_shared>>
      tpu.wait_indirect_dma semaphore(%arg48 : memref<!tpu.dma_semaphore, #tpu.memory_space<semaphore_mem>>) src(%arg28 : memref<256x64xf32, #tpu.memory_space<vmem>>) dst(%dma_wait3A_95 : memref<10240x64xf32, #tpu.memory_space<vmem_shared>>)
      %dma_wait3A_96 = arith.constant 0 : i32
      %dma_wait3A_97 = arith.constant 0 : i32
      %dma_wait3A_98 = tpu.memref_slice %arg16[%dma_wait3A_96, %dma_wait3A_97] : memref<10240x8xf32, #tpu.memory_space<vmem_shared>> -> memref<10240x8xf32, #tpu.memory_space<vmem_shared>>
      tpu.wait_indirect_dma semaphore(%arg32 : memref<!tpu.dma_semaphore, #tpu.memory_space<semaphore_mem>>) src(%arg25 : memref<256x8xf32, #tpu.memory_space<vmem>>) dst(%dma_wait3A_98 : memref<10240x8xf32, #tpu.memory_space<vmem_shared>>)
      %dma_wait3A_99 = arith.constant 0 : i32
      %dma_wait3A_100 = arith.constant 0 : i32
      %dma_wait3A_101 = tpu.memref_slice %arg15[%dma_wait3A_99, %dma_wait3A_100] : memref<10240x64xf32, #tpu.memory_space<vmem_shared>> -> memref<10240x64xf32, #tpu.memory_space<vmem_shared>>
      tpu.wait_indirect_dma semaphore(%arg49 : memref<!tpu.dma_semaphore, #tpu.memory_space<semaphore_mem>>) src(%arg29 : memref<256x64xf32, #tpu.memory_space<vmem>>) dst(%dma_wait3A_101 : memref<10240x64xf32, #tpu.memory_space<vmem_shared>>)
      %dma_wait3A_102 = arith.constant 0 : i32
      %dma_wait3A_103 = arith.constant 0 : i32
      %dma_wait3A_104 = tpu.memref_slice %arg16[%dma_wait3A_102, %dma_wait3A_103] : memref<10240x8xf32, #tpu.memory_space<vmem_shared>> -> memref<10240x8xf32, #tpu.memory_space<vmem_shared>>
      tpu.wait_indirect_dma semaphore(%arg33 : memref<!tpu.dma_semaphore, #tpu.memory_space<semaphore_mem>>) src(%arg25 : memref<256x8xf32, #tpu.memory_space<vmem>>) dst(%dma_wait3A_104 : memref<10240x8xf32, #tpu.memory_space<vmem_shared>>)
    } else {
    }
    %eq3A_3 = arith.constant 1 : i32
    %eq3A_4 = arith.cmpi eq, %arg0, %eq3A_3 : i32
    %convert_element_type3A_5 = arith.extui %eq3A_4 : i1 to i32
    %cond3A_6 = arith.constant 0 : i32
    %cond3A_7 = arith.cmpi ne, %convert_element_type3A_5, %cond3A_6 : i32
    scf.if %cond3A_7 {
      %mul3A_19 = arith.constant 80 : i32
      %mul3A_20 = arith.muli %arg1, %mul3A_19 : i32
      %add3A = arith.constant 0 : i32
      %add3A_21 = arith.addi %mul3A_20, %add3A : i32
      %dma_start3A = arith.constant 0 : i32
      %dma_start3A_22 = tpu.memref_slice %arg6[%add3A_21, %dma_start3A] : memref<1280x256xi32, #tpu.memory_space<hbm>> -> memref<1x256xi32, #tpu.memory_space<hbm>>
      %dma_start3A_23 = tpu.memref_squeeze %dma_start3A_22 : memref<1x256xi32, #tpu.memory_space<hbm>> -> memref<256xi32, #tpu.memory_space<hbm>>
      %dma_start3A_24 = arith.constant 0 : i32
      %dma_start3A_25 = tpu.memref_slice %arg6[%add3A_21, %dma_start3A_24] : memref<1280x256xi32, #tpu.memory_space<hbm>> -> memref<1x256xi32, #tpu.memory_space<hbm>>
      %dma_start3A_26 = tpu.memref_squeeze %dma_start3A_25 : memref<1x256xi32, #tpu.memory_space<hbm>> -> memref<256xi32, #tpu.memory_space<hbm>>
      tpu.enqueue_dma source(%dma_start3A_26 : memref<256xi32, #tpu.memory_space<hbm>>) target(%arg21 : memref<256xi32, #tpu.memory_space<vmem>>) target_semaphore(%arg42 : memref<!tpu.dma_semaphore, #tpu.memory_space<semaphore_mem>>)
      %add3A_27 = arith.constant 1 : i32
      %add3A_28 = arith.addi %mul3A_20, %add3A_27 : i32
      %dma_start3A_29 = arith.constant 0 : i32
      %dma_start3A_30 = tpu.memref_slice %arg6[%add3A_28, %dma_start3A_29] : memref<1280x256xi32, #tpu.memory_space<hbm>> -> memref<1x256xi32, #tpu.memory_space<hbm>>
      %dma_start3A_31 = tpu.memref_squeeze %dma_start3A_30 : memref<1x256xi32, #tpu.memory_space<hbm>> -> memref<256xi32, #tpu.memory_space<hbm>>
      %dma_start3A_32 = arith.constant 0 : i32
      %dma_start3A_33 = tpu.memref_slice %arg6[%add3A_28, %dma_start3A_32] : memref<1280x256xi32, #tpu.memory_space<hbm>> -> memref<1x256xi32, #tpu.memory_space<hbm>>
      %dma_start3A_34 = tpu.memref_squeeze %dma_start3A_33 : memref<1x256xi32, #tpu.memory_space<hbm>> -> memref<256xi32, #tpu.memory_space<hbm>>
      tpu.enqueue_dma source(%dma_start3A_34 : memref<256xi32, #tpu.memory_space<hbm>>) target(%arg22 : memref<256xi32, #tpu.memory_space<vmem>>) target_semaphore(%arg43 : memref<!tpu.dma_semaphore, #tpu.memory_space<semaphore_mem>>)
      %add3A_35 = arith.constant 2 : i32
      %add3A_36 = arith.addi %mul3A_20, %add3A_35 : i32
      %dma_start3A_37 = arith.constant 0 : i32
      %dma_start3A_38 = tpu.memref_slice %arg6[%add3A_36, %dma_start3A_37] : memref<1280x256xi32, #tpu.memory_space<hbm>> -> memref<1x256xi32, #tpu.memory_space<hbm>>
      %dma_start3A_39 = tpu.memref_squeeze %dma_start3A_38 : memref<1x256xi32, #tpu.memory_space<hbm>> -> memref<256xi32, #tpu.memory_space<hbm>>
      %dma_start3A_40 = arith.constant 0 : i32
      %dma_start3A_41 = tpu.memref_slice %arg6[%add3A_36, %dma_start3A_40] : memref<1280x256xi32, #tpu.memory_space<hbm>> -> memref<1x256xi32, #tpu.memory_space<hbm>>
      %dma_start3A_42 = tpu.memref_squeeze %dma_start3A_41 : memref<1x256xi32, #tpu.memory_space<hbm>> -> memref<256xi32, #tpu.memory_space<hbm>>
      tpu.enqueue_dma source(%dma_start3A_42 : memref<256xi32, #tpu.memory_space<hbm>>) target(%arg23 : memref<256xi32, #tpu.memory_space<vmem>>) target_semaphore(%arg44 : memref<!tpu.dma_semaphore, #tpu.memory_space<semaphore_mem>>)
      %add3A_43 = arith.constant 3 : i32
      %add3A_44 = arith.addi %mul3A_20, %add3A_43 : i32
      %dma_start3A_45 = arith.constant 0 : i32
      %dma_start3A_46 = tpu.memref_slice %arg6[%add3A_44, %dma_start3A_45] : memref<1280x256xi32, #tpu.memory_space<hbm>> -> memref<1x256xi32, #tpu.memory_space<hbm>>
      %dma_start3A_47 = tpu.memref_squeeze %dma_start3A_46 : memref<1x256xi32, #tpu.memory_space<hbm>> -> memref<256xi32, #tpu.memory_space<hbm>>
      %dma_start3A_48 = arith.constant 0 : i32
      %dma_start3A_49 = tpu.memref_slice %arg6[%add3A_44, %dma_start3A_48] : memref<1280x256xi32, #tpu.memory_space<hbm>> -> memref<1x256xi32, #tpu.memory_space<hbm>>
      %dma_start3A_50 = tpu.memref_squeeze %dma_start3A_49 : memref<1x256xi32, #tpu.memory_space<hbm>> -> memref<256xi32, #tpu.memory_space<hbm>>
      tpu.enqueue_dma source(%dma_start3A_50 : memref<256xi32, #tpu.memory_space<hbm>>) target(%arg24 : memref<256xi32, #tpu.memory_space<vmem>>) target_semaphore(%arg45 : memref<!tpu.dma_semaphore, #tpu.memory_space<semaphore_mem>>)
      %add3A_51 = arith.constant 0 : i32
      %add3A_52 = arith.addi %mul3A_20, %add3A_51 : i32
      %dma_start3A_53 = arith.constant 0 : i32
      %dma_start3A_54 = tpu.memref_slice %arg7[%add3A_52, %dma_start3A_53] : memref<1280x256xi32, #tpu.memory_space<hbm>> -> memref<1x256xi32, #tpu.memory_space<hbm>>
      %dma_start3A_55 = tpu.memref_squeeze %dma_start3A_54 : memref<1x256xi32, #tpu.memory_space<hbm>> -> memref<256xi32, #tpu.memory_space<hbm>>
      %dma_start3A_56 = arith.constant 0 : i32
      %dma_start3A_57 = tpu.memref_slice %arg7[%add3A_52, %dma_start3A_56] : memref<1280x256xi32, #tpu.memory_space<hbm>> -> memref<1x256xi32, #tpu.memory_space<hbm>>
      %dma_start3A_58 = tpu.memref_squeeze %dma_start3A_57 : memref<1x256xi32, #tpu.memory_space<hbm>> -> memref<256xi32, #tpu.memory_space<hbm>>
      tpu.enqueue_dma source(%dma_start3A_58 : memref<256xi32, #tpu.memory_space<hbm>>) target(%arg17 : memref<256xi32, #tpu.memory_space<vmem>>) target_semaphore(%arg38 : memref<!tpu.dma_semaphore, #tpu.memory_space<semaphore_mem>>)
      %add3A_59 = arith.constant 1 : i32
      %add3A_60 = arith.addi %mul3A_20, %add3A_59 : i32
      %dma_start3A_61 = arith.constant 0 : i32
      %dma_start3A_62 = tpu.memref_slice %arg7[%add3A_60, %dma_start3A_61] : memref<1280x256xi32, #tpu.memory_space<hbm>> -> memref<1x256xi32, #tpu.memory_space<hbm>>
      %dma_start3A_63 = tpu.memref_squeeze %dma_start3A_62 : memref<1x256xi32, #tpu.memory_space<hbm>> -> memref<256xi32, #tpu.memory_space<hbm>>
      %dma_start3A_64 = arith.constant 0 : i32
      %dma_start3A_65 = tpu.memref_slice %arg7[%add3A_60, %dma_start3A_64] : memref<1280x256xi32, #tpu.memory_space<hbm>> -> memref<1x256xi32, #tpu.memory_space<hbm>>
      %dma_start3A_66 = tpu.memref_squeeze %dma_start3A_65 : memref<1x256xi32, #tpu.memory_space<hbm>> -> memref<256xi32, #tpu.memory_space<hbm>>
      tpu.enqueue_dma source(%dma_start3A_66 : memref<256xi32, #tpu.memory_space<hbm>>) target(%arg18 : memref<256xi32, #tpu.memory_space<vmem>>) target_semaphore(%arg39 : memref<!tpu.dma_semaphore, #tpu.memory_space<semaphore_mem>>)
      %add3A_67 = arith.constant 0 : i32
      %add3A_68 = arith.addi %mul3A_20, %add3A_67 : i32
      %dma_wait3A = arith.constant 0 : i32
      %dma_wait3A_69 = tpu.memref_slice %arg6[%add3A_68, %dma_wait3A] : memref<1280x256xi32, #tpu.memory_space<hbm>> -> memref<1x256xi32, #tpu.memory_space<hbm>>
      %dma_wait3A_70 = tpu.memref_squeeze %dma_wait3A_69 : memref<1x256xi32, #tpu.memory_space<hbm>> -> memref<256xi32, #tpu.memory_space<hbm>>
      %dma_wait3A_71 = arith.constant 0 : i32
      %dma_wait3A_72 = tpu.memref_slice %arg6[%add3A_68, %dma_wait3A_71] : memref<1280x256xi32, #tpu.memory_space<hbm>> -> memref<1x256xi32, #tpu.memory_space<hbm>>
      %dma_wait3A_73 = tpu.memref_squeeze %dma_wait3A_72 : memref<1x256xi32, #tpu.memory_space<hbm>> -> memref<256xi32, #tpu.memory_space<hbm>>
      tpu.wait_dma2 semaphore(%arg42 : memref<!tpu.dma_semaphore, #tpu.memory_space<semaphore_mem>>) src(%dma_wait3A_73 : memref<256xi32, #tpu.memory_space<hbm>>) dst(%arg21 : memref<256xi32, #tpu.memory_space<vmem>>)
      %dma_start3A_74 = arith.constant 0 : i32
      %dma_start3A_75 = arith.constant 0 : i32
      %dma_start3A_76 = tpu.memref_slice %arg3[%dma_start3A_74, %dma_start3A_75] : memref<10000x64xf32, #tpu.memory_space<hbm>> -> memref<10000x64xf32, #tpu.memory_space<hbm>>
      tpu.enqueue_indirect_dma source(%dma_start3A_76 : memref<10000x64xf32, #tpu.memory_space<hbm>>) target(%arg26 : memref<256x64xf32, #tpu.memory_space<vmem>>) offsets(%arg21 : memref<256xi32, #tpu.memory_space<vmem>>) semaphore(%arg34 : memref<!tpu.dma_semaphore, #tpu.memory_space<semaphore_mem>>)
      %add3A_77 = arith.constant 1 : i32
      %add3A_78 = arith.addi %mul3A_20, %add3A_77 : i32
      %dma_wait3A_79 = arith.constant 0 : i32
      %dma_wait3A_80 = tpu.memref_slice %arg6[%add3A_78, %dma_wait3A_79] : memref<1280x256xi32, #tpu.memory_space<hbm>> -> memref<1x256xi32, #tpu.memory_space<hbm>>
      %dma_wait3A_81 = tpu.memref_squeeze %dma_wait3A_80 : memref<1x256xi32, #tpu.memory_space<hbm>> -> memref<256xi32, #tpu.memory_space<hbm>>
      %dma_wait3A_82 = arith.constant 0 : i32
      %dma_wait3A_83 = tpu.memref_slice %arg6[%add3A_78, %dma_wait3A_82] : memref<1280x256xi32, #tpu.memory_space<hbm>> -> memref<1x256xi32, #tpu.memory_space<hbm>>
      %dma_wait3A_84 = tpu.memref_squeeze %dma_wait3A_83 : memref<1x256xi32, #tpu.memory_space<hbm>> -> memref<256xi32, #tpu.memory_space<hbm>>
      tpu.wait_dma2 semaphore(%arg43 : memref<!tpu.dma_semaphore, #tpu.memory_space<semaphore_mem>>) src(%dma_wait3A_84 : memref<256xi32, #tpu.memory_space<hbm>>) dst(%arg22 : memref<256xi32, #tpu.memory_space<vmem>>)
      %dma_start3A_85 = arith.constant 0 : i32
      %dma_start3A_86 = arith.constant 0 : i32
      %dma_start3A_87 = tpu.memref_slice %arg3[%dma_start3A_85, %dma_start3A_86] : memref<10000x64xf32, #tpu.memory_space<hbm>> -> memref<10000x64xf32, #tpu.memory_space<hbm>>
      tpu.enqueue_indirect_dma source(%dma_start3A_87 : memref<10000x64xf32, #tpu.memory_space<hbm>>) target(%arg27 : memref<256x64xf32, #tpu.memory_space<vmem>>) offsets(%arg22 : memref<256xi32, #tpu.memory_space<vmem>>) semaphore(%arg35 : memref<!tpu.dma_semaphore, #tpu.memory_space<semaphore_mem>>)
      %scan3A = arith.constant 0 : i32
      %scan3A_88 = arith.constant 0 : i32
      %scan3A_89 = arith.constant 20 : i32
      %scan3A_90 = arith.addi %scan3A_88, %scan3A_89 : i32
      %scan3A_91 = arith.constant 1 : i32
      scf.for %scan3A_105 = %scan3A_88 to %scan3A_90 step %scan3A_91  : i32 {
        %mul3A_106 = arith.constant 4 : i32
        %mul3A_107 = arith.muli %scan3A_105, %mul3A_106 : i32
        %add3A_108 = arith.constant 0 : i32
        %add3A_109 = arith.addi %mul3A_107, %add3A_108 : i32
        %gt3A = arith.constant 0 : i32
        %gt3A_110 = arith.cmpi sgt, %scan3A_105, %gt3A : i32
        %convert_element_type3A_111 = arith.extui %gt3A_110 : i1 to i32
        %cond3A_112 = arith.constant 0 : i32
        %cond3A_113 = arith.cmpi ne, %convert_element_type3A_111, %cond3A_112 : i32
        scf.if %cond3A_113 {
          %dma_wait3A_278 = arith.constant 0 : i32
          %dma_wait3A_279 = arith.constant 0 : i32
          %dma_wait3A_280 = tpu.memref_slice %arg15[%dma_wait3A_278, %dma_wait3A_279] : memref<10240x64xf32, #tpu.memory_space<vmem_shared>> -> memref<10240x64xf32, #tpu.memory_space<vmem_shared>>
          tpu.wait_indirect_dma semaphore(%arg48 : memref<!tpu.dma_semaphore, #tpu.memory_space<semaphore_mem>>) src(%arg28 : memref<256x64xf32, #tpu.memory_space<vmem>>) dst(%dma_wait3A_280 : memref<10240x64xf32, #tpu.memory_space<vmem_shared>>)
          %dma_wait3A_281 = arith.constant 0 : i32
          %dma_wait3A_282 = arith.constant 0 : i32
          %dma_wait3A_283 = tpu.memref_slice %arg16[%dma_wait3A_281, %dma_wait3A_282] : memref<10240x8xf32, #tpu.memory_space<vmem_shared>> -> memref<10240x8xf32, #tpu.memory_space<vmem_shared>>
          tpu.wait_indirect_dma semaphore(%arg32 : memref<!tpu.dma_semaphore, #tpu.memory_space<semaphore_mem>>) src(%arg25 : memref<256x8xf32, #tpu.memory_space<vmem>>) dst(%dma_wait3A_283 : memref<10240x8xf32, #tpu.memory_space<vmem_shared>>)
        } else {
        }
        %add3A_114 = arith.constant 2 : i32
        %add3A_115 = arith.addi %add3A_109, %add3A_114 : i32
        %add3A_116 = arith.addi %mul3A_20, %add3A_115 : i32
        %dma_start3A_117 = arith.constant 0 : i32
        %dma_start3A_118 = tpu.memref_slice %arg7[%add3A_116, %dma_start3A_117] : memref<1280x256xi32, #tpu.memory_space<hbm>> -> memref<1x256xi32, #tpu.memory_space<hbm>>
        %dma_start3A_119 = tpu.memref_squeeze %dma_start3A_118 : memref<1x256xi32, #tpu.memory_space<hbm>> -> memref<256xi32, #tpu.memory_space<hbm>>
        %dma_start3A_120 = arith.constant 0 : i32
        %dma_start3A_121 = tpu.memref_slice %arg7[%add3A_116, %dma_start3A_120] : memref<1280x256xi32, #tpu.memory_space<hbm>> -> memref<1x256xi32, #tpu.memory_space<hbm>>
        %dma_start3A_122 = tpu.memref_squeeze %dma_start3A_121 : memref<1x256xi32, #tpu.memory_space<hbm>> -> memref<256xi32, #tpu.memory_space<hbm>>
        tpu.enqueue_dma source(%dma_start3A_122 : memref<256xi32, #tpu.memory_space<hbm>>) target(%arg19 : memref<256xi32, #tpu.memory_space<vmem>>) target_semaphore(%arg40 : memref<!tpu.dma_semaphore, #tpu.memory_space<semaphore_mem>>)
        %add3A_123 = arith.constant 2 : i32
        %add3A_124 = arith.addi %add3A_109, %add3A_123 : i32
        %add3A_125 = arith.addi %mul3A_20, %add3A_124 : i32
        %dma_wait3A_126 = arith.constant 0 : i32
        %dma_wait3A_127 = tpu.memref_slice %arg6[%add3A_125, %dma_wait3A_126] : memref<1280x256xi32, #tpu.memory_space<hbm>> -> memref<1x256xi32, #tpu.memory_space<hbm>>
        %dma_wait3A_128 = tpu.memref_squeeze %dma_wait3A_127 : memref<1x256xi32, #tpu.memory_space<hbm>> -> memref<256xi32, #tpu.memory_space<hbm>>
        %dma_wait3A_129 = arith.constant 0 : i32
        %dma_wait3A_130 = tpu.memref_slice %arg6[%add3A_125, %dma_wait3A_129] : memref<1280x256xi32, #tpu.memory_space<hbm>> -> memref<1x256xi32, #tpu.memory_space<hbm>>
        %dma_wait3A_131 = tpu.memref_squeeze %dma_wait3A_130 : memref<1x256xi32, #tpu.memory_space<hbm>> -> memref<256xi32, #tpu.memory_space<hbm>>
        tpu.wait_dma2 semaphore(%arg44 : memref<!tpu.dma_semaphore, #tpu.memory_space<semaphore_mem>>) src(%dma_wait3A_131 : memref<256xi32, #tpu.memory_space<hbm>>) dst(%arg23 : memref<256xi32, #tpu.memory_space<vmem>>)
        %dma_start3A_132 = arith.constant 0 : i32
        %dma_start3A_133 = arith.constant 0 : i32
        %dma_start3A_134 = tpu.memref_slice %arg3[%dma_start3A_132, %dma_start3A_133] : memref<10000x64xf32, #tpu.memory_space<hbm>> -> memref<10000x64xf32, #tpu.memory_space<hbm>>
        tpu.enqueue_indirect_dma source(%dma_start3A_134 : memref<10000x64xf32, #tpu.memory_space<hbm>>) target(%arg28 : memref<256x64xf32, #tpu.memory_space<vmem>>) offsets(%arg23 : memref<256xi32, #tpu.memory_space<vmem>>) semaphore(%arg36 : memref<!tpu.dma_semaphore, #tpu.memory_space<semaphore_mem>>)
        %dma_wait3A_135 = arith.constant 0 : i32
        %dma_wait3A_136 = arith.constant 0 : i32
        %dma_wait3A_137 = tpu.memref_slice %arg3[%dma_wait3A_135, %dma_wait3A_136] : memref<10000x64xf32, #tpu.memory_space<hbm>> -> memref<10000x64xf32, #tpu.memory_space<hbm>>
        tpu.wait_indirect_dma semaphore(%arg34 : memref<!tpu.dma_semaphore, #tpu.memory_space<semaphore_mem>>) src(%dma_wait3A_137 : memref<10000x64xf32, #tpu.memory_space<hbm>>) dst(%arg26 : memref<256x64xf32, #tpu.memory_space<vmem>>)
        %lt3A = arith.constant 19 : i32
        %lt3A_138 = arith.cmpi slt, %scan3A_105, %lt3A : i32
        %convert_element_type3A_139 = arith.extui %lt3A_138 : i1 to i32
        %cond3A_140 = arith.constant 0 : i32
        %cond3A_141 = arith.cmpi ne, %convert_element_type3A_139, %cond3A_140 : i32
        scf.if %cond3A_141 {
          %add3A_278 = arith.constant 4 : i32
          %add3A_279 = arith.addi %add3A_109, %add3A_278 : i32
          %add3A_280 = arith.addi %mul3A_20, %add3A_279 : i32
          %dma_start3A_281 = arith.constant 0 : i32
          %dma_start3A_282 = tpu.memref_slice %arg6[%add3A_280, %dma_start3A_281] : memref<1280x256xi32, #tpu.memory_space<hbm>> -> memref<1x256xi32, #tpu.memory_space<hbm>>
          %dma_start3A_283 = tpu.memref_squeeze %dma_start3A_282 : memref<1x256xi32, #tpu.memory_space<hbm>> -> memref<256xi32, #tpu.memory_space<hbm>>
          %dma_start3A_284 = arith.constant 0 : i32
          %dma_start3A_285 = tpu.memref_slice %arg6[%add3A_280, %dma_start3A_284] : memref<1280x256xi32, #tpu.memory_space<hbm>> -> memref<1x256xi32, #tpu.memory_space<hbm>>
          %dma_start3A_286 = tpu.memref_squeeze %dma_start3A_285 : memref<1x256xi32, #tpu.memory_space<hbm>> -> memref<256xi32, #tpu.memory_space<hbm>>
          tpu.enqueue_dma source(%dma_start3A_286 : memref<256xi32, #tpu.memory_space<hbm>>) target(%arg21 : memref<256xi32, #tpu.memory_space<vmem>>) target_semaphore(%arg42 : memref<!tpu.dma_semaphore, #tpu.memory_space<semaphore_mem>>)
        } else {
        }
        %add3A_142 = arith.addi %mul3A_20, %add3A_109 : i32
        %dma_wait3A_143 = arith.constant 0 : i32
        %dma_wait3A_144 = tpu.memref_slice %arg7[%add3A_142, %dma_wait3A_143] : memref<1280x256xi32, #tpu.memory_space<hbm>> -> memref<1x256xi32, #tpu.memory_space<hbm>>
        %dma_wait3A_145 = tpu.memref_squeeze %dma_wait3A_144 : memref<1x256xi32, #tpu.memory_space<hbm>> -> memref<256xi32, #tpu.memory_space<hbm>>
        %dma_wait3A_146 = arith.constant 0 : i32
        %dma_wait3A_147 = tpu.memref_slice %arg7[%add3A_142, %dma_wait3A_146] : memref<1280x256xi32, #tpu.memory_space<hbm>> -> memref<1x256xi32, #tpu.memory_space<hbm>>
        %dma_wait3A_148 = tpu.memref_squeeze %dma_wait3A_147 : memref<1x256xi32, #tpu.memory_space<hbm>> -> memref<256xi32, #tpu.memory_space<hbm>>
        tpu.wait_dma2 semaphore(%arg38 : memref<!tpu.dma_semaphore, #tpu.memory_space<semaphore_mem>>) src(%dma_wait3A_148 : memref<256xi32, #tpu.memory_space<hbm>>) dst(%arg17 : memref<256xi32, #tpu.memory_space<vmem>>)
        %dma_start3A_149 = arith.constant 0 : i32
        %dma_start3A_150 = arith.constant 0 : i32
        %dma_start3A_151 = tpu.memref_slice %arg15[%dma_start3A_149, %dma_start3A_150] : memref<10240x64xf32, #tpu.memory_space<vmem_shared>> -> memref<10240x64xf32, #tpu.memory_space<vmem_shared>>
        tpu.enqueue_indirect_dma source(%arg26 : memref<256x64xf32, #tpu.memory_space<vmem>>) target(%dma_start3A_151 : memref<10240x64xf32, #tpu.memory_space<vmem_shared>>) offsets(%arg17 : memref<256xi32, #tpu.memory_space<vmem>>) semaphore(%arg46 : memref<!tpu.dma_semaphore, #tpu.memory_space<semaphore_mem>>) {add = true}
        %dma_start3A_152 = arith.constant 0 : i32
        %dma_start3A_153 = arith.constant 0 : i32
        %dma_start3A_154 = tpu.memref_slice %arg16[%dma_start3A_152, %dma_start3A_153] : memref<10240x8xf32, #tpu.memory_space<vmem_shared>> -> memref<10240x8xf32, #tpu.memory_space<vmem_shared>>
        tpu.enqueue_indirect_dma source(%arg25 : memref<256x8xf32, #tpu.memory_space<vmem>>) target(%dma_start3A_154 : memref<10240x8xf32, #tpu.memory_space<vmem_shared>>) offsets(%arg17 : memref<256xi32, #tpu.memory_space<vmem>>) semaphore(%arg30 : memref<!tpu.dma_semaphore, #tpu.memory_space<semaphore_mem>>) {add = true}
        %mul3A_155 = arith.constant 4 : i32
        %mul3A_156 = arith.muli %scan3A_105, %mul3A_155 : i32
        %add3A_157 = arith.constant 1 : i32
        %add3A_158 = arith.addi %mul3A_156, %add3A_157 : i32
        %gt3A_159 = arith.constant 0 : i32
        %gt3A_160 = arith.cmpi sgt, %scan3A_105, %gt3A_159 : i32
        %convert_element_type3A_161 = arith.extui %gt3A_160 : i1 to i32
        %cond3A_162 = arith.constant 0 : i32
        %cond3A_163 = arith.cmpi ne, %convert_element_type3A_161, %cond3A_162 : i32
        scf.if %cond3A_163 {
          %dma_wait3A_278 = arith.constant 0 : i32
          %dma_wait3A_279 = arith.constant 0 : i32
          %dma_wait3A_280 = tpu.memref_slice %arg15[%dma_wait3A_278, %dma_wait3A_279] : memref<10240x64xf32, #tpu.memory_space<vmem_shared>> -> memref<10240x64xf32, #tpu.memory_space<vmem_shared>>
          tpu.wait_indirect_dma semaphore(%arg49 : memref<!tpu.dma_semaphore, #tpu.memory_space<semaphore_mem>>) src(%arg29 : memref<256x64xf32, #tpu.memory_space<vmem>>) dst(%dma_wait3A_280 : memref<10240x64xf32, #tpu.memory_space<vmem_shared>>)
          %dma_wait3A_281 = arith.constant 0 : i32
          %dma_wait3A_282 = arith.constant 0 : i32
          %dma_wait3A_283 = tpu.memref_slice %arg16[%dma_wait3A_281, %dma_wait3A_282] : memref<10240x8xf32, #tpu.memory_space<vmem_shared>> -> memref<10240x8xf32, #tpu.memory_space<vmem_shared>>
          tpu.wait_indirect_dma semaphore(%arg33 : memref<!tpu.dma_semaphore, #tpu.memory_space<semaphore_mem>>) src(%arg25 : memref<256x8xf32, #tpu.memory_space<vmem>>) dst(%dma_wait3A_283 : memref<10240x8xf32, #tpu.memory_space<vmem_shared>>)
        } else {
        }
        %add3A_164 = arith.constant 2 : i32
        %add3A_165 = arith.addi %add3A_158, %add3A_164 : i32
        %add3A_166 = arith.addi %mul3A_20, %add3A_165 : i32
        %dma_start3A_167 = arith.constant 0 : i32
        %dma_start3A_168 = tpu.memref_slice %arg7[%add3A_166, %dma_start3A_167] : memref<1280x256xi32, #tpu.memory_space<hbm>> -> memref<1x256xi32, #tpu.memory_space<hbm>>
        %dma_start3A_169 = tpu.memref_squeeze %dma_start3A_168 : memref<1x256xi32, #tpu.memory_space<hbm>> -> memref<256xi32, #tpu.memory_space<hbm>>
        %dma_start3A_170 = arith.constant 0 : i32
        %dma_start3A_171 = tpu.memref_slice %arg7[%add3A_166, %dma_start3A_170] : memref<1280x256xi32, #tpu.memory_space<hbm>> -> memref<1x256xi32, #tpu.memory_space<hbm>>
        %dma_start3A_172 = tpu.memref_squeeze %dma_start3A_171 : memref<1x256xi32, #tpu.memory_space<hbm>> -> memref<256xi32, #tpu.memory_space<hbm>>
        tpu.enqueue_dma source(%dma_start3A_172 : memref<256xi32, #tpu.memory_space<hbm>>) target(%arg20 : memref<256xi32, #tpu.memory_space<vmem>>) target_semaphore(%arg41 : memref<!tpu.dma_semaphore, #tpu.memory_space<semaphore_mem>>)
        %add3A_173 = arith.constant 2 : i32
        %add3A_174 = arith.addi %add3A_158, %add3A_173 : i32
        %add3A_175 = arith.addi %mul3A_20, %add3A_174 : i32
        %dma_wait3A_176 = arith.constant 0 : i32
        %dma_wait3A_177 = tpu.memref_slice %arg6[%add3A_175, %dma_wait3A_176] : memref<1280x256xi32, #tpu.memory_space<hbm>> -> memref<1x256xi32, #tpu.memory_space<hbm>>
        %dma_wait3A_178 = tpu.memref_squeeze %dma_wait3A_177 : memref<1x256xi32, #tpu.memory_space<hbm>> -> memref<256xi32, #tpu.memory_space<hbm>>
        %dma_wait3A_179 = arith.constant 0 : i32
        %dma_wait3A_180 = tpu.memref_slice %arg6[%add3A_175, %dma_wait3A_179] : memref<1280x256xi32, #tpu.memory_space<hbm>> -> memref<1x256xi32, #tpu.memory_space<hbm>>
        %dma_wait3A_181 = tpu.memref_squeeze %dma_wait3A_180 : memref<1x256xi32, #tpu.memory_space<hbm>> -> memref<256xi32, #tpu.memory_space<hbm>>
        tpu.wait_dma2 semaphore(%arg45 : memref<!tpu.dma_semaphore, #tpu.memory_space<semaphore_mem>>) src(%dma_wait3A_181 : memref<256xi32, #tpu.memory_space<hbm>>) dst(%arg24 : memref<256xi32, #tpu.memory_space<vmem>>)
        %dma_start3A_182 = arith.constant 0 : i32
        %dma_start3A_183 = arith.constant 0 : i32
        %dma_start3A_184 = tpu.memref_slice %arg3[%dma_start3A_182, %dma_start3A_183] : memref<10000x64xf32, #tpu.memory_space<hbm>> -> memref<10000x64xf32, #tpu.memory_space<hbm>>
        tpu.enqueue_indirect_dma source(%dma_start3A_184 : memref<10000x64xf32, #tpu.memory_space<hbm>>) target(%arg29 : memref<256x64xf32, #tpu.memory_space<vmem>>) offsets(%arg24 : memref<256xi32, #tpu.memory_space<vmem>>) semaphore(%arg37 : memref<!tpu.dma_semaphore, #tpu.memory_space<semaphore_mem>>)
        %dma_wait3A_185 = arith.constant 0 : i32
        %dma_wait3A_186 = arith.constant 0 : i32
        %dma_wait3A_187 = tpu.memref_slice %arg3[%dma_wait3A_185, %dma_wait3A_186] : memref<10000x64xf32, #tpu.memory_space<hbm>> -> memref<10000x64xf32, #tpu.memory_space<hbm>>
        tpu.wait_indirect_dma semaphore(%arg35 : memref<!tpu.dma_semaphore, #tpu.memory_space<semaphore_mem>>) src(%dma_wait3A_187 : memref<10000x64xf32, #tpu.memory_space<hbm>>) dst(%arg27 : memref<256x64xf32, #tpu.memory_space<vmem>>)
        %lt3A_188 = arith.constant 19 : i32
        %lt3A_189 = arith.cmpi slt, %scan3A_105, %lt3A_188 : i32
        %convert_element_type3A_190 = arith.extui %lt3A_189 : i1 to i32
        %cond3A_191 = arith.constant 0 : i32
        %cond3A_192 = arith.cmpi ne, %convert_element_type3A_190, %cond3A_191 : i32
        scf.if %cond3A_192 {
          %add3A_278 = arith.constant 4 : i32
          %add3A_279 = arith.addi %add3A_158, %add3A_278 : i32
          %add3A_280 = arith.addi %mul3A_20, %add3A_279 : i32
          %dma_start3A_281 = arith.constant 0 : i32
          %dma_start3A_282 = tpu.memref_slice %arg6[%add3A_280, %dma_start3A_281] : memref<1280x256xi32, #tpu.memory_space<hbm>> -> memref<1x256xi32, #tpu.memory_space<hbm>>
          %dma_start3A_283 = tpu.memref_squeeze %dma_start3A_282 : memref<1x256xi32, #tpu.memory_space<hbm>> -> memref<256xi32, #tpu.memory_space<hbm>>
          %dma_start3A_284 = arith.constant 0 : i32
          %dma_start3A_285 = tpu.memref_slice %arg6[%add3A_280, %dma_start3A_284] : memref<1280x256xi32, #tpu.memory_space<hbm>> -> memref<1x256xi32, #tpu.memory_space<hbm>>
          %dma_start3A_286 = tpu.memref_squeeze %dma_start3A_285 : memref<1x256xi32, #tpu.memory_space<hbm>> -> memref<256xi32, #tpu.memory_space<hbm>>
          tpu.enqueue_dma source(%dma_start3A_286 : memref<256xi32, #tpu.memory_space<hbm>>) target(%arg22 : memref<256xi32, #tpu.memory_space<vmem>>) target_semaphore(%arg43 : memref<!tpu.dma_semaphore, #tpu.memory_space<semaphore_mem>>)
        } else {
        }
        %add3A_193 = arith.addi %mul3A_20, %add3A_158 : i32
        %dma_wait3A_194 = arith.constant 0 : i32
        %dma_wait3A_195 = tpu.memref_slice %arg7[%add3A_193, %dma_wait3A_194] : memref<1280x256xi32, #tpu.memory_space<hbm>> -> memref<1x256xi32, #tpu.memory_space<hbm>>
        %dma_wait3A_196 = tpu.memref_squeeze %dma_wait3A_195 : memref<1x256xi32, #tpu.memory_space<hbm>> -> memref<256xi32, #tpu.memory_space<hbm>>
        %dma_wait3A_197 = arith.constant 0 : i32
        %dma_wait3A_198 = tpu.memref_slice %arg7[%add3A_193, %dma_wait3A_197] : memref<1280x256xi32, #tpu.memory_space<hbm>> -> memref<1x256xi32, #tpu.memory_space<hbm>>
        %dma_wait3A_199 = tpu.memref_squeeze %dma_wait3A_198 : memref<1x256xi32, #tpu.memory_space<hbm>> -> memref<256xi32, #tpu.memory_space<hbm>>
        tpu.wait_dma2 semaphore(%arg39 : memref<!tpu.dma_semaphore, #tpu.memory_space<semaphore_mem>>) src(%dma_wait3A_199 : memref<256xi32, #tpu.memory_space<hbm>>) dst(%arg18 : memref<256xi32, #tpu.memory_space<vmem>>)
        %dma_start3A_200 = arith.constant 0 : i32
        %dma_start3A_201 = arith.constant 0 : i32
        %dma_start3A_202 = tpu.memref_slice %arg15[%dma_start3A_200, %dma_start3A_201] : memref<10240x64xf32, #tpu.memory_space<vmem_shared>> -> memref<10240x64xf32, #tpu.memory_space<vmem_shared>>
        tpu.enqueue_indirect_dma source(%arg27 : memref<256x64xf32, #tpu.memory_space<vmem>>) target(%dma_start3A_202 : memref<10240x64xf32, #tpu.memory_space<vmem_shared>>) offsets(%arg18 : memref<256xi32, #tpu.memory_space<vmem>>) semaphore(%arg47 : memref<!tpu.dma_semaphore, #tpu.memory_space<semaphore_mem>>) {add = true}
        %dma_start3A_203 = arith.constant 0 : i32
        %dma_start3A_204 = arith.constant 0 : i32
        %dma_start3A_205 = tpu.memref_slice %arg16[%dma_start3A_203, %dma_start3A_204] : memref<10240x8xf32, #tpu.memory_space<vmem_shared>> -> memref<10240x8xf32, #tpu.memory_space<vmem_shared>>
        tpu.enqueue_indirect_dma source(%arg25 : memref<256x8xf32, #tpu.memory_space<vmem>>) target(%dma_start3A_205 : memref<10240x8xf32, #tpu.memory_space<vmem_shared>>) offsets(%arg18 : memref<256xi32, #tpu.memory_space<vmem>>) semaphore(%arg31 : memref<!tpu.dma_semaphore, #tpu.memory_space<semaphore_mem>>) {add = true}
        %mul3A_206 = arith.constant 4 : i32
        %mul3A_207 = arith.muli %scan3A_105, %mul3A_206 : i32
        %add3A_208 = arith.constant 2 : i32
        %add3A_209 = arith.addi %mul3A_207, %add3A_208 : i32
        %dma_wait3A_210 = arith.constant 0 : i32
        %dma_wait3A_211 = arith.constant 0 : i32
        %dma_wait3A_212 = tpu.memref_slice %arg15[%dma_wait3A_210, %dma_wait3A_211] : memref<10240x64xf32, #tpu.memory_space<vmem_shared>> -> memref<10240x64xf32, #tpu.memory_space<vmem_shared>>
        tpu.wait_indirect_dma semaphore(%arg46 : memref<!tpu.dma_semaphore, #tpu.memory_space<semaphore_mem>>) src(%arg26 : memref<256x64xf32, #tpu.memory_space<vmem>>) dst(%dma_wait3A_212 : memref<10240x64xf32, #tpu.memory_space<vmem_shared>>)
        %dma_wait3A_213 = arith.constant 0 : i32
        %dma_wait3A_214 = arith.constant 0 : i32
        %dma_wait3A_215 = tpu.memref_slice %arg16[%dma_wait3A_213, %dma_wait3A_214] : memref<10240x8xf32, #tpu.memory_space<vmem_shared>> -> memref<10240x8xf32, #tpu.memory_space<vmem_shared>>
        tpu.wait_indirect_dma semaphore(%arg30 : memref<!tpu.dma_semaphore, #tpu.memory_space<semaphore_mem>>) src(%arg25 : memref<256x8xf32, #tpu.memory_space<vmem>>) dst(%dma_wait3A_215 : memref<10240x8xf32, #tpu.memory_space<vmem_shared>>)
        %lt3A_216 = arith.constant 19 : i32
        %lt3A_217 = arith.cmpi slt, %scan3A_105, %lt3A_216 : i32
        %convert_element_type3A_218 = arith.extui %lt3A_217 : i1 to i32
        %cond3A_219 = arith.constant 0 : i32
        %cond3A_220 = arith.cmpi ne, %convert_element_type3A_218, %cond3A_219 : i32
        scf.if %cond3A_220 {
          %add3A_278 = arith.constant 2 : i32
          %add3A_279 = arith.addi %add3A_209, %add3A_278 : i32
          %add3A_280 = arith.addi %mul3A_20, %add3A_279 : i32
          %dma_start3A_281 = arith.constant 0 : i32
          %dma_start3A_282 = tpu.memref_slice %arg7[%add3A_280, %dma_start3A_281] : memref<1280x256xi32, #tpu.memory_space<hbm>> -> memref<1x256xi32, #tpu.memory_space<hbm>>
          %dma_start3A_283 = tpu.memref_squeeze %dma_start3A_282 : memref<1x256xi32, #tpu.memory_space<hbm>> -> memref<256xi32, #tpu.memory_space<hbm>>
          %dma_start3A_284 = arith.constant 0 : i32
          %dma_start3A_285 = tpu.memref_slice %arg7[%add3A_280, %dma_start3A_284] : memref<1280x256xi32, #tpu.memory_space<hbm>> -> memref<1x256xi32, #tpu.memory_space<hbm>>
          %dma_start3A_286 = tpu.memref_squeeze %dma_start3A_285 : memref<1x256xi32, #tpu.memory_space<hbm>> -> memref<256xi32, #tpu.memory_space<hbm>>
          tpu.enqueue_dma source(%dma_start3A_286 : memref<256xi32, #tpu.memory_space<hbm>>) target(%arg17 : memref<256xi32, #tpu.memory_space<vmem>>) target_semaphore(%arg38 : memref<!tpu.dma_semaphore, #tpu.memory_space<semaphore_mem>>)
          %add3A_287 = arith.constant 2 : i32
          %add3A_288 = arith.addi %add3A_209, %add3A_287 : i32
          %add3A_289 = arith.addi %mul3A_20, %add3A_288 : i32
          %dma_wait3A_290 = arith.constant 0 : i32
          %dma_wait3A_291 = tpu.memref_slice %arg6[%add3A_289, %dma_wait3A_290] : memref<1280x256xi32, #tpu.memory_space<hbm>> -> memref<1x256xi32, #tpu.memory_space<hbm>>
          %dma_wait3A_292 = tpu.memref_squeeze %dma_wait3A_291 : memref<1x256xi32, #tpu.memory_space<hbm>> -> memref<256xi32, #tpu.memory_space<hbm>>
          %dma_wait3A_293 = arith.constant 0 : i32
          %dma_wait3A_294 = tpu.memref_slice %arg6[%add3A_289, %dma_wait3A_293] : memref<1280x256xi32, #tpu.memory_space<hbm>> -> memref<1x256xi32, #tpu.memory_space<hbm>>
          %dma_wait3A_295 = tpu.memref_squeeze %dma_wait3A_294 : memref<1x256xi32, #tpu.memory_space<hbm>> -> memref<256xi32, #tpu.memory_space<hbm>>
          tpu.wait_dma2 semaphore(%arg42 : memref<!tpu.dma_semaphore, #tpu.memory_space<semaphore_mem>>) src(%dma_wait3A_295 : memref<256xi32, #tpu.memory_space<hbm>>) dst(%arg21 : memref<256xi32, #tpu.memory_space<vmem>>)
          %dma_start3A_296 = arith.constant 0 : i32
          %dma_start3A_297 = arith.constant 0 : i32
          %dma_start3A_298 = tpu.memref_slice %arg3[%dma_start3A_296, %dma_start3A_297] : memref<10000x64xf32, #tpu.memory_space<hbm>> -> memref<10000x64xf32, #tpu.memory_space<hbm>>
          tpu.enqueue_indirect_dma source(%dma_start3A_298 : memref<10000x64xf32, #tpu.memory_space<hbm>>) target(%arg26 : memref<256x64xf32, #tpu.memory_space<vmem>>) offsets(%arg21 : memref<256xi32, #tpu.memory_space<vmem>>) semaphore(%arg34 : memref<!tpu.dma_semaphore, #tpu.memory_space<semaphore_mem>>)
        } else {
        }
        %dma_wait3A_221 = arith.constant 0 : i32
        %dma_wait3A_222 = arith.constant 0 : i32
        %dma_wait3A_223 = tpu.memref_slice %arg3[%dma_wait3A_221, %dma_wait3A_222] : memref<10000x64xf32, #tpu.memory_space<hbm>> -> memref<10000x64xf32, #tpu.memory_space<hbm>>
        tpu.wait_indirect_dma semaphore(%arg36 : memref<!tpu.dma_semaphore, #tpu.memory_space<semaphore_mem>>) src(%dma_wait3A_223 : memref<10000x64xf32, #tpu.memory_space<hbm>>) dst(%arg28 : memref<256x64xf32, #tpu.memory_space<vmem>>)
        %lt3A_224 = arith.constant 19 : i32
        %lt3A_225 = arith.cmpi slt, %scan3A_105, %lt3A_224 : i32
        %convert_element_type3A_226 = arith.extui %lt3A_225 : i1 to i32
        %cond3A_227 = arith.constant 0 : i32
        %cond3A_228 = arith.cmpi ne, %convert_element_type3A_226, %cond3A_227 : i32
        scf.if %cond3A_228 {
          %add3A_278 = arith.constant 4 : i32
          %add3A_279 = arith.addi %add3A_209, %add3A_278 : i32
          %add3A_280 = arith.addi %mul3A_20, %add3A_279 : i32
          %dma_start3A_281 = arith.constant 0 : i32
          %dma_start3A_282 = tpu.memref_slice %arg6[%add3A_280, %dma_start3A_281] : memref<1280x256xi32, #tpu.memory_space<hbm>> -> memref<1x256xi32, #tpu.memory_space<hbm>>
          %dma_start3A_283 = tpu.memref_squeeze %dma_start3A_282 : memref<1x256xi32, #tpu.memory_space<hbm>> -> memref<256xi32, #tpu.memory_space<hbm>>
          %dma_start3A_284 = arith.constant 0 : i32
          %dma_start3A_285 = tpu.memref_slice %arg6[%add3A_280, %dma_start3A_284] : memref<1280x256xi32, #tpu.memory_space<hbm>> -> memref<1x256xi32, #tpu.memory_space<hbm>>
          %dma_start3A_286 = tpu.memref_squeeze %dma_start3A_285 : memref<1x256xi32, #tpu.memory_space<hbm>> -> memref<256xi32, #tpu.memory_space<hbm>>
          tpu.enqueue_dma source(%dma_start3A_286 : memref<256xi32, #tpu.memory_space<hbm>>) target(%arg23 : memref<256xi32, #tpu.memory_space<vmem>>) target_semaphore(%arg44 : memref<!tpu.dma_semaphore, #tpu.memory_space<semaphore_mem>>)
        } else {
        }
        %add3A_229 = arith.addi %mul3A_20, %add3A_209 : i32
        %dma_wait3A_230 = arith.constant 0 : i32
        %dma_wait3A_231 = tpu.memref_slice %arg7[%add3A_229, %dma_wait3A_230] : memref<1280x256xi32, #tpu.memory_space<hbm>> -> memref<1x256xi32, #tpu.memory_space<hbm>>
        %dma_wait3A_232 = tpu.memref_squeeze %dma_wait3A_231 : memref<1x256xi32, #tpu.memory_space<hbm>> -> memref<256xi32, #tpu.memory_space<hbm>>
        %dma_wait3A_233 = arith.constant 0 : i32
        %dma_wait3A_234 = tpu.memref_slice %arg7[%add3A_229, %dma_wait3A_233] : memref<1280x256xi32, #tpu.memory_space<hbm>> -> memref<1x256xi32, #tpu.memory_space<hbm>>
        %dma_wait3A_235 = tpu.memref_squeeze %dma_wait3A_234 : memref<1x256xi32, #tpu.memory_space<hbm>> -> memref<256xi32, #tpu.memory_space<hbm>>
        tpu.wait_dma2 semaphore(%arg40 : memref<!tpu.dma_semaphore, #tpu.memory_space<semaphore_mem>>) src(%dma_wait3A_235 : memref<256xi32, #tpu.memory_space<hbm>>) dst(%arg19 : memref<256xi32, #tpu.memory_space<vmem>>)
        %dma_start3A_236 = arith.constant 0 : i32
        %dma_start3A_237 = arith.constant 0 : i32
        %dma_start3A_238 = tpu.memref_slice %arg15[%dma_start3A_236, %dma_start3A_237] : memref<10240x64xf32, #tpu.memory_space<vmem_shared>> -> memref<10240x64xf32, #tpu.memory_space<vmem_shared>>
        tpu.enqueue_indirect_dma source(%arg28 : memref<256x64xf32, #tpu.memory_space<vmem>>) target(%dma_start3A_238 : memref<10240x64xf32, #tpu.memory_space<vmem_shared>>) offsets(%arg19 : memref<256xi32, #tpu.memory_space<vmem>>) semaphore(%arg48 : memref<!tpu.dma_semaphore, #tpu.memory_space<semaphore_mem>>) {add = true}
        %dma_start3A_239 = arith.constant 0 : i32
        %dma_start3A_240 = arith.constant 0 : i32
        %dma_start3A_241 = tpu.memref_slice %arg16[%dma_start3A_239, %dma_start3A_240] : memref<10240x8xf32, #tpu.memory_space<vmem_shared>> -> memref<10240x8xf32, #tpu.memory_space<vmem_shared>>
        tpu.enqueue_indirect_dma source(%arg25 : memref<256x8xf32, #tpu.memory_space<vmem>>) target(%dma_start3A_241 : memref<10240x8xf32, #tpu.memory_space<vmem_shared>>) offsets(%arg19 : memref<256xi32, #tpu.memory_space<vmem>>) semaphore(%arg32 : memref<!tpu.dma_semaphore, #tpu.memory_space<semaphore_mem>>) {add = true}
        %mul3A_242 = arith.constant 4 : i32
        %mul3A_243 = arith.muli %scan3A_105, %mul3A_242 : i32
        %add3A_244 = arith.constant 3 : i32
        %add3A_245 = arith.addi %mul3A_243, %add3A_244 : i32
        %dma_wait3A_246 = arith.constant 0 : i32
        %dma_wait3A_247 = arith.constant 0 : i32
        %dma_wait3A_248 = tpu.memref_slice %arg15[%dma_wait3A_246, %dma_wait3A_247] : memref<10240x64xf32, #tpu.memory_space<vmem_shared>> -> memref<10240x64xf32, #tpu.memory_space<vmem_shared>>
        tpu.wait_indirect_dma semaphore(%arg47 : memref<!tpu.dma_semaphore, #tpu.memory_space<semaphore_mem>>) src(%arg27 : memref<256x64xf32, #tpu.memory_space<vmem>>) dst(%dma_wait3A_248 : memref<10240x64xf32, #tpu.memory_space<vmem_shared>>)
        %dma_wait3A_249 = arith.constant 0 : i32
        %dma_wait3A_250 = arith.constant 0 : i32
        %dma_wait3A_251 = tpu.memref_slice %arg16[%dma_wait3A_249, %dma_wait3A_250] : memref<10240x8xf32, #tpu.memory_space<vmem_shared>> -> memref<10240x8xf32, #tpu.memory_space<vmem_shared>>
        tpu.wait_indirect_dma semaphore(%arg31 : memref<!tpu.dma_semaphore, #tpu.memory_space<semaphore_mem>>) src(%arg25 : memref<256x8xf32, #tpu.memory_space<vmem>>) dst(%dma_wait3A_251 : memref<10240x8xf32, #tpu.memory_space<vmem_shared>>)
        %lt3A_252 = arith.constant 19 : i32
        %lt3A_253 = arith.cmpi slt, %scan3A_105, %lt3A_252 : i32
        %convert_element_type3A_254 = arith.extui %lt3A_253 : i1 to i32
        %cond3A_255 = arith.constant 0 : i32
        %cond3A_256 = arith.cmpi ne, %convert_element_type3A_254, %cond3A_255 : i32
        scf.if %cond3A_256 {
          %add3A_278 = arith.constant 2 : i32
          %add3A_279 = arith.addi %add3A_245, %add3A_278 : i32
          %add3A_280 = arith.addi %mul3A_20, %add3A_279 : i32
          %dma_start3A_281 = arith.constant 0 : i32
          %dma_start3A_282 = tpu.memref_slice %arg7[%add3A_280, %dma_start3A_281] : memref<1280x256xi32, #tpu.memory_space<hbm>> -> memref<1x256xi32, #tpu.memory_space<hbm>>
          %dma_start3A_283 = tpu.memref_squeeze %dma_start3A_282 : memref<1x256xi32, #tpu.memory_space<hbm>> -> memref<256xi32, #tpu.memory_space<hbm>>
          %dma_start3A_284 = arith.constant 0 : i32
          %dma_start3A_285 = tpu.memref_slice %arg7[%add3A_280, %dma_start3A_284] : memref<1280x256xi32, #tpu.memory_space<hbm>> -> memref<1x256xi32, #tpu.memory_space<hbm>>
          %dma_start3A_286 = tpu.memref_squeeze %dma_start3A_285 : memref<1x256xi32, #tpu.memory_space<hbm>> -> memref<256xi32, #tpu.memory_space<hbm>>
          tpu.enqueue_dma source(%dma_start3A_286 : memref<256xi32, #tpu.memory_space<hbm>>) target(%arg18 : memref<256xi32, #tpu.memory_space<vmem>>) target_semaphore(%arg39 : memref<!tpu.dma_semaphore, #tpu.memory_space<semaphore_mem>>)
          %add3A_287 = arith.constant 2 : i32
          %add3A_288 = arith.addi %add3A_245, %add3A_287 : i32
          %add3A_289 = arith.addi %mul3A_20, %add3A_288 : i32
          %dma_wait3A_290 = arith.constant 0 : i32
          %dma_wait3A_291 = tpu.memref_slice %arg6[%add3A_289, %dma_wait3A_290] : memref<1280x256xi32, #tpu.memory_space<hbm>> -> memref<1x256xi32, #tpu.memory_space<hbm>>
          %dma_wait3A_292 = tpu.memref_squeeze %dma_wait3A_291 : memref<1x256xi32, #tpu.memory_space<hbm>> -> memref<256xi32, #tpu.memory_space<hbm>>
          %dma_wait3A_293 = arith.constant 0 : i32
          %dma_wait3A_294 = tpu.memref_slice %arg6[%add3A_289, %dma_wait3A_293] : memref<1280x256xi32, #tpu.memory_space<hbm>> -> memref<1x256xi32, #tpu.memory_space<hbm>>
          %dma_wait3A_295 = tpu.memref_squeeze %dma_wait3A_294 : memref<1x256xi32, #tpu.memory_space<hbm>> -> memref<256xi32, #tpu.memory_space<hbm>>
          tpu.wait_dma2 semaphore(%arg43 : memref<!tpu.dma_semaphore, #tpu.memory_space<semaphore_mem>>) src(%dma_wait3A_295 : memref<256xi32, #tpu.memory_space<hbm>>) dst(%arg22 : memref<256xi32, #tpu.memory_space<vmem>>)
          %dma_start3A_296 = arith.constant 0 : i32
          %dma_start3A_297 = arith.constant 0 : i32
          %dma_start3A_298 = tpu.memref_slice %arg3[%dma_start3A_296, %dma_start3A_297] : memref<10000x64xf32, #tpu.memory_space<hbm>> -> memref<10000x64xf32, #tpu.memory_space<hbm>>
          tpu.enqueue_indirect_dma source(%dma_start3A_298 : memref<10000x64xf32, #tpu.memory_space<hbm>>) target(%arg27 : memref<256x64xf32, #tpu.memory_space<vmem>>) offsets(%arg22 : memref<256xi32, #tpu.memory_space<vmem>>) semaphore(%arg35 : memref<!tpu.dma_semaphore, #tpu.memory_space<semaphore_mem>>)
        } else {
        }
        %dma_wait3A_257 = arith.constant 0 : i32
        %dma_wait3A_258 = arith.constant 0 : i32
        %dma_wait3A_259 = tpu.memref_slice %arg3[%dma_wait3A_257, %dma_wait3A_258] : memref<10000x64xf32, #tpu.memory_space<hbm>> -> memref<10000x64xf32, #tpu.memory_space<hbm>>
        tpu.wait_indirect_dma semaphore(%arg37 : memref<!tpu.dma_semaphore, #tpu.memory_space<semaphore_mem>>) src(%dma_wait3A_259 : memref<10000x64xf32, #tpu.memory_space<hbm>>) dst(%arg29 : memref<256x64xf32, #tpu.memory_space<vmem>>)
        %lt3A_260 = arith.constant 19 : i32
        %lt3A_261 = arith.cmpi slt, %scan3A_105, %lt3A_260 : i32
        %convert_element_type3A_262 = arith.extui %lt3A_261 : i1 to i32
        %cond3A_263 = arith.constant 0 : i32
        %cond3A_264 = arith.cmpi ne, %convert_element_type3A_262, %cond3A_263 : i32
        scf.if %cond3A_264 {
          %add3A_278 = arith.constant 4 : i32
          %add3A_279 = arith.addi %add3A_245, %add3A_278 : i32
          %add3A_280 = arith.addi %mul3A_20, %add3A_279 : i32
          %dma_start3A_281 = arith.constant 0 : i32
          %dma_start3A_282 = tpu.memref_slice %arg6[%add3A_280, %dma_start3A_281] : memref<1280x256xi32, #tpu.memory_space<hbm>> -> memref<1x256xi32, #tpu.memory_space<hbm>>
          %dma_start3A_283 = tpu.memref_squeeze %dma_start3A_282 : memref<1x256xi32, #tpu.memory_space<hbm>> -> memref<256xi32, #tpu.memory_space<hbm>>
          %dma_start3A_284 = arith.constant 0 : i32
          %dma_start3A_285 = tpu.memref_slice %arg6[%add3A_280, %dma_start3A_284] : memref<1280x256xi32, #tpu.memory_space<hbm>> -> memref<1x256xi32, #tpu.memory_space<hbm>>
          %dma_start3A_286 = tpu.memref_squeeze %dma_start3A_285 : memref<1x256xi32, #tpu.memory_space<hbm>> -> memref<256xi32, #tpu.memory_space<hbm>>
          tpu.enqueue_dma source(%dma_start3A_286 : memref<256xi32, #tpu.memory_space<hbm>>) target(%arg24 : memref<256xi32, #tpu.memory_space<vmem>>) target_semaphore(%arg45 : memref<!tpu.dma_semaphore, #tpu.memory_space<semaphore_mem>>)
        } else {
        }
        %add3A_265 = arith.addi %mul3A_20, %add3A_245 : i32
        %dma_wait3A_266 = arith.constant 0 : i32
        %dma_wait3A_267 = tpu.memref_slice %arg7[%add3A_265, %dma_wait3A_266] : memref<1280x256xi32, #tpu.memory_space<hbm>> -> memref<1x256xi32, #tpu.memory_space<hbm>>
        %dma_wait3A_268 = tpu.memref_squeeze %dma_wait3A_267 : memref<1x256xi32, #tpu.memory_space<hbm>> -> memref<256xi32, #tpu.memory_space<hbm>>
        %dma_wait3A_269 = arith.constant 0 : i32
        %dma_wait3A_270 = tpu.memref_slice %arg7[%add3A_265, %dma_wait3A_269] : memref<1280x256xi32, #tpu.memory_space<hbm>> -> memref<1x256xi32, #tpu.memory_space<hbm>>
        %dma_wait3A_271 = tpu.memref_squeeze %dma_wait3A_270 : memref<1x256xi32, #tpu.memory_space<hbm>> -> memref<256xi32, #tpu.memory_space<hbm>>
        tpu.wait_dma2 semaphore(%arg41 : memref<!tpu.dma_semaphore, #tpu.memory_space<semaphore_mem>>) src(%dma_wait3A_271 : memref<256xi32, #tpu.memory_space<hbm>>) dst(%arg20 : memref<256xi32, #tpu.memory_space<vmem>>)
        %dma_start3A_272 = arith.constant 0 : i32
        %dma_start3A_273 = arith.constant 0 : i32
        %dma_start3A_274 = tpu.memref_slice %arg15[%dma_start3A_272, %dma_start3A_273] : memref<10240x64xf32, #tpu.memory_space<vmem_shared>> -> memref<10240x64xf32, #tpu.memory_space<vmem_shared>>
        tpu.enqueue_indirect_dma source(%arg29 : memref<256x64xf32, #tpu.memory_space<vmem>>) target(%dma_start3A_274 : memref<10240x64xf32, #tpu.memory_space<vmem_shared>>) offsets(%arg20 : memref<256xi32, #tpu.memory_space<vmem>>) semaphore(%arg49 : memref<!tpu.dma_semaphore, #tpu.memory_space<semaphore_mem>>) {add = true}
        %dma_start3A_275 = arith.constant 0 : i32
        %dma_start3A_276 = arith.constant 0 : i32
        %dma_start3A_277 = tpu.memref_slice %arg16[%dma_start3A_275, %dma_start3A_276] : memref<10240x8xf32, #tpu.memory_space<vmem_shared>> -> memref<10240x8xf32, #tpu.memory_space<vmem_shared>>
        tpu.enqueue_indirect_dma source(%arg25 : memref<256x8xf32, #tpu.memory_space<vmem>>) target(%dma_start3A_277 : memref<10240x8xf32, #tpu.memory_space<vmem_shared>>) offsets(%arg20 : memref<256xi32, #tpu.memory_space<vmem>>) semaphore(%arg33 : memref<!tpu.dma_semaphore, #tpu.memory_space<semaphore_mem>>) {add = true}
      }
      %scan3A_92 = arith.constant 20 : i32
      %dma_wait3A_93 = arith.constant 0 : i32
      %dma_wait3A_94 = arith.constant 0 : i32
      %dma_wait3A_95 = tpu.memref_slice %arg15[%dma_wait3A_93, %dma_wait3A_94] : memref<10240x64xf32, #tpu.memory_space<vmem_shared>> -> memref<10240x64xf32, #tpu.memory_space<vmem_shared>>
      tpu.wait_indirect_dma semaphore(%arg48 : memref<!tpu.dma_semaphore, #tpu.memory_space<semaphore_mem>>) src(%arg28 : memref<256x64xf32, #tpu.memory_space<vmem>>) dst(%dma_wait3A_95 : memref<10240x64xf32, #tpu.memory_space<vmem_shared>>)
      %dma_wait3A_96 = arith.constant 0 : i32
      %dma_wait3A_97 = arith.constant 0 : i32
      %dma_wait3A_98 = tpu.memref_slice %arg16[%dma_wait3A_96, %dma_wait3A_97] : memref<10240x8xf32, #tpu.memory_space<vmem_shared>> -> memref<10240x8xf32, #tpu.memory_space<vmem_shared>>
      tpu.wait_indirect_dma semaphore(%arg32 : memref<!tpu.dma_semaphore, #tpu.memory_space<semaphore_mem>>) src(%arg25 : memref<256x8xf32, #tpu.memory_space<vmem>>) dst(%dma_wait3A_98 : memref<10240x8xf32, #tpu.memory_space<vmem_shared>>)
      %dma_wait3A_99 = arith.constant 0 : i32
      %dma_wait3A_100 = arith.constant 0 : i32
      %dma_wait3A_101 = tpu.memref_slice %arg15[%dma_wait3A_99, %dma_wait3A_100] : memref<10240x64xf32, #tpu.memory_space<vmem_shared>> -> memref<10240x64xf32, #tpu.memory_space<vmem_shared>>
      tpu.wait_indirect_dma semaphore(%arg49 : memref<!tpu.dma_semaphore, #tpu.memory_space<semaphore_mem>>) src(%arg29 : memref<256x64xf32, #tpu.memory_space<vmem>>) dst(%dma_wait3A_101 : memref<10240x64xf32, #tpu.memory_space<vmem_shared>>)
      %dma_wait3A_102 = arith.constant 0 : i32
      %dma_wait3A_103 = arith.constant 0 : i32
      %dma_wait3A_104 = tpu.memref_slice %arg16[%dma_wait3A_102, %dma_wait3A_103] : memref<10240x8xf32, #tpu.memory_space<vmem_shared>> -> memref<10240x8xf32, #tpu.memory_space<vmem_shared>>
      tpu.wait_indirect_dma semaphore(%arg33 : memref<!tpu.dma_semaphore, #tpu.memory_space<semaphore_mem>>) src(%arg25 : memref<256x8xf32, #tpu.memory_space<vmem>>) dst(%dma_wait3A_104 : memref<10240x8xf32, #tpu.memory_space<vmem_shared>>)
    } else {
    }
    %barrier3A_8 = arith.constant 0 : index
    tpu.barrier barrier_id(%barrier3A_8)
    %eq3A_9 = arith.constant 0 : i32
    %eq3A_10 = arith.cmpi eq, %arg0, %eq3A_9 : i32
    %convert_element_type3A_11 = arith.extui %eq3A_10 : i1 to i32
    %cond3A_12 = arith.constant 0 : i32
    %cond3A_13 = arith.cmpi ne, %convert_element_type3A_11, %cond3A_12 : i32
    scf.if %cond3A_13 {
      "tpu.region"() ({
        %run_scoped3A = tpu.sem_alloc : memref<!tpu.dma_semaphore, #tpu.memory_space<semaphore_mem>>
        %dma_start3A = arith.constant 0 : i32
        %dma_start3A_19 = tpu.memref_slice %arg11[%mul3A_0, %dma_start3A] : memref<10240x64xf32, #tpu.memory_space<hbm>> -> memref<640x64xf32, #tpu.memory_space<hbm>>
        %dma_start3A_20 = arith.constant 0 : i32
        %dma_start3A_21 = tpu.memref_slice %arg15[%mul3A_0, %dma_start3A_20] : memref<10240x64xf32, #tpu.memory_space<vmem_shared>> -> memref<640x64xf32, #tpu.memory_space<vmem_shared>>
        tpu.enqueue_dma source(%dma_start3A_21 : memref<640x64xf32, #tpu.memory_space<vmem_shared>>) target(%dma_start3A_19 : memref<640x64xf32, #tpu.memory_space<hbm>>) target_semaphore(%run_scoped3A : memref<!tpu.dma_semaphore, #tpu.memory_space<semaphore_mem>>)
        %dma_wait3A = arith.constant 0 : i32
        %dma_wait3A_22 = tpu.memref_slice %arg11[%mul3A_0, %dma_wait3A] : memref<10240x64xf32, #tpu.memory_space<hbm>> -> memref<640x64xf32, #tpu.memory_space<hbm>>
        %dma_wait3A_23 = arith.constant 0 : i32
        %dma_wait3A_24 = tpu.memref_slice %arg15[%mul3A_0, %dma_wait3A_23] : memref<10240x64xf32, #tpu.memory_space<vmem_shared>> -> memref<640x64xf32, #tpu.memory_space<vmem_shared>>
        tpu.wait_dma2 semaphore(%run_scoped3A : memref<!tpu.dma_semaphore, #tpu.memory_space<semaphore_mem>>) src(%dma_wait3A_24 : memref<640x64xf32, #tpu.memory_space<vmem_shared>>) dst(%dma_wait3A_22 : memref<640x64xf32, #tpu.memory_space<hbm>>)
        tpu.yield
      }) : () -> ()
      "tpu.region"() ({
        %run_scoped3A = tpu.sem_alloc : memref<!tpu.dma_semaphore, #tpu.memory_space<semaphore_mem>>
        %dma_start3A = arith.constant 0 : i32
        %dma_start3A_19 = tpu.memref_slice %arg13[%mul3A_0, %dma_start3A] : memref<10240x8xf32, #tpu.memory_space<hbm>> -> memref<640x8xf32, #tpu.memory_space<hbm>>
        %dma_start3A_20 = arith.constant 0 : i32
        %dma_start3A_21 = tpu.memref_slice %arg16[%mul3A_0, %dma_start3A_20] : memref<10240x8xf32, #tpu.memory_space<vmem_shared>> -> memref<640x8xf32, #tpu.memory_space<vmem_shared>>
        tpu.enqueue_dma source(%dma_start3A_21 : memref<640x8xf32, #tpu.memory_space<vmem_shared>>) target(%dma_start3A_19 : memref<640x8xf32, #tpu.memory_space<hbm>>) target_semaphore(%run_scoped3A : memref<!tpu.dma_semaphore, #tpu.memory_space<semaphore_mem>>)
        %dma_wait3A = arith.constant 0 : i32
        %dma_wait3A_22 = tpu.memref_slice %arg13[%mul3A_0, %dma_wait3A] : memref<10240x8xf32, #tpu.memory_space<hbm>> -> memref<640x8xf32, #tpu.memory_space<hbm>>
        %dma_wait3A_23 = arith.constant 0 : i32
        %dma_wait3A_24 = tpu.memref_slice %arg16[%mul3A_0, %dma_wait3A_23] : memref<10240x8xf32, #tpu.memory_space<vmem_shared>> -> memref<640x8xf32, #tpu.memory_space<vmem_shared>>
        tpu.wait_dma2 semaphore(%run_scoped3A : memref<!tpu.dma_semaphore, #tpu.memory_space<semaphore_mem>>) src(%dma_wait3A_24 : memref<640x8xf32, #tpu.memory_space<vmem_shared>>) dst(%dma_wait3A_22 : memref<640x8xf32, #tpu.memory_space<hbm>>)
        tpu.yield
      }) : () -> ()
    } else {
    }
    %eq3A_14 = arith.constant 1 : i32
    %eq3A_15 = arith.cmpi eq, %arg0, %eq3A_14 : i32
    %convert_element_type3A_16 = arith.extui %eq3A_15 : i1 to i32
    %cond3A_17 = arith.constant 0 : i32
    %cond3A_18 = arith.cmpi ne, %convert_element_type3A_16, %cond3A_17 : i32
    scf.if %cond3A_18 {
      "tpu.region"() ({
        %run_scoped3A = tpu.sem_alloc : memref<!tpu.dma_semaphore, #tpu.memory_space<semaphore_mem>>
        %dma_start3A = arith.constant 0 : i32
        %dma_start3A_19 = tpu.memref_slice %arg12[%mul3A_0, %dma_start3A] : memref<10240x64xf32, #tpu.memory_space<hbm>> -> memref<640x64xf32, #tpu.memory_space<hbm>>
        %dma_start3A_20 = arith.constant 0 : i32
        %dma_start3A_21 = tpu.memref_slice %arg15[%mul3A_0, %dma_start3A_20] : memref<10240x64xf32, #tpu.memory_space<vmem_shared>> -> memref<640x64xf32, #tpu.memory_space<vmem_shared>>
        tpu.enqueue_dma source(%dma_start3A_21 : memref<640x64xf32, #tpu.memory_space<vmem_shared>>) target(%dma_start3A_19 : memref<640x64xf32, #tpu.memory_space<hbm>>) target_semaphore(%run_scoped3A : memref<!tpu.dma_semaphore, #tpu.memory_space<semaphore_mem>>)
        %dma_wait3A = arith.constant 0 : i32
        %dma_wait3A_22 = tpu.memref_slice %arg12[%mul3A_0, %dma_wait3A] : memref<10240x64xf32, #tpu.memory_space<hbm>> -> memref<640x64xf32, #tpu.memory_space<hbm>>
        %dma_wait3A_23 = arith.constant 0 : i32
        %dma_wait3A_24 = tpu.memref_slice %arg15[%mul3A_0, %dma_wait3A_23] : memref<10240x64xf32, #tpu.memory_space<vmem_shared>> -> memref<640x64xf32, #tpu.memory_space<vmem_shared>>
        tpu.wait_dma2 semaphore(%run_scoped3A : memref<!tpu.dma_semaphore, #tpu.memory_space<semaphore_mem>>) src(%dma_wait3A_24 : memref<640x64xf32, #tpu.memory_space<vmem_shared>>) dst(%dma_wait3A_22 : memref<640x64xf32, #tpu.memory_space<hbm>>)
        tpu.yield
      }) : () -> ()
      "tpu.region"() ({
        %run_scoped3A = tpu.sem_alloc : memref<!tpu.dma_semaphore, #tpu.memory_space<semaphore_mem>>
        %dma_start3A = arith.constant 0 : i32
        %dma_start3A_19 = tpu.memref_slice %arg14[%mul3A_0, %dma_start3A] : memref<10240x8xf32, #tpu.memory_space<hbm>> -> memref<640x8xf32, #tpu.memory_space<hbm>>
        %dma_start3A_20 = arith.constant 0 : i32
        %dma_start3A_21 = tpu.memref_slice %arg16[%mul3A_0, %dma_start3A_20] : memref<10240x8xf32, #tpu.memory_space<vmem_shared>> -> memref<640x8xf32, #tpu.memory_space<vmem_shared>>
        tpu.enqueue_dma source(%dma_start3A_21 : memref<640x8xf32, #tpu.memory_space<vmem_shared>>) target(%dma_start3A_19 : memref<640x8xf32, #tpu.memory_space<hbm>>) target_semaphore(%run_scoped3A : memref<!tpu.dma_semaphore, #tpu.memory_space<semaphore_mem>>)
        %dma_wait3A = arith.constant 0 : i32
        %dma_wait3A_22 = tpu.memref_slice %arg14[%mul3A_0, %dma_wait3A] : memref<10240x8xf32, #tpu.memory_space<hbm>> -> memref<640x8xf32, #tpu.memory_space<hbm>>
        %dma_wait3A_23 = arith.constant 0 : i32
        %dma_wait3A_24 = tpu.memref_slice %arg16[%mul3A_0, %dma_wait3A_23] : memref<10240x8xf32, #tpu.memory_space<vmem_shared>> -> memref<640x8xf32, #tpu.memory_space<vmem_shared>>
        tpu.wait_dma2 semaphore(%run_scoped3A : memref<!tpu.dma_semaphore, #tpu.memory_space<semaphore_mem>>) src(%dma_wait3A_24 : memref<640x8xf32, #tpu.memory_space<vmem_shared>>) dst(%dma_wait3A_22 : memref<640x8xf32, #tpu.memory_space<hbm>>)
        tpu.yield
      }) : () -> ()
    } else {
    }
    return
  }
}

#map = affine_map<(d0, d1) -> (0, 0)>
module attributes {stable_mosaic.version = 14 : i64} {
  func.func @seg_sum(%arg0: i32, %arg1: i32, %arg2: memref<10000x64xf32, #tpu.memory_space<hbm>>, %arg3: memref<10000x64xf32, #tpu.memory_space<hbm>>, %arg4: memref<1280x256xi32, #tpu.memory_space<hbm>>, %arg5: memref<1280x256xi32, #tpu.memory_space<hbm>>, %arg6: memref<1280x256xi32, #tpu.memory_space<hbm>>, %arg7: memref<1280x256xi32, #tpu.memory_space<hbm>>, %arg8: memref<640x64xf32, #tpu.memory_space<hbm>>, %arg9: memref<640x8xf32, #tpu.memory_space<hbm>>, %arg10: memref<256x8xf32, #tpu.memory_space<hbm>>, %arg11: memref<10240x64xf32, #tpu.memory_space<hbm>>, %arg12: memref<10240x64xf32, #tpu.memory_space<hbm>>, %arg13: memref<10240x64xf32, #tpu.memory_space<vmem_shared>>, %arg14: memref<256xi32, #tpu.memory_space<vmem>>, %arg15: memref<256xi32, #tpu.memory_space<vmem>>, %arg16: memref<256xi32, #tpu.memory_space<vmem>>, %arg17: memref<256xi32, #tpu.memory_space<vmem>>, %arg18: memref<256xi32, #tpu.memory_space<vmem>>, %arg19: memref<256xi32, #tpu.memory_space<vmem>>, %arg20: memref<256xi32, #tpu.memory_space<vmem>>, %arg21: memref<256xi32, #tpu.memory_space<vmem>>, %arg22: memref<256x64xf32, #tpu.memory_space<vmem>>, %arg23: memref<256x64xf32, #tpu.memory_space<vmem>>, %arg24: memref<256x64xf32, #tpu.memory_space<vmem>>, %arg25: memref<256x64xf32, #tpu.memory_space<vmem>>, %arg26: memref<!tpu.dma_semaphore, #tpu.memory_space<semaphore_mem>>, %arg27: memref<!tpu.dma_semaphore, #tpu.memory_space<semaphore_mem>>, %arg28: memref<!tpu.dma_semaphore, #tpu.memory_space<semaphore_mem>>, %arg29: memref<!tpu.dma_semaphore, #tpu.memory_space<semaphore_mem>>, %arg30: memref<!tpu.dma_semaphore, #tpu.memory_space<semaphore_mem>>, %arg31: memref<!tpu.dma_semaphore, #tpu.memory_space<semaphore_mem>>, %arg32: memref<!tpu.dma_semaphore, #tpu.memory_space<semaphore_mem>>, %arg33: memref<!tpu.dma_semaphore, #tpu.memory_space<semaphore_mem>>, %arg34: memref<!tpu.dma_semaphore, #tpu.memory_space<semaphore_mem>>, %arg35: memref<!tpu.dma_semaphore, #tpu.memory_space<semaphore_mem>>, %arg36: memref<!tpu.dma_semaphore, #tpu.memory_space<semaphore_mem>>, %arg37: memref<!tpu.dma_semaphore, #tpu.memory_space<semaphore_mem>>, %arg38: memref<!tpu.dma_semaphore, #tpu.memory_space<semaphore_mem>>, %arg39: memref<!tpu.dma_semaphore, #tpu.memory_space<semaphore_mem>>, %arg40: memref<!tpu.dma_semaphore, #tpu.memory_space<semaphore_mem>>, %arg41: memref<!tpu.dma_semaphore, #tpu.memory_space<semaphore_mem>>) attributes {dimension_semantics = [#tpu.dimension_semantics<core_parallel>, #tpu.dimension_semantics<subcore_parallel>], iteration_bounds = array<i64: 2, 16>, scalar_prefetch = 0 : i64, scratch_operands = 29 : i64, tpu.core_type = #tpu.core_type<sc_vector_subcore>, window_params = [{transform_indices = #map}, {transform_indices = #map}, {transform_indices = #map}, {transform_indices = #map}, {transform_indices = #map}, {transform_indices = #map}, {transform_indices = #map}, {transform_indices = #map}, {transform_indices = #map}, {transform_indices = #map}, {transform_indices = #map}]} {
    %mul3A = arith.constant 640 : i32
    %mul3A_0 = arith.muli %arg1, %mul3A : i32
    "tpu.region"() ({
      %run_scoped3A = tpu.sem_alloc : memref<!tpu.dma_semaphore, #tpu.memory_space<semaphore_mem>>
      %dma_start3A = arith.constant 0 : i32
      %dma_start3A_19 = tpu.memref_slice %arg13[%mul3A_0, %dma_start3A] : memref<10240x64xf32, #tpu.memory_space<vmem_shared>> -> memref<640x64xf32, #tpu.memory_space<vmem_shared>>
      tpu.enqueue_dma source(%arg8 : memref<640x64xf32, #tpu.memory_space<hbm>>) target(%dma_start3A_19 : memref<640x64xf32, #tpu.memory_space<vmem_shared>>) target_semaphore(%run_scoped3A : memref<!tpu.dma_semaphore, #tpu.memory_space<semaphore_mem>>)
      %dma_wait3A = arith.constant 0 : i32
      %dma_wait3A_20 = tpu.memref_slice %arg13[%mul3A_0, %dma_wait3A] : memref<10240x64xf32, #tpu.memory_space<vmem_shared>> -> memref<640x64xf32, #tpu.memory_space<vmem_shared>>
      tpu.wait_dma2 semaphore(%run_scoped3A : memref<!tpu.dma_semaphore, #tpu.memory_space<semaphore_mem>>) src(%arg8 : memref<640x64xf32, #tpu.memory_space<hbm>>) dst(%dma_wait3A_20 : memref<640x64xf32, #tpu.memory_space<vmem_shared>>)
      tpu.yield
    }) : () -> ()
    %barrier3A = arith.constant 0 : index
    tpu.barrier barrier_id(%barrier3A)
    %eq3A = arith.constant 0 : i32
    %eq3A_1 = arith.cmpi eq, %arg0, %eq3A : i32
    %convert_element_type3A = arith.extui %eq3A_1 : i1 to i32
    %cond3A = arith.constant 0 : i32
    %cond3A_2 = arith.cmpi ne, %convert_element_type3A, %cond3A : i32
    scf.if %cond3A_2 {
      %mul3A_19 = arith.constant 80 : i32
      %mul3A_20 = arith.muli %arg1, %mul3A_19 : i32
      %add3A = arith.constant 0 : i32
      %add3A_21 = arith.addi %mul3A_20, %add3A : i32
      %dma_start3A = arith.constant 0 : i32
      %dma_start3A_22 = tpu.memref_slice %arg4[%add3A_21, %dma_start3A] : memref<1280x256xi32, #tpu.memory_space<hbm>> -> memref<1x256xi32, #tpu.memory_space<hbm>>
      %dma_start3A_23 = tpu.memref_squeeze %dma_start3A_22 : memref<1x256xi32, #tpu.memory_space<hbm>> -> memref<256xi32, #tpu.memory_space<hbm>>
      %dma_start3A_24 = arith.constant 0 : i32
      %dma_start3A_25 = tpu.memref_slice %arg4[%add3A_21, %dma_start3A_24] : memref<1280x256xi32, #tpu.memory_space<hbm>> -> memref<1x256xi32, #tpu.memory_space<hbm>>
      %dma_start3A_26 = tpu.memref_squeeze %dma_start3A_25 : memref<1x256xi32, #tpu.memory_space<hbm>> -> memref<256xi32, #tpu.memory_space<hbm>>
      tpu.enqueue_dma source(%dma_start3A_26 : memref<256xi32, #tpu.memory_space<hbm>>) target(%arg18 : memref<256xi32, #tpu.memory_space<vmem>>) target_semaphore(%arg34 : memref<!tpu.dma_semaphore, #tpu.memory_space<semaphore_mem>>)
      %add3A_27 = arith.constant 1 : i32
      %add3A_28 = arith.addi %mul3A_20, %add3A_27 : i32
      %dma_start3A_29 = arith.constant 0 : i32
      %dma_start3A_30 = tpu.memref_slice %arg4[%add3A_28, %dma_start3A_29] : memref<1280x256xi32, #tpu.memory_space<hbm>> -> memref<1x256xi32, #tpu.memory_space<hbm>>
      %dma_start3A_31 = tpu.memref_squeeze %dma_start3A_30 : memref<1x256xi32, #tpu.memory_space<hbm>> -> memref<256xi32, #tpu.memory_space<hbm>>
      %dma_start3A_32 = arith.constant 0 : i32
      %dma_start3A_33 = tpu.memref_slice %arg4[%add3A_28, %dma_start3A_32] : memref<1280x256xi32, #tpu.memory_space<hbm>> -> memref<1x256xi32, #tpu.memory_space<hbm>>
      %dma_start3A_34 = tpu.memref_squeeze %dma_start3A_33 : memref<1x256xi32, #tpu.memory_space<hbm>> -> memref<256xi32, #tpu.memory_space<hbm>>
      tpu.enqueue_dma source(%dma_start3A_34 : memref<256xi32, #tpu.memory_space<hbm>>) target(%arg19 : memref<256xi32, #tpu.memory_space<vmem>>) target_semaphore(%arg35 : memref<!tpu.dma_semaphore, #tpu.memory_space<semaphore_mem>>)
      %add3A_35 = arith.constant 2 : i32
      %add3A_36 = arith.addi %mul3A_20, %add3A_35 : i32
      %dma_start3A_37 = arith.constant 0 : i32
      %dma_start3A_38 = tpu.memref_slice %arg4[%add3A_36, %dma_start3A_37] : memref<1280x256xi32, #tpu.memory_space<hbm>> -> memref<1x256xi32, #tpu.memory_space<hbm>>
      %dma_start3A_39 = tpu.memref_squeeze %dma_start3A_38 : memref<1x256xi32, #tpu.memory_space<hbm>> -> memref<256xi32, #tpu.memory_space<hbm>>
      %dma_start3A_40 = arith.constant 0 : i32
      %dma_start3A_41 = tpu.memref_slice %arg4[%add3A_36, %dma_start3A_40] : memref<1280x256xi32, #tpu.memory_space<hbm>> -> memref<1x256xi32, #tpu.memory_space<hbm>>
      %dma_start3A_42 = tpu.memref_squeeze %dma_start3A_41 : memref<1x256xi32, #tpu.memory_space<hbm>> -> memref<256xi32, #tpu.memory_space<hbm>>
      tpu.enqueue_dma source(%dma_start3A_42 : memref<256xi32, #tpu.memory_space<hbm>>) target(%arg20 : memref<256xi32, #tpu.memory_space<vmem>>) target_semaphore(%arg36 : memref<!tpu.dma_semaphore, #tpu.memory_space<semaphore_mem>>)
      %add3A_43 = arith.constant 3 : i32
      %add3A_44 = arith.addi %mul3A_20, %add3A_43 : i32
      %dma_start3A_45 = arith.constant 0 : i32
      %dma_start3A_46 = tpu.memref_slice %arg4[%add3A_44, %dma_start3A_45] : memref<1280x256xi32, #tpu.memory_space<hbm>> -> memref<1x256xi32, #tpu.memory_space<hbm>>
      %dma_start3A_47 = tpu.memref_squeeze %dma_start3A_46 : memref<1x256xi32, #tpu.memory_space<hbm>> -> memref<256xi32, #tpu.memory_space<hbm>>
      %dma_start3A_48 = arith.constant 0 : i32
      %dma_start3A_49 = tpu.memref_slice %arg4[%add3A_44, %dma_start3A_48] : memref<1280x256xi32, #tpu.memory_space<hbm>> -> memref<1x256xi32, #tpu.memory_space<hbm>>
      %dma_start3A_50 = tpu.memref_squeeze %dma_start3A_49 : memref<1x256xi32, #tpu.memory_space<hbm>> -> memref<256xi32, #tpu.memory_space<hbm>>
      tpu.enqueue_dma source(%dma_start3A_50 : memref<256xi32, #tpu.memory_space<hbm>>) target(%arg21 : memref<256xi32, #tpu.memory_space<vmem>>) target_semaphore(%arg37 : memref<!tpu.dma_semaphore, #tpu.memory_space<semaphore_mem>>)
      %add3A_51 = arith.constant 0 : i32
      %add3A_52 = arith.addi %mul3A_20, %add3A_51 : i32
      %dma_start3A_53 = arith.constant 0 : i32
      %dma_start3A_54 = tpu.memref_slice %arg5[%add3A_52, %dma_start3A_53] : memref<1280x256xi32, #tpu.memory_space<hbm>> -> memref<1x256xi32, #tpu.memory_space<hbm>>
      %dma_start3A_55 = tpu.memref_squeeze %dma_start3A_54 : memref<1x256xi32, #tpu.memory_space<hbm>> -> memref<256xi32, #tpu.memory_space<hbm>>
      %dma_start3A_56 = arith.constant 0 : i32
      %dma_start3A_57 = tpu.memref_slice %arg5[%add3A_52, %dma_start3A_56] : memref<1280x256xi32, #tpu.memory_space<hbm>> -> memref<1x256xi32, #tpu.memory_space<hbm>>
      %dma_start3A_58 = tpu.memref_squeeze %dma_start3A_57 : memref<1x256xi32, #tpu.memory_space<hbm>> -> memref<256xi32, #tpu.memory_space<hbm>>
      tpu.enqueue_dma source(%dma_start3A_58 : memref<256xi32, #tpu.memory_space<hbm>>) target(%arg14 : memref<256xi32, #tpu.memory_space<vmem>>) target_semaphore(%arg30 : memref<!tpu.dma_semaphore, #tpu.memory_space<semaphore_mem>>)
      %add3A_59 = arith.constant 1 : i32
      %add3A_60 = arith.addi %mul3A_20, %add3A_59 : i32
      %dma_start3A_61 = arith.constant 0 : i32
      %dma_start3A_62 = tpu.memref_slice %arg5[%add3A_60, %dma_start3A_61] : memref<1280x256xi32, #tpu.memory_space<hbm>> -> memref<1x256xi32, #tpu.memory_space<hbm>>
      %dma_start3A_63 = tpu.memref_squeeze %dma_start3A_62 : memref<1x256xi32, #tpu.memory_space<hbm>> -> memref<256xi32, #tpu.memory_space<hbm>>
      %dma_start3A_64 = arith.constant 0 : i32
      %dma_start3A_65 = tpu.memref_slice %arg5[%add3A_60, %dma_start3A_64] : memref<1280x256xi32, #tpu.memory_space<hbm>> -> memref<1x256xi32, #tpu.memory_space<hbm>>
      %dma_start3A_66 = tpu.memref_squeeze %dma_start3A_65 : memref<1x256xi32, #tpu.memory_space<hbm>> -> memref<256xi32, #tpu.memory_space<hbm>>
      tpu.enqueue_dma source(%dma_start3A_66 : memref<256xi32, #tpu.memory_space<hbm>>) target(%arg15 : memref<256xi32, #tpu.memory_space<vmem>>) target_semaphore(%arg31 : memref<!tpu.dma_semaphore, #tpu.memory_space<semaphore_mem>>)
      %add3A_67 = arith.constant 0 : i32
      %add3A_68 = arith.addi %mul3A_20, %add3A_67 : i32
      %dma_wait3A = arith.constant 0 : i32
      %dma_wait3A_69 = tpu.memref_slice %arg4[%add3A_68, %dma_wait3A] : memref<1280x256xi32, #tpu.memory_space<hbm>> -> memref<1x256xi32, #tpu.memory_space<hbm>>
      %dma_wait3A_70 = tpu.memref_squeeze %dma_wait3A_69 : memref<1x256xi32, #tpu.memory_space<hbm>> -> memref<256xi32, #tpu.memory_space<hbm>>
      %dma_wait3A_71 = arith.constant 0 : i32
      %dma_wait3A_72 = tpu.memref_slice %arg4[%add3A_68, %dma_wait3A_71] : memref<1280x256xi32, #tpu.memory_space<hbm>> -> memref<1x256xi32, #tpu.memory_space<hbm>>
      %dma_wait3A_73 = tpu.memref_squeeze %dma_wait3A_72 : memref<1x256xi32, #tpu.memory_space<hbm>> -> memref<256xi32, #tpu.memory_space<hbm>>
      tpu.wait_dma2 semaphore(%arg34 : memref<!tpu.dma_semaphore, #tpu.memory_space<semaphore_mem>>) src(%dma_wait3A_73 : memref<256xi32, #tpu.memory_space<hbm>>) dst(%arg18 : memref<256xi32, #tpu.memory_space<vmem>>)
      %dma_start3A_74 = arith.constant 0 : i32
      %dma_start3A_75 = arith.constant 0 : i32
      %dma_start3A_76 = tpu.memref_slice %arg2[%dma_start3A_74, %dma_start3A_75] : memref<10000x64xf32, #tpu.memory_space<hbm>> -> memref<10000x64xf32, #tpu.memory_space<hbm>>
      tpu.enqueue_indirect_dma source(%dma_start3A_76 : memref<10000x64xf32, #tpu.memory_space<hbm>>) target(%arg22 : memref<256x64xf32, #tpu.memory_space<vmem>>) offsets(%arg18 : memref<256xi32, #tpu.memory_space<vmem>>) semaphore(%arg26 : memref<!tpu.dma_semaphore, #tpu.memory_space<semaphore_mem>>)
      %add3A_77 = arith.constant 1 : i32
      %add3A_78 = arith.addi %mul3A_20, %add3A_77 : i32
      %dma_wait3A_79 = arith.constant 0 : i32
      %dma_wait3A_80 = tpu.memref_slice %arg4[%add3A_78, %dma_wait3A_79] : memref<1280x256xi32, #tpu.memory_space<hbm>> -> memref<1x256xi32, #tpu.memory_space<hbm>>
      %dma_wait3A_81 = tpu.memref_squeeze %dma_wait3A_80 : memref<1x256xi32, #tpu.memory_space<hbm>> -> memref<256xi32, #tpu.memory_space<hbm>>
      %dma_wait3A_82 = arith.constant 0 : i32
      %dma_wait3A_83 = tpu.memref_slice %arg4[%add3A_78, %dma_wait3A_82] : memref<1280x256xi32, #tpu.memory_space<hbm>> -> memref<1x256xi32, #tpu.memory_space<hbm>>
      %dma_wait3A_84 = tpu.memref_squeeze %dma_wait3A_83 : memref<1x256xi32, #tpu.memory_space<hbm>> -> memref<256xi32, #tpu.memory_space<hbm>>
      tpu.wait_dma2 semaphore(%arg35 : memref<!tpu.dma_semaphore, #tpu.memory_space<semaphore_mem>>) src(%dma_wait3A_84 : memref<256xi32, #tpu.memory_space<hbm>>) dst(%arg19 : memref<256xi32, #tpu.memory_space<vmem>>)
      %dma_start3A_85 = arith.constant 0 : i32
      %dma_start3A_86 = arith.constant 0 : i32
      %dma_start3A_87 = tpu.memref_slice %arg2[%dma_start3A_85, %dma_start3A_86] : memref<10000x64xf32, #tpu.memory_space<hbm>> -> memref<10000x64xf32, #tpu.memory_space<hbm>>
      tpu.enqueue_indirect_dma source(%dma_start3A_87 : memref<10000x64xf32, #tpu.memory_space<hbm>>) target(%arg23 : memref<256x64xf32, #tpu.memory_space<vmem>>) offsets(%arg19 : memref<256xi32, #tpu.memory_space<vmem>>) semaphore(%arg27 : memref<!tpu.dma_semaphore, #tpu.memory_space<semaphore_mem>>)
      %scan3A = arith.constant 0 : i32
      %scan3A_88 = arith.constant 0 : i32
      %scan3A_89 = arith.constant 20 : i32
      %scan3A_90 = arith.addi %scan3A_88, %scan3A_89 : i32
      %scan3A_91 = arith.constant 1 : i32
      scf.for %scan3A_99 = %scan3A_88 to %scan3A_90 step %scan3A_91  : i32 {
        %mul3A_100 = arith.constant 4 : i32
        %mul3A_101 = arith.muli %scan3A_99, %mul3A_100 : i32
        %add3A_102 = arith.constant 0 : i32
        %add3A_103 = arith.addi %mul3A_101, %add3A_102 : i32
        %gt3A = arith.constant 0 : i32
        %gt3A_104 = arith.cmpi sgt, %scan3A_99, %gt3A : i32
        %convert_element_type3A_105 = arith.extui %gt3A_104 : i1 to i32
        %cond3A_106 = arith.constant 0 : i32
        %cond3A_107 = arith.cmpi ne, %convert_element_type3A_105, %cond3A_106 : i32
        scf.if %cond3A_107 {
          %dma_wait3A_254 = arith.constant 0 : i32
          %dma_wait3A_255 = arith.constant 0 : i32
          %dma_wait3A_256 = tpu.memref_slice %arg13[%dma_wait3A_254, %dma_wait3A_255] : memref<10240x64xf32, #tpu.memory_space<vmem_shared>> -> memref<10240x64xf32, #tpu.memory_space<vmem_shared>>
          tpu.wait_indirect_dma semaphore(%arg40 : memref<!tpu.dma_semaphore, #tpu.memory_space<semaphore_mem>>) src(%arg24 : memref<256x64xf32, #tpu.memory_space<vmem>>) dst(%dma_wait3A_256 : memref<10240x64xf32, #tpu.memory_space<vmem_shared>>)
        } else {
        }
        %add3A_108 = arith.constant 2 : i32
        %add3A_109 = arith.addi %add3A_103, %add3A_108 : i32
        %add3A_110 = arith.addi %mul3A_20, %add3A_109 : i32
        %dma_start3A_111 = arith.constant 0 : i32
        %dma_start3A_112 = tpu.memref_slice %arg5[%add3A_110, %dma_start3A_111] : memref<1280x256xi32, #tpu.memory_space<hbm>> -> memref<1x256xi32, #tpu.memory_space<hbm>>
        %dma_start3A_113 = tpu.memref_squeeze %dma_start3A_112 : memref<1x256xi32, #tpu.memory_space<hbm>> -> memref<256xi32, #tpu.memory_space<hbm>>
        %dma_start3A_114 = arith.constant 0 : i32
        %dma_start3A_115 = tpu.memref_slice %arg5[%add3A_110, %dma_start3A_114] : memref<1280x256xi32, #tpu.memory_space<hbm>> -> memref<1x256xi32, #tpu.memory_space<hbm>>
        %dma_start3A_116 = tpu.memref_squeeze %dma_start3A_115 : memref<1x256xi32, #tpu.memory_space<hbm>> -> memref<256xi32, #tpu.memory_space<hbm>>
        tpu.enqueue_dma source(%dma_start3A_116 : memref<256xi32, #tpu.memory_space<hbm>>) target(%arg16 : memref<256xi32, #tpu.memory_space<vmem>>) target_semaphore(%arg32 : memref<!tpu.dma_semaphore, #tpu.memory_space<semaphore_mem>>)
        %add3A_117 = arith.constant 2 : i32
        %add3A_118 = arith.addi %add3A_103, %add3A_117 : i32
        %add3A_119 = arith.addi %mul3A_20, %add3A_118 : i32
        %dma_wait3A_120 = arith.constant 0 : i32
        %dma_wait3A_121 = tpu.memref_slice %arg4[%add3A_119, %dma_wait3A_120] : memref<1280x256xi32, #tpu.memory_space<hbm>> -> memref<1x256xi32, #tpu.memory_space<hbm>>
        %dma_wait3A_122 = tpu.memref_squeeze %dma_wait3A_121 : memref<1x256xi32, #tpu.memory_space<hbm>> -> memref<256xi32, #tpu.memory_space<hbm>>
        %dma_wait3A_123 = arith.constant 0 : i32
        %dma_wait3A_124 = tpu.memref_slice %arg4[%add3A_119, %dma_wait3A_123] : memref<1280x256xi32, #tpu.memory_space<hbm>> -> memref<1x256xi32, #tpu.memory_space<hbm>>
        %dma_wait3A_125 = tpu.memref_squeeze %dma_wait3A_124 : memref<1x256xi32, #tpu.memory_space<hbm>> -> memref<256xi32, #tpu.memory_space<hbm>>
        tpu.wait_dma2 semaphore(%arg36 : memref<!tpu.dma_semaphore, #tpu.memory_space<semaphore_mem>>) src(%dma_wait3A_125 : memref<256xi32, #tpu.memory_space<hbm>>) dst(%arg20 : memref<256xi32, #tpu.memory_space<vmem>>)
        %dma_start3A_126 = arith.constant 0 : i32
        %dma_start3A_127 = arith.constant 0 : i32
        %dma_start3A_128 = tpu.memref_slice %arg2[%dma_start3A_126, %dma_start3A_127] : memref<10000x64xf32, #tpu.memory_space<hbm>> -> memref<10000x64xf32, #tpu.memory_space<hbm>>
        tpu.enqueue_indirect_dma source(%dma_start3A_128 : memref<10000x64xf32, #tpu.memory_space<hbm>>) target(%arg24 : memref<256x64xf32, #tpu.memory_space<vmem>>) offsets(%arg20 : memref<256xi32, #tpu.memory_space<vmem>>) semaphore(%arg28 : memref<!tpu.dma_semaphore, #tpu.memory_space<semaphore_mem>>)
        %dma_wait3A_129 = arith.constant 0 : i32
        %dma_wait3A_130 = arith.constant 0 : i32
        %dma_wait3A_131 = tpu.memref_slice %arg2[%dma_wait3A_129, %dma_wait3A_130] : memref<10000x64xf32, #tpu.memory_space<hbm>> -> memref<10000x64xf32, #tpu.memory_space<hbm>>
        tpu.wait_indirect_dma semaphore(%arg26 : memref<!tpu.dma_semaphore, #tpu.memory_space<semaphore_mem>>) src(%dma_wait3A_131 : memref<10000x64xf32, #tpu.memory_space<hbm>>) dst(%arg22 : memref<256x64xf32, #tpu.memory_space<vmem>>)
        %lt3A = arith.constant 19 : i32
        %lt3A_132 = arith.cmpi slt, %scan3A_99, %lt3A : i32
        %convert_element_type3A_133 = arith.extui %lt3A_132 : i1 to i32
        %cond3A_134 = arith.constant 0 : i32
        %cond3A_135 = arith.cmpi ne, %convert_element_type3A_133, %cond3A_134 : i32
        scf.if %cond3A_135 {
          %add3A_254 = arith.constant 4 : i32
          %add3A_255 = arith.addi %add3A_103, %add3A_254 : i32
          %add3A_256 = arith.addi %mul3A_20, %add3A_255 : i32
          %dma_start3A_257 = arith.constant 0 : i32
          %dma_start3A_258 = tpu.memref_slice %arg4[%add3A_256, %dma_start3A_257] : memref<1280x256xi32, #tpu.memory_space<hbm>> -> memref<1x256xi32, #tpu.memory_space<hbm>>
          %dma_start3A_259 = tpu.memref_squeeze %dma_start3A_258 : memref<1x256xi32, #tpu.memory_space<hbm>> -> memref<256xi32, #tpu.memory_space<hbm>>
          %dma_start3A_260 = arith.constant 0 : i32
          %dma_start3A_261 = tpu.memref_slice %arg4[%add3A_256, %dma_start3A_260] : memref<1280x256xi32, #tpu.memory_space<hbm>> -> memref<1x256xi32, #tpu.memory_space<hbm>>
          %dma_start3A_262 = tpu.memref_squeeze %dma_start3A_261 : memref<1x256xi32, #tpu.memory_space<hbm>> -> memref<256xi32, #tpu.memory_space<hbm>>
          tpu.enqueue_dma source(%dma_start3A_262 : memref<256xi32, #tpu.memory_space<hbm>>) target(%arg18 : memref<256xi32, #tpu.memory_space<vmem>>) target_semaphore(%arg34 : memref<!tpu.dma_semaphore, #tpu.memory_space<semaphore_mem>>)
        } else {
        }
        %add3A_136 = arith.addi %mul3A_20, %add3A_103 : i32
        %dma_wait3A_137 = arith.constant 0 : i32
        %dma_wait3A_138 = tpu.memref_slice %arg5[%add3A_136, %dma_wait3A_137] : memref<1280x256xi32, #tpu.memory_space<hbm>> -> memref<1x256xi32, #tpu.memory_space<hbm>>
        %dma_wait3A_139 = tpu.memref_squeeze %dma_wait3A_138 : memref<1x256xi32, #tpu.memory_space<hbm>> -> memref<256xi32, #tpu.memory_space<hbm>>
        %dma_wait3A_140 = arith.constant 0 : i32
        %dma_wait3A_141 = tpu.memref_slice %arg5[%add3A_136, %dma_wait3A_140] : memref<1280x256xi32, #tpu.memory_space<hbm>> -> memref<1x256xi32, #tpu.memory_space<hbm>>
        %dma_wait3A_142 = tpu.memref_squeeze %dma_wait3A_141 : memref<1x256xi32, #tpu.memory_space<hbm>> -> memref<256xi32, #tpu.memory_space<hbm>>
        tpu.wait_dma2 semaphore(%arg30 : memref<!tpu.dma_semaphore, #tpu.memory_space<semaphore_mem>>) src(%dma_wait3A_142 : memref<256xi32, #tpu.memory_space<hbm>>) dst(%arg14 : memref<256xi32, #tpu.memory_space<vmem>>)
        %dma_start3A_143 = arith.constant 0 : i32
        %dma_start3A_144 = arith.constant 0 : i32
        %dma_start3A_145 = tpu.memref_slice %arg13[%dma_start3A_143, %dma_start3A_144] : memref<10240x64xf32, #tpu.memory_space<vmem_shared>> -> memref<10240x64xf32, #tpu.memory_space<vmem_shared>>
        tpu.enqueue_indirect_dma source(%arg22 : memref<256x64xf32, #tpu.memory_space<vmem>>) target(%dma_start3A_145 : memref<10240x64xf32, #tpu.memory_space<vmem_shared>>) offsets(%arg14 : memref<256xi32, #tpu.memory_space<vmem>>) semaphore(%arg38 : memref<!tpu.dma_semaphore, #tpu.memory_space<semaphore_mem>>) {add = true}
        %mul3A_146 = arith.constant 4 : i32
        %mul3A_147 = arith.muli %scan3A_99, %mul3A_146 : i32
        %add3A_148 = arith.constant 1 : i32
        %add3A_149 = arith.addi %mul3A_147, %add3A_148 : i32
        %gt3A_150 = arith.constant 0 : i32
        %gt3A_151 = arith.cmpi sgt, %scan3A_99, %gt3A_150 : i32
        %convert_element_type3A_152 = arith.extui %gt3A_151 : i1 to i32
        %cond3A_153 = arith.constant 0 : i32
        %cond3A_154 = arith.cmpi ne, %convert_element_type3A_152, %cond3A_153 : i32
        scf.if %cond3A_154 {
          %dma_wait3A_254 = arith.constant 0 : i32
          %dma_wait3A_255 = arith.constant 0 : i32
          %dma_wait3A_256 = tpu.memref_slice %arg13[%dma_wait3A_254, %dma_wait3A_255] : memref<10240x64xf32, #tpu.memory_space<vmem_shared>> -> memref<10240x64xf32, #tpu.memory_space<vmem_shared>>
          tpu.wait_indirect_dma semaphore(%arg41 : memref<!tpu.dma_semaphore, #tpu.memory_space<semaphore_mem>>) src(%arg25 : memref<256x64xf32, #tpu.memory_space<vmem>>) dst(%dma_wait3A_256 : memref<10240x64xf32, #tpu.memory_space<vmem_shared>>)
        } else {
        }
        %add3A_155 = arith.constant 2 : i32
        %add3A_156 = arith.addi %add3A_149, %add3A_155 : i32
        %add3A_157 = arith.addi %mul3A_20, %add3A_156 : i32
        %dma_start3A_158 = arith.constant 0 : i32
        %dma_start3A_159 = tpu.memref_slice %arg5[%add3A_157, %dma_start3A_158] : memref<1280x256xi32, #tpu.memory_space<hbm>> -> memref<1x256xi32, #tpu.memory_space<hbm>>
        %dma_start3A_160 = tpu.memref_squeeze %dma_start3A_159 : memref<1x256xi32, #tpu.memory_space<hbm>> -> memref<256xi32, #tpu.memory_space<hbm>>
        %dma_start3A_161 = arith.constant 0 : i32
        %dma_start3A_162 = tpu.memref_slice %arg5[%add3A_157, %dma_start3A_161] : memref<1280x256xi32, #tpu.memory_space<hbm>> -> memref<1x256xi32, #tpu.memory_space<hbm>>
        %dma_start3A_163 = tpu.memref_squeeze %dma_start3A_162 : memref<1x256xi32, #tpu.memory_space<hbm>> -> memref<256xi32, #tpu.memory_space<hbm>>
        tpu.enqueue_dma source(%dma_start3A_163 : memref<256xi32, #tpu.memory_space<hbm>>) target(%arg17 : memref<256xi32, #tpu.memory_space<vmem>>) target_semaphore(%arg33 : memref<!tpu.dma_semaphore, #tpu.memory_space<semaphore_mem>>)
        %add3A_164 = arith.constant 2 : i32
        %add3A_165 = arith.addi %add3A_149, %add3A_164 : i32
        %add3A_166 = arith.addi %mul3A_20, %add3A_165 : i32
        %dma_wait3A_167 = arith.constant 0 : i32
        %dma_wait3A_168 = tpu.memref_slice %arg4[%add3A_166, %dma_wait3A_167] : memref<1280x256xi32, #tpu.memory_space<hbm>> -> memref<1x256xi32, #tpu.memory_space<hbm>>
        %dma_wait3A_169 = tpu.memref_squeeze %dma_wait3A_168 : memref<1x256xi32, #tpu.memory_space<hbm>> -> memref<256xi32, #tpu.memory_space<hbm>>
        %dma_wait3A_170 = arith.constant 0 : i32
        %dma_wait3A_171 = tpu.memref_slice %arg4[%add3A_166, %dma_wait3A_170] : memref<1280x256xi32, #tpu.memory_space<hbm>> -> memref<1x256xi32, #tpu.memory_space<hbm>>
        %dma_wait3A_172 = tpu.memref_squeeze %dma_wait3A_171 : memref<1x256xi32, #tpu.memory_space<hbm>> -> memref<256xi32, #tpu.memory_space<hbm>>
        tpu.wait_dma2 semaphore(%arg37 : memref<!tpu.dma_semaphore, #tpu.memory_space<semaphore_mem>>) src(%dma_wait3A_172 : memref<256xi32, #tpu.memory_space<hbm>>) dst(%arg21 : memref<256xi32, #tpu.memory_space<vmem>>)
        %dma_start3A_173 = arith.constant 0 : i32
        %dma_start3A_174 = arith.constant 0 : i32
        %dma_start3A_175 = tpu.memref_slice %arg2[%dma_start3A_173, %dma_start3A_174] : memref<10000x64xf32, #tpu.memory_space<hbm>> -> memref<10000x64xf32, #tpu.memory_space<hbm>>
        tpu.enqueue_indirect_dma source(%dma_start3A_175 : memref<10000x64xf32, #tpu.memory_space<hbm>>) target(%arg25 : memref<256x64xf32, #tpu.memory_space<vmem>>) offsets(%arg21 : memref<256xi32, #tpu.memory_space<vmem>>) semaphore(%arg29 : memref<!tpu.dma_semaphore, #tpu.memory_space<semaphore_mem>>)
        %dma_wait3A_176 = arith.constant 0 : i32
        %dma_wait3A_177 = arith.constant 0 : i32
        %dma_wait3A_178 = tpu.memref_slice %arg2[%dma_wait3A_176, %dma_wait3A_177] : memref<10000x64xf32, #tpu.memory_space<hbm>> -> memref<10000x64xf32, #tpu.memory_space<hbm>>
        tpu.wait_indirect_dma semaphore(%arg27 : memref<!tpu.dma_semaphore, #tpu.memory_space<semaphore_mem>>) src(%dma_wait3A_178 : memref<10000x64xf32, #tpu.memory_space<hbm>>) dst(%arg23 : memref<256x64xf32, #tpu.memory_space<vmem>>)
        %lt3A_179 = arith.constant 19 : i32
        %lt3A_180 = arith.cmpi slt, %scan3A_99, %lt3A_179 : i32
        %convert_element_type3A_181 = arith.extui %lt3A_180 : i1 to i32
        %cond3A_182 = arith.constant 0 : i32
        %cond3A_183 = arith.cmpi ne, %convert_element_type3A_181, %cond3A_182 : i32
        scf.if %cond3A_183 {
          %add3A_254 = arith.constant 4 : i32
          %add3A_255 = arith.addi %add3A_149, %add3A_254 : i32
          %add3A_256 = arith.addi %mul3A_20, %add3A_255 : i32
          %dma_start3A_257 = arith.constant 0 : i32
          %dma_start3A_258 = tpu.memref_slice %arg4[%add3A_256, %dma_start3A_257] : memref<1280x256xi32, #tpu.memory_space<hbm>> -> memref<1x256xi32, #tpu.memory_space<hbm>>
          %dma_start3A_259 = tpu.memref_squeeze %dma_start3A_258 : memref<1x256xi32, #tpu.memory_space<hbm>> -> memref<256xi32, #tpu.memory_space<hbm>>
          %dma_start3A_260 = arith.constant 0 : i32
          %dma_start3A_261 = tpu.memref_slice %arg4[%add3A_256, %dma_start3A_260] : memref<1280x256xi32, #tpu.memory_space<hbm>> -> memref<1x256xi32, #tpu.memory_space<hbm>>
          %dma_start3A_262 = tpu.memref_squeeze %dma_start3A_261 : memref<1x256xi32, #tpu.memory_space<hbm>> -> memref<256xi32, #tpu.memory_space<hbm>>
          tpu.enqueue_dma source(%dma_start3A_262 : memref<256xi32, #tpu.memory_space<hbm>>) target(%arg19 : memref<256xi32, #tpu.memory_space<vmem>>) target_semaphore(%arg35 : memref<!tpu.dma_semaphore, #tpu.memory_space<semaphore_mem>>)
        } else {
        }
        %add3A_184 = arith.addi %mul3A_20, %add3A_149 : i32
        %dma_wait3A_185 = arith.constant 0 : i32
        %dma_wait3A_186 = tpu.memref_slice %arg5[%add3A_184, %dma_wait3A_185] : memref<1280x256xi32, #tpu.memory_space<hbm>> -> memref<1x256xi32, #tpu.memory_space<hbm>>
        %dma_wait3A_187 = tpu.memref_squeeze %dma_wait3A_186 : memref<1x256xi32, #tpu.memory_space<hbm>> -> memref<256xi32, #tpu.memory_space<hbm>>
        %dma_wait3A_188 = arith.constant 0 : i32
        %dma_wait3A_189 = tpu.memref_slice %arg5[%add3A_184, %dma_wait3A_188] : memref<1280x256xi32, #tpu.memory_space<hbm>> -> memref<1x256xi32, #tpu.memory_space<hbm>>
        %dma_wait3A_190 = tpu.memref_squeeze %dma_wait3A_189 : memref<1x256xi32, #tpu.memory_space<hbm>> -> memref<256xi32, #tpu.memory_space<hbm>>
        tpu.wait_dma2 semaphore(%arg31 : memref<!tpu.dma_semaphore, #tpu.memory_space<semaphore_mem>>) src(%dma_wait3A_190 : memref<256xi32, #tpu.memory_space<hbm>>) dst(%arg15 : memref<256xi32, #tpu.memory_space<vmem>>)
        %dma_start3A_191 = arith.constant 0 : i32
        %dma_start3A_192 = arith.constant 0 : i32
        %dma_start3A_193 = tpu.memref_slice %arg13[%dma_start3A_191, %dma_start3A_192] : memref<10240x64xf32, #tpu.memory_space<vmem_shared>> -> memref<10240x64xf32, #tpu.memory_space<vmem_shared>>
        tpu.enqueue_indirect_dma source(%arg23 : memref<256x64xf32, #tpu.memory_space<vmem>>) target(%dma_start3A_193 : memref<10240x64xf32, #tpu.memory_space<vmem_shared>>) offsets(%arg15 : memref<256xi32, #tpu.memory_space<vmem>>) semaphore(%arg39 : memref<!tpu.dma_semaphore, #tpu.memory_space<semaphore_mem>>) {add = true}
        %mul3A_194 = arith.constant 4 : i32
        %mul3A_195 = arith.muli %scan3A_99, %mul3A_194 : i32
        %add3A_196 = arith.constant 2 : i32
        %add3A_197 = arith.addi %mul3A_195, %add3A_196 : i32
        %dma_wait3A_198 = arith.constant 0 : i32
        %dma_wait3A_199 = arith.constant 0 : i32
        %dma_wait3A_200 = tpu.memref_slice %arg13[%dma_wait3A_198, %dma_wait3A_199] : memref<10240x64xf32, #tpu.memory_space<vmem_shared>> -> memref<10240x64xf32, #tpu.memory_space<vmem_shared>>
        tpu.wait_indirect_dma semaphore(%arg38 : memref<!tpu.dma_semaphore, #tpu.memory_space<semaphore_mem>>) src(%arg22 : memref<256x64xf32, #tpu.memory_space<vmem>>) dst(%dma_wait3A_200 : memref<10240x64xf32, #tpu.memory_space<vmem_shared>>)
        %lt3A_201 = arith.constant 19 : i32
        %lt3A_202 = arith.cmpi slt, %scan3A_99, %lt3A_201 : i32
        %convert_element_type3A_203 = arith.extui %lt3A_202 : i1 to i32
        %cond3A_204 = arith.constant 0 : i32
        %cond3A_205 = arith.cmpi ne, %convert_element_type3A_203, %cond3A_204 : i32
        scf.if %cond3A_205 {
          %add3A_254 = arith.constant 2 : i32
          %add3A_255 = arith.addi %add3A_197, %add3A_254 : i32
          %add3A_256 = arith.addi %mul3A_20, %add3A_255 : i32
          %dma_start3A_257 = arith.constant 0 : i32
          %dma_start3A_258 = tpu.memref_slice %arg5[%add3A_256, %dma_start3A_257] : memref<1280x256xi32, #tpu.memory_space<hbm>> -> memref<1x256xi32, #tpu.memory_space<hbm>>
          %dma_start3A_259 = tpu.memref_squeeze %dma_start3A_258 : memref<1x256xi32, #tpu.memory_space<hbm>> -> memref<256xi32, #tpu.memory_space<hbm>>
          %dma_start3A_260 = arith.constant 0 : i32
          %dma_start3A_261 = tpu.memref_slice %arg5[%add3A_256, %dma_start3A_260] : memref<1280x256xi32, #tpu.memory_space<hbm>> -> memref<1x256xi32, #tpu.memory_space<hbm>>
          %dma_start3A_262 = tpu.memref_squeeze %dma_start3A_261 : memref<1x256xi32, #tpu.memory_space<hbm>> -> memref<256xi32, #tpu.memory_space<hbm>>
          tpu.enqueue_dma source(%dma_start3A_262 : memref<256xi32, #tpu.memory_space<hbm>>) target(%arg14 : memref<256xi32, #tpu.memory_space<vmem>>) target_semaphore(%arg30 : memref<!tpu.dma_semaphore, #tpu.memory_space<semaphore_mem>>)
          %add3A_263 = arith.constant 2 : i32
          %add3A_264 = arith.addi %add3A_197, %add3A_263 : i32
          %add3A_265 = arith.addi %mul3A_20, %add3A_264 : i32
          %dma_wait3A_266 = arith.constant 0 : i32
          %dma_wait3A_267 = tpu.memref_slice %arg4[%add3A_265, %dma_wait3A_266] : memref<1280x256xi32, #tpu.memory_space<hbm>> -> memref<1x256xi32, #tpu.memory_space<hbm>>
          %dma_wait3A_268 = tpu.memref_squeeze %dma_wait3A_267 : memref<1x256xi32, #tpu.memory_space<hbm>> -> memref<256xi32, #tpu.memory_space<hbm>>
          %dma_wait3A_269 = arith.constant 0 : i32
          %dma_wait3A_270 = tpu.memref_slice %arg4[%add3A_265, %dma_wait3A_269] : memref<1280x256xi32, #tpu.memory_space<hbm>> -> memref<1x256xi32, #tpu.memory_space<hbm>>
          %dma_wait3A_271 = tpu.memref_squeeze %dma_wait3A_270 : memref<1x256xi32, #tpu.memory_space<hbm>> -> memref<256xi32, #tpu.memory_space<hbm>>
          tpu.wait_dma2 semaphore(%arg34 : memref<!tpu.dma_semaphore, #tpu.memory_space<semaphore_mem>>) src(%dma_wait3A_271 : memref<256xi32, #tpu.memory_space<hbm>>) dst(%arg18 : memref<256xi32, #tpu.memory_space<vmem>>)
          %dma_start3A_272 = arith.constant 0 : i32
          %dma_start3A_273 = arith.constant 0 : i32
          %dma_start3A_274 = tpu.memref_slice %arg2[%dma_start3A_272, %dma_start3A_273] : memref<10000x64xf32, #tpu.memory_space<hbm>> -> memref<10000x64xf32, #tpu.memory_space<hbm>>
          tpu.enqueue_indirect_dma source(%dma_start3A_274 : memref<10000x64xf32, #tpu.memory_space<hbm>>) target(%arg22 : memref<256x64xf32, #tpu.memory_space<vmem>>) offsets(%arg18 : memref<256xi32, #tpu.memory_space<vmem>>) semaphore(%arg26 : memref<!tpu.dma_semaphore, #tpu.memory_space<semaphore_mem>>)
        } else {
        }
        %dma_wait3A_206 = arith.constant 0 : i32
        %dma_wait3A_207 = arith.constant 0 : i32
        %dma_wait3A_208 = tpu.memref_slice %arg2[%dma_wait3A_206, %dma_wait3A_207] : memref<10000x64xf32, #tpu.memory_space<hbm>> -> memref<10000x64xf32, #tpu.memory_space<hbm>>
        tpu.wait_indirect_dma semaphore(%arg28 : memref<!tpu.dma_semaphore, #tpu.memory_space<semaphore_mem>>) src(%dma_wait3A_208 : memref<10000x64xf32, #tpu.memory_space<hbm>>) dst(%arg24 : memref<256x64xf32, #tpu.memory_space<vmem>>)
        %lt3A_209 = arith.constant 19 : i32
        %lt3A_210 = arith.cmpi slt, %scan3A_99, %lt3A_209 : i32
        %convert_element_type3A_211 = arith.extui %lt3A_210 : i1 to i32
        %cond3A_212 = arith.constant 0 : i32
        %cond3A_213 = arith.cmpi ne, %convert_element_type3A_211, %cond3A_212 : i32
        scf.if %cond3A_213 {
          %add3A_254 = arith.constant 4 : i32
          %add3A_255 = arith.addi %add3A_197, %add3A_254 : i32
          %add3A_256 = arith.addi %mul3A_20, %add3A_255 : i32
          %dma_start3A_257 = arith.constant 0 : i32
          %dma_start3A_258 = tpu.memref_slice %arg4[%add3A_256, %dma_start3A_257] : memref<1280x256xi32, #tpu.memory_space<hbm>> -> memref<1x256xi32, #tpu.memory_space<hbm>>
          %dma_start3A_259 = tpu.memref_squeeze %dma_start3A_258 : memref<1x256xi32, #tpu.memory_space<hbm>> -> memref<256xi32, #tpu.memory_space<hbm>>
          %dma_start3A_260 = arith.constant 0 : i32
          %dma_start3A_261 = tpu.memref_slice %arg4[%add3A_256, %dma_start3A_260] : memref<1280x256xi32, #tpu.memory_space<hbm>> -> memref<1x256xi32, #tpu.memory_space<hbm>>
          %dma_start3A_262 = tpu.memref_squeeze %dma_start3A_261 : memref<1x256xi32, #tpu.memory_space<hbm>> -> memref<256xi32, #tpu.memory_space<hbm>>
          tpu.enqueue_dma source(%dma_start3A_262 : memref<256xi32, #tpu.memory_space<hbm>>) target(%arg20 : memref<256xi32, #tpu.memory_space<vmem>>) target_semaphore(%arg36 : memref<!tpu.dma_semaphore, #tpu.memory_space<semaphore_mem>>)
        } else {
        }
        %add3A_214 = arith.addi %mul3A_20, %add3A_197 : i32
        %dma_wait3A_215 = arith.constant 0 : i32
        %dma_wait3A_216 = tpu.memref_slice %arg5[%add3A_214, %dma_wait3A_215] : memref<1280x256xi32, #tpu.memory_space<hbm>> -> memref<1x256xi32, #tpu.memory_space<hbm>>
        %dma_wait3A_217 = tpu.memref_squeeze %dma_wait3A_216 : memref<1x256xi32, #tpu.memory_space<hbm>> -> memref<256xi32, #tpu.memory_space<hbm>>
        %dma_wait3A_218 = arith.constant 0 : i32
        %dma_wait3A_219 = tpu.memref_slice %arg5[%add3A_214, %dma_wait3A_218] : memref<1280x256xi32, #tpu.memory_space<hbm>> -> memref<1x256xi32, #tpu.memory_space<hbm>>
        %dma_wait3A_220 = tpu.memref_squeeze %dma_wait3A_219 : memref<1x256xi32, #tpu.memory_space<hbm>> -> memref<256xi32, #tpu.memory_space<hbm>>
        tpu.wait_dma2 semaphore(%arg32 : memref<!tpu.dma_semaphore, #tpu.memory_space<semaphore_mem>>) src(%dma_wait3A_220 : memref<256xi32, #tpu.memory_space<hbm>>) dst(%arg16 : memref<256xi32, #tpu.memory_space<vmem>>)
        %dma_start3A_221 = arith.constant 0 : i32
        %dma_start3A_222 = arith.constant 0 : i32
        %dma_start3A_223 = tpu.memref_slice %arg13[%dma_start3A_221, %dma_start3A_222] : memref<10240x64xf32, #tpu.memory_space<vmem_shared>> -> memref<10240x64xf32, #tpu.memory_space<vmem_shared>>
        tpu.enqueue_indirect_dma source(%arg24 : memref<256x64xf32, #tpu.memory_space<vmem>>) target(%dma_start3A_223 : memref<10240x64xf32, #tpu.memory_space<vmem_shared>>) offsets(%arg16 : memref<256xi32, #tpu.memory_space<vmem>>) semaphore(%arg40 : memref<!tpu.dma_semaphore, #tpu.memory_space<semaphore_mem>>) {add = true}
        %mul3A_224 = arith.constant 4 : i32
        %mul3A_225 = arith.muli %scan3A_99, %mul3A_224 : i32
        %add3A_226 = arith.constant 3 : i32
        %add3A_227 = arith.addi %mul3A_225, %add3A_226 : i32
        %dma_wait3A_228 = arith.constant 0 : i32
        %dma_wait3A_229 = arith.constant 0 : i32
        %dma_wait3A_230 = tpu.memref_slice %arg13[%dma_wait3A_228, %dma_wait3A_229] : memref<10240x64xf32, #tpu.memory_space<vmem_shared>> -> memref<10240x64xf32, #tpu.memory_space<vmem_shared>>
        tpu.wait_indirect_dma semaphore(%arg39 : memref<!tpu.dma_semaphore, #tpu.memory_space<semaphore_mem>>) src(%arg23 : memref<256x64xf32, #tpu.memory_space<vmem>>) dst(%dma_wait3A_230 : memref<10240x64xf32, #tpu.memory_space<vmem_shared>>)
        %lt3A_231 = arith.constant 19 : i32
        %lt3A_232 = arith.cmpi slt, %scan3A_99, %lt3A_231 : i32
        %convert_element_type3A_233 = arith.extui %lt3A_232 : i1 to i32
        %cond3A_234 = arith.constant 0 : i32
        %cond3A_235 = arith.cmpi ne, %convert_element_type3A_233, %cond3A_234 : i32
        scf.if %cond3A_235 {
          %add3A_254 = arith.constant 2 : i32
          %add3A_255 = arith.addi %add3A_227, %add3A_254 : i32
          %add3A_256 = arith.addi %mul3A_20, %add3A_255 : i32
          %dma_start3A_257 = arith.constant 0 : i32
          %dma_start3A_258 = tpu.memref_slice %arg5[%add3A_256, %dma_start3A_257] : memref<1280x256xi32, #tpu.memory_space<hbm>> -> memref<1x256xi32, #tpu.memory_space<hbm>>
          %dma_start3A_259 = tpu.memref_squeeze %dma_start3A_258 : memref<1x256xi32, #tpu.memory_space<hbm>> -> memref<256xi32, #tpu.memory_space<hbm>>
          %dma_start3A_260 = arith.constant 0 : i32
          %dma_start3A_261 = tpu.memref_slice %arg5[%add3A_256, %dma_start3A_260] : memref<1280x256xi32, #tpu.memory_space<hbm>> -> memref<1x256xi32, #tpu.memory_space<hbm>>
          %dma_start3A_262 = tpu.memref_squeeze %dma_start3A_261 : memref<1x256xi32, #tpu.memory_space<hbm>> -> memref<256xi32, #tpu.memory_space<hbm>>
          tpu.enqueue_dma source(%dma_start3A_262 : memref<256xi32, #tpu.memory_space<hbm>>) target(%arg15 : memref<256xi32, #tpu.memory_space<vmem>>) target_semaphore(%arg31 : memref<!tpu.dma_semaphore, #tpu.memory_space<semaphore_mem>>)
          %add3A_263 = arith.constant 2 : i32
          %add3A_264 = arith.addi %add3A_227, %add3A_263 : i32
          %add3A_265 = arith.addi %mul3A_20, %add3A_264 : i32
          %dma_wait3A_266 = arith.constant 0 : i32
          %dma_wait3A_267 = tpu.memref_slice %arg4[%add3A_265, %dma_wait3A_266] : memref<1280x256xi32, #tpu.memory_space<hbm>> -> memref<1x256xi32, #tpu.memory_space<hbm>>
          %dma_wait3A_268 = tpu.memref_squeeze %dma_wait3A_267 : memref<1x256xi32, #tpu.memory_space<hbm>> -> memref<256xi32, #tpu.memory_space<hbm>>
          %dma_wait3A_269 = arith.constant 0 : i32
          %dma_wait3A_270 = tpu.memref_slice %arg4[%add3A_265, %dma_wait3A_269] : memref<1280x256xi32, #tpu.memory_space<hbm>> -> memref<1x256xi32, #tpu.memory_space<hbm>>
          %dma_wait3A_271 = tpu.memref_squeeze %dma_wait3A_270 : memref<1x256xi32, #tpu.memory_space<hbm>> -> memref<256xi32, #tpu.memory_space<hbm>>
          tpu.wait_dma2 semaphore(%arg35 : memref<!tpu.dma_semaphore, #tpu.memory_space<semaphore_mem>>) src(%dma_wait3A_271 : memref<256xi32, #tpu.memory_space<hbm>>) dst(%arg19 : memref<256xi32, #tpu.memory_space<vmem>>)
          %dma_start3A_272 = arith.constant 0 : i32
          %dma_start3A_273 = arith.constant 0 : i32
          %dma_start3A_274 = tpu.memref_slice %arg2[%dma_start3A_272, %dma_start3A_273] : memref<10000x64xf32, #tpu.memory_space<hbm>> -> memref<10000x64xf32, #tpu.memory_space<hbm>>
          tpu.enqueue_indirect_dma source(%dma_start3A_274 : memref<10000x64xf32, #tpu.memory_space<hbm>>) target(%arg23 : memref<256x64xf32, #tpu.memory_space<vmem>>) offsets(%arg19 : memref<256xi32, #tpu.memory_space<vmem>>) semaphore(%arg27 : memref<!tpu.dma_semaphore, #tpu.memory_space<semaphore_mem>>)
        } else {
        }
        %dma_wait3A_236 = arith.constant 0 : i32
        %dma_wait3A_237 = arith.constant 0 : i32
        %dma_wait3A_238 = tpu.memref_slice %arg2[%dma_wait3A_236, %dma_wait3A_237] : memref<10000x64xf32, #tpu.memory_space<hbm>> -> memref<10000x64xf32, #tpu.memory_space<hbm>>
        tpu.wait_indirect_dma semaphore(%arg29 : memref<!tpu.dma_semaphore, #tpu.memory_space<semaphore_mem>>) src(%dma_wait3A_238 : memref<10000x64xf32, #tpu.memory_space<hbm>>) dst(%arg25 : memref<256x64xf32, #tpu.memory_space<vmem>>)
        %lt3A_239 = arith.constant 19 : i32
        %lt3A_240 = arith.cmpi slt, %scan3A_99, %lt3A_239 : i32
        %convert_element_type3A_241 = arith.extui %lt3A_240 : i1 to i32
        %cond3A_242 = arith.constant 0 : i32
        %cond3A_243 = arith.cmpi ne, %convert_element_type3A_241, %cond3A_242 : i32
        scf.if %cond3A_243 {
          %add3A_254 = arith.constant 4 : i32
          %add3A_255 = arith.addi %add3A_227, %add3A_254 : i32
          %add3A_256 = arith.addi %mul3A_20, %add3A_255 : i32
          %dma_start3A_257 = arith.constant 0 : i32
          %dma_start3A_258 = tpu.memref_slice %arg4[%add3A_256, %dma_start3A_257] : memref<1280x256xi32, #tpu.memory_space<hbm>> -> memref<1x256xi32, #tpu.memory_space<hbm>>
          %dma_start3A_259 = tpu.memref_squeeze %dma_start3A_258 : memref<1x256xi32, #tpu.memory_space<hbm>> -> memref<256xi32, #tpu.memory_space<hbm>>
          %dma_start3A_260 = arith.constant 0 : i32
          %dma_start3A_261 = tpu.memref_slice %arg4[%add3A_256, %dma_start3A_260] : memref<1280x256xi32, #tpu.memory_space<hbm>> -> memref<1x256xi32, #tpu.memory_space<hbm>>
          %dma_start3A_262 = tpu.memref_squeeze %dma_start3A_261 : memref<1x256xi32, #tpu.memory_space<hbm>> -> memref<256xi32, #tpu.memory_space<hbm>>
          tpu.enqueue_dma source(%dma_start3A_262 : memref<256xi32, #tpu.memory_space<hbm>>) target(%arg21 : memref<256xi32, #tpu.memory_space<vmem>>) target_semaphore(%arg37 : memref<!tpu.dma_semaphore, #tpu.memory_space<semaphore_mem>>)
        } else {
        }
        %add3A_244 = arith.addi %mul3A_20, %add3A_227 : i32
        %dma_wait3A_245 = arith.constant 0 : i32
        %dma_wait3A_246 = tpu.memref_slice %arg5[%add3A_244, %dma_wait3A_245] : memref<1280x256xi32, #tpu.memory_space<hbm>> -> memref<1x256xi32, #tpu.memory_space<hbm>>
        %dma_wait3A_247 = tpu.memref_squeeze %dma_wait3A_246 : memref<1x256xi32, #tpu.memory_space<hbm>> -> memref<256xi32, #tpu.memory_space<hbm>>
        %dma_wait3A_248 = arith.constant 0 : i32
        %dma_wait3A_249 = tpu.memref_slice %arg5[%add3A_244, %dma_wait3A_248] : memref<1280x256xi32, #tpu.memory_space<hbm>> -> memref<1x256xi32, #tpu.memory_space<hbm>>
        %dma_wait3A_250 = tpu.memref_squeeze %dma_wait3A_249 : memref<1x256xi32, #tpu.memory_space<hbm>> -> memref<256xi32, #tpu.memory_space<hbm>>
        tpu.wait_dma2 semaphore(%arg33 : memref<!tpu.dma_semaphore, #tpu.memory_space<semaphore_mem>>) src(%dma_wait3A_250 : memref<256xi32, #tpu.memory_space<hbm>>) dst(%arg17 : memref<256xi32, #tpu.memory_space<vmem>>)
        %dma_start3A_251 = arith.constant 0 : i32
        %dma_start3A_252 = arith.constant 0 : i32
        %dma_start3A_253 = tpu.memref_slice %arg13[%dma_start3A_251, %dma_start3A_252] : memref<10240x64xf32, #tpu.memory_space<vmem_shared>> -> memref<10240x64xf32, #tpu.memory_space<vmem_shared>>
        tpu.enqueue_indirect_dma source(%arg25 : memref<256x64xf32, #tpu.memory_space<vmem>>) target(%dma_start3A_253 : memref<10240x64xf32, #tpu.memory_space<vmem_shared>>) offsets(%arg17 : memref<256xi32, #tpu.memory_space<vmem>>) semaphore(%arg41 : memref<!tpu.dma_semaphore, #tpu.memory_space<semaphore_mem>>) {add = true}
      }
      %scan3A_92 = arith.constant 20 : i32
      %dma_wait3A_93 = arith.constant 0 : i32
      %dma_wait3A_94 = arith.constant 0 : i32
      %dma_wait3A_95 = tpu.memref_slice %arg13[%dma_wait3A_93, %dma_wait3A_94] : memref<10240x64xf32, #tpu.memory_space<vmem_shared>> -> memref<10240x64xf32, #tpu.memory_space<vmem_shared>>
      tpu.wait_indirect_dma semaphore(%arg40 : memref<!tpu.dma_semaphore, #tpu.memory_space<semaphore_mem>>) src(%arg24 : memref<256x64xf32, #tpu.memory_space<vmem>>) dst(%dma_wait3A_95 : memref<10240x64xf32, #tpu.memory_space<vmem_shared>>)
      %dma_wait3A_96 = arith.constant 0 : i32
      %dma_wait3A_97 = arith.constant 0 : i32
      %dma_wait3A_98 = tpu.memref_slice %arg13[%dma_wait3A_96, %dma_wait3A_97] : memref<10240x64xf32, #tpu.memory_space<vmem_shared>> -> memref<10240x64xf32, #tpu.memory_space<vmem_shared>>
      tpu.wait_indirect_dma semaphore(%arg41 : memref<!tpu.dma_semaphore, #tpu.memory_space<semaphore_mem>>) src(%arg25 : memref<256x64xf32, #tpu.memory_space<vmem>>) dst(%dma_wait3A_98 : memref<10240x64xf32, #tpu.memory_space<vmem_shared>>)
    } else {
    }
    %eq3A_3 = arith.constant 1 : i32
    %eq3A_4 = arith.cmpi eq, %arg0, %eq3A_3 : i32
    %convert_element_type3A_5 = arith.extui %eq3A_4 : i1 to i32
    %cond3A_6 = arith.constant 0 : i32
    %cond3A_7 = arith.cmpi ne, %convert_element_type3A_5, %cond3A_6 : i32
    scf.if %cond3A_7 {
      %mul3A_19 = arith.constant 80 : i32
      %mul3A_20 = arith.muli %arg1, %mul3A_19 : i32
      %add3A = arith.constant 0 : i32
      %add3A_21 = arith.addi %mul3A_20, %add3A : i32
      %dma_start3A = arith.constant 0 : i32
      %dma_start3A_22 = tpu.memref_slice %arg6[%add3A_21, %dma_start3A] : memref<1280x256xi32, #tpu.memory_space<hbm>> -> memref<1x256xi32, #tpu.memory_space<hbm>>
      %dma_start3A_23 = tpu.memref_squeeze %dma_start3A_22 : memref<1x256xi32, #tpu.memory_space<hbm>> -> memref<256xi32, #tpu.memory_space<hbm>>
      %dma_start3A_24 = arith.constant 0 : i32
      %dma_start3A_25 = tpu.memref_slice %arg6[%add3A_21, %dma_start3A_24] : memref<1280x256xi32, #tpu.memory_space<hbm>> -> memref<1x256xi32, #tpu.memory_space<hbm>>
      %dma_start3A_26 = tpu.memref_squeeze %dma_start3A_25 : memref<1x256xi32, #tpu.memory_space<hbm>> -> memref<256xi32, #tpu.memory_space<hbm>>
      tpu.enqueue_dma source(%dma_start3A_26 : memref<256xi32, #tpu.memory_space<hbm>>) target(%arg18 : memref<256xi32, #tpu.memory_space<vmem>>) target_semaphore(%arg34 : memref<!tpu.dma_semaphore, #tpu.memory_space<semaphore_mem>>)
      %add3A_27 = arith.constant 1 : i32
      %add3A_28 = arith.addi %mul3A_20, %add3A_27 : i32
      %dma_start3A_29 = arith.constant 0 : i32
      %dma_start3A_30 = tpu.memref_slice %arg6[%add3A_28, %dma_start3A_29] : memref<1280x256xi32, #tpu.memory_space<hbm>> -> memref<1x256xi32, #tpu.memory_space<hbm>>
      %dma_start3A_31 = tpu.memref_squeeze %dma_start3A_30 : memref<1x256xi32, #tpu.memory_space<hbm>> -> memref<256xi32, #tpu.memory_space<hbm>>
      %dma_start3A_32 = arith.constant 0 : i32
      %dma_start3A_33 = tpu.memref_slice %arg6[%add3A_28, %dma_start3A_32] : memref<1280x256xi32, #tpu.memory_space<hbm>> -> memref<1x256xi32, #tpu.memory_space<hbm>>
      %dma_start3A_34 = tpu.memref_squeeze %dma_start3A_33 : memref<1x256xi32, #tpu.memory_space<hbm>> -> memref<256xi32, #tpu.memory_space<hbm>>
      tpu.enqueue_dma source(%dma_start3A_34 : memref<256xi32, #tpu.memory_space<hbm>>) target(%arg19 : memref<256xi32, #tpu.memory_space<vmem>>) target_semaphore(%arg35 : memref<!tpu.dma_semaphore, #tpu.memory_space<semaphore_mem>>)
      %add3A_35 = arith.constant 2 : i32
      %add3A_36 = arith.addi %mul3A_20, %add3A_35 : i32
      %dma_start3A_37 = arith.constant 0 : i32
      %dma_start3A_38 = tpu.memref_slice %arg6[%add3A_36, %dma_start3A_37] : memref<1280x256xi32, #tpu.memory_space<hbm>> -> memref<1x256xi32, #tpu.memory_space<hbm>>
      %dma_start3A_39 = tpu.memref_squeeze %dma_start3A_38 : memref<1x256xi32, #tpu.memory_space<hbm>> -> memref<256xi32, #tpu.memory_space<hbm>>
      %dma_start3A_40 = arith.constant 0 : i32
      %dma_start3A_41 = tpu.memref_slice %arg6[%add3A_36, %dma_start3A_40] : memref<1280x256xi32, #tpu.memory_space<hbm>> -> memref<1x256xi32, #tpu.memory_space<hbm>>
      %dma_start3A_42 = tpu.memref_squeeze %dma_start3A_41 : memref<1x256xi32, #tpu.memory_space<hbm>> -> memref<256xi32, #tpu.memory_space<hbm>>
      tpu.enqueue_dma source(%dma_start3A_42 : memref<256xi32, #tpu.memory_space<hbm>>) target(%arg20 : memref<256xi32, #tpu.memory_space<vmem>>) target_semaphore(%arg36 : memref<!tpu.dma_semaphore, #tpu.memory_space<semaphore_mem>>)
      %add3A_43 = arith.constant 3 : i32
      %add3A_44 = arith.addi %mul3A_20, %add3A_43 : i32
      %dma_start3A_45 = arith.constant 0 : i32
      %dma_start3A_46 = tpu.memref_slice %arg6[%add3A_44, %dma_start3A_45] : memref<1280x256xi32, #tpu.memory_space<hbm>> -> memref<1x256xi32, #tpu.memory_space<hbm>>
      %dma_start3A_47 = tpu.memref_squeeze %dma_start3A_46 : memref<1x256xi32, #tpu.memory_space<hbm>> -> memref<256xi32, #tpu.memory_space<hbm>>
      %dma_start3A_48 = arith.constant 0 : i32
      %dma_start3A_49 = tpu.memref_slice %arg6[%add3A_44, %dma_start3A_48] : memref<1280x256xi32, #tpu.memory_space<hbm>> -> memref<1x256xi32, #tpu.memory_space<hbm>>
      %dma_start3A_50 = tpu.memref_squeeze %dma_start3A_49 : memref<1x256xi32, #tpu.memory_space<hbm>> -> memref<256xi32, #tpu.memory_space<hbm>>
      tpu.enqueue_dma source(%dma_start3A_50 : memref<256xi32, #tpu.memory_space<hbm>>) target(%arg21 : memref<256xi32, #tpu.memory_space<vmem>>) target_semaphore(%arg37 : memref<!tpu.dma_semaphore, #tpu.memory_space<semaphore_mem>>)
      %add3A_51 = arith.constant 0 : i32
      %add3A_52 = arith.addi %mul3A_20, %add3A_51 : i32
      %dma_start3A_53 = arith.constant 0 : i32
      %dma_start3A_54 = tpu.memref_slice %arg7[%add3A_52, %dma_start3A_53] : memref<1280x256xi32, #tpu.memory_space<hbm>> -> memref<1x256xi32, #tpu.memory_space<hbm>>
      %dma_start3A_55 = tpu.memref_squeeze %dma_start3A_54 : memref<1x256xi32, #tpu.memory_space<hbm>> -> memref<256xi32, #tpu.memory_space<hbm>>
      %dma_start3A_56 = arith.constant 0 : i32
      %dma_start3A_57 = tpu.memref_slice %arg7[%add3A_52, %dma_start3A_56] : memref<1280x256xi32, #tpu.memory_space<hbm>> -> memref<1x256xi32, #tpu.memory_space<hbm>>
      %dma_start3A_58 = tpu.memref_squeeze %dma_start3A_57 : memref<1x256xi32, #tpu.memory_space<hbm>> -> memref<256xi32, #tpu.memory_space<hbm>>
      tpu.enqueue_dma source(%dma_start3A_58 : memref<256xi32, #tpu.memory_space<hbm>>) target(%arg14 : memref<256xi32, #tpu.memory_space<vmem>>) target_semaphore(%arg30 : memref<!tpu.dma_semaphore, #tpu.memory_space<semaphore_mem>>)
      %add3A_59 = arith.constant 1 : i32
      %add3A_60 = arith.addi %mul3A_20, %add3A_59 : i32
      %dma_start3A_61 = arith.constant 0 : i32
      %dma_start3A_62 = tpu.memref_slice %arg7[%add3A_60, %dma_start3A_61] : memref<1280x256xi32, #tpu.memory_space<hbm>> -> memref<1x256xi32, #tpu.memory_space<hbm>>
      %dma_start3A_63 = tpu.memref_squeeze %dma_start3A_62 : memref<1x256xi32, #tpu.memory_space<hbm>> -> memref<256xi32, #tpu.memory_space<hbm>>
      %dma_start3A_64 = arith.constant 0 : i32
      %dma_start3A_65 = tpu.memref_slice %arg7[%add3A_60, %dma_start3A_64] : memref<1280x256xi32, #tpu.memory_space<hbm>> -> memref<1x256xi32, #tpu.memory_space<hbm>>
      %dma_start3A_66 = tpu.memref_squeeze %dma_start3A_65 : memref<1x256xi32, #tpu.memory_space<hbm>> -> memref<256xi32, #tpu.memory_space<hbm>>
      tpu.enqueue_dma source(%dma_start3A_66 : memref<256xi32, #tpu.memory_space<hbm>>) target(%arg15 : memref<256xi32, #tpu.memory_space<vmem>>) target_semaphore(%arg31 : memref<!tpu.dma_semaphore, #tpu.memory_space<semaphore_mem>>)
      %add3A_67 = arith.constant 0 : i32
      %add3A_68 = arith.addi %mul3A_20, %add3A_67 : i32
      %dma_wait3A = arith.constant 0 : i32
      %dma_wait3A_69 = tpu.memref_slice %arg6[%add3A_68, %dma_wait3A] : memref<1280x256xi32, #tpu.memory_space<hbm>> -> memref<1x256xi32, #tpu.memory_space<hbm>>
      %dma_wait3A_70 = tpu.memref_squeeze %dma_wait3A_69 : memref<1x256xi32, #tpu.memory_space<hbm>> -> memref<256xi32, #tpu.memory_space<hbm>>
      %dma_wait3A_71 = arith.constant 0 : i32
      %dma_wait3A_72 = tpu.memref_slice %arg6[%add3A_68, %dma_wait3A_71] : memref<1280x256xi32, #tpu.memory_space<hbm>> -> memref<1x256xi32, #tpu.memory_space<hbm>>
      %dma_wait3A_73 = tpu.memref_squeeze %dma_wait3A_72 : memref<1x256xi32, #tpu.memory_space<hbm>> -> memref<256xi32, #tpu.memory_space<hbm>>
      tpu.wait_dma2 semaphore(%arg34 : memref<!tpu.dma_semaphore, #tpu.memory_space<semaphore_mem>>) src(%dma_wait3A_73 : memref<256xi32, #tpu.memory_space<hbm>>) dst(%arg18 : memref<256xi32, #tpu.memory_space<vmem>>)
      %dma_start3A_74 = arith.constant 0 : i32
      %dma_start3A_75 = arith.constant 0 : i32
      %dma_start3A_76 = tpu.memref_slice %arg3[%dma_start3A_74, %dma_start3A_75] : memref<10000x64xf32, #tpu.memory_space<hbm>> -> memref<10000x64xf32, #tpu.memory_space<hbm>>
      tpu.enqueue_indirect_dma source(%dma_start3A_76 : memref<10000x64xf32, #tpu.memory_space<hbm>>) target(%arg22 : memref<256x64xf32, #tpu.memory_space<vmem>>) offsets(%arg18 : memref<256xi32, #tpu.memory_space<vmem>>) semaphore(%arg26 : memref<!tpu.dma_semaphore, #tpu.memory_space<semaphore_mem>>)
      %add3A_77 = arith.constant 1 : i32
      %add3A_78 = arith.addi %mul3A_20, %add3A_77 : i32
      %dma_wait3A_79 = arith.constant 0 : i32
      %dma_wait3A_80 = tpu.memref_slice %arg6[%add3A_78, %dma_wait3A_79] : memref<1280x256xi32, #tpu.memory_space<hbm>> -> memref<1x256xi32, #tpu.memory_space<hbm>>
      %dma_wait3A_81 = tpu.memref_squeeze %dma_wait3A_80 : memref<1x256xi32, #tpu.memory_space<hbm>> -> memref<256xi32, #tpu.memory_space<hbm>>
      %dma_wait3A_82 = arith.constant 0 : i32
      %dma_wait3A_83 = tpu.memref_slice %arg6[%add3A_78, %dma_wait3A_82] : memref<1280x256xi32, #tpu.memory_space<hbm>> -> memref<1x256xi32, #tpu.memory_space<hbm>>
      %dma_wait3A_84 = tpu.memref_squeeze %dma_wait3A_83 : memref<1x256xi32, #tpu.memory_space<hbm>> -> memref<256xi32, #tpu.memory_space<hbm>>
      tpu.wait_dma2 semaphore(%arg35 : memref<!tpu.dma_semaphore, #tpu.memory_space<semaphore_mem>>) src(%dma_wait3A_84 : memref<256xi32, #tpu.memory_space<hbm>>) dst(%arg19 : memref<256xi32, #tpu.memory_space<vmem>>)
      %dma_start3A_85 = arith.constant 0 : i32
      %dma_start3A_86 = arith.constant 0 : i32
      %dma_start3A_87 = tpu.memref_slice %arg3[%dma_start3A_85, %dma_start3A_86] : memref<10000x64xf32, #tpu.memory_space<hbm>> -> memref<10000x64xf32, #tpu.memory_space<hbm>>
      tpu.enqueue_indirect_dma source(%dma_start3A_87 : memref<10000x64xf32, #tpu.memory_space<hbm>>) target(%arg23 : memref<256x64xf32, #tpu.memory_space<vmem>>) offsets(%arg19 : memref<256xi32, #tpu.memory_space<vmem>>) semaphore(%arg27 : memref<!tpu.dma_semaphore, #tpu.memory_space<semaphore_mem>>)
      %scan3A = arith.constant 0 : i32
      %scan3A_88 = arith.constant 0 : i32
      %scan3A_89 = arith.constant 20 : i32
      %scan3A_90 = arith.addi %scan3A_88, %scan3A_89 : i32
      %scan3A_91 = arith.constant 1 : i32
      scf.for %scan3A_99 = %scan3A_88 to %scan3A_90 step %scan3A_91  : i32 {
        %mul3A_100 = arith.constant 4 : i32
        %mul3A_101 = arith.muli %scan3A_99, %mul3A_100 : i32
        %add3A_102 = arith.constant 0 : i32
        %add3A_103 = arith.addi %mul3A_101, %add3A_102 : i32
        %gt3A = arith.constant 0 : i32
        %gt3A_104 = arith.cmpi sgt, %scan3A_99, %gt3A : i32
        %convert_element_type3A_105 = arith.extui %gt3A_104 : i1 to i32
        %cond3A_106 = arith.constant 0 : i32
        %cond3A_107 = arith.cmpi ne, %convert_element_type3A_105, %cond3A_106 : i32
        scf.if %cond3A_107 {
          %dma_wait3A_254 = arith.constant 0 : i32
          %dma_wait3A_255 = arith.constant 0 : i32
          %dma_wait3A_256 = tpu.memref_slice %arg13[%dma_wait3A_254, %dma_wait3A_255] : memref<10240x64xf32, #tpu.memory_space<vmem_shared>> -> memref<10240x64xf32, #tpu.memory_space<vmem_shared>>
          tpu.wait_indirect_dma semaphore(%arg40 : memref<!tpu.dma_semaphore, #tpu.memory_space<semaphore_mem>>) src(%arg24 : memref<256x64xf32, #tpu.memory_space<vmem>>) dst(%dma_wait3A_256 : memref<10240x64xf32, #tpu.memory_space<vmem_shared>>)
        } else {
        }
        %add3A_108 = arith.constant 2 : i32
        %add3A_109 = arith.addi %add3A_103, %add3A_108 : i32
        %add3A_110 = arith.addi %mul3A_20, %add3A_109 : i32
        %dma_start3A_111 = arith.constant 0 : i32
        %dma_start3A_112 = tpu.memref_slice %arg7[%add3A_110, %dma_start3A_111] : memref<1280x256xi32, #tpu.memory_space<hbm>> -> memref<1x256xi32, #tpu.memory_space<hbm>>
        %dma_start3A_113 = tpu.memref_squeeze %dma_start3A_112 : memref<1x256xi32, #tpu.memory_space<hbm>> -> memref<256xi32, #tpu.memory_space<hbm>>
        %dma_start3A_114 = arith.constant 0 : i32
        %dma_start3A_115 = tpu.memref_slice %arg7[%add3A_110, %dma_start3A_114] : memref<1280x256xi32, #tpu.memory_space<hbm>> -> memref<1x256xi32, #tpu.memory_space<hbm>>
        %dma_start3A_116 = tpu.memref_squeeze %dma_start3A_115 : memref<1x256xi32, #tpu.memory_space<hbm>> -> memref<256xi32, #tpu.memory_space<hbm>>
        tpu.enqueue_dma source(%dma_start3A_116 : memref<256xi32, #tpu.memory_space<hbm>>) target(%arg16 : memref<256xi32, #tpu.memory_space<vmem>>) target_semaphore(%arg32 : memref<!tpu.dma_semaphore, #tpu.memory_space<semaphore_mem>>)
        %add3A_117 = arith.constant 2 : i32
        %add3A_118 = arith.addi %add3A_103, %add3A_117 : i32
        %add3A_119 = arith.addi %mul3A_20, %add3A_118 : i32
        %dma_wait3A_120 = arith.constant 0 : i32
        %dma_wait3A_121 = tpu.memref_slice %arg6[%add3A_119, %dma_wait3A_120] : memref<1280x256xi32, #tpu.memory_space<hbm>> -> memref<1x256xi32, #tpu.memory_space<hbm>>
        %dma_wait3A_122 = tpu.memref_squeeze %dma_wait3A_121 : memref<1x256xi32, #tpu.memory_space<hbm>> -> memref<256xi32, #tpu.memory_space<hbm>>
        %dma_wait3A_123 = arith.constant 0 : i32
        %dma_wait3A_124 = tpu.memref_slice %arg6[%add3A_119, %dma_wait3A_123] : memref<1280x256xi32, #tpu.memory_space<hbm>> -> memref<1x256xi32, #tpu.memory_space<hbm>>
        %dma_wait3A_125 = tpu.memref_squeeze %dma_wait3A_124 : memref<1x256xi32, #tpu.memory_space<hbm>> -> memref<256xi32, #tpu.memory_space<hbm>>
        tpu.wait_dma2 semaphore(%arg36 : memref<!tpu.dma_semaphore, #tpu.memory_space<semaphore_mem>>) src(%dma_wait3A_125 : memref<256xi32, #tpu.memory_space<hbm>>) dst(%arg20 : memref<256xi32, #tpu.memory_space<vmem>>)
        %dma_start3A_126 = arith.constant 0 : i32
        %dma_start3A_127 = arith.constant 0 : i32
        %dma_start3A_128 = tpu.memref_slice %arg3[%dma_start3A_126, %dma_start3A_127] : memref<10000x64xf32, #tpu.memory_space<hbm>> -> memref<10000x64xf32, #tpu.memory_space<hbm>>
        tpu.enqueue_indirect_dma source(%dma_start3A_128 : memref<10000x64xf32, #tpu.memory_space<hbm>>) target(%arg24 : memref<256x64xf32, #tpu.memory_space<vmem>>) offsets(%arg20 : memref<256xi32, #tpu.memory_space<vmem>>) semaphore(%arg28 : memref<!tpu.dma_semaphore, #tpu.memory_space<semaphore_mem>>)
        %dma_wait3A_129 = arith.constant 0 : i32
        %dma_wait3A_130 = arith.constant 0 : i32
        %dma_wait3A_131 = tpu.memref_slice %arg3[%dma_wait3A_129, %dma_wait3A_130] : memref<10000x64xf32, #tpu.memory_space<hbm>> -> memref<10000x64xf32, #tpu.memory_space<hbm>>
        tpu.wait_indirect_dma semaphore(%arg26 : memref<!tpu.dma_semaphore, #tpu.memory_space<semaphore_mem>>) src(%dma_wait3A_131 : memref<10000x64xf32, #tpu.memory_space<hbm>>) dst(%arg22 : memref<256x64xf32, #tpu.memory_space<vmem>>)
        %lt3A = arith.constant 19 : i32
        %lt3A_132 = arith.cmpi slt, %scan3A_99, %lt3A : i32
        %convert_element_type3A_133 = arith.extui %lt3A_132 : i1 to i32
        %cond3A_134 = arith.constant 0 : i32
        %cond3A_135 = arith.cmpi ne, %convert_element_type3A_133, %cond3A_134 : i32
        scf.if %cond3A_135 {
          %add3A_254 = arith.constant 4 : i32
          %add3A_255 = arith.addi %add3A_103, %add3A_254 : i32
          %add3A_256 = arith.addi %mul3A_20, %add3A_255 : i32
          %dma_start3A_257 = arith.constant 0 : i32
          %dma_start3A_258 = tpu.memref_slice %arg6[%add3A_256, %dma_start3A_257] : memref<1280x256xi32, #tpu.memory_space<hbm>> -> memref<1x256xi32, #tpu.memory_space<hbm>>
          %dma_start3A_259 = tpu.memref_squeeze %dma_start3A_258 : memref<1x256xi32, #tpu.memory_space<hbm>> -> memref<256xi32, #tpu.memory_space<hbm>>
          %dma_start3A_260 = arith.constant 0 : i32
          %dma_start3A_261 = tpu.memref_slice %arg6[%add3A_256, %dma_start3A_260] : memref<1280x256xi32, #tpu.memory_space<hbm>> -> memref<1x256xi32, #tpu.memory_space<hbm>>
          %dma_start3A_262 = tpu.memref_squeeze %dma_start3A_261 : memref<1x256xi32, #tpu.memory_space<hbm>> -> memref<256xi32, #tpu.memory_space<hbm>>
          tpu.enqueue_dma source(%dma_start3A_262 : memref<256xi32, #tpu.memory_space<hbm>>) target(%arg18 : memref<256xi32, #tpu.memory_space<vmem>>) target_semaphore(%arg34 : memref<!tpu.dma_semaphore, #tpu.memory_space<semaphore_mem>>)
        } else {
        }
        %add3A_136 = arith.addi %mul3A_20, %add3A_103 : i32
        %dma_wait3A_137 = arith.constant 0 : i32
        %dma_wait3A_138 = tpu.memref_slice %arg7[%add3A_136, %dma_wait3A_137] : memref<1280x256xi32, #tpu.memory_space<hbm>> -> memref<1x256xi32, #tpu.memory_space<hbm>>
        %dma_wait3A_139 = tpu.memref_squeeze %dma_wait3A_138 : memref<1x256xi32, #tpu.memory_space<hbm>> -> memref<256xi32, #tpu.memory_space<hbm>>
        %dma_wait3A_140 = arith.constant 0 : i32
        %dma_wait3A_141 = tpu.memref_slice %arg7[%add3A_136, %dma_wait3A_140] : memref<1280x256xi32, #tpu.memory_space<hbm>> -> memref<1x256xi32, #tpu.memory_space<hbm>>
        %dma_wait3A_142 = tpu.memref_squeeze %dma_wait3A_141 : memref<1x256xi32, #tpu.memory_space<hbm>> -> memref<256xi32, #tpu.memory_space<hbm>>
        tpu.wait_dma2 semaphore(%arg30 : memref<!tpu.dma_semaphore, #tpu.memory_space<semaphore_mem>>) src(%dma_wait3A_142 : memref<256xi32, #tpu.memory_space<hbm>>) dst(%arg14 : memref<256xi32, #tpu.memory_space<vmem>>)
        %dma_start3A_143 = arith.constant 0 : i32
        %dma_start3A_144 = arith.constant 0 : i32
        %dma_start3A_145 = tpu.memref_slice %arg13[%dma_start3A_143, %dma_start3A_144] : memref<10240x64xf32, #tpu.memory_space<vmem_shared>> -> memref<10240x64xf32, #tpu.memory_space<vmem_shared>>
        tpu.enqueue_indirect_dma source(%arg22 : memref<256x64xf32, #tpu.memory_space<vmem>>) target(%dma_start3A_145 : memref<10240x64xf32, #tpu.memory_space<vmem_shared>>) offsets(%arg14 : memref<256xi32, #tpu.memory_space<vmem>>) semaphore(%arg38 : memref<!tpu.dma_semaphore, #tpu.memory_space<semaphore_mem>>) {add = true}
        %mul3A_146 = arith.constant 4 : i32
        %mul3A_147 = arith.muli %scan3A_99, %mul3A_146 : i32
        %add3A_148 = arith.constant 1 : i32
        %add3A_149 = arith.addi %mul3A_147, %add3A_148 : i32
        %gt3A_150 = arith.constant 0 : i32
        %gt3A_151 = arith.cmpi sgt, %scan3A_99, %gt3A_150 : i32
        %convert_element_type3A_152 = arith.extui %gt3A_151 : i1 to i32
        %cond3A_153 = arith.constant 0 : i32
        %cond3A_154 = arith.cmpi ne, %convert_element_type3A_152, %cond3A_153 : i32
        scf.if %cond3A_154 {
          %dma_wait3A_254 = arith.constant 0 : i32
          %dma_wait3A_255 = arith.constant 0 : i32
          %dma_wait3A_256 = tpu.memref_slice %arg13[%dma_wait3A_254, %dma_wait3A_255] : memref<10240x64xf32, #tpu.memory_space<vmem_shared>> -> memref<10240x64xf32, #tpu.memory_space<vmem_shared>>
          tpu.wait_indirect_dma semaphore(%arg41 : memref<!tpu.dma_semaphore, #tpu.memory_space<semaphore_mem>>) src(%arg25 : memref<256x64xf32, #tpu.memory_space<vmem>>) dst(%dma_wait3A_256 : memref<10240x64xf32, #tpu.memory_space<vmem_shared>>)
        } else {
        }
        %add3A_155 = arith.constant 2 : i32
        %add3A_156 = arith.addi %add3A_149, %add3A_155 : i32
        %add3A_157 = arith.addi %mul3A_20, %add3A_156 : i32
        %dma_start3A_158 = arith.constant 0 : i32
        %dma_start3A_159 = tpu.memref_slice %arg7[%add3A_157, %dma_start3A_158] : memref<1280x256xi32, #tpu.memory_space<hbm>> -> memref<1x256xi32, #tpu.memory_space<hbm>>
        %dma_start3A_160 = tpu.memref_squeeze %dma_start3A_159 : memref<1x256xi32, #tpu.memory_space<hbm>> -> memref<256xi32, #tpu.memory_space<hbm>>
        %dma_start3A_161 = arith.constant 0 : i32
        %dma_start3A_162 = tpu.memref_slice %arg7[%add3A_157, %dma_start3A_161] : memref<1280x256xi32, #tpu.memory_space<hbm>> -> memref<1x256xi32, #tpu.memory_space<hbm>>
        %dma_start3A_163 = tpu.memref_squeeze %dma_start3A_162 : memref<1x256xi32, #tpu.memory_space<hbm>> -> memref<256xi32, #tpu.memory_space<hbm>>
        tpu.enqueue_dma source(%dma_start3A_163 : memref<256xi32, #tpu.memory_space<hbm>>) target(%arg17 : memref<256xi32, #tpu.memory_space<vmem>>) target_semaphore(%arg33 : memref<!tpu.dma_semaphore, #tpu.memory_space<semaphore_mem>>)
        %add3A_164 = arith.constant 2 : i32
        %add3A_165 = arith.addi %add3A_149, %add3A_164 : i32
        %add3A_166 = arith.addi %mul3A_20, %add3A_165 : i32
        %dma_wait3A_167 = arith.constant 0 : i32
        %dma_wait3A_168 = tpu.memref_slice %arg6[%add3A_166, %dma_wait3A_167] : memref<1280x256xi32, #tpu.memory_space<hbm>> -> memref<1x256xi32, #tpu.memory_space<hbm>>
        %dma_wait3A_169 = tpu.memref_squeeze %dma_wait3A_168 : memref<1x256xi32, #tpu.memory_space<hbm>> -> memref<256xi32, #tpu.memory_space<hbm>>
        %dma_wait3A_170 = arith.constant 0 : i32
        %dma_wait3A_171 = tpu.memref_slice %arg6[%add3A_166, %dma_wait3A_170] : memref<1280x256xi32, #tpu.memory_space<hbm>> -> memref<1x256xi32, #tpu.memory_space<hbm>>
        %dma_wait3A_172 = tpu.memref_squeeze %dma_wait3A_171 : memref<1x256xi32, #tpu.memory_space<hbm>> -> memref<256xi32, #tpu.memory_space<hbm>>
        tpu.wait_dma2 semaphore(%arg37 : memref<!tpu.dma_semaphore, #tpu.memory_space<semaphore_mem>>) src(%dma_wait3A_172 : memref<256xi32, #tpu.memory_space<hbm>>) dst(%arg21 : memref<256xi32, #tpu.memory_space<vmem>>)
        %dma_start3A_173 = arith.constant 0 : i32
        %dma_start3A_174 = arith.constant 0 : i32
        %dma_start3A_175 = tpu.memref_slice %arg3[%dma_start3A_173, %dma_start3A_174] : memref<10000x64xf32, #tpu.memory_space<hbm>> -> memref<10000x64xf32, #tpu.memory_space<hbm>>
        tpu.enqueue_indirect_dma source(%dma_start3A_175 : memref<10000x64xf32, #tpu.memory_space<hbm>>) target(%arg25 : memref<256x64xf32, #tpu.memory_space<vmem>>) offsets(%arg21 : memref<256xi32, #tpu.memory_space<vmem>>) semaphore(%arg29 : memref<!tpu.dma_semaphore, #tpu.memory_space<semaphore_mem>>)
        %dma_wait3A_176 = arith.constant 0 : i32
        %dma_wait3A_177 = arith.constant 0 : i32
        %dma_wait3A_178 = tpu.memref_slice %arg3[%dma_wait3A_176, %dma_wait3A_177] : memref<10000x64xf32, #tpu.memory_space<hbm>> -> memref<10000x64xf32, #tpu.memory_space<hbm>>
        tpu.wait_indirect_dma semaphore(%arg27 : memref<!tpu.dma_semaphore, #tpu.memory_space<semaphore_mem>>) src(%dma_wait3A_178 : memref<10000x64xf32, #tpu.memory_space<hbm>>) dst(%arg23 : memref<256x64xf32, #tpu.memory_space<vmem>>)
        %lt3A_179 = arith.constant 19 : i32
        %lt3A_180 = arith.cmpi slt, %scan3A_99, %lt3A_179 : i32
        %convert_element_type3A_181 = arith.extui %lt3A_180 : i1 to i32
        %cond3A_182 = arith.constant 0 : i32
        %cond3A_183 = arith.cmpi ne, %convert_element_type3A_181, %cond3A_182 : i32
        scf.if %cond3A_183 {
          %add3A_254 = arith.constant 4 : i32
          %add3A_255 = arith.addi %add3A_149, %add3A_254 : i32
          %add3A_256 = arith.addi %mul3A_20, %add3A_255 : i32
          %dma_start3A_257 = arith.constant 0 : i32
          %dma_start3A_258 = tpu.memref_slice %arg6[%add3A_256, %dma_start3A_257] : memref<1280x256xi32, #tpu.memory_space<hbm>> -> memref<1x256xi32, #tpu.memory_space<hbm>>
          %dma_start3A_259 = tpu.memref_squeeze %dma_start3A_258 : memref<1x256xi32, #tpu.memory_space<hbm>> -> memref<256xi32, #tpu.memory_space<hbm>>
          %dma_start3A_260 = arith.constant 0 : i32
          %dma_start3A_261 = tpu.memref_slice %arg6[%add3A_256, %dma_start3A_260] : memref<1280x256xi32, #tpu.memory_space<hbm>> -> memref<1x256xi32, #tpu.memory_space<hbm>>
          %dma_start3A_262 = tpu.memref_squeeze %dma_start3A_261 : memref<1x256xi32, #tpu.memory_space<hbm>> -> memref<256xi32, #tpu.memory_space<hbm>>
          tpu.enqueue_dma source(%dma_start3A_262 : memref<256xi32, #tpu.memory_space<hbm>>) target(%arg19 : memref<256xi32, #tpu.memory_space<vmem>>) target_semaphore(%arg35 : memref<!tpu.dma_semaphore, #tpu.memory_space<semaphore_mem>>)
        } else {
        }
        %add3A_184 = arith.addi %mul3A_20, %add3A_149 : i32
        %dma_wait3A_185 = arith.constant 0 : i32
        %dma_wait3A_186 = tpu.memref_slice %arg7[%add3A_184, %dma_wait3A_185] : memref<1280x256xi32, #tpu.memory_space<hbm>> -> memref<1x256xi32, #tpu.memory_space<hbm>>
        %dma_wait3A_187 = tpu.memref_squeeze %dma_wait3A_186 : memref<1x256xi32, #tpu.memory_space<hbm>> -> memref<256xi32, #tpu.memory_space<hbm>>
        %dma_wait3A_188 = arith.constant 0 : i32
        %dma_wait3A_189 = tpu.memref_slice %arg7[%add3A_184, %dma_wait3A_188] : memref<1280x256xi32, #tpu.memory_space<hbm>> -> memref<1x256xi32, #tpu.memory_space<hbm>>
        %dma_wait3A_190 = tpu.memref_squeeze %dma_wait3A_189 : memref<1x256xi32, #tpu.memory_space<hbm>> -> memref<256xi32, #tpu.memory_space<hbm>>
        tpu.wait_dma2 semaphore(%arg31 : memref<!tpu.dma_semaphore, #tpu.memory_space<semaphore_mem>>) src(%dma_wait3A_190 : memref<256xi32, #tpu.memory_space<hbm>>) dst(%arg15 : memref<256xi32, #tpu.memory_space<vmem>>)
        %dma_start3A_191 = arith.constant 0 : i32
        %dma_start3A_192 = arith.constant 0 : i32
        %dma_start3A_193 = tpu.memref_slice %arg13[%dma_start3A_191, %dma_start3A_192] : memref<10240x64xf32, #tpu.memory_space<vmem_shared>> -> memref<10240x64xf32, #tpu.memory_space<vmem_shared>>
        tpu.enqueue_indirect_dma source(%arg23 : memref<256x64xf32, #tpu.memory_space<vmem>>) target(%dma_start3A_193 : memref<10240x64xf32, #tpu.memory_space<vmem_shared>>) offsets(%arg15 : memref<256xi32, #tpu.memory_space<vmem>>) semaphore(%arg39 : memref<!tpu.dma_semaphore, #tpu.memory_space<semaphore_mem>>) {add = true}
        %mul3A_194 = arith.constant 4 : i32
        %mul3A_195 = arith.muli %scan3A_99, %mul3A_194 : i32
        %add3A_196 = arith.constant 2 : i32
        %add3A_197 = arith.addi %mul3A_195, %add3A_196 : i32
        %dma_wait3A_198 = arith.constant 0 : i32
        %dma_wait3A_199 = arith.constant 0 : i32
        %dma_wait3A_200 = tpu.memref_slice %arg13[%dma_wait3A_198, %dma_wait3A_199] : memref<10240x64xf32, #tpu.memory_space<vmem_shared>> -> memref<10240x64xf32, #tpu.memory_space<vmem_shared>>
        tpu.wait_indirect_dma semaphore(%arg38 : memref<!tpu.dma_semaphore, #tpu.memory_space<semaphore_mem>>) src(%arg22 : memref<256x64xf32, #tpu.memory_space<vmem>>) dst(%dma_wait3A_200 : memref<10240x64xf32, #tpu.memory_space<vmem_shared>>)
        %lt3A_201 = arith.constant 19 : i32
        %lt3A_202 = arith.cmpi slt, %scan3A_99, %lt3A_201 : i32
        %convert_element_type3A_203 = arith.extui %lt3A_202 : i1 to i32
        %cond3A_204 = arith.constant 0 : i32
        %cond3A_205 = arith.cmpi ne, %convert_element_type3A_203, %cond3A_204 : i32
        scf.if %cond3A_205 {
          %add3A_254 = arith.constant 2 : i32
          %add3A_255 = arith.addi %add3A_197, %add3A_254 : i32
          %add3A_256 = arith.addi %mul3A_20, %add3A_255 : i32
          %dma_start3A_257 = arith.constant 0 : i32
          %dma_start3A_258 = tpu.memref_slice %arg7[%add3A_256, %dma_start3A_257] : memref<1280x256xi32, #tpu.memory_space<hbm>> -> memref<1x256xi32, #tpu.memory_space<hbm>>
          %dma_start3A_259 = tpu.memref_squeeze %dma_start3A_258 : memref<1x256xi32, #tpu.memory_space<hbm>> -> memref<256xi32, #tpu.memory_space<hbm>>
          %dma_start3A_260 = arith.constant 0 : i32
          %dma_start3A_261 = tpu.memref_slice %arg7[%add3A_256, %dma_start3A_260] : memref<1280x256xi32, #tpu.memory_space<hbm>> -> memref<1x256xi32, #tpu.memory_space<hbm>>
          %dma_start3A_262 = tpu.memref_squeeze %dma_start3A_261 : memref<1x256xi32, #tpu.memory_space<hbm>> -> memref<256xi32, #tpu.memory_space<hbm>>
          tpu.enqueue_dma source(%dma_start3A_262 : memref<256xi32, #tpu.memory_space<hbm>>) target(%arg14 : memref<256xi32, #tpu.memory_space<vmem>>) target_semaphore(%arg30 : memref<!tpu.dma_semaphore, #tpu.memory_space<semaphore_mem>>)
          %add3A_263 = arith.constant 2 : i32
          %add3A_264 = arith.addi %add3A_197, %add3A_263 : i32
          %add3A_265 = arith.addi %mul3A_20, %add3A_264 : i32
          %dma_wait3A_266 = arith.constant 0 : i32
          %dma_wait3A_267 = tpu.memref_slice %arg6[%add3A_265, %dma_wait3A_266] : memref<1280x256xi32, #tpu.memory_space<hbm>> -> memref<1x256xi32, #tpu.memory_space<hbm>>
          %dma_wait3A_268 = tpu.memref_squeeze %dma_wait3A_267 : memref<1x256xi32, #tpu.memory_space<hbm>> -> memref<256xi32, #tpu.memory_space<hbm>>
          %dma_wait3A_269 = arith.constant 0 : i32
          %dma_wait3A_270 = tpu.memref_slice %arg6[%add3A_265, %dma_wait3A_269] : memref<1280x256xi32, #tpu.memory_space<hbm>> -> memref<1x256xi32, #tpu.memory_space<hbm>>
          %dma_wait3A_271 = tpu.memref_squeeze %dma_wait3A_270 : memref<1x256xi32, #tpu.memory_space<hbm>> -> memref<256xi32, #tpu.memory_space<hbm>>
          tpu.wait_dma2 semaphore(%arg34 : memref<!tpu.dma_semaphore, #tpu.memory_space<semaphore_mem>>) src(%dma_wait3A_271 : memref<256xi32, #tpu.memory_space<hbm>>) dst(%arg18 : memref<256xi32, #tpu.memory_space<vmem>>)
          %dma_start3A_272 = arith.constant 0 : i32
          %dma_start3A_273 = arith.constant 0 : i32
          %dma_start3A_274 = tpu.memref_slice %arg3[%dma_start3A_272, %dma_start3A_273] : memref<10000x64xf32, #tpu.memory_space<hbm>> -> memref<10000x64xf32, #tpu.memory_space<hbm>>
          tpu.enqueue_indirect_dma source(%dma_start3A_274 : memref<10000x64xf32, #tpu.memory_space<hbm>>) target(%arg22 : memref<256x64xf32, #tpu.memory_space<vmem>>) offsets(%arg18 : memref<256xi32, #tpu.memory_space<vmem>>) semaphore(%arg26 : memref<!tpu.dma_semaphore, #tpu.memory_space<semaphore_mem>>)
        } else {
        }
        %dma_wait3A_206 = arith.constant 0 : i32
        %dma_wait3A_207 = arith.constant 0 : i32
        %dma_wait3A_208 = tpu.memref_slice %arg3[%dma_wait3A_206, %dma_wait3A_207] : memref<10000x64xf32, #tpu.memory_space<hbm>> -> memref<10000x64xf32, #tpu.memory_space<hbm>>
        tpu.wait_indirect_dma semaphore(%arg28 : memref<!tpu.dma_semaphore, #tpu.memory_space<semaphore_mem>>) src(%dma_wait3A_208 : memref<10000x64xf32, #tpu.memory_space<hbm>>) dst(%arg24 : memref<256x64xf32, #tpu.memory_space<vmem>>)
        %lt3A_209 = arith.constant 19 : i32
        %lt3A_210 = arith.cmpi slt, %scan3A_99, %lt3A_209 : i32
        %convert_element_type3A_211 = arith.extui %lt3A_210 : i1 to i32
        %cond3A_212 = arith.constant 0 : i32
        %cond3A_213 = arith.cmpi ne, %convert_element_type3A_211, %cond3A_212 : i32
        scf.if %cond3A_213 {
          %add3A_254 = arith.constant 4 : i32
          %add3A_255 = arith.addi %add3A_197, %add3A_254 : i32
          %add3A_256 = arith.addi %mul3A_20, %add3A_255 : i32
          %dma_start3A_257 = arith.constant 0 : i32
          %dma_start3A_258 = tpu.memref_slice %arg6[%add3A_256, %dma_start3A_257] : memref<1280x256xi32, #tpu.memory_space<hbm>> -> memref<1x256xi32, #tpu.memory_space<hbm>>
          %dma_start3A_259 = tpu.memref_squeeze %dma_start3A_258 : memref<1x256xi32, #tpu.memory_space<hbm>> -> memref<256xi32, #tpu.memory_space<hbm>>
          %dma_start3A_260 = arith.constant 0 : i32
          %dma_start3A_261 = tpu.memref_slice %arg6[%add3A_256, %dma_start3A_260] : memref<1280x256xi32, #tpu.memory_space<hbm>> -> memref<1x256xi32, #tpu.memory_space<hbm>>
          %dma_start3A_262 = tpu.memref_squeeze %dma_start3A_261 : memref<1x256xi32, #tpu.memory_space<hbm>> -> memref<256xi32, #tpu.memory_space<hbm>>
          tpu.enqueue_dma source(%dma_start3A_262 : memref<256xi32, #tpu.memory_space<hbm>>) target(%arg20 : memref<256xi32, #tpu.memory_space<vmem>>) target_semaphore(%arg36 : memref<!tpu.dma_semaphore, #tpu.memory_space<semaphore_mem>>)
        } else {
        }
        %add3A_214 = arith.addi %mul3A_20, %add3A_197 : i32
        %dma_wait3A_215 = arith.constant 0 : i32
        %dma_wait3A_216 = tpu.memref_slice %arg7[%add3A_214, %dma_wait3A_215] : memref<1280x256xi32, #tpu.memory_space<hbm>> -> memref<1x256xi32, #tpu.memory_space<hbm>>
        %dma_wait3A_217 = tpu.memref_squeeze %dma_wait3A_216 : memref<1x256xi32, #tpu.memory_space<hbm>> -> memref<256xi32, #tpu.memory_space<hbm>>
        %dma_wait3A_218 = arith.constant 0 : i32
        %dma_wait3A_219 = tpu.memref_slice %arg7[%add3A_214, %dma_wait3A_218] : memref<1280x256xi32, #tpu.memory_space<hbm>> -> memref<1x256xi32, #tpu.memory_space<hbm>>
        %dma_wait3A_220 = tpu.memref_squeeze %dma_wait3A_219 : memref<1x256xi32, #tpu.memory_space<hbm>> -> memref<256xi32, #tpu.memory_space<hbm>>
        tpu.wait_dma2 semaphore(%arg32 : memref<!tpu.dma_semaphore, #tpu.memory_space<semaphore_mem>>) src(%dma_wait3A_220 : memref<256xi32, #tpu.memory_space<hbm>>) dst(%arg16 : memref<256xi32, #tpu.memory_space<vmem>>)
        %dma_start3A_221 = arith.constant 0 : i32
        %dma_start3A_222 = arith.constant 0 : i32
        %dma_start3A_223 = tpu.memref_slice %arg13[%dma_start3A_221, %dma_start3A_222] : memref<10240x64xf32, #tpu.memory_space<vmem_shared>> -> memref<10240x64xf32, #tpu.memory_space<vmem_shared>>
        tpu.enqueue_indirect_dma source(%arg24 : memref<256x64xf32, #tpu.memory_space<vmem>>) target(%dma_start3A_223 : memref<10240x64xf32, #tpu.memory_space<vmem_shared>>) offsets(%arg16 : memref<256xi32, #tpu.memory_space<vmem>>) semaphore(%arg40 : memref<!tpu.dma_semaphore, #tpu.memory_space<semaphore_mem>>) {add = true}
        %mul3A_224 = arith.constant 4 : i32
        %mul3A_225 = arith.muli %scan3A_99, %mul3A_224 : i32
        %add3A_226 = arith.constant 3 : i32
        %add3A_227 = arith.addi %mul3A_225, %add3A_226 : i32
        %dma_wait3A_228 = arith.constant 0 : i32
        %dma_wait3A_229 = arith.constant 0 : i32
        %dma_wait3A_230 = tpu.memref_slice %arg13[%dma_wait3A_228, %dma_wait3A_229] : memref<10240x64xf32, #tpu.memory_space<vmem_shared>> -> memref<10240x64xf32, #tpu.memory_space<vmem_shared>>
        tpu.wait_indirect_dma semaphore(%arg39 : memref<!tpu.dma_semaphore, #tpu.memory_space<semaphore_mem>>) src(%arg23 : memref<256x64xf32, #tpu.memory_space<vmem>>) dst(%dma_wait3A_230 : memref<10240x64xf32, #tpu.memory_space<vmem_shared>>)
        %lt3A_231 = arith.constant 19 : i32
        %lt3A_232 = arith.cmpi slt, %scan3A_99, %lt3A_231 : i32
        %convert_element_type3A_233 = arith.extui %lt3A_232 : i1 to i32
        %cond3A_234 = arith.constant 0 : i32
        %cond3A_235 = arith.cmpi ne, %convert_element_type3A_233, %cond3A_234 : i32
        scf.if %cond3A_235 {
          %add3A_254 = arith.constant 2 : i32
          %add3A_255 = arith.addi %add3A_227, %add3A_254 : i32
          %add3A_256 = arith.addi %mul3A_20, %add3A_255 : i32
          %dma_start3A_257 = arith.constant 0 : i32
          %dma_start3A_258 = tpu.memref_slice %arg7[%add3A_256, %dma_start3A_257] : memref<1280x256xi32, #tpu.memory_space<hbm>> -> memref<1x256xi32, #tpu.memory_space<hbm>>
          %dma_start3A_259 = tpu.memref_squeeze %dma_start3A_258 : memref<1x256xi32, #tpu.memory_space<hbm>> -> memref<256xi32, #tpu.memory_space<hbm>>
          %dma_start3A_260 = arith.constant 0 : i32
          %dma_start3A_261 = tpu.memref_slice %arg7[%add3A_256, %dma_start3A_260] : memref<1280x256xi32, #tpu.memory_space<hbm>> -> memref<1x256xi32, #tpu.memory_space<hbm>>
          %dma_start3A_262 = tpu.memref_squeeze %dma_start3A_261 : memref<1x256xi32, #tpu.memory_space<hbm>> -> memref<256xi32, #tpu.memory_space<hbm>>
          tpu.enqueue_dma source(%dma_start3A_262 : memref<256xi32, #tpu.memory_space<hbm>>) target(%arg15 : memref<256xi32, #tpu.memory_space<vmem>>) target_semaphore(%arg31 : memref<!tpu.dma_semaphore, #tpu.memory_space<semaphore_mem>>)
          %add3A_263 = arith.constant 2 : i32
          %add3A_264 = arith.addi %add3A_227, %add3A_263 : i32
          %add3A_265 = arith.addi %mul3A_20, %add3A_264 : i32
          %dma_wait3A_266 = arith.constant 0 : i32
          %dma_wait3A_267 = tpu.memref_slice %arg6[%add3A_265, %dma_wait3A_266] : memref<1280x256xi32, #tpu.memory_space<hbm>> -> memref<1x256xi32, #tpu.memory_space<hbm>>
          %dma_wait3A_268 = tpu.memref_squeeze %dma_wait3A_267 : memref<1x256xi32, #tpu.memory_space<hbm>> -> memref<256xi32, #tpu.memory_space<hbm>>
          %dma_wait3A_269 = arith.constant 0 : i32
          %dma_wait3A_270 = tpu.memref_slice %arg6[%add3A_265, %dma_wait3A_269] : memref<1280x256xi32, #tpu.memory_space<hbm>> -> memref<1x256xi32, #tpu.memory_space<hbm>>
          %dma_wait3A_271 = tpu.memref_squeeze %dma_wait3A_270 : memref<1x256xi32, #tpu.memory_space<hbm>> -> memref<256xi32, #tpu.memory_space<hbm>>
          tpu.wait_dma2 semaphore(%arg35 : memref<!tpu.dma_semaphore, #tpu.memory_space<semaphore_mem>>) src(%dma_wait3A_271 : memref<256xi32, #tpu.memory_space<hbm>>) dst(%arg19 : memref<256xi32, #tpu.memory_space<vmem>>)
          %dma_start3A_272 = arith.constant 0 : i32
          %dma_start3A_273 = arith.constant 0 : i32
          %dma_start3A_274 = tpu.memref_slice %arg3[%dma_start3A_272, %dma_start3A_273] : memref<10000x64xf32, #tpu.memory_space<hbm>> -> memref<10000x64xf32, #tpu.memory_space<hbm>>
          tpu.enqueue_indirect_dma source(%dma_start3A_274 : memref<10000x64xf32, #tpu.memory_space<hbm>>) target(%arg23 : memref<256x64xf32, #tpu.memory_space<vmem>>) offsets(%arg19 : memref<256xi32, #tpu.memory_space<vmem>>) semaphore(%arg27 : memref<!tpu.dma_semaphore, #tpu.memory_space<semaphore_mem>>)
        } else {
        }
        %dma_wait3A_236 = arith.constant 0 : i32
        %dma_wait3A_237 = arith.constant 0 : i32
        %dma_wait3A_238 = tpu.memref_slice %arg3[%dma_wait3A_236, %dma_wait3A_237] : memref<10000x64xf32, #tpu.memory_space<hbm>> -> memref<10000x64xf32, #tpu.memory_space<hbm>>
        tpu.wait_indirect_dma semaphore(%arg29 : memref<!tpu.dma_semaphore, #tpu.memory_space<semaphore_mem>>) src(%dma_wait3A_238 : memref<10000x64xf32, #tpu.memory_space<hbm>>) dst(%arg25 : memref<256x64xf32, #tpu.memory_space<vmem>>)
        %lt3A_239 = arith.constant 19 : i32
        %lt3A_240 = arith.cmpi slt, %scan3A_99, %lt3A_239 : i32
        %convert_element_type3A_241 = arith.extui %lt3A_240 : i1 to i32
        %cond3A_242 = arith.constant 0 : i32
        %cond3A_243 = arith.cmpi ne, %convert_element_type3A_241, %cond3A_242 : i32
        scf.if %cond3A_243 {
          %add3A_254 = arith.constant 4 : i32
          %add3A_255 = arith.addi %add3A_227, %add3A_254 : i32
          %add3A_256 = arith.addi %mul3A_20, %add3A_255 : i32
          %dma_start3A_257 = arith.constant 0 : i32
          %dma_start3A_258 = tpu.memref_slice %arg6[%add3A_256, %dma_start3A_257] : memref<1280x256xi32, #tpu.memory_space<hbm>> -> memref<1x256xi32, #tpu.memory_space<hbm>>
          %dma_start3A_259 = tpu.memref_squeeze %dma_start3A_258 : memref<1x256xi32, #tpu.memory_space<hbm>> -> memref<256xi32, #tpu.memory_space<hbm>>
          %dma_start3A_260 = arith.constant 0 : i32
          %dma_start3A_261 = tpu.memref_slice %arg6[%add3A_256, %dma_start3A_260] : memref<1280x256xi32, #tpu.memory_space<hbm>> -> memref<1x256xi32, #tpu.memory_space<hbm>>
          %dma_start3A_262 = tpu.memref_squeeze %dma_start3A_261 : memref<1x256xi32, #tpu.memory_space<hbm>> -> memref<256xi32, #tpu.memory_space<hbm>>
          tpu.enqueue_dma source(%dma_start3A_262 : memref<256xi32, #tpu.memory_space<hbm>>) target(%arg21 : memref<256xi32, #tpu.memory_space<vmem>>) target_semaphore(%arg37 : memref<!tpu.dma_semaphore, #tpu.memory_space<semaphore_mem>>)
        } else {
        }
        %add3A_244 = arith.addi %mul3A_20, %add3A_227 : i32
        %dma_wait3A_245 = arith.constant 0 : i32
        %dma_wait3A_246 = tpu.memref_slice %arg7[%add3A_244, %dma_wait3A_245] : memref<1280x256xi32, #tpu.memory_space<hbm>> -> memref<1x256xi32, #tpu.memory_space<hbm>>
        %dma_wait3A_247 = tpu.memref_squeeze %dma_wait3A_246 : memref<1x256xi32, #tpu.memory_space<hbm>> -> memref<256xi32, #tpu.memory_space<hbm>>
        %dma_wait3A_248 = arith.constant 0 : i32
        %dma_wait3A_249 = tpu.memref_slice %arg7[%add3A_244, %dma_wait3A_248] : memref<1280x256xi32, #tpu.memory_space<hbm>> -> memref<1x256xi32, #tpu.memory_space<hbm>>
        %dma_wait3A_250 = tpu.memref_squeeze %dma_wait3A_249 : memref<1x256xi32, #tpu.memory_space<hbm>> -> memref<256xi32, #tpu.memory_space<hbm>>
        tpu.wait_dma2 semaphore(%arg33 : memref<!tpu.dma_semaphore, #tpu.memory_space<semaphore_mem>>) src(%dma_wait3A_250 : memref<256xi32, #tpu.memory_space<hbm>>) dst(%arg17 : memref<256xi32, #tpu.memory_space<vmem>>)
        %dma_start3A_251 = arith.constant 0 : i32
        %dma_start3A_252 = arith.constant 0 : i32
        %dma_start3A_253 = tpu.memref_slice %arg13[%dma_start3A_251, %dma_start3A_252] : memref<10240x64xf32, #tpu.memory_space<vmem_shared>> -> memref<10240x64xf32, #tpu.memory_space<vmem_shared>>
        tpu.enqueue_indirect_dma source(%arg25 : memref<256x64xf32, #tpu.memory_space<vmem>>) target(%dma_start3A_253 : memref<10240x64xf32, #tpu.memory_space<vmem_shared>>) offsets(%arg17 : memref<256xi32, #tpu.memory_space<vmem>>) semaphore(%arg41 : memref<!tpu.dma_semaphore, #tpu.memory_space<semaphore_mem>>) {add = true}
      }
      %scan3A_92 = arith.constant 20 : i32
      %dma_wait3A_93 = arith.constant 0 : i32
      %dma_wait3A_94 = arith.constant 0 : i32
      %dma_wait3A_95 = tpu.memref_slice %arg13[%dma_wait3A_93, %dma_wait3A_94] : memref<10240x64xf32, #tpu.memory_space<vmem_shared>> -> memref<10240x64xf32, #tpu.memory_space<vmem_shared>>
      tpu.wait_indirect_dma semaphore(%arg40 : memref<!tpu.dma_semaphore, #tpu.memory_space<semaphore_mem>>) src(%arg24 : memref<256x64xf32, #tpu.memory_space<vmem>>) dst(%dma_wait3A_95 : memref<10240x64xf32, #tpu.memory_space<vmem_shared>>)
      %dma_wait3A_96 = arith.constant 0 : i32
      %dma_wait3A_97 = arith.constant 0 : i32
      %dma_wait3A_98 = tpu.memref_slice %arg13[%dma_wait3A_96, %dma_wait3A_97] : memref<10240x64xf32, #tpu.memory_space<vmem_shared>> -> memref<10240x64xf32, #tpu.memory_space<vmem_shared>>
      tpu.wait_indirect_dma semaphore(%arg41 : memref<!tpu.dma_semaphore, #tpu.memory_space<semaphore_mem>>) src(%arg25 : memref<256x64xf32, #tpu.memory_space<vmem>>) dst(%dma_wait3A_98 : memref<10240x64xf32, #tpu.memory_space<vmem_shared>>)
    } else {
    }
    %barrier3A_8 = arith.constant 0 : index
    tpu.barrier barrier_id(%barrier3A_8)
    %eq3A_9 = arith.constant 0 : i32
    %eq3A_10 = arith.cmpi eq, %arg0, %eq3A_9 : i32
    %convert_element_type3A_11 = arith.extui %eq3A_10 : i1 to i32
    %cond3A_12 = arith.constant 0 : i32
    %cond3A_13 = arith.cmpi ne, %convert_element_type3A_11, %cond3A_12 : i32
    scf.if %cond3A_13 {
      "tpu.region"() ({
        %run_scoped3A = tpu.sem_alloc : memref<!tpu.dma_semaphore, #tpu.memory_space<semaphore_mem>>
        %dma_start3A = arith.constant 0 : i32
        %dma_start3A_19 = tpu.memref_slice %arg11[%mul3A_0, %dma_start3A] : memref<10240x64xf32, #tpu.memory_space<hbm>> -> memref<640x64xf32, #tpu.memory_space<hbm>>
        %dma_start3A_20 = arith.constant 0 : i32
        %dma_start3A_21 = tpu.memref_slice %arg13[%mul3A_0, %dma_start3A_20] : memref<10240x64xf32, #tpu.memory_space<vmem_shared>> -> memref<640x64xf32, #tpu.memory_space<vmem_shared>>
        tpu.enqueue_dma source(%dma_start3A_21 : memref<640x64xf32, #tpu.memory_space<vmem_shared>>) target(%dma_start3A_19 : memref<640x64xf32, #tpu.memory_space<hbm>>) target_semaphore(%run_scoped3A : memref<!tpu.dma_semaphore, #tpu.memory_space<semaphore_mem>>)
        %dma_wait3A = arith.constant 0 : i32
        %dma_wait3A_22 = tpu.memref_slice %arg11[%mul3A_0, %dma_wait3A] : memref<10240x64xf32, #tpu.memory_space<hbm>> -> memref<640x64xf32, #tpu.memory_space<hbm>>
        %dma_wait3A_23 = arith.constant 0 : i32
        %dma_wait3A_24 = tpu.memref_slice %arg13[%mul3A_0, %dma_wait3A_23] : memref<10240x64xf32, #tpu.memory_space<vmem_shared>> -> memref<640x64xf32, #tpu.memory_space<vmem_shared>>
        tpu.wait_dma2 semaphore(%run_scoped3A : memref<!tpu.dma_semaphore, #tpu.memory_space<semaphore_mem>>) src(%dma_wait3A_24 : memref<640x64xf32, #tpu.memory_space<vmem_shared>>) dst(%dma_wait3A_22 : memref<640x64xf32, #tpu.memory_space<hbm>>)
        tpu.yield
      }) : () -> ()
    } else {
    }
    %eq3A_14 = arith.constant 1 : i32
    %eq3A_15 = arith.cmpi eq, %arg0, %eq3A_14 : i32
    %convert_element_type3A_16 = arith.extui %eq3A_15 : i1 to i32
    %cond3A_17 = arith.constant 0 : i32
    %cond3A_18 = arith.cmpi ne, %convert_element_type3A_16, %cond3A_17 : i32
    scf.if %cond3A_18 {
      "tpu.region"() ({
        %run_scoped3A = tpu.sem_alloc : memref<!tpu.dma_semaphore, #tpu.memory_space<semaphore_mem>>
        %dma_start3A = arith.constant 0 : i32
        %dma_start3A_19 = tpu.memref_slice %arg12[%mul3A_0, %dma_start3A] : memref<10240x64xf32, #tpu.memory_space<hbm>> -> memref<640x64xf32, #tpu.memory_space<hbm>>
        %dma_start3A_20 = arith.constant 0 : i32
        %dma_start3A_21 = tpu.memref_slice %arg13[%mul3A_0, %dma_start3A_20] : memref<10240x64xf32, #tpu.memory_space<vmem_shared>> -> memref<640x64xf32, #tpu.memory_space<vmem_shared>>
        tpu.enqueue_dma source(%dma_start3A_21 : memref<640x64xf32, #tpu.memory_space<vmem_shared>>) target(%dma_start3A_19 : memref<640x64xf32, #tpu.memory_space<hbm>>) target_semaphore(%run_scoped3A : memref<!tpu.dma_semaphore, #tpu.memory_space<semaphore_mem>>)
        %dma_wait3A = arith.constant 0 : i32
        %dma_wait3A_22 = tpu.memref_slice %arg12[%mul3A_0, %dma_wait3A] : memref<10240x64xf32, #tpu.memory_space<hbm>> -> memref<640x64xf32, #tpu.memory_space<hbm>>
        %dma_wait3A_23 = arith.constant 0 : i32
        %dma_wait3A_24 = tpu.memref_slice %arg13[%mul3A_0, %dma_wait3A_23] : memref<10240x64xf32, #tpu.memory_space<vmem_shared>> -> memref<640x64xf32, #tpu.memory_space<vmem_shared>>
        tpu.wait_dma2 semaphore(%run_scoped3A : memref<!tpu.dma_semaphore, #tpu.memory_space<semaphore_mem>>) src(%dma_wait3A_24 : memref<640x64xf32, #tpu.memory_space<vmem_shared>>) dst(%dma_wait3A_22 : memref<640x64xf32, #tpu.memory_space<hbm>>)
        tpu.yield
      }) : () -> ()
    } else {
    }
    return
  }
}

module attributes {stable_mosaic.version = 14 : i64} {
  func.func @_tc1_body(%arg0: i32, %arg1: memref<1000x128xf32, #tpu.memory_space<vmem>>, %arg2: memref<1000x128xf32, #tpu.memory_space<vmem>>, %arg3: memref<128x64xf32, #tpu.memory_space<vmem>>, %arg4: memref<128x64xf32, #tpu.memory_space<vmem>>, %arg5: memref<1x64xf32, #tpu.memory_space<vmem>>, %arg6: memref<128x64xf32, #tpu.memory_space<vmem>>, %arg7: memref<128x64xf32, #tpu.memory_space<vmem>>, %arg8: memref<1x64xf32, #tpu.memory_space<vmem>>, %arg9: memref<1000x64xf32, #tpu.memory_space<vmem>>, %arg10: memref<1000x64xf32, #tpu.memory_space<vmem>>, %arg11: memref<1000x64xf32, #tpu.memory_space<vmem>>, %arg12: memref<1000x64xf32, #tpu.memory_space<vmem>>) attributes {dimension_semantics = [#tpu.dimension_semantics<arbitrary>], iteration_bounds = array<i64: 10>, scalar_prefetch = 0 : i64, scratch_operands = 0 : i64, tpu.core_type = #tpu.core_type<tc>, window_params = [{transform_indices = @transform_0, window_bounds = array<i64: 1000, 128>}, {transform_indices = @transform_1, window_bounds = array<i64: 1000, 128>}, {pipeline_mode = #tpu.pipeline_mode<synchronous>, transform_indices = @transform_2, window_bounds = array<i64: 128, 64>}, {pipeline_mode = #tpu.pipeline_mode<synchronous>, transform_indices = @transform_3, window_bounds = array<i64: 128, 64>}, {pipeline_mode = #tpu.pipeline_mode<synchronous>, transform_indices = @transform_4, window_bounds = array<i64: 1, 64>}, {pipeline_mode = #tpu.pipeline_mode<synchronous>, transform_indices = @transform_5, window_bounds = array<i64: 128, 64>}, {pipeline_mode = #tpu.pipeline_mode<synchronous>, transform_indices = @transform_6, window_bounds = array<i64: 128, 64>}, {pipeline_mode = #tpu.pipeline_mode<synchronous>, transform_indices = @transform_7, window_bounds = array<i64: 1, 64>}, {transform_indices = @transform_8, window_bounds = array<i64: 1000, 64>}, {transform_indices = @transform_9, window_bounds = array<i64: 1000, 64>}, {transform_indices = @transform_10, window_bounds = array<i64: 1000, 64>}, {transform_indices = @transform_11, window_bounds = array<i64: 1000, 64>}]} {
    %get3A = arith.constant 0 : index
    %get3A_0 = arith.constant 0 : index
    %get3A_1 = vector.load %arg1[%get3A, %get3A_0] : memref<1000x128xf32, #tpu.memory_space<vmem>>, vector<1000x128xf32>
    %get3A_2 = arith.constant 0 : index
    %get3A_3 = arith.constant 0 : index
    %get3A_4 = vector.load %arg2[%get3A_2, %get3A_3] : memref<1000x128xf32, #tpu.memory_space<vmem>>, vector<1000x128xf32>
    %get3A_5 = arith.constant 0 : index
    %get3A_6 = arith.constant 0 : index
    %get3A_7 = vector.load %arg3[%get3A_5, %get3A_6] : memref<128x64xf32, #tpu.memory_space<vmem>>, vector<128x64xf32>
    %dot_general3A = arith.constant dense<0.000000e+00> : vector<1000x64xf32>
    %dot_general3A_8 = tpu.matmul %get3A_1, %get3A_7, %dot_general3A {dimension_numbers = #tpu.dot_dimension_numbers<[1], [0], [0], [1], [0, 0, 1, 1], [], []>, transpose_lhs_hint = false} : vector<1000x128xf32>, vector<128x64xf32>, vector<1000x64xf32> -> vector<1000x64xf32>
    %swap3A = arith.constant 0 : index
    %swap3A_9 = arith.constant 0 : index
    %swap3A_10 = vector.load %arg9[%swap3A, %swap3A_9] : memref<1000x64xf32, #tpu.memory_space<vmem>>, vector<1000x64xf32>
    tpu.vector_store %arg9[%swap3A, %swap3A_9], %dot_general3A_8 {strides = array<i32>} : memref<1000x64xf32, #tpu.memory_space<vmem>>, vector<1000x64xf32>,
    %get3A_11 = arith.constant 0 : index
    %get3A_12 = arith.constant 0 : index
    %get3A_13 = vector.load %arg6[%get3A_11, %get3A_12] : memref<128x64xf32, #tpu.memory_space<vmem>>, vector<128x64xf32>
    %dot_general3A_14 = arith.constant dense<0.000000e+00> : vector<1000x64xf32>
    %dot_general3A_15 = tpu.matmul %get3A_4, %get3A_13, %dot_general3A_14 {dimension_numbers = #tpu.dot_dimension_numbers<[1], [0], [0], [1], [0, 0, 1, 1], [], []>, transpose_lhs_hint = false} : vector<1000x128xf32>, vector<128x64xf32>, vector<1000x64xf32> -> vector<1000x64xf32>
    %swap3A_16 = arith.constant 0 : index
    %swap3A_17 = arith.constant 0 : index
    %swap3A_18 = vector.load %arg10[%swap3A_16, %swap3A_17] : memref<1000x64xf32, #tpu.memory_space<vmem>>, vector<1000x64xf32>
    tpu.vector_store %arg10[%swap3A_16, %swap3A_17], %dot_general3A_15 {strides = array<i32>} : memref<1000x64xf32, #tpu.memory_space<vmem>>, vector<1000x64xf32>,
    %get3A_19 = arith.constant 0 : index
    %get3A_20 = arith.constant 0 : index
    %get3A_21 = vector.load %arg4[%get3A_19, %get3A_20] : memref<128x64xf32, #tpu.memory_space<vmem>>, vector<128x64xf32>
    %dot_general3A_22 = arith.constant dense<0.000000e+00> : vector<1000x64xf32>
    %dot_general3A_23 = tpu.matmul %get3A_4, %get3A_21, %dot_general3A_22 {dimension_numbers = #tpu.dot_dimension_numbers<[1], [0], [0], [1], [0, 0, 1, 1], [], []>, transpose_lhs_hint = false} : vector<1000x128xf32>, vector<128x64xf32>, vector<1000x64xf32> -> vector<1000x64xf32>
    %get3A_24 = arith.constant 0 : index
    %get3A_25 = arith.constant 0 : index
    %get3A_26 = vector.load %arg5[%get3A_24, %get3A_25] : memref<1x64xf32, #tpu.memory_space<vmem>>, vector<1x64xf32>
    %add3A = vector.broadcast %get3A_26 : vector<1x64xf32> to vector<1000x64xf32>
    %add3A_27 = arith.addf %dot_general3A_23, %add3A : vector<1000x64xf32>
    %swap3A_28 = arith.constant 0 : index
    %swap3A_29 = arith.constant 0 : index
    %swap3A_30 = vector.load %arg11[%swap3A_28, %swap3A_29] : memref<1000x64xf32, #tpu.memory_space<vmem>>, vector<1000x64xf32>
    tpu.vector_store %arg11[%swap3A_28, %swap3A_29], %add3A_27 {strides = array<i32>} : memref<1000x64xf32, #tpu.memory_space<vmem>>, vector<1000x64xf32>,
    %get3A_31 = arith.constant 0 : index
    %get3A_32 = arith.constant 0 : index
    %get3A_33 = vector.load %arg7[%get3A_31, %get3A_32] : memref<128x64xf32, #tpu.memory_space<vmem>>, vector<128x64xf32>
    %dot_general3A_34 = arith.constant dense<0.000000e+00> : vector<1000x64xf32>
    %dot_general3A_35 = tpu.matmul %get3A_1, %get3A_33, %dot_general3A_34 {dimension_numbers = #tpu.dot_dimension_numbers<[1], [0], [0], [1], [0, 0, 1, 1], [], []>, transpose_lhs_hint = false} : vector<1000x128xf32>, vector<128x64xf32>, vector<1000x64xf32> -> vector<1000x64xf32>
    %get3A_36 = arith.constant 0 : index
    %get3A_37 = arith.constant 0 : index
    %get3A_38 = vector.load %arg8[%get3A_36, %get3A_37] : memref<1x64xf32, #tpu.memory_space<vmem>>, vector<1x64xf32>
    %add3A_39 = vector.broadcast %get3A_38 : vector<1x64xf32> to vector<1000x64xf32>
    %add3A_40 = arith.addf %dot_general3A_35, %add3A_39 : vector<1000x64xf32>
    %swap3A_41 = arith.constant 0 : index
    %swap3A_42 = arith.constant 0 : index
    %swap3A_43 = vector.load %arg12[%swap3A_41, %swap3A_42] : memref<1000x64xf32, #tpu.memory_space<vmem>>, vector<1000x64xf32>
    tpu.vector_store %arg12[%swap3A_41, %swap3A_42], %add3A_40 {strides = array<i32>} : memref<1000x64xf32, #tpu.memory_space<vmem>>, vector<1000x64xf32>,
    return
  }
  func.func @transform_0(%arg0: i32) -> (i32, i32) {
    %c0_i32 = arith.constant 0 : i32
    %c0_i32_0 = arith.constant 0 : i32
    return %arg0, %c0_i32 : i32, i32
  }
  func.func @transform_1(%arg0: i32) -> (i32, i32) {
    %c0_i32 = arith.constant 0 : i32
    %c0_i32_0 = arith.constant 0 : i32
    return %arg0, %c0_i32 : i32, i32
  }
  func.func @transform_2(%arg0: i32) -> (i32, i32) {
    %c0_i32 = arith.constant 0 : i32
    %c0_i32_0 = arith.constant 0 : i32
    %c0_i32_1 = arith.constant 0 : i32
    return %c0_i32, %c0_i32_0 : i32, i32
  }
  func.func @transform_3(%arg0: i32) -> (i32, i32) {
    %c0_i32 = arith.constant 0 : i32
    %c0_i32_0 = arith.constant 0 : i32
    %c0_i32_1 = arith.constant 0 : i32
    return %c0_i32, %c0_i32_0 : i32, i32
  }
  func.func @transform_4(%arg0: i32) -> (i32, i32) {
    %c0_i32 = arith.constant 0 : i32
    %c0_i32_0 = arith.constant 0 : i32
    %c0_i32_1 = arith.constant 0 : i32
    return %c0_i32, %c0_i32_0 : i32, i32
  }
  func.func @transform_5(%arg0: i32) -> (i32, i32) {
    %c0_i32 = arith.constant 0 : i32
    %c0_i32_0 = arith.constant 0 : i32
    %c0_i32_1 = arith.constant 0 : i32
    return %c0_i32, %c0_i32_0 : i32, i32
  }
  func.func @transform_6(%arg0: i32) -> (i32, i32) {
    %c0_i32 = arith.constant 0 : i32
    %c0_i32_0 = arith.constant 0 : i32
    %c0_i32_1 = arith.constant 0 : i32
    return %c0_i32, %c0_i32_0 : i32, i32
  }
  func.func @transform_7(%arg0: i32) -> (i32, i32) {
    %c0_i32 = arith.constant 0 : i32
    %c0_i32_0 = arith.constant 0 : i32
    %c0_i32_1 = arith.constant 0 : i32
    return %c0_i32, %c0_i32_0 : i32, i32
  }
  func.func @transform_8(%arg0: i32) -> (i32, i32) {
    %c0_i32 = arith.constant 0 : i32
    %c0_i32_0 = arith.constant 0 : i32
    return %arg0, %c0_i32 : i32, i32
  }
  func.func @transform_9(%arg0: i32) -> (i32, i32) {
    %c0_i32 = arith.constant 0 : i32
    %c0_i32_0 = arith.constant 0 : i32
    return %arg0, %c0_i32 : i32, i32
  }
  func.func @transform_10(%arg0: i32) -> (i32, i32) {
    %c0_i32 = arith.constant 0 : i32
    %c0_i32_0 = arith.constant 0 : i32
    return %arg0, %c0_i32 : i32, i32
  }
  func.func @transform_11(%arg0: i32) -> (i32, i32) {
    %c0_i32 = arith.constant 0 : i32
    %c0_i32_0 = arith.constant 0 : i32
    return %arg0, %c0_i32 : i32, i32
  }
}

module attributes {stable_mosaic.version = 14 : i64} {
  func.func @_tc2_body(%arg0: i32, %arg1: memref<1000x64xf32, #tpu.memory_space<vmem>>, %arg2: memref<1000x8xf32, #tpu.memory_space<vmem>>, %arg3: memref<1000x64xf32, #tpu.memory_space<vmem>>, %arg4: memref<1000x64xf32, #tpu.memory_space<vmem>>, %arg5: memref<1000x8xf32, #tpu.memory_space<vmem>>, %arg6: memref<1000x64xf32, #tpu.memory_space<vmem>>, %arg7: memref<64x64xf32, #tpu.memory_space<vmem>>, %arg8: memref<64x64xf32, #tpu.memory_space<vmem>>, %arg9: memref<1x64xf32, #tpu.memory_space<vmem>>, %arg10: memref<64x64xf32, #tpu.memory_space<vmem>>, %arg11: memref<64x64xf32, #tpu.memory_space<vmem>>, %arg12: memref<1x64xf32, #tpu.memory_space<vmem>>, %arg13: memref<1000x64xf32, #tpu.memory_space<vmem>>, %arg14: memref<1000x64xf32, #tpu.memory_space<vmem>>, %arg15: memref<1000x64xf32, #tpu.memory_space<vmem>>, %arg16: memref<1000x64xf32, #tpu.memory_space<vmem>>) attributes {dimension_semantics = [#tpu.dimension_semantics<arbitrary>], iteration_bounds = array<i64: 10>, scalar_prefetch = 0 : i64, scratch_operands = 0 : i64, tpu.core_type = #tpu.core_type<tc>, window_params = [{transform_indices = @transform_0, window_bounds = array<i64: 1000, 64>}, {transform_indices = @transform_1, window_bounds = array<i64: 1000, 8>}, {transform_indices = @transform_2, window_bounds = array<i64: 1000, 64>}, {transform_indices = @transform_3, window_bounds = array<i64: 1000, 64>}, {transform_indices = @transform_4, window_bounds = array<i64: 1000, 8>}, {transform_indices = @transform_5, window_bounds = array<i64: 1000, 64>}, {pipeline_mode = #tpu.pipeline_mode<synchronous>, transform_indices = @transform_6, window_bounds = array<i64: 64, 64>}, {pipeline_mode = #tpu.pipeline_mode<synchronous>, transform_indices = @transform_7, window_bounds = array<i64: 64, 64>}, {pipeline_mode = #tpu.pipeline_mode<synchronous>, transform_indices = @transform_8, window_bounds = array<i64: 1, 64>}, {pipeline_mode = #tpu.pipeline_mode<synchronous>, transform_indices = @transform_9, window_bounds = array<i64: 64, 64>}, {pipeline_mode = #tpu.pipeline_mode<synchronous>, transform_indices = @transform_10, window_bounds = array<i64: 64, 64>}, {pipeline_mode = #tpu.pipeline_mode<synchronous>, transform_indices = @transform_11, window_bounds = array<i64: 1, 64>}, {transform_indices = @transform_12, window_bounds = array<i64: 1000, 64>}, {transform_indices = @transform_13, window_bounds = array<i64: 1000, 64>}, {transform_indices = @transform_14, window_bounds = array<i64: 1000, 64>}, {transform_indices = @transform_15, window_bounds = array<i64: 1000, 64>}]} {
    %get3A = arith.constant 0 : index
    %get3A_0 = arith.constant 0 : index
    %get3A_1 = vector.load %arg2[%get3A, %get3A_0] : memref<1000x8xf32, #tpu.memory_space<vmem>>, vector<1000x1xf32>
    %max3A = arith.constant 1.000000e+00 : f32
    %max3A_2 = vector.broadcast %max3A : f32 to vector<1000x1xf32>
    %max3A_3 = arith.maximumf %get3A_1, %max3A_2 : vector<1000x1xf32>
    %get3A_4 = arith.constant 0 : index
    %get3A_5 = arith.constant 0 : index
    %get3A_6 = vector.load %arg5[%get3A_4, %get3A_5] : memref<1000x8xf32, #tpu.memory_space<vmem>>, vector<1000x1xf32>
    %max3A_7 = arith.constant 1.000000e+00 : f32
    %max3A_8 = vector.broadcast %max3A_7 : f32 to vector<1000x1xf32>
    %max3A_9 = arith.maximumf %get3A_6, %max3A_8 : vector<1000x1xf32>
    %get3A_10 = arith.constant 0 : index
    %get3A_11 = arith.constant 0 : index
    %get3A_12 = vector.load %arg1[%get3A_10, %get3A_11] : memref<1000x64xf32, #tpu.memory_space<vmem>>, vector<1000x64xf32>
    %div3A = vector.broadcast %max3A_3 : vector<1000x1xf32> to vector<1000x64xf32>
    %div3A_13 = arith.divf %get3A_12, %div3A : vector<1000x64xf32>
    %get3A_14 = arith.constant 0 : index
    %get3A_15 = arith.constant 0 : index
    %get3A_16 = vector.load %arg3[%get3A_14, %get3A_15] : memref<1000x64xf32, #tpu.memory_space<vmem>>, vector<1000x64xf32>
    %add3A = arith.addf %div3A_13, %get3A_16 : vector<1000x64xf32>
    %max3A_17 = arith.constant 0.000000e+00 : f32
    %max3A_18 = vector.broadcast %max3A_17 : f32 to vector<1000x64xf32>
    %max3A_19 = arith.maximumf %add3A, %max3A_18 : vector<1000x64xf32>
    %get3A_20 = arith.constant 0 : index
    %get3A_21 = arith.constant 0 : index
    %get3A_22 = vector.load %arg4[%get3A_20, %get3A_21] : memref<1000x64xf32, #tpu.memory_space<vmem>>, vector<1000x64xf32>
    %div3A_23 = vector.broadcast %max3A_9 : vector<1000x1xf32> to vector<1000x64xf32>
    %div3A_24 = arith.divf %get3A_22, %div3A_23 : vector<1000x64xf32>
    %get3A_25 = arith.constant 0 : index
    %get3A_26 = arith.constant 0 : index
    %get3A_27 = vector.load %arg6[%get3A_25, %get3A_26] : memref<1000x64xf32, #tpu.memory_space<vmem>>, vector<1000x64xf32>
    %add3A_28 = arith.addf %div3A_24, %get3A_27 : vector<1000x64xf32>
    %max3A_29 = arith.constant 0.000000e+00 : f32
    %max3A_30 = vector.broadcast %max3A_29 : f32 to vector<1000x64xf32>
    %max3A_31 = arith.maximumf %add3A_28, %max3A_30 : vector<1000x64xf32>
    %get3A_32 = arith.constant 0 : index
    %get3A_33 = arith.constant 0 : index
    %get3A_34 = vector.load %arg7[%get3A_32, %get3A_33] : memref<64x64xf32, #tpu.memory_space<vmem>>, vector<64x64xf32>
    %dot_general3A = arith.constant dense<0.000000e+00> : vector<1000x64xf32>
    %dot_general3A_35 = tpu.matmul %max3A_31, %get3A_34, %dot_general3A {dimension_numbers = #tpu.dot_dimension_numbers<[1], [0], [0], [1], [0, 0, 1, 1], [], []>, transpose_lhs_hint = false} : vector<1000x64xf32>, vector<64x64xf32>, vector<1000x64xf32> -> vector<1000x64xf32>
    %swap3A = arith.constant 0 : index
    %swap3A_36 = arith.constant 0 : index
    %swap3A_37 = vector.load %arg13[%swap3A, %swap3A_36] : memref<1000x64xf32, #tpu.memory_space<vmem>>, vector<1000x64xf32>
    tpu.vector_store %arg13[%swap3A, %swap3A_36], %dot_general3A_35 {strides = array<i32>} : memref<1000x64xf32, #tpu.memory_space<vmem>>, vector<1000x64xf32>,
    %get3A_38 = arith.constant 0 : index
    %get3A_39 = arith.constant 0 : index
    %get3A_40 = vector.load %arg10[%get3A_38, %get3A_39] : memref<64x64xf32, #tpu.memory_space<vmem>>, vector<64x64xf32>
    %dot_general3A_41 = arith.constant dense<0.000000e+00> : vector<1000x64xf32>
    %dot_general3A_42 = tpu.matmul %max3A_19, %get3A_40, %dot_general3A_41 {dimension_numbers = #tpu.dot_dimension_numbers<[1], [0], [0], [1], [0, 0, 1, 1], [], []>, transpose_lhs_hint = false} : vector<1000x64xf32>, vector<64x64xf32>, vector<1000x64xf32> -> vector<1000x64xf32>
    %swap3A_43 = arith.constant 0 : index
    %swap3A_44 = arith.constant 0 : index
    %swap3A_45 = vector.load %arg14[%swap3A_43, %swap3A_44] : memref<1000x64xf32, #tpu.memory_space<vmem>>, vector<1000x64xf32>
    tpu.vector_store %arg14[%swap3A_43, %swap3A_44], %dot_general3A_42 {strides = array<i32>} : memref<1000x64xf32, #tpu.memory_space<vmem>>, vector<1000x64xf32>,
    %get3A_46 = arith.constant 0 : index
    %get3A_47 = arith.constant 0 : index
    %get3A_48 = vector.load %arg8[%get3A_46, %get3A_47] : memref<64x64xf32, #tpu.memory_space<vmem>>, vector<64x64xf32>
    %dot_general3A_49 = arith.constant dense<0.000000e+00> : vector<1000x64xf32>
    %dot_general3A_50 = tpu.matmul %max3A_19, %get3A_48, %dot_general3A_49 {dimension_numbers = #tpu.dot_dimension_numbers<[1], [0], [0], [1], [0, 0, 1, 1], [], []>, transpose_lhs_hint = false} : vector<1000x64xf32>, vector<64x64xf32>, vector<1000x64xf32> -> vector<1000x64xf32>
    %get3A_51 = arith.constant 0 : index
    %get3A_52 = arith.constant 0 : index
    %get3A_53 = vector.load %arg9[%get3A_51, %get3A_52] : memref<1x64xf32, #tpu.memory_space<vmem>>, vector<1x64xf32>
    %add3A_54 = vector.broadcast %get3A_53 : vector<1x64xf32> to vector<1000x64xf32>
    %add3A_55 = arith.addf %dot_general3A_50, %add3A_54 : vector<1000x64xf32>
    %swap3A_56 = arith.constant 0 : index
    %swap3A_57 = arith.constant 0 : index
    %swap3A_58 = vector.load %arg15[%swap3A_56, %swap3A_57] : memref<1000x64xf32, #tpu.memory_space<vmem>>, vector<1000x64xf32>
    tpu.vector_store %arg15[%swap3A_56, %swap3A_57], %add3A_55 {strides = array<i32>} : memref<1000x64xf32, #tpu.memory_space<vmem>>, vector<1000x64xf32>,
    %get3A_59 = arith.constant 0 : index
    %get3A_60 = arith.constant 0 : index
    %get3A_61 = vector.load %arg11[%get3A_59, %get3A_60] : memref<64x64xf32, #tpu.memory_space<vmem>>, vector<64x64xf32>
    %dot_general3A_62 = arith.constant dense<0.000000e+00> : vector<1000x64xf32>
    %dot_general3A_63 = tpu.matmul %max3A_31, %get3A_61, %dot_general3A_62 {dimension_numbers = #tpu.dot_dimension_numbers<[1], [0], [0], [1], [0, 0, 1, 1], [], []>, transpose_lhs_hint = false} : vector<1000x64xf32>, vector<64x64xf32>, vector<1000x64xf32> -> vector<1000x64xf32>
    %get3A_64 = arith.constant 0 : index
    %get3A_65 = arith.constant 0 : index
    %get3A_66 = vector.load %arg12[%get3A_64, %get3A_65] : memref<1x64xf32, #tpu.memory_space<vmem>>, vector<1x64xf32>
    %add3A_67 = vector.broadcast %get3A_66 : vector<1x64xf32> to vector<1000x64xf32>
    %add3A_68 = arith.addf %dot_general3A_63, %add3A_67 : vector<1000x64xf32>
    %swap3A_69 = arith.constant 0 : index
    %swap3A_70 = arith.constant 0 : index
    %swap3A_71 = vector.load %arg16[%swap3A_69, %swap3A_70] : memref<1000x64xf32, #tpu.memory_space<vmem>>, vector<1000x64xf32>
    tpu.vector_store %arg16[%swap3A_69, %swap3A_70], %add3A_68 {strides = array<i32>} : memref<1000x64xf32, #tpu.memory_space<vmem>>, vector<1000x64xf32>,
    return
  }
  func.func @transform_0(%arg0: i32) -> (i32, i32) {
    %c0_i32 = arith.constant 0 : i32
    %c0_i32_0 = arith.constant 0 : i32
    return %arg0, %c0_i32 : i32, i32
  }
  func.func @transform_1(%arg0: i32) -> (i32, i32) {
    %c0_i32 = arith.constant 0 : i32
    %c0_i32_0 = arith.constant 0 : i32
    return %arg0, %c0_i32 : i32, i32
  }
  func.func @transform_2(%arg0: i32) -> (i32, i32) {
    %c0_i32 = arith.constant 0 : i32
    %c0_i32_0 = arith.constant 0 : i32
    return %arg0, %c0_i32 : i32, i32
  }
  func.func @transform_3(%arg0: i32) -> (i32, i32) {
    %c0_i32 = arith.constant 0 : i32
    %c0_i32_0 = arith.constant 0 : i32
    return %arg0, %c0_i32 : i32, i32
  }
  func.func @transform_4(%arg0: i32) -> (i32, i32) {
    %c0_i32 = arith.constant 0 : i32
    %c0_i32_0 = arith.constant 0 : i32
    return %arg0, %c0_i32 : i32, i32
  }
  func.func @transform_5(%arg0: i32) -> (i32, i32) {
    %c0_i32 = arith.constant 0 : i32
    %c0_i32_0 = arith.constant 0 : i32
    return %arg0, %c0_i32 : i32, i32
  }
  func.func @transform_6(%arg0: i32) -> (i32, i32) {
    %c0_i32 = arith.constant 0 : i32
    %c0_i32_0 = arith.constant 0 : i32
    %c0_i32_1 = arith.constant 0 : i32
    return %c0_i32, %c0_i32_0 : i32, i32
  }
  func.func @transform_7(%arg0: i32) -> (i32, i32) {
    %c0_i32 = arith.constant 0 : i32
    %c0_i32_0 = arith.constant 0 : i32
    %c0_i32_1 = arith.constant 0 : i32
    return %c0_i32, %c0_i32_0 : i32, i32
  }
  func.func @transform_8(%arg0: i32) -> (i32, i32) {
    %c0_i32 = arith.constant 0 : i32
    %c0_i32_0 = arith.constant 0 : i32
    %c0_i32_1 = arith.constant 0 : i32
    return %c0_i32, %c0_i32_0 : i32, i32
  }
  func.func @transform_9(%arg0: i32) -> (i32, i32) {
    %c0_i32 = arith.constant 0 : i32
    %c0_i32_0 = arith.constant 0 : i32
    %c0_i32_1 = arith.constant 0 : i32
    return %c0_i32, %c0_i32_0 : i32, i32
  }
  func.func @transform_10(%arg0: i32) -> (i32, i32) {
    %c0_i32 = arith.constant 0 : i32
    %c0_i32_0 = arith.constant 0 : i32
    %c0_i32_1 = arith.constant 0 : i32
    return %c0_i32, %c0_i32_0 : i32, i32
  }
  func.func @transform_11(%arg0: i32) -> (i32, i32) {
    %c0_i32 = arith.constant 0 : i32
    %c0_i32_0 = arith.constant 0 : i32
    %c0_i32_1 = arith.constant 0 : i32
    return %c0_i32, %c0_i32_0 : i32, i32
  }
  func.func @transform_12(%arg0: i32) -> (i32, i32) {
    %c0_i32 = arith.constant 0 : i32
    %c0_i32_0 = arith.constant 0 : i32
    return %arg0, %c0_i32 : i32, i32
  }
  func.func @transform_13(%arg0: i32) -> (i32, i32) {
    %c0_i32 = arith.constant 0 : i32
    %c0_i32_0 = arith.constant 0 : i32
    return %arg0, %c0_i32 : i32, i32
  }
  func.func @transform_14(%arg0: i32) -> (i32, i32) {
    %c0_i32 = arith.constant 0 : i32
    %c0_i32_0 = arith.constant 0 : i32
    return %arg0, %c0_i32 : i32, i32
  }
  func.func @transform_15(%arg0: i32) -> (i32, i32) {
    %c0_i32 = arith.constant 0 : i32
    %c0_i32_0 = arith.constant 0 : i32
    return %arg0, %c0_i32 : i32, i32
  }
}

module attributes {stable_mosaic.version = 14 : i64} {
  func.func @_tc3_body(%arg0: i32, %arg1: memref<1000x64xf32, #tpu.memory_space<vmem>>, %arg2: memref<1000x8xf32, #tpu.memory_space<vmem>>, %arg3: memref<1000x64xf32, #tpu.memory_space<vmem>>, %arg4: memref<1000x64xf32, #tpu.memory_space<vmem>>, %arg5: memref<1000x8xf32, #tpu.memory_space<vmem>>, %arg6: memref<1000x64xf32, #tpu.memory_space<vmem>>, %arg7: memref<1000x64xf32, #tpu.memory_space<vmem>>, %arg8: memref<1000x64xf32, #tpu.memory_space<vmem>>) attributes {dimension_semantics = [#tpu.dimension_semantics<arbitrary>], iteration_bounds = array<i64: 10>, scalar_prefetch = 0 : i64, scratch_operands = 0 : i64, tpu.core_type = #tpu.core_type<tc>, window_params = [{transform_indices = @transform_0, window_bounds = array<i64: 1000, 64>}, {transform_indices = @transform_1, window_bounds = array<i64: 1000, 8>}, {transform_indices = @transform_2, window_bounds = array<i64: 1000, 64>}, {transform_indices = @transform_3, window_bounds = array<i64: 1000, 64>}, {transform_indices = @transform_4, window_bounds = array<i64: 1000, 8>}, {transform_indices = @transform_5, window_bounds = array<i64: 1000, 64>}, {transform_indices = @transform_6, window_bounds = array<i64: 1000, 64>}, {transform_indices = @transform_7, window_bounds = array<i64: 1000, 64>}]} {
    %get3A = arith.constant 0 : index
    %get3A_0 = arith.constant 0 : index
    %get3A_1 = vector.load %arg2[%get3A, %get3A_0] : memref<1000x8xf32, #tpu.memory_space<vmem>>, vector<1000x1xf32>
    %max3A = arith.constant 1.000000e+00 : f32
    %max3A_2 = vector.broadcast %max3A : f32 to vector<1000x1xf32>
    %max3A_3 = arith.maximumf %get3A_1, %max3A_2 : vector<1000x1xf32>
    %get3A_4 = arith.constant 0 : index
    %get3A_5 = arith.constant 0 : index
    %get3A_6 = vector.load %arg5[%get3A_4, %get3A_5] : memref<1000x8xf32, #tpu.memory_space<vmem>>, vector<1000x1xf32>
    %max3A_7 = arith.constant 1.000000e+00 : f32
    %max3A_8 = vector.broadcast %max3A_7 : f32 to vector<1000x1xf32>
    %max3A_9 = arith.maximumf %get3A_6, %max3A_8 : vector<1000x1xf32>
    %get3A_10 = arith.constant 0 : index
    %get3A_11 = arith.constant 0 : index
    %get3A_12 = vector.load %arg1[%get3A_10, %get3A_11] : memref<1000x64xf32, #tpu.memory_space<vmem>>, vector<1000x64xf32>
    %div3A = vector.broadcast %max3A_3 : vector<1000x1xf32> to vector<1000x64xf32>
    %div3A_13 = arith.divf %get3A_12, %div3A : vector<1000x64xf32>
    %get3A_14 = arith.constant 0 : index
    %get3A_15 = arith.constant 0 : index
    %get3A_16 = vector.load %arg3[%get3A_14, %get3A_15] : memref<1000x64xf32, #tpu.memory_space<vmem>>, vector<1000x64xf32>
    %add3A = arith.addf %div3A_13, %get3A_16 : vector<1000x64xf32>
    %swap3A = arith.constant 0 : index
    %swap3A_17 = arith.constant 0 : index
    %swap3A_18 = vector.load %arg8[%swap3A, %swap3A_17] : memref<1000x64xf32, #tpu.memory_space<vmem>>, vector<1000x64xf32>
    tpu.vector_store %arg8[%swap3A, %swap3A_17], %add3A {strides = array<i32>} : memref<1000x64xf32, #tpu.memory_space<vmem>>, vector<1000x64xf32>,
    %get3A_19 = arith.constant 0 : index
    %get3A_20 = arith.constant 0 : index
    %get3A_21 = vector.load %arg4[%get3A_19, %get3A_20] : memref<1000x64xf32, #tpu.memory_space<vmem>>, vector<1000x64xf32>
    %div3A_22 = vector.broadcast %max3A_9 : vector<1000x1xf32> to vector<1000x64xf32>
    %div3A_23 = arith.divf %get3A_21, %div3A_22 : vector<1000x64xf32>
    %get3A_24 = arith.constant 0 : index
    %get3A_25 = arith.constant 0 : index
    %get3A_26 = vector.load %arg6[%get3A_24, %get3A_25] : memref<1000x64xf32, #tpu.memory_space<vmem>>, vector<1000x64xf32>
    %add3A_27 = arith.addf %div3A_23, %get3A_26 : vector<1000x64xf32>
    %swap3A_28 = arith.constant 0 : index
    %swap3A_29 = arith.constant 0 : index
    %swap3A_30 = vector.load %arg7[%swap3A_28, %swap3A_29] : memref<1000x64xf32, #tpu.memory_space<vmem>>, vector<1000x64xf32>
    tpu.vector_store %arg7[%swap3A_28, %swap3A_29], %add3A_27 {strides = array<i32>} : memref<1000x64xf32, #tpu.memory_space<vmem>>, vector<1000x64xf32>,
    return
  }
  func.func @transform_0(%arg0: i32) -> (i32, i32) {
    %c0_i32 = arith.constant 0 : i32
    %c0_i32_0 = arith.constant 0 : i32
    return %arg0, %c0_i32 : i32, i32
  }
  func.func @transform_1(%arg0: i32) -> (i32, i32) {
    %c0_i32 = arith.constant 0 : i32
    %c0_i32_0 = arith.constant 0 : i32
    return %arg0, %c0_i32 : i32, i32
  }
  func.func @transform_2(%arg0: i32) -> (i32, i32) {
    %c0_i32 = arith.constant 0 : i32
    %c0_i32_0 = arith.constant 0 : i32
    return %arg0, %c0_i32 : i32, i32
  }
  func.func @transform_3(%arg0: i32) -> (i32, i32) {
    %c0_i32 = arith.constant 0 : i32
    %c0_i32_0 = arith.constant 0 : i32
    return %arg0, %c0_i32 : i32, i32
  }
  func.func @transform_4(%arg0: i32) -> (i32, i32) {
    %c0_i32 = arith.constant 0 : i32
    %c0_i32_0 = arith.constant 0 : i32
    return %arg0, %c0_i32 : i32, i32
  }
  func.func @transform_5(%arg0: i32) -> (i32, i32) {
    %c0_i32 = arith.constant 0 : i32
    %c0_i32_0 = arith.constant 0 : i32
    return %arg0, %c0_i32 : i32, i32
  }
  func.func @transform_6(%arg0: i32) -> (i32, i32) {
    %c0_i32 = arith.constant 0 : i32
    %c0_i32_0 = arith.constant 0 : i32
    return %arg0, %c0_i32 : i32, i32
  }
  func.func @transform_7(%arg0: i32) -> (i32, i32) {
    %c0_i32 = arith.constant 0 : i32
    %c0_i32_0 = arith.constant 0 : i32
    return %arg0, %c0_i32 : i32, i32
  }
}

</mosaic_0001>

<sc_bundles>
// kernel: kernel.10.cloned.1.call-start
scs
__scs_entry_jumppad:
0x0: {  	(pc) =	sbr.rel $0x88, $3  }
0x1: {  	(tag) =	ssettag $0x0;
	lr =	simm.s32 $0x1  }
0x2: {  	[smem:$0x3F91] =	sst lr;
	_ =	strace $0xD0000000  }
0x3: {  	_ = 	snop  }
0x4: {  	_ = 	snop  }
0x5: {  	_ = 	snop  }
0x6: {  	_ = 	snop  }
0x7: {  	_ = 	snop  }
__scs_overlays_trampoline_lowered:
0x8: {  	[smem:$0x3FA0] =	sst s0  }
0x9: {  	[smem:$0x3FA1] =	sst s1  }
0xa: {  	[smem:$0x3FA2] =	sst s2  }
0xb: {  	[smem:$0x3FA3] =	sst s3  }
0xc: {  	[smem:$0x3FA4] =	sst s4  }
0xd: {  	[smem:$0x3FA5] =	sst s5  }
0xe: {  	[smem:$0x3FA6] =	sst s6  }
0xf: {  	[smem:$0x3FA7] =	sst s7  }
0x10: {  	[smem:$0x3FA8] =	sst s8  }
0x11: {  	[smem:$0x3FA9] =	sst s9;
	s0 =	simm.s32 @!p0 $0x0  }
0x12: {  	s1 =	sld [smem:$0x3F8F];
	s0 =	simm.s32 @p0 $0x1  }
0x13: {  	[smem:$0x3FAA] =	sst s0;
	s0 =	simm.s32 @!p1 $0x0  }
0x14: {  	s2 =	sld [smem:$0x3F8E];
	s0 =	simm.s32 @p1 $0x1  }
0x15: {  	[smem:$0x3FAB] =	sst s0;
	s0 =	simm.s32 @!p2 $0x0  }
0x16: {  	s3 =	sld [smem:$0x3FDB];
	s0 =	simm.s32 @p2 $0x1  }
0x17: {  	s4 =	simm.s32 $0x1BF5;
	[smem:$0x3FAD] =	sst s0  }
0x18: {  	s0 =	sld [smem:$0x3F90];
	_ =	swait.ge [sflag:s4], $0x0  }
0x19: {  	s7 =	sld [smem:$0x3F91]  }
0x1a: {  	s8 =	sadd.s32 $0xFFFFE003, lr  }
0x1b: {  	s9 =	sadd.s32 $0xFFFFFEF7, lr;
	s5 =	simm.s32 $0xFFFFFFFF;
	p2 =	slt.u32 s8, $0xFFFFF086  }
0x1c: {  	p1 =	slt.u32 s9, $0xF7A;
	s5 =	simm.s32 @!p2 $0x0  }
0x1d: {  	s5 =	simm.s32 @p1 $0x1;
	p0 =	seq.s32 s7, s2  }
0x1e: {  	s7 =	smul.u32 @!p0 $0xF7A, s2;
	p2 =	seq.s32 @!p0 s5, $0x0  }
0x1f: {  	s9 =	smul.u32 $0xF7A, s1;
	s8 =	simm.s32 @!p0 $0x1BF5;
	p2 =	por !p2, p0  }
0x20: {  	[sflag:s8] =	ssyncset.s32 @!p0 $0xFFFFF086;
	s6 =	sadd.s32 @!p0 s3, s7;
	s7 =	simm.s32 @!p0 $0x108  }
0x21: {  	s3 =	sadd.s32 s3, s9;
	s6 =	sadd.s32 @!p0 $0x88, s6;
	s7 =	simm.s32 @p2 $0x1082  }
0x22: {  	[simem:s7], [sflag:s8] =	dma.local @!p0 [hbm:s6], $0xF7A  }
0x23: {  	s9 =	sor.u32 $0xD0000000, s2;
	s6 =	simm.s32 $0x108;
	_ =	swait.ge @!p0 [sflag:s8], $0x0  }
0x24: {  	s3 =	sadd.s32 $0x88, s3;
	s6 =	simm.s32 @!p1 $0x1082;
	[sflag:s4] =	ssyncset.s32 $0xFFFFF086  }
0x25: {  	[simem:s6], [sflag:s4] =	dma.local [hbm:s3], $0xF7A  }
0x26: {  	[smem:$0x3F91] =	sst s1;
	(tag) =	ssettag s2;
	_ =	strace s9  }
0x27: {  	s1 =	sld [smem:$0x3FA1]  }
0x28: {  	s2 =	sld [smem:$0x3FA2]  }
0x29: {  	s4 =	sld [smem:$0x3FA4]  }
0x2a: {  	p0 =	seq.s32 s5, $0x0;
	s5 =	sld [smem:$0x3FA5]  }
0x2b: {  	s6 =	sld [smem:$0x3FA6]  }
0x2c: {  	s7 =	sld [smem:$0x3FA7]  }
0x2d: {  	s3 =	simm.s32 $0x108;
	s8 =	sld [smem:$0x3FA8]  }
0x2e: {  	s3 =	simm.s32 @!p0 $0x1082;
	s9 =	sld [smem:$0x3FA9]  }
0x2f: {  	lr =	sadd.s32 s0, s3;
	s0 =	sld [smem:$0x3FA0]  }
0x30: {  	s3 =	sld [smem:$0x3FA3]  }
0x31: {  	[smem:$0x3FAC] =	sst s10  }
0x32: {  	s10 =	sld [smem:$0x3FAA];
	_ =	sdelay $0x3  }
0x33: {  	p0 =	seq.s32 s10, $0x1;
	s10 =	sld [smem:$0x3FAC];
	_ =	sdelay $0x3  }
0x34: {  	[smem:$0x3FAC] =	sst s10  }
0x35: {  	s10 =	sld [smem:$0x3FAB];
	_ =	sdelay $0x3  }
0x36: {  	p1 =	seq.s32 s10, $0x1;
	s10 =	sld [smem:$0x3FAC];
	_ =	sdelay $0x3  }
0x37: {  	[smem:$0x3FAC] =	sst s10  }
0x38: {  	s10 =	sld [smem:$0x3FAD]  }
0x39: {  	_ = 	snop;
	(pc) =	sbr.ind lr, $3  }
0x3a: {  	_ = 	snop  }
0x3b: {  	_ = 	snop  }
0x3c: {  	p2 =	seq.s32 s10, $0x1;
	s10 =	sld [smem:$0x3FAC]  }
0x3d: {  	_ =	shalt  }
0x3e: {  	_ =	shalt  }
0x3f: {  	_ =	shalt  }
0x40: {  	_ =	shalt  }
0x41: {  	_ =	shalt  }
0x42: {  	_ =	shalt  }
0x43: {  	_ =	shalt  }
0x44: {  	_ =	shalt  }
0x45: {  	_ =	shalt  }
0x46: {  	_ =	shalt  }
0x47: {  	_ =	shalt  }
0x48: {  	_ =	shalt  }
0x49: {  	_ =	shalt  }
0x4a: {  	_ =	shalt  }
0x4b: {  	_ =	shalt  }
0x4c: {  	_ =	shalt  }
0x4d: {  	_ =	shalt  }
0x4e: {  	_ =	shalt  }
0x4f: {  	_ =	shalt  }
0x50: {  	_ =	shalt  }
0x51: {  	_ =	shalt  }
0x52: {  	_ =	shalt  }
0x53: {  	_ =	shalt  }
0x54: {  	_ =	shalt  }
0x55: {  	_ =	shalt  }
0x56: {  	_ =	shalt  }
0x57: {  	_ =	shalt  }
0x58: {  	_ =	shalt  }
0x59: {  	_ =	shalt  }
0x5a: {  	_ =	shalt  }
0x5b: {  	_ =	shalt  }
0x5c: {  	_ =	shalt  }
0x5d: {  	_ =	shalt  }
0x5e: {  	_ =	shalt  }
0x5f: {  	_ =	shalt  }
0x60: {  	_ =	shalt  }
0x61: {  	_ =	shalt  }
0x62: {  	_ =	shalt  }
0x63: {  	_ =	shalt  }
0x64: {  	_ =	shalt  }
0x65: {  	_ =	shalt  }
0x66: {  	_ =	shalt  }
0x67: {  	_ =	shalt  }
0x68: {  	_ =	shalt  }
0x69: {  	_ =	shalt  }
0x6a: {  	_ =	shalt  }
0x6b: {  	_ =	shalt  }
0x6c: {  	_ =	shalt  }
0x6d: {  	_ =	shalt  }
0x6e: {  	_ =	shalt  }
0x6f: {  	_ =	shalt  }
0x70: {  	_ =	shalt  }
0x71: {  	_ =	shalt  }
0x72: {  	_ =	shalt  }
0x73: {  	_ =	shalt  }
0x74: {  	_ =	shalt  }
0x75: {  	_ =	shalt  }
0x76: {  	_ =	shalt  }
0x77: {  	_ =	shalt  }
0x78: {  	_ =	shalt  }
0x79: {  	_ =	shalt  }
0x7a: {  	_ =	shalt  }
0x7b: {  	_ =	shalt  }
0x7c: {  	_ =	shalt  }
0x7d: {  	_ =	shalt  }
0x7e: {  	_ =	shalt  }
0x7f: {  	_ =	shalt  }
0x80: {  	_ =	shalt  }
0x81: {  	_ =	shalt  }
0x82: {  	_ =	shalt  }
0x83: {  	_ =	shalt  }
0x84: {  	_ =	shalt  }
0x85: {  	_ =	shalt  }
0x86: {  	_ =	shalt  }
0x87: {  	_ =	shalt  }
.Lfunc_end0:
.L_simem_size_0:
called_computation.1_lowered:
.L_overlay_start_0:
0x88: {  	s2 =	sld [smem:$0x3FD9]  }
0x89: {  	s3 =	sld [smem:$0x3FFE];
	_ =	sdelay $0x1  }
0x8a: {  	s1 =	srdreg.scid  }
0x8b: {  	s0 =	sand.u32 $0x1, s1  }
0x8c: {  	s14 =	sshll.u32 s0, $0xA;
	s2 =	sadd.s32 s3, s2  }
0x8d: {  	s2 =	sadd.s32 s2, s14  }
0x8e: {  	[smem:$0x3FB8] =	sst s2  }
0x8f: {  	_ = 	snop  }
0x90: {  	s2 =	sld [smem:$0x3FD0];
	_ =	sdelay $0x2  }
0x91: {  	s15 =	simm.s32 $0xA;
	s4 =	simm.s32 $0x10  }
0x92: {  	[smem:s4], [sflag:s15] =	dma.local [hbm:s2], $0x1  }
0x93: {  	_ =	swait.eq [sflag:s15], $0x1  }
0x94: {  	[sflag:s15] =	ssyncset.done $0x0  }
0x95: {  	s16 =	sld [smem:$0x10];
	[sflag:s15] =	ssyncadd.s32 $0xFFFFFFFF  }
0x96: {  	s17 =	sld [smem:$0x11];
	(tm) =	ssettm $0x1  }
0x97: {  	s18 =	sld [smem:$0x3FFB];
	_ =	sdelay $0x3  }
0x98: {  	_ =	strace s18  }
0x99: {  	s4 =	sld [smem:$0x3FFC];
	_ =	sdelay $0x3  }
0x9a: {  	_ =	strace s4  }
0x9b: {  	s4 =	sld [smem:$0x3FFD];
	_ =	sdelay $0x3  }
0x9c: {  	_ =	strace s4  }
0x9d: {  	_ =	strace $0x8FFFFFFF  }
0x9e: {  	s19 =	sld [smem:$0x3FDB];
	_ =	sdelay $0x1  }
0x9f: {  	s5 =	simm.s32 $_scs_section_size  }
0xa0: {  	s6 =	simm.s32 $_size__tile_overlayer_lowered;
	s7 =	simm.s32 $_tile_overlayer_lowered  }
0xa1: {  	s22 =	simm.s32 $0x1BFF;
	s21 =	sshll.u32 s7, $0x1;
	s4 =	sadd.s32 s5, s19  }
0xa2: {  	s8 =	simm.s32 $0x0;
	s20 =	sshll.u32 s6, $0x1;
	s6 =	sadd.s32 s21, s4  }
0xa3: {  	[timem:s8], [sflag:s22] =	dma.local [hbm:s6], s20  }
0xa4: {  	_ =	swait.ge [sflag:s22], s20  }
0xa5: {  	s5 =	ssub.s32 $0x0, s20;
	[sflag:s22] =	ssyncset.done $0x0  }
0xa6: {  	[sflag:s22] =	ssyncadd.s32 s5;
	_ =	sdelay $0x1  }
0xa7: {  	s23 =	simm.s32 $0x1B8B  }
0xa8: {  	_ =	swait.ge [sflag:s23], $0x1  }
0xa9: {  	[sflag:s23] =	ssyncset.done $0x0  }
0xaa: {  	s25 =	simm.s32 $0x1B8E;
	s24 =	sld [smem:$0x3FFE];
	[sflag:s23] =	ssyncadd.s32 $0xFFFFFFFF  }
0xab: {  	s26 =	simm.s32 $execute0_lowered;
	[smem:$0x3FD2] =	sst s25  }
0xac: {  	s6 =	sshll.u32 s26, $0x1;
	_ =	strace $0x80000049;
	[dreg:$0x1] =	wrdreg $0xFFFFFFFF  }
0xad: {  	s28 =	simm.s32 $_size_execute0_lowered;
	s4 =	sadd.s32 s4, s6;
	[dreg:$0x0] =	wrdreg $0x0  }
0xae: {  	s6 =	sshll.u32 s28, $0x1;
	[dreg:$0x2] =	wrdreg s4  }
0xaf: {  	[dreg:$0x3] =	wrdreg s6  }
0xb0: {  	[dreg:$0x4] =	wrdreg $0xC0  }
0xb1: {  	_ =	task [dreg:s8], $0x5FFFF  }
0xb2: {  	[dreg:$0x1] =	wrdreg $0xFFFFFFFF  }
0xb3: {  	[dreg:$0x0] =	wrdreg $0x60  }
0xb4: {  	[dreg:$0x2] =	wrdreg s17  }
0xb5: {  	[dreg:$0x3] =	wrdreg s16  }
0xb6: {  	[dreg:$0x4] =	wrdreg s24  }
0xb7: {  	[dreg:$0x5] =	wrdreg $0x0  }
0xb8: {  	[dreg:$0x6] =	wrdreg $0x9  }
0xb9: {  	_ =	task.clear_ibuf [dreg:s8], $0x7FFFF;
	_ =	strace $0x90000049  }
0xba: {  	s29 =	simm.s32 $0x9;
	_ =	strace $0x8000004B  }
0xbb: {  	_ =	swait.ge [sflag:s29], $0x1  }
0xbc: {  	[sflag:s29] =	ssyncadd.s32 $0xFFFFFFFF  }
0xbd: {  	_ =	strace $0x9000004B  }
0xbe: {  	_ =	sfence  }
0xbf: {  	s30 =	sld [smem:$0x0];
	_ =	sdelay $0x2  }
0xc0: {  	s31 =	sshll.u32 s1, $0xD;
	s1 =	sshrl.u32 s1, $0x2  }
0xc1: {  	s3 =	sand.u32 $0x4000, s31;
	s1 =	sadd.s32 s1, s30  }
0xc2: {  	s0 =	sor.u32 s3, s0;
	s1 =	sshll.u32 s1, $0x11  }
0xc3: {  	s0 =	sor.u32 s1, s0  }
0xc4: {  	s0 =	sadd.s32 $0x8F2B, s0  }
0xc5: {  	[sflag:s0] =	ssyncadd.remote.s32 $0x1  }
0xc6: {  	_ =	sfence.sel $0xFFFF  }
0xc7: {  	[dreg:$0x0] =	wrdreg $0xFFFFFFFF;
	(pc) =	sbr.abs _section_cstart, $3  }
0xc8: {  	[dreg:$0x1] =	wrdreg $0xFFFFFFFF  }
0xc9: {  	_ =	task.clear_ibuf [dreg:s8], $0x2FFFF;
	_ =	strace $0x9FFFFFFF  }
0xca: {  	(tm) =	ssettm $0x7FFFFFFF  }
0xcb: {  	_ =	shalt  }
tec
execute0_lowered:
.L_overlay_start_1:
0x0: {  	(tag) =	ssettag $0x1  }
0x1: {  	s30 =	rddreg [dreg:$0x0]  }
0x2: {  	s29 =	rddreg [dreg:$0x1]  }
0x3: {  	s0 =	rddreg [dreg:$0x2]  }
0x4: {  	s3 =	rddreg [dreg:$0x3]  }
0x5: {  	s31 =	simm.s32 $0x0;
	s8 =	srdreg.scid;
	s1 =	stileid.u32  }
0x6: {  	s28 =	simm.s32 $0x8;
	[smem:$0x7FF] =	sst s31;
	s5 =	sadd.s32 $0x16200, s0  }
0x7: {  	s6 =	sadd.s32 $0x2200, s0;
	s7 =	sadd.s32 $0x20200, s0;
	s9 =	sadd.s32 $0xC200, s0  }
0x8: {  	s8 =	sand.u32 $0x1, s8;
	s4 =	sadd.s32 $0x78C00, s0;
	s11 =	smul.u32 $0xA000, s1  }
0x9: {  	s2 =	sadd.s32 $0x3E200, s0;
	s13 =	smul.u32 $0xA00, s1;
	s0 =	sadd.s32 $0x2A200, s0  }
0xa: {  	_ =	strace $0x8000004A;
	s10 =	ssub.s32 $0x2, s8;
	[dreg:$0x9] =	wrdreg s2  }
0xb: {  	[dreg:$0xa] =	wrdreg s0;
	p0 =	sne.s32 s8, $0x0;
	s8 =	simm.s32 $0x12800  }
0xc: {  	s12 =	sshrl.u32 s10, $0x1;
	s25 =	sadd.s32 s7, s13;
	s14 =	sor.u32 $0x20, s13  }
0xd: {  	s21 =	sadd.s32 s9, s13;
	s19 =	sshrl.u32 s11, $0x3;
	s23 =	sadd.s32 s6, s13  }
0xe: {  	s0 =	ssub.s32 s10, s12;
	s10 =	sadd.s32 s11, s3;
	[dreg:$0x12] =	wrdreg s19  }
0xf: {  	s12 =	sshll.u32 s1, $0x6;
	s15 =	sadd.s32 s7, s14;
	[dreg:$0x7] =	wrdreg s23  }
0x10: {  	s16 =	sadd.s32 $0x40, s25;
	s17 =	sadd.s32 $0x60, s25;
	[dreg:$0x5] =	wrdreg s25  }
0x11: {  	s18 =	sadd.s32 s9, s14;
	s11 =	smov.u32 s4;
	[dreg:$0x10] =	wrdreg s21  }
0x12: {  	s7 =	sadd.s32 s5, s13;
	s20 =	sadd.s32 s5, s14;
	[dreg:$0xb] =	wrdreg s10  }
0x13: {  	s24 =	sadd.s32 s6, s14;
	s5 =	simm.s32 $0x11;
	[dreg:$0xd] =	wrdreg s15  }
0x14: {  	s13 =	simm.s32 $0xA200;
	s14 =	simm.s32 $0xB;
	[dreg:$0xe] =	wrdreg s16  }
0x15: {  	s19 =	simm.s32 $0x5;
	s23 =	simm.s32 $0x16800;
	[dreg:$0xf] =	wrdreg s17  }
0x16: {  	s6 =	simm.s32 $0x2;
	s9 =	simm.s32 $0x7;
	[dreg:$0x11] =	wrdreg s18  }
0x17: {  	s4 =	smov.u32 s30;
	s2 =	sor.u32 $0x1C11, s12;
	[dreg:$0x13] =	wrdreg s20  }
0x18: {  	s22 =	sadd.s32 $0x40, s7;
	[dreg:$0x15] =	wrdreg s24;
	s26 =	sadd.s32 $0x60, s7  }
0x19: {  	s0 =	smax.u32 s0, $0x1;
	s18 =	simm.s32 $0xA700;
	[dreg:$0x6] =	wrdreg s7  }
.Ltmp0:
0x1a: {  	s24 =	simm.s32 $0xA000;
	[dreg:$0x8] =	wrdreg s11;
	(pc) =	sbr.rel .LBB2_1-.Ltmp0, $4  }
0x1b: {  	s17 =	simm.s32 $0xA800;
	s16 =	simm.s32 $0x1;
	[dreg:$0x14] =	wrdreg s22  }
0x1c: {  	s20 =	simm.s32 $0xA300;
	s10 =	simm.s32 $0x0;
	[dreg:$0x16] =	wrdreg s26  }
0x1d: {  	s15 =	smov.u32 s29;
	[dreg:$0x17] =	wrdreg s0;
	s0 =	simm.s32 $0x100  }
0x1e: {  	s22 =	simm.s32 $0xC;
	s26 =	simm.s32 $0xE;
	[dreg:$0xc] =	wrdreg s2  }
.LBB2_7:
0x1f: {  	s1 =	simm.s32 @!p3 $0xF;
	[sflag:s28] =	ssyncadd.s32 $0xFFFFFF00  }
0x20: {  	[spmem:s3] =	stream.indirect.scatter.add.f32 [tilespmem:s23], [sflag:$0x10], $0x40, s20, s0, $0xb8;
	[tilespmem:$0x1A800] =	vst v63  }
0x21: {  	_ =	swait.ge @!p3 [sflag:s1], $0x4000  }
0x22: {  	s2 =	sadd.s32 s17, s21;
	[sflag:s1] =	ssyncset.done @!p3 $0x0  }
0x23: {  	s18 =	sadd.s32 $0x40, s2;
	[sflag:s1] =	ssyncadd.s32 @!p3 $0xFFFFC000  }
0x24: {  	[tilespmem:s13], [sflag:$0x7] =	stream.linear.gather [hbm4b:s18+s31], $0x100, $0x38;
	[tilespmem:$0x1A800] =	vst v63  }
0x25: {  	_ =	swait.ge [sflag:s14], $0x100  }
0x26: {  	[sflag:s14] =	ssyncset.done $0x0  }
0x27: {  	[sflag:s14] =	ssyncadd.s32 $0xFFFFFF00  }
0x28: {  	[tilespmem:s8], [sflag:$0x3] =	stream.indirect.gather [hbm4b:s29+s0], $0x40, s30, s0, $0xb8;
	[tilespmem:$0x1A800] =	vst v63  }
0x29: {  	p1 =	seq.s32 s17, $0x980;
	_ =	swait.ge [sflag:s16], $0x4000  }
0x2a: {  	s5 =	sadd.s32 @!p1 s17, s25;
	s10 =	simm.s32 @!p1 $0x0;
	[sflag:s16] =	ssyncset.done $0x0  }
0x2b: {  	s7 =	sadd.s32 @!p1 $0x80, s5;
	s1 =	simm.s32 @!p1 $0xA400;
	[sflag:s16] =	ssyncadd.s32 $0xFFFFC000  }
0x2c: {  	[tilespmem:s1], [sflag:$0x9] =	stream.linear.gather @!p1 [hbm4b:s7+s10], $0x100, $0x38;
	[tilespmem:$0x1A800] =	vst v63  }
0x2d: {  	_ =	swait.ge [sflag:s19], $0x100  }
0x2e: {  	s11 =	simm.s32 $0xA800;
	[sflag:s19] =	ssyncset.done $0x0  }
0x2f: {  	s12 =	simm.s32 $0xA000;
	s7 =	simm.s32 @!p3 $0x10;
	[sflag:s19] =	ssyncadd.s32 $0xFFFFFF00  }
0x30: {  	[spmem:s3] =	stream.indirect.scatter.add.f32 [tilespmem:s11], [sflag:$0xD], $0x40, s12, s0, $0xb8;
	[tilespmem:$0x1A800] =	vst v63  }
0x31: {  	_ =	swait.ge @!p3 [sflag:s7], $0x4000  }
0x32: {  	[sflag:s7] =	ssyncset.done @!p3 $0x0  }
0x33: {  	s2 =	sadd.s32 $0x60, s2;
	[sflag:s7] =	ssyncadd.s32 @!p3 $0xFFFFC000  }
0x34: {  	[tilespmem:s20], [sflag:$0x8] =	stream.linear.gather [hbm4b:s2+s31], $0x100, $0x38;
	[tilespmem:$0x1A800] =	vst v63  }
0x35: {  	_ =	swait.ge [sflag:s22], $0x100  }
0x36: {  	[sflag:s22] =	ssyncset.done $0x0  }
0x37: {  	s24 =	simm.s32 $0xA700;
	[sflag:s22] =	ssyncadd.s32 $0xFFFFFF00  }
0x38: {  	[tilespmem:s23], [sflag:$0x4] =	stream.indirect.gather [hbm4b:s29+s0], $0x40, s24, s0, $0xb8;
	[tilespmem:$0x1A800] =	vst v63  }
0x39: {  	_ =	swait.ge [sflag:s6], $0x4000  }
0x3a: {  	[sflag:s6] =	ssyncset.done $0x0  }
0x3b: {  	s2 =	simm.s32 @p1 $0x6;
	[sflag:s6] =	ssyncadd.s32 $0xFFFFC000  }
0x3c: {  	_ =	swait.ge @p1 [sflag:s2], $0x100  }
0x3d: {  	s11 =	simm.s32 @p1 $0xD;
	s12 =	simm.s32 @p1 $0xA100;
	[sflag:s2] =	ssyncset.done @p1 $0x0  }
0x3e: {  	s7 =	simm.s32 @p1 $0xE800;
	[sflag:s2] =	ssyncadd.s32 @p1 $0xFFFFFF00;
	s2 =	simm.s32 @p1 $0x100  }
0x3f: {  	[spmem:s3] =	stream.indirect.scatter.add.f32 @p1 [tilespmem:s7], [sflag:$0xE], $0x40, s12, s2, $0xb8;
	[tilespmem:$0x1A800] =	vst v63  }
0x40: {  	_ =	swait.ge @p1 [sflag:s11], $0x4000  }
0x41: {  	[sflag:s11] =	ssyncset.done @p1 $0x0  }
0x42: {  	s2 =	simm.s32 @p1 $0x3;
	[sflag:s11] =	ssyncadd.s32 @p1 $0xFFFFC000  }
0x43: {  	_ =	swait.ge @p1 [sflag:s2], $0x4000  }
0x44: {  	s7 =	sadd.s32 @!p1 $0xA0, s5;
	[sflag:s2] =	ssyncset.done @p1 $0x0  }
0x45: {  	s11 =	simm.s32 @!p1 $0x6;
	[sflag:s2] =	ssyncadd.s32 @p1 $0xFFFFC000;
	s2 =	simm.s32 @!p1 $0xA500  }
0x46: {  	[tilespmem:s2], [sflag:$0xA] =	stream.linear.gather @!p1 [hbm4b:s7+s10], $0x100, $0x38;
	[tilespmem:$0x1A800] =	vst v63  }
0x47: {  	_ =	swait.ge @!p1 [sflag:s11], $0x100  }
0x48: {  	s18 =	simm.s32 @!p1 $0xA100;
	s12 =	simm.s32 @!p1 $0xD;
	[sflag:s11] =	ssyncset.done @!p1 $0x0  }
0x49: {  	s7 =	simm.s32 @!p1 $0xE800;
	[sflag:s11] =	ssyncadd.s32 @!p1 $0xFFFFFF00;
	s11 =	simm.s32 @!p1 $0x100  }
0x4a: {  	[spmem:s3] =	stream.indirect.scatter.add.f32 @!p1 [tilespmem:s7], [sflag:$0xE], $0x40, s18, s11, $0xb8;
	[tilespmem:$0x1A800] =	vst v63  }
0x4b: {  	_ =	swait.ge @!p1 [sflag:s12], $0x4000  }
0x4c: {  	s17 =	sadd.s32 @!p1 s17, s21;
	[sflag:s12] =	ssyncset.done @!p1 $0x0  }
0x4d: {  	s24 =	sadd.s32 @!p1 $0x80, s17;
	[sflag:s12] =	ssyncadd.s32 @!p1 $0xFFFFC000;
	s12 =	simm.s32 @!p1 $0xA000  }
0x4e: {  	[tilespmem:s12], [sflag:$0x5] =	stream.linear.gather @!p1 [hbm4b:s24+s10], $0x100, $0x38;
	[tilespmem:$0x1A800] =	vst v63  }
0x4f: {  	s12 =	simm.s32 @!p1 $0x9  }
0x50: {  	_ =	swait.ge @!p1 [sflag:s12], $0x100  }
0x51: {  	[sflag:s12] =	ssyncset.done @!p1 $0x0  }
0x52: {  	[sflag:s12] =	ssyncadd.s32 @!p1 $0xFFFFFF00;
	s12 =	simm.s32 @!p1 $0xA800  }
0x53: {  	[tilespmem:s12], [sflag:$0x1] =	stream.indirect.gather @!p1 [hbm4b:s29+s11], $0x40, s1, s11, $0xb8;
	[tilespmem:$0x1A800] =	vst v63  }
0x54: {  	s1 =	simm.s32 @!p1 $0x3  }
0x55: {  	_ =	swait.ge @!p1 [sflag:s1], $0x4000  }
0x56: {  	[sflag:s1] =	ssyncset.done @!p1 $0x0  }
0x57: {  	s12 =	sadd.s32 @!p1 $0xC0, s5;
	[sflag:s1] =	ssyncadd.s32 @!p1 $0xFFFFC000;
	s1 =	simm.s32 @!p1 $0xA600  }
0x58: {  	[tilespmem:s1], [sflag:$0xB] =	stream.linear.gather @!p1 [hbm4b:s12+s10], $0x100, $0x38;
	[tilespmem:$0x1A800] =	vst v63  }
0x59: {  	_ =	swait.ge [sflag:s9], $0x100  }
0x5a: {  	[sflag:s9] =	ssyncset.done $0x0  }
0x5b: {  	[sflag:s9] =	ssyncadd.s32 $0xFFFFFF00  }
0x5c: {  	[spmem:s3] =	stream.indirect.scatter.add.f32 [tilespmem:s8], [sflag:$0xF], $0x40, s13, s0, $0xb8;
	[tilespmem:$0x1A800] =	vst v63  }
0x5d: {  	_ =	swait.ge [sflag:s26], $0x4000  }
0x5e: {  	[sflag:s26] =	ssyncset.done $0x0  }
0x5f: {  	s1 =	simm.s32 @p1 $0x4;
	[sflag:s26] =	ssyncadd.s32 $0xFFFFC000  }
0x60: {  	_ =	swait.ge @p1 [sflag:s1], $0x4000  }
0x61: {  	[sflag:s1] =	ssyncset.done @p1 $0x0  }
0x62: {  	[sflag:s1] =	ssyncadd.s32 @p1 $0xFFFFC000;
	s1 =	sadd.s32 @!p1 $0xA0, s17  }
0x63: {  	[tilespmem:s18], [sflag:$0x6] =	stream.linear.gather @!p1 [hbm4b:s1+s10], $0x100, $0x38;
	[tilespmem:$0x1A800] =	vst v63  }
0x64: {  	s1 =	simm.s32 @!p1 $0xA  }
0x65: {  	_ =	swait.ge @!p1 [sflag:s1], $0x100  }
0x66: {  	[sflag:s1] =	ssyncset.done @!p1 $0x0  }
0x67: {  	[sflag:s1] =	ssyncadd.s32 @!p1 $0xFFFFFF00;
	s1 =	simm.s32 @!p1 $0x4  }
0x68: {  	[tilespmem:s7], [sflag:$0x2] =	stream.indirect.gather @!p1 [hbm4b:s29+s11], $0x40, s2, s11, $0xb8;
	[tilespmem:$0x1A800] =	vst v63  }
0x69: {  	_ =	swait.ge @!p1 [sflag:s1], $0x4000  }
0x6a: {  	[sflag:s1] =	ssyncset.done @!p1 $0x0  }
0x6b: {  	s2 =	sadd.s32 @!p1 $0xE0, s5;
	[sflag:s1] =	ssyncadd.s32 @!p1 $0xFFFFC000;
	s1 =	simm.s32 @!p1 $0xA700  }
0x6c: {  	[tilespmem:s1], [sflag:$0xC] =	stream.linear.gather @!p1 [hbm4b:s2+s10], $0x100, $0x38;
	[tilespmem:$0x1A800] =	vst v63  }
0x6d: {  	_ =	swait.ge [sflag:s28], $0x100  }
0x6e: {  	s5 =	rddreg [dreg:$0xa]  }
0x6f: {  	[sflag:s28] =	ssyncset.done $0x0;
	s10 =	rddreg [dreg:$0x18]  }
0x70: {  	s30 =	smov.u32 s4;
	s11 =	rddreg [dreg:$0x8];
	[sflag:s28] =	ssyncadd.s32 $0xFFFFFF00  }
0x71: {  	[spmem:s3] =	stream.indirect.scatter.add.f32 [tilespmem:s23], [sflag:$0x10], $0x40, s20, s0, $0xb8;
	[tilespmem:$0x1A800] =	vst v63  }
.LBB2_8:
0x72: {  	s1 =	simm.s32 $0xF  }
0x73: {  	_ =	swait.ge [sflag:s1], $0x4000  }
0x74: {  	[sflag:s1] =	ssyncset.done $0x0  }
0x75: {  	s17 =	simm.s32 $0x10;
	[sflag:s1] =	ssyncadd.s32 $0xFFFFC000  }
0x76: {  	_ =	swait.ge [sflag:s17], $0x4000  }
0x77: {  	[sflag:s17] =	ssyncset.done $0x0  }
0x78: {  	[sflag:s17] =	ssyncadd.s32 $0xFFFFC000  }
0x79: {  	s18 =	rddreg [dreg:$0x12];
	[bflag:$0x0] =	sbarrier.arrive $0xFFFF  }
0x7a: {  	s2 =	rddreg [dreg:$0xc]  }
0x7b: {  	s1 =	sadd.s32 s5, s18;
	s5 =	simm.s32 $0x11;
	s21 =	rddreg [dreg:$0x19]  }
0x7c: {  	[hbm:s1], [sflag:s2] =	dma.local [spmem:s21], $0x1400  }
0x7d: {  	_ =	swait.ge [sflag:s5], $0x1400  }
0x7e: {  	s10 =	sadd.s32 $0x1, s10;
	s24 =	rddreg [dreg:$0x17]  }
0x7f: {  	p1 =	sne.s32 s10, s24  }
.Ltmp1:
0x80: {  	_ = 	snop;
	(pc) =	sbr.rel @!p1 .LBB2_9-.Ltmp1, $4  }
0x81: {  	_ = 	snop  }
0x82: {  	s18 =	simm.s32 $0xA700  }
0x83: {  	s17 =	simm.s32 $0xA800;
	[sflag:s5] =	ssyncset.done $0x0;
	s21 =	rddreg [dreg:$0x10]  }
0x84: {  	s7 =	rddreg [dreg:$0x6];
	[sflag:s5] =	ssyncadd.s32 $0xFFFFEC00;
	s24 =	simm.s32 $0xA000  }
.LBB2_1:
0x85: {  	s1 =	rddreg [dreg:$0xb]  }
0x86: {  	[dreg:$0x18] =	wrdreg s10;
	s1 =	sshrl.u32 s1, $0x3  }
0x87: {  	[dreg:$0x19] =	wrdreg s1  }
0x88: {  	[spmem:s1], [sflag:s2] =	dma.local [hbm:s11], $0x1400  }
.Ltmp2:
0x89: {  	_ =	swait.ge [sflag:s5], $0x1400;
	(pc) =	sbr.rel @p0 .LBB2_5-.Ltmp2, $3  }
0x8a: {  	[sflag:s5] =	ssyncset.done $0x0  }
0x8b: {  	[sflag:s5] =	ssyncadd.s32 $0xFFFFEC00  }
0x8c: {  	[bflag:$0x0] =	sbarrier.arrive $0xFFFF;
	_ =	sdelay $0x1  }
0x8d: {  	s5 =	simm.s32 $0x0;
	s10 =	simm.s32 $0xA400  }
0x8e: {  	[tilespmem:s10], [sflag:$0x9] =	stream.linear.gather [hbm4b:s7+s5], $0x100, $0x38;
	[tilespmem:$0x1A800] =	vst v63  }
0x8f: {  	s1 =	rddreg [dreg:$0x13];
	s11 =	simm.s32 $0xA500  }
0x90: {  	[tilespmem:s11], [sflag:$0xA] =	stream.linear.gather [hbm4b:s1+s5], $0x100, $0x38;
	[tilespmem:$0x1A800] =	vst v63  }
0x91: {  	s12 =	rddreg [dreg:$0x14];
	s21 =	simm.s32 $0xA600  }
0x92: {  	[tilespmem:s21], [sflag:$0xB] =	stream.linear.gather [hbm4b:s12+s5], $0x100, $0x38;
	[tilespmem:$0x1A800] =	vst v63  }
0x93: {  	s25 =	rddreg [dreg:$0x16]  }
0x94: {  	[tilespmem:s18], [sflag:$0xC] =	stream.linear.gather [hbm4b:s25+s5], $0x100, $0x38;
	[tilespmem:$0x1A800] =	vst v63  }
0x95: {  	s2 =	rddreg [dreg:$0x7]  }
0x96: {  	[tilespmem:s24], [sflag:$0x5] =	stream.linear.gather [hbm4b:s2+s5], $0x100, $0x38;
	[tilespmem:$0x1A800] =	vst v63  }
0x97: {  	s29 =	rddreg [dreg:$0x15];
	s12 =	simm.s32 $0xA100  }
0x98: {  	[tilespmem:s12], [sflag:$0x6] =	stream.linear.gather [hbm4b:s29+s5], $0x100, $0x38;
	[tilespmem:$0x1A800] =	vst v63  }
0x99: {  	s5 =	simm.s32 $0x9  }
0x9a: {  	_ =	swait.ge [sflag:s5], $0x100  }
0x9b: {  	[sflag:s5] =	ssyncset.done $0x0  }
0x9c: {  	s12 =	simm.s32 $0xA;
	[sflag:s5] =	ssyncadd.s32 $0xFFFFFF00  }
0x9d: {  	[tilespmem:s17], [sflag:$0x1] =	stream.indirect.gather [hbm4b:s30+s0], $0x40, s10, s0, $0xb8;
	[tilespmem:$0x1A800] =	vst v63  }
0x9e: {  	_ =	swait.ge [sflag:s12], $0x100  }
0x9f: {  	p2 =	por $0x1, $0x1;
	[sflag:s12] =	ssyncset.done $0x0  }
0xa0: {  	s5 =	simm.s32 @!p2 $0xF;
	s17 =	simm.s32 $0xE800;
	[sflag:s12] =	ssyncadd.s32 $0xFFFFFF00  }
0xa1: {  	[tilespmem:s17], [sflag:$0x2] =	stream.indirect.gather [hbm4b:s30+s0], $0x40, s11, s0, $0xb8;
	[tilespmem:$0x1A800] =	vst v63  }
0xa2: {  	_ =	swait.ge @!p2 [sflag:s5], $0x4000  }
0xa3: {  	s11 =	sadd.s32 $0x0, s2;
	[sflag:s5] =	ssyncset.done @!p2 $0x0  }
0xa4: {  	s25 =	sadd.s32 $0x40, s11;
	[sflag:s5] =	ssyncadd.s32 @!p2 $0xFFFFC000  }
0xa5: {  	[tilespmem:s13], [sflag:$0x7] =	stream.linear.gather [hbm4b:s25+s31], $0x100, $0x38;
	[tilespmem:$0x1A800] =	vst v63  }
0xa6: {  	_ =	swait.ge [sflag:s14], $0x100  }
0xa7: {  	[sflag:s14] =	ssyncset.done $0x0  }
0xa8: {  	[sflag:s14] =	ssyncadd.s32 $0xFFFFFF00  }
0xa9: {  	[tilespmem:s8], [sflag:$0x3] =	stream.indirect.gather [hbm4b:s30+s0], $0x40, s21, s0, $0xb8;
	[tilespmem:$0x1A800] =	vst v63  }
0xaa: {  	p1 =	por $0x0, $0x0;
	_ =	swait.ge [sflag:s16], $0x4000  }
0xab: {  	s10 =	simm.s32 @!p1 $0x0;
	s5 =	sadd.s32 @!p1 $0x0, s7;
	[sflag:s16] =	ssyncset.done $0x0  }
0xac: {  	s12 =	simm.s32 @!p1 $0xA400;
	s17 =	sadd.s32 @!p1 $0x80, s5;
	[sflag:s16] =	ssyncadd.s32 $0xFFFFC000  }
0xad: {  	[tilespmem:s12], [sflag:$0x9] =	stream.linear.gather @!p1 [hbm4b:s17+s10], $0x100, $0x38;
	[tilespmem:$0x1A800] =	vst v63  }
0xae: {  	_ =	swait.ge [sflag:s19], $0x100  }
0xaf: {  	[sflag:s19] =	ssyncset.done $0x0  }
0xb0: {  	s29 =	simm.s32 $0xA800;
	s17 =	simm.s32 @!p2 $0x10;
	[sflag:s19] =	ssyncadd.s32 $0xFFFFFF00  }
0xb1: {  	[spmem:s3] =	stream.indirect.scatter.add.f32 [tilespmem:s29], [sflag:$0xD], $0x40, s24, s0, $0xb8;
	[tilespmem:$0x1A800] =	vst v63  }
0xb2: {  	_ =	swait.ge @!p2 [sflag:s17], $0x4000  }
0xb3: {  	[sflag:s17] =	ssyncset.done @!p2 $0x0  }
0xb4: {  	s11 =	sadd.s32 $0x60, s11;
	[sflag:s17] =	ssyncadd.s32 @!p2 $0xFFFFC000  }
0xb5: {  	[tilespmem:s20], [sflag:$0x8] =	stream.linear.gather [hbm4b:s11+s31], $0x100, $0x38;
	[tilespmem:$0x1A800] =	vst v63  }
0xb6: {  	_ =	swait.ge [sflag:s22], $0x100  }
0xb7: {  	[sflag:s22] =	ssyncset.done $0x0  }
0xb8: {  	[sflag:s22] =	ssyncadd.s32 $0xFFFFFF00  }
0xb9: {  	[tilespmem:s23], [sflag:$0x4] =	stream.indirect.gather [hbm4b:s30+s0], $0x40, s18, s0, $0xb8;
	[tilespmem:$0x1A800] =	vst v63  }
0xba: {  	_ =	swait.ge [sflag:s6], $0x4000  }
0xbb: {  	[sflag:s6] =	ssyncset.done $0x0  }
0xbc: {  	s11 =	simm.s32 @p1 $0x6;
	[sflag:s6] =	ssyncadd.s32 $0xFFFFC000  }
0xbd: {  	_ =	swait.ge @p1 [sflag:s11], $0x100  }
0xbe: {  	s24 =	simm.s32 @p1 $0xA100;
	s17 =	simm.s32 @p1 $0xE800;
	[sflag:s11] =	ssyncset.done @p1 $0x0  }
0xbf: {  	s18 =	simm.s32 @p1 $0xD;
	[sflag:s11] =	ssyncadd.s32 @p1 $0xFFFFFF00;
	s11 =	simm.s32 @p1 $0x100  }
0xc0: {  	[spmem:s3] =	stream.indirect.scatter.add.f32 @p1 [tilespmem:s17], [sflag:$0xE], $0x40, s24, s11, $0xb8;
	[tilespmem:$0x1A800] =	vst v63  }
0xc1: {  	_ =	swait.ge @p1 [sflag:s18], $0x4000  }
0xc2: {  	[sflag:s18] =	ssyncset.done @p1 $0x0  }
0xc3: {  	s11 =	simm.s32 @p1 $0x3;
	[sflag:s18] =	ssyncadd.s32 @p1 $0xFFFFC000  }
0xc4: {  	_ =	swait.ge @p1 [sflag:s11], $0x4000  }
0xc5: {  	s17 =	sadd.s32 @!p1 $0xA0, s5;
	[sflag:s11] =	ssyncset.done @p1 $0x0  }
0xc6: {  	s18 =	simm.s32 @!p1 $0x6;
	[sflag:s11] =	ssyncadd.s32 @p1 $0xFFFFC000;
	s11 =	simm.s32 @!p1 $0xA500  }
0xc7: {  	[tilespmem:s11], [sflag:$0xA] =	stream.linear.gather @!p1 [hbm4b:s17+s10], $0x100, $0x38;
	[tilespmem:$0x1A800] =	vst v63  }
0xc8: {  	_ =	swait.ge @!p1 [sflag:s18], $0x100  }
0xc9: {  	s25 =	simm.s32 @!p1 $0xA100;
	s24 =	simm.s32 @!p1 $0xD;
	[sflag:s18] =	ssyncset.done @!p1 $0x0  }
0xca: {  	s17 =	simm.s32 @!p1 $0xE800;
	[sflag:s18] =	ssyncadd.s32 @!p1 $0xFFFFFF00;
	s18 =	simm.s32 @!p1 $0x100  }
0xcb: {  	[spmem:s3] =	stream.indirect.scatter.add.f32 @!p1 [tilespmem:s17], [sflag:$0xE], $0x40, s25, s18, $0xb8;
	[tilespmem:$0x1A800] =	vst v63  }
0xcc: {  	_ =	swait.ge @!p1 [sflag:s24], $0x4000  }
0xcd: {  	s29 =	sadd.s32 @!p1 $0x0, s2;
	[sflag:s24] =	ssyncset.done @!p1 $0x0  }
0xce: {  	s30 =	sadd.s32 @!p1 $0x80, s29;
	[sflag:s24] =	ssyncadd.s32 @!p1 $0xFFFFC000;
	s24 =	simm.s32 @!p1 $0xA000  }
0xcf: {  	[tilespmem:s24], [sflag:$0x5] =	stream.linear.gather @!p1 [hbm4b:s30+s10], $0x100, $0x38;
	[tilespmem:$0x1A800] =	vst v63  }
0xd0: {  	s24 =	simm.s32 @!p1 $0x9  }
0xd1: {  	_ =	swait.ge @!p1 [sflag:s24], $0x100  }
0xd2: {  	[sflag:s24] =	ssyncset.done @!p1 $0x0  }
0xd3: {  	[sflag:s24] =	ssyncadd.s32 @!p1 $0xFFFFFF00;
	s24 =	simm.s32 @!p1 $0xA800  }
0xd4: {  	[tilespmem:s24], [sflag:$0x1] =	stream.indirect.gather @!p1 [hbm4b:s4+s18], $0x40, s12, s18, $0xb8;
	[tilespmem:$0x1A800] =	vst v63  }
0xd5: {  	s12 =	simm.s32 @!p1 $0x3  }
0xd6: {  	_ =	swait.ge @!p1 [sflag:s12], $0x4000  }
0xd7: {  	[sflag:s12] =	ssyncset.done @!p1 $0x0  }
0xd8: {  	s24 =	sadd.s32 @!p1 $0xC0, s5;
	[sflag:s12] =	ssyncadd.s32 @!p1 $0xFFFFC000;
	s12 =	simm.s32 @!p1 $0xA600  }
0xd9: {  	[tilespmem:s12], [sflag:$0xB] =	stream.linear.gather @!p1 [hbm4b:s24+s10], $0x100, $0x38;
	[tilespmem:$0x1A800] =	vst v63  }
0xda: {  	_ =	swait.ge [sflag:s9], $0x100  }
0xdb: {  	[sflag:s9] =	ssyncset.done $0x0  }
0xdc: {  	[sflag:s9] =	ssyncadd.s32 $0xFFFFFF00  }
0xdd: {  	[spmem:s3] =	stream.indirect.scatter.add.f32 [tilespmem:s8], [sflag:$0xF], $0x40, s13, s0, $0xb8;
	[tilespmem:$0x1A800] =	vst v63  }
0xde: {  	_ =	swait.ge [sflag:s26], $0x4000  }
0xdf: {  	[sflag:s26] =	ssyncset.done $0x0  }
0xe0: {  	s12 =	simm.s32 @p1 $0x4;
	[sflag:s26] =	ssyncadd.s32 $0xFFFFC000  }
0xe1: {  	_ =	swait.ge @p1 [sflag:s12], $0x4000  }
0xe2: {  	[sflag:s12] =	ssyncset.done @p1 $0x0  }
0xe3: {  	[sflag:s12] =	ssyncadd.s32 @p1 $0xFFFFC000;
	s12 =	sadd.s32 @!p1 $0xA0, s29  }
0xe4: {  	[tilespmem:s25], [sflag:$0x6] =	stream.linear.gather @!p1 [hbm4b:s12+s10], $0x100, $0x38;
	[tilespmem:$0x1A800] =	vst v63  }
0xe5: {  	s12 =	simm.s32 @!p1 $0xA  }
0xe6: {  	_ =	swait.ge @!p1 [sflag:s12], $0x100  }
0xe7: {  	[sflag:s12] =	ssyncset.done @!p1 $0x0  }
0xe8: {  	[sflag:s12] =	ssyncadd.s32 @!p1 $0xFFFFFF00  }
0xe9: {  	[tilespmem:s17], [sflag:$0x2] =	stream.indirect.gather @!p1 [hbm4b:s4+s18], $0x40, s11, s18, $0xb8;
	[tilespmem:$0x1A800] =	vst v63  }
0xea: {  	s11 =	simm.s32 @!p1 $0x4  }
0xeb: {  	_ =	swait.ge @!p1 [sflag:s11], $0x4000  }
0xec: {  	p3 =	por $0x0, $0x0;
	[sflag:s11] =	ssyncset.done @!p1 $0x0  }
0xed: {  	s5 =	sadd.s32 @!p1 $0xE0, s5;
	[sflag:s11] =	ssyncadd.s32 @!p1 $0xFFFFC000;
	s11 =	simm.s32 @!p1 $0xA700  }
0xee: {  	[tilespmem:s11], [sflag:$0xC] =	stream.linear.gather @!p1 [hbm4b:s5+s10], $0x100, $0x38;
	[tilespmem:$0x1A800] =	vst v63  }
0xef: {  	s21 =	simm.s32 $0x0;
	s30 =	smov.u32 s4;
	_ =	swait.ge [sflag:s28], $0x100  }
0xf0: {  	s24 =	simm.s32 $0x100;
	s17 =	simm.s32 $0x80;
	[sflag:s28] =	ssyncset.done $0x0  }
.LBB2_3:
0xf1: {  	s5 =	simm.s32 @!p3 $0xF;
	[sflag:s28] =	ssyncadd.s32 $0xFFFFFF00  }
0xf2: {  	[spmem:s3] =	stream.indirect.scatter.add.f32 [tilespmem:s23], [sflag:$0x10], $0x40, s20, s0, $0xb8;
	[tilespmem:$0x1A800] =	vst v63  }
0xf3: {  	_ =	swait.ge @!p3 [sflag:s5], $0x4000  }
0xf4: {  	s31 =	sadd.s32 s17, s2;
	[sflag:s5] =	ssyncset.done @!p3 $0x0  }
0xf5: {  	s1 =	sadd.s32 $0x40, s31;
	[sflag:s5] =	ssyncadd.s32 @!p3 $0xFFFFC000  }
0xf6: {  	[tilespmem:s13], [sflag:$0x7] =	stream.linear.gather [hbm4b:s1+s21], $0x100, $0x38;
	[tilespmem:$0x1A800] =	vst v63  }
0xf7: {  	_ =	swait.ge [sflag:s14], $0x100  }
0xf8: {  	[sflag:s14] =	ssyncset.done $0x0  }
0xf9: {  	s1 =	simm.s32 $0xA600;
	[sflag:s14] =	ssyncadd.s32 $0xFFFFFF00  }
0xfa: {  	[tilespmem:s8], [sflag:$0x3] =	stream.indirect.gather [hbm4b:s30+s0], $0x40, s1, s0, $0xb8;
	[tilespmem:$0x1A800] =	vst v63  }
0xfb: {  	p2 =	seq.s32 s17, $0x980;
	_ =	swait.ge [sflag:s16], $0x4000  }
0xfc: {  	s25 =	sadd.s32 @!p2 s17, s7;
	s11 =	simm.s32 @!p2 $0x0;
	[sflag:s16] =	ssyncset.done $0x0  }
0xfd: {  	s10 =	sadd.s32 @!p2 $0x80, s25;
	s5 =	simm.s32 @!p2 $0xA400;
	[sflag:s16] =	ssyncadd.s32 $0xFFFFC000  }
0xfe: {  	[tilespmem:s5], [sflag:$0x9] =	stream.linear.gather @!p2 [hbm4b:s10+s11], $0x100, $0x38;
	[tilespmem:$0x1A800] =	vst v63  }
0xff: {  	_ =	swait.ge [sflag:s19], $0x100  }
0x100: {  	s12 =	sadd.s32 @!p2 s17, s2;
	s7 =	simm.s32 @!p3 $0x10;
	[sflag:s19] =	ssyncset.done $0x0  }
0x101: {  	s2 =	simm.s32 $0xA800;
	s17 =	simm.s32 $0xA000;
	[sflag:s19] =	ssyncadd.s32 $0xFFFFFF00  }
0x102: {  	[spmem:s3] =	stream.indirect.scatter.add.f32 [tilespmem:s2], [sflag:$0xD], $0x40, s17, s0, $0xb8;
	[tilespmem:$0x1A800] =	vst v63  }
0x103: {  	_ =	swait.ge @!p3 [sflag:s7], $0x4000  }
0x104: {  	s29 =	smov.u32 s24;
	[sflag:s7] =	ssyncset.done @!p3 $0x0  }
0x105: {  	s17 =	smov.u32 s29;
	s29 =	sadd.s32 $0x60, s31;
	[sflag:s7] =	ssyncadd.s32 @!p3 $0xFFFFC000  }
0x106: {  	[tilespmem:s20], [sflag:$0x8] =	stream.linear.gather [hbm4b:s29+s21], $0x100, $0x38;
	[tilespmem:$0x1A800] =	vst v63  }
0x107: {  	_ =	swait.ge [sflag:s22], $0x100  }
0x108: {  	[sflag:s22] =	ssyncset.done $0x0  }
0x109: {  	s31 =	simm.s32 $0xA700;
	[sflag:s22] =	ssyncadd.s32 $0xFFFFFF00  }
0x10a: {  	[tilespmem:s23], [sflag:$0x4] =	stream.indirect.gather [hbm4b:s4+s0], $0x40, s31, s0, $0xb8;
	[tilespmem:$0x1A800] =	vst v63  }
0x10b: {  	_ =	swait.ge [sflag:s6], $0x4000  }
0x10c: {  	[sflag:s6] =	ssyncset.done $0x0  }
0x10d: {  	s7 =	simm.s32 @p2 $0x6;
	[sflag:s6] =	ssyncadd.s32 $0xFFFFC000  }
0x10e: {  	_ =	swait.ge @p2 [sflag:s7], $0x100  }
0x10f: {  	s1 =	simm.s32 @p2 $0xA100;
	s29 =	simm.s32 @p2 $0xE800;
	[sflag:s7] =	ssyncset.done @p2 $0x0  }
0x110: {  	s31 =	simm.s32 @p2 $0xD;
	[sflag:s7] =	ssyncadd.s32 @p2 $0xFFFFFF00;
	s7 =	simm.s32 @p2 $0x100  }
0x111: {  	[spmem:s3] =	stream.indirect.scatter.add.f32 @p2 [tilespmem:s29], [sflag:$0xE], $0x40, s1, s7, $0xb8;
	[tilespmem:$0x1A800] =	vst v63  }
0x112: {  	_ =	swait.ge @p2 [sflag:s31], $0x4000  }
0x113: {  	[sflag:s31] =	ssyncset.done @p2 $0x0  }
0x114: {  	s1 =	simm.s32 @p2 $0x3;
	[sflag:s31] =	ssyncadd.s32 @p2 $0xFFFFC000  }
0x115: {  	_ =	swait.ge @p2 [sflag:s1], $0x4000  }
0x116: {  	s30 =	sadd.s32 @!p2 $0xA0, s25;
	[sflag:s1] =	ssyncset.done @p2 $0x0  }
0x117: {  	s29 =	simm.s32 @!p2 $0xA500;
	[sflag:s1] =	ssyncadd.s32 @p2 $0xFFFFC000;
	s1 =	simm.s32 @!p2 $0x6  }
0x118: {  	[tilespmem:s29], [sflag:$0xA] =	stream.linear.gather @!p2 [hbm4b:s30+s11], $0x100, $0x38;
	[tilespmem:$0x1A800] =	vst v63  }
0x119: {  	_ =	swait.ge @!p2 [sflag:s1], $0x100  }
0x11a: {  	s7 =	simm.s32 @!p2 $0xD;
	s31 =	simm.s32 @!p2 $0x100;
	[sflag:s1] =	ssyncset.done @!p2 $0x0  }
0x11b: {  	s30 =	simm.s32 @!p2 $0xE800;
	[sflag:s1] =	ssyncadd.s32 @!p2 $0xFFFFFF00;
	s1 =	simm.s32 @!p2 $0xA100  }
0x11c: {  	[spmem:s3] =	stream.indirect.scatter.add.f32 @!p2 [tilespmem:s30], [sflag:$0xE], $0x40, s1, s31, $0xb8;
	[tilespmem:$0x1A800] =	vst v63  }
0x11d: {  	_ =	swait.ge @!p2 [sflag:s7], $0x4000  }
0x11e: {  	s18 =	sadd.s32 @!p2 $0x80, s12;
	[sflag:s7] =	ssyncset.done @!p2 $0x0  }
0x11f: {  	s2 =	simm.s32 @!p2 $0x9;
	[sflag:s7] =	ssyncadd.s32 @!p2 $0xFFFFC000;
	s7 =	simm.s32 @!p2 $0xA000  }
0x120: {  	[tilespmem:s7], [sflag:$0x5] =	stream.linear.gather @!p2 [hbm4b:s18+s11], $0x100, $0x38;
	[tilespmem:$0x1A800] =	vst v63  }
0x121: {  	_ =	swait.ge @!p2 [sflag:s2], $0x100  }
0x122: {  	[sflag:s2] =	ssyncset.done @!p2 $0x0  }
0x123: {  	s7 =	simm.s32 @!p2 $0x3;
	[sflag:s2] =	ssyncadd.s32 @!p2 $0xFFFFFF00;
	s2 =	simm.s32 @!p2 $0xA800  }
0x124: {  	[tilespmem:s2], [sflag:$0x1] =	stream.indirect.gather @!p2 [hbm4b:s4+s31], $0x40, s5, s31, $0xb8;
	[tilespmem:$0x1A800] =	vst v63  }
0x125: {  	_ =	swait.ge @!p2 [sflag:s7], $0x4000  }
0x126: {  	[sflag:s7] =	ssyncset.done @!p2 $0x0  }
0x127: {  	s10 =	sadd.s32 @!p2 $0xC0, s25;
	s2 =	simm.s32 @!p2 $0xA600;
	[sflag:s7] =	ssyncadd.s32 @!p2 $0xFFFFC000  }
0x128: {  	[tilespmem:s2], [sflag:$0xB] =	stream.linear.gather @!p2 [hbm4b:s10+s11], $0x100, $0x38;
	[tilespmem:$0x1A800] =	vst v63  }
0x129: {  	s7 =	rddreg [dreg:$0x6];
	_ =	swait.ge [sflag:s9], $0x100  }
0x12a: {  	[sflag:s9] =	ssyncset.done $0x0  }
0x12b: {  	[sflag:s9] =	ssyncadd.s32 $0xFFFFFF00  }
0x12c: {  	[spmem:s3] =	stream.indirect.scatter.add.f32 [tilespmem:s8], [sflag:$0xF], $0x40, s13, s0, $0xb8;
	[tilespmem:$0x1A800] =	vst v63  }
0x12d: {  	_ =	swait.ge [sflag:s26], $0x4000  }
0x12e: {  	[sflag:s26] =	ssyncset.done $0x0  }
0x12f: {  	s2 =	simm.s32 @p2 $0x4;
	[sflag:s26] =	ssyncadd.s32 $0xFFFFC000  }
0x130: {  	_ =	swait.ge @p2 [sflag:s2], $0x4000  }
0x131: {  	[sflag:s2] =	ssyncset.done @p2 $0x0  }
0x132: {  	s12 =	sadd.s32 @!p2 $0xA0, s12;
	[sflag:s2] =	ssyncadd.s32 @p2 $0xFFFFC000;
	s2 =	simm.s32 @!p2 $0xA  }
0x133: {  	[tilespmem:s1], [sflag:$0x6] =	stream.linear.gather @!p2 [hbm4b:s12+s11], $0x100, $0x38;
	[tilespmem:$0x1A800] =	vst v63  }
0x134: {  	_ =	swait.ge @!p2 [sflag:s2], $0x100  }
0x135: {  	[sflag:s2] =	ssyncset.done @!p2 $0x0  }
0x136: {  	s24 =	sadd.s32 $0x80, s24;
	s1 =	simm.s32 @!p2 $0x4;
	[sflag:s2] =	ssyncadd.s32 @!p2 $0xFFFFFF00  }
0x137: {  	[tilespmem:s30], [sflag:$0x2] =	stream.indirect.gather @!p2 [hbm4b:s4+s31], $0x40, s29, s31, $0xb8;
	[tilespmem:$0x1A800] =	vst v63  }
0x138: {  	p1 =	seq.s32 s24, $0xA00;
	s2 =	rddreg [dreg:$0x7];
	_ =	swait.ge @!p2 [sflag:s1], $0x4000  }
.Ltmp3:
0x139: {  	[sflag:s1] =	ssyncset.done @!p2 $0x0;
	(pc) =	sbr.rel @!p1 .LBB2_3-.Ltmp3, $4  }
0x13a: {  	s25 =	sadd.s32 @!p2 $0xE0, s25;
	[sflag:s1] =	ssyncadd.s32 @!p2 $0xFFFFC000;
	s1 =	simm.s32 @!p2 $0xA700  }
0x13b: {  	[tilespmem:s1], [sflag:$0xC] =	stream.linear.gather @!p2 [hbm4b:s25+s11], $0x100, $0x38;
	[tilespmem:$0x1A800] =	vst v63  }
0x13c: {  	_ =	swait.ge [sflag:s28], $0x100  }
0x13d: {  	p3 =	seq.s32 s17, $0x0;
	s30 =	smov.u32 s4;
	[sflag:s28] =	ssyncset.done $0x0  }
0x13e: {  	s1 =	simm.s32 @!p3 $0xF;
	[sflag:s28] =	ssyncadd.s32 $0xFFFFFF00  }
0x13f: {  	[spmem:s3] =	stream.indirect.scatter.add.f32 [tilespmem:s23], [sflag:$0x10], $0x40, s20, s0, $0xb8;
	[tilespmem:$0x1A800] =	vst v63  }
0x140: {  	_ =	swait.ge @!p3 [sflag:s1], $0x4000  }
0x141: {  	s25 =	sadd.s32 s17, s2;
	[sflag:s1] =	ssyncset.done @!p3 $0x0  }
0x142: {  	s12 =	sadd.s32 $0x40, s25;
	[sflag:s1] =	ssyncadd.s32 @!p3 $0xFFFFC000  }
0x143: {  	[tilespmem:s13], [sflag:$0x7] =	stream.linear.gather [hbm4b:s12+s21], $0x100, $0x38;
	[tilespmem:$0x1A800] =	vst v63  }
0x144: {  	_ =	swait.ge [sflag:s14], $0x100  }
0x145: {  	[sflag:s14] =	ssyncset.done $0x0  }
0x146: {  	s18 =	simm.s32 $0xA600;
	[sflag:s14] =	ssyncadd.s32 $0xFFFFFF00  }
0x147: {  	[tilespmem:s8], [sflag:$0x3] =	stream.indirect.gather [hbm4b:s30+s0], $0x40, s18, s0, $0xb8;
	[tilespmem:$0x1A800] =	vst v63  }
0x148: {  	p1 =	seq.s32 s17, $0x980;
	_ =	swait.ge [sflag:s16], $0x4000  }
0x149: {  	s5 =	sadd.s32 @!p1 s17, s7;
	s10 =	simm.s32 @!p1 $0x0;
	[sflag:s16] =	ssyncset.done $0x0  }
0x14a: {  	s7 =	sadd.s32 @!p1 $0x80, s5;
	s1 =	simm.s32 @!p1 $0xA400;
	[sflag:s16] =	ssyncadd.s32 $0xFFFFC000  }
0x14b: {  	[tilespmem:s1], [sflag:$0x9] =	stream.linear.gather @!p1 [hbm4b:s7+s10], $0x100, $0x38;
	[tilespmem:$0x1A800] =	vst v63  }
0x14c: {  	_ =	swait.ge [sflag:s19], $0x100  }
0x14d: {  	s11 =	simm.s32 $0xA800;
	[sflag:s19] =	ssyncset.done $0x0  }
0x14e: {  	s12 =	simm.s32 $0xA000;
	s7 =	simm.s32 @!p3 $0x10;
	[sflag:s19] =	ssyncadd.s32 $0xFFFFFF00  }
0x14f: {  	[spmem:s3] =	stream.indirect.scatter.add.f32 [tilespmem:s11], [sflag:$0xD], $0x40, s12, s0, $0xb8;
	[tilespmem:$0x1A800] =	vst v63  }
0x150: {  	_ =	swait.ge @!p3 [sflag:s7], $0x4000  }
0x151: {  	[sflag:s7] =	ssyncset.done @!p3 $0x0  }
0x152: {  	s24 =	smov.u32 s2;
	s2 =	sadd.s32 $0x60, s25;
	[sflag:s7] =	ssyncadd.s32 @!p3 $0xFFFFC000  }
0x153: {  	[tilespmem:s20], [sflag:$0x8] =	stream.linear.gather [hbm4b:s2+s21], $0x100, $0x38;
	[tilespmem:$0x1A800] =	vst v63  }
0x154: {  	_ =	swait.ge [sflag:s22], $0x100  }
0x155: {  	[sflag:s22] =	ssyncset.done $0x0  }
0x156: {  	s25 =	simm.s32 $0xA700;
	[sflag:s22] =	ssyncadd.s32 $0xFFFFFF00  }
0x157: {  	[tilespmem:s23], [sflag:$0x4] =	stream.indirect.gather [hbm4b:s30+s0], $0x40, s25, s0, $0xb8;
	[tilespmem:$0x1A800] =	vst v63  }
0x158: {  	_ =	swait.ge [sflag:s6], $0x4000  }
0x159: {  	[sflag:s6] =	ssyncset.done $0x0  }
0x15a: {  	s2 =	simm.s32 @p1 $0x6;
	[sflag:s6] =	ssyncadd.s32 $0xFFFFC000  }
0x15b: {  	_ =	swait.ge @p1 [sflag:s2], $0x100  }
0x15c: {  	s11 =	simm.s32 @p1 $0xD;
	s12 =	simm.s32 @p1 $0xA100;
	[sflag:s2] =	ssyncset.done @p1 $0x0  }
0x15d: {  	s7 =	simm.s32 @p1 $0xE800;
	[sflag:s2] =	ssyncadd.s32 @p1 $0xFFFFFF00;
	s2 =	simm.s32 @p1 $0x100  }
0x15e: {  	[spmem:s3] =	stream.indirect.scatter.add.f32 @p1 [tilespmem:s7], [sflag:$0xE], $0x40, s12, s2, $0xb8;
	[tilespmem:$0x1A800] =	vst v63  }
0x15f: {  	_ =	swait.ge @p1 [sflag:s11], $0x4000  }
0x160: {  	[sflag:s11] =	ssyncset.done @p1 $0x0  }
0x161: {  	s2 =	simm.s32 @p1 $0x3;
	[sflag:s11] =	ssyncadd.s32 @p1 $0xFFFFC000  }
0x162: {  	_ =	swait.ge @p1 [sflag:s2], $0x4000  }
0x163: {  	s7 =	sadd.s32 @!p1 $0xA0, s5;
	[sflag:s2] =	ssyncset.done @p1 $0x0  }
0x164: {  	s11 =	simm.s32 @!p1 $0x6;
	[sflag:s2] =	ssyncadd.s32 @p1 $0xFFFFC000;
	s2 =	simm.s32 @!p1 $0xA500  }
0x165: {  	[tilespmem:s2], [sflag:$0xA] =	stream.linear.gather @!p1 [hbm4b:s7+s10], $0x100, $0x38;
	[tilespmem:$0x1A800] =	vst v63  }
0x166: {  	_ =	swait.ge @!p1 [sflag:s11], $0x100  }
0x167: {  	s18 =	simm.s32 @!p1 $0xA100;
	s12 =	simm.s32 @!p1 $0xD;
	[sflag:s11] =	ssyncset.done @!p1 $0x0  }
0x168: {  	s7 =	simm.s32 @!p1 $0xE800;
	[sflag:s11] =	ssyncadd.s32 @!p1 $0xFFFFFF00;
	s11 =	simm.s32 @!p1 $0x100  }
0x169: {  	[spmem:s3] =	stream.indirect.scatter.add.f32 @!p1 [tilespmem:s7], [sflag:$0xE], $0x40, s18, s11, $0xb8;
	[tilespmem:$0x1A800] =	vst v63  }
0x16a: {  	_ =	swait.ge @!p1 [sflag:s12], $0x4000  }
0x16b: {  	s17 =	sadd.s32 @!p1 s17, s24;
	[sflag:s12] =	ssyncset.done @!p1 $0x0  }
0x16c: {  	s24 =	sadd.s32 @!p1 $0x80, s17;
	[sflag:s12] =	ssyncadd.s32 @!p1 $0xFFFFC000;
	s12 =	simm.s32 @!p1 $0xA000  }
0x16d: {  	[tilespmem:s12], [sflag:$0x5] =	stream.linear.gather @!p1 [hbm4b:s24+s10], $0x100, $0x38;
	[tilespmem:$0x1A800] =	vst v63  }
0x16e: {  	s12 =	simm.s32 @!p1 $0x9  }
0x16f: {  	_ =	swait.ge @!p1 [sflag:s12], $0x100  }
0x170: {  	[sflag:s12] =	ssyncset.done @!p1 $0x0  }
0x171: {  	[sflag:s12] =	ssyncadd.s32 @!p1 $0xFFFFFF00;
	s12 =	simm.s32 @!p1 $0xA800  }
0x172: {  	[tilespmem:s12], [sflag:$0x1] =	stream.indirect.gather @!p1 [hbm4b:s30+s11], $0x40, s1, s11, $0xb8;
	[tilespmem:$0x1A800] =	vst v63  }
0x173: {  	s1 =	simm.s32 @!p1 $0x3  }
0x174: {  	_ =	swait.ge @!p1 [sflag:s1], $0x4000  }
0x175: {  	[sflag:s1] =	ssyncset.done @!p1 $0x0  }
0x176: {  	s12 =	sadd.s32 @!p1 $0xC0, s5;
	[sflag:s1] =	ssyncadd.s32 @!p1 $0xFFFFC000;
	s1 =	simm.s32 @!p1 $0xA600  }
0x177: {  	[tilespmem:s1], [sflag:$0xB] =	stream.linear.gather @!p1 [hbm4b:s12+s10], $0x100, $0x38;
	[tilespmem:$0x1A800] =	vst v63  }
0x178: {  	_ =	swait.ge [sflag:s9], $0x100  }
0x179: {  	[sflag:s9] =	ssyncset.done $0x0  }
0x17a: {  	[sflag:s9] =	ssyncadd.s32 $0xFFFFFF00  }
0x17b: {  	[spmem:s3] =	stream.indirect.scatter.add.f32 [tilespmem:s8], [sflag:$0xF], $0x40, s13, s0, $0xb8;
	[tilespmem:$0x1A800] =	vst v63  }
0x17c: {  	_ =	swait.ge [sflag:s26], $0x4000  }
0x17d: {  	[sflag:s26] =	ssyncset.done $0x0  }
0x17e: {  	s1 =	simm.s32 @p1 $0x4;
	[sflag:s26] =	ssyncadd.s32 $0xFFFFC000  }
0x17f: {  	_ =	swait.ge @p1 [sflag:s1], $0x4000  }
0x180: {  	[sflag:s1] =	ssyncset.done @p1 $0x0  }
0x181: {  	[sflag:s1] =	ssyncadd.s32 @p1 $0xFFFFC000;
	s1 =	sadd.s32 @!p1 $0xA0, s17  }
0x182: {  	[tilespmem:s18], [sflag:$0x6] =	stream.linear.gather @!p1 [hbm4b:s1+s10], $0x100, $0x38;
	[tilespmem:$0x1A800] =	vst v63  }
0x183: {  	s1 =	simm.s32 @!p1 $0xA  }
0x184: {  	_ =	swait.ge @!p1 [sflag:s1], $0x100  }
0x185: {  	[sflag:s1] =	ssyncset.done @!p1 $0x0  }
0x186: {  	[sflag:s1] =	ssyncadd.s32 @!p1 $0xFFFFFF00;
	s1 =	simm.s32 @!p1 $0x4  }
0x187: {  	[tilespmem:s7], [sflag:$0x2] =	stream.indirect.gather @!p1 [hbm4b:s30+s11], $0x40, s2, s11, $0xb8;
	[tilespmem:$0x1A800] =	vst v63  }
0x188: {  	_ =	swait.ge @!p1 [sflag:s1], $0x4000  }
0x189: {  	[sflag:s1] =	ssyncset.done @!p1 $0x0  }
0x18a: {  	s2 =	sadd.s32 @!p1 $0xE0, s5;
	[sflag:s1] =	ssyncadd.s32 @!p1 $0xFFFFC000;
	s1 =	simm.s32 @!p1 $0xA700  }
0x18b: {  	[tilespmem:s1], [sflag:$0xC] =	stream.linear.gather @!p1 [hbm4b:s2+s10], $0x100, $0x38;
	[tilespmem:$0x1A800] =	vst v63  }
0x18c: {  	_ =	swait.ge [sflag:s28], $0x100  }
.Ltmp4:
0x18d: {  	s5 =	rddreg [dreg:$0x9];
	(pc) =	sbr.rel .LBB2_8-.Ltmp4, $4  }
0x18e: {  	s11 =	rddreg [dreg:$0x8]  }
0x18f: {  	s29 =	smov.u32 s15;
	[sflag:s28] =	ssyncset.done $0x0;
	s25 =	rddreg [dreg:$0x5]  }
0x190: {  	s31 =	simm.s32 $0x0;
	s10 =	rddreg [dreg:$0x18];
	[sflag:s28] =	ssyncadd.s32 $0xFFFFFF00  }
0x191: {  	[spmem:s3] =	stream.indirect.scatter.add.f32 [tilespmem:s23], [sflag:$0x10], $0x40, s20, s0, $0xb8;
	[tilespmem:$0x1A800] =	vst v63  }
.LBB2_5:
0x192: {  	s1 =	simm.s32 $0x0;
	s5 =	simm.s32 $0xA400  }
0x193: {  	[tilespmem:s5], [sflag:$0x9] =	stream.linear.gather [hbm4b:s25+s1], $0x100, $0x38;
	[tilespmem:$0x1A800] =	vst v63  }
0x194: {  	s2 =	rddreg [dreg:$0xd];
	s7 =	simm.s32 $0xA500  }
0x195: {  	[tilespmem:s7], [sflag:$0xA] =	stream.linear.gather [hbm4b:s2+s1], $0x100, $0x38;
	[tilespmem:$0x1A800] =	vst v63  }
0x196: {  	s10 =	rddreg [dreg:$0xe];
	s30 =	simm.s32 $0xA600  }
0x197: {  	[tilespmem:s30], [sflag:$0xB] =	stream.linear.gather [hbm4b:s10+s1], $0x100, $0x38;
	[tilespmem:$0x1A800] =	vst v63  }
0x198: {  	s11 =	rddreg [dreg:$0xf]  }
0x199: {  	[tilespmem:s18], [sflag:$0xC] =	stream.linear.gather [hbm4b:s11+s1], $0x100, $0x38;
	[tilespmem:$0x1A800] =	vst v63  }
0x19a: {  	_ = 	snop  }
0x19b: {  	[tilespmem:s24], [sflag:$0x5] =	stream.linear.gather [hbm4b:s21+s1], $0x100, $0x38;
	[tilespmem:$0x1A800] =	vst v63  }
0x19c: {  	s12 =	rddreg [dreg:$0x11];
	s2 =	simm.s32 $0x9;
	s10 =	simm.s32 $0xA100  }
0x19d: {  	[tilespmem:s10], [sflag:$0x6] =	stream.linear.gather [hbm4b:s12+s1], $0x100, $0x38;
	[tilespmem:$0x1A800] =	vst v63  }
0x19e: {  	_ =	swait.ge [sflag:s2], $0x100  }
0x19f: {  	[sflag:s2] =	ssyncset.done $0x0  }
0x1a0: {  	[sflag:s2] =	ssyncadd.s32 $0xFFFFFF00  }
0x1a1: {  	[tilespmem:s17], [sflag:$0x1] =	stream.indirect.gather [hbm4b:s29+s0], $0x40, s5, s0, $0xb8;
	[tilespmem:$0x1A800] =	vst v63  }
0x1a2: {  	s5 =	simm.s32 $0xA  }
0x1a3: {  	_ =	swait.ge [sflag:s5], $0x100  }
0x1a4: {  	p2 =	por $0x1, $0x1;
	[sflag:s5] =	ssyncset.done $0x0  }
0x1a5: {  	s10 =	simm.s32 $0xE800;
	s1 =	simm.s32 @!p2 $0xF;
	[sflag:s5] =	ssyncadd.s32 $0xFFFFFF00  }
0x1a6: {  	[tilespmem:s10], [sflag:$0x2] =	stream.indirect.gather [hbm4b:s29+s0], $0x40, s7, s0, $0xb8;
	[tilespmem:$0x1A800] =	vst v63  }
0x1a7: {  	_ =	swait.ge @!p2 [sflag:s1], $0x4000  }
0x1a8: {  	s11 =	sadd.s32 $0x0, s21;
	[sflag:s1] =	ssyncset.done @!p2 $0x0  }
0x1a9: {  	s12 =	sadd.s32 $0x40, s11;
	[sflag:s1] =	ssyncadd.s32 @!p2 $0xFFFFC000  }
0x1aa: {  	[tilespmem:s13], [sflag:$0x7] =	stream.linear.gather [hbm4b:s12+s31], $0x100, $0x38;
	[tilespmem:$0x1A800] =	vst v63  }
0x1ab: {  	_ =	swait.ge [sflag:s14], $0x100  }
0x1ac: {  	[sflag:s14] =	ssyncset.done $0x0  }
0x1ad: {  	p1 =	por $0x0, $0x0;
	[sflag:s14] =	ssyncadd.s32 $0xFFFFFF00  }
0x1ae: {  	[tilespmem:s8], [sflag:$0x3] =	stream.indirect.gather [hbm4b:s29+s0], $0x40, s30, s0, $0xb8;
	[tilespmem:$0x1A800] =	vst v63  }
0x1af: {  	s5 =	sadd.s32 @!p1 $0x0, s25;
	_ =	swait.ge [sflag:s16], $0x4000  }
0x1b0: {  	s7 =	sadd.s32 @!p1 $0x80, s5;
	[sflag:s16] =	ssyncset.done $0x0  }
0x1b1: {  	s10 =	simm.s32 @!p1 $0x0;
	s1 =	simm.s32 @!p1 $0xA400;
	[sflag:s16] =	ssyncadd.s32 $0xFFFFC000  }
0x1b2: {  	[tilespmem:s1], [sflag:$0x9] =	stream.linear.gather @!p1 [hbm4b:s7+s10], $0x100, $0x38;
	[tilespmem:$0x1A800] =	vst v63  }
0x1b3: {  	_ =	swait.ge [sflag:s19], $0x100  }
0x1b4: {  	[sflag:s19] =	ssyncset.done $0x0  }
0x1b5: {  	s7 =	simm.s32 @!p2 $0x10;
	[sflag:s19] =	ssyncadd.s32 $0xFFFFFF00  }
0x1b6: {  	[spmem:s3] =	stream.indirect.scatter.add.f32 [tilespmem:s17], [sflag:$0xD], $0x40, s24, s0, $0xb8;
	[tilespmem:$0x1A800] =	vst v63  }
0x1b7: {  	_ =	swait.ge @!p2 [sflag:s7], $0x4000  }
0x1b8: {  	[sflag:s7] =	ssyncset.done @!p2 $0x0  }
0x1b9: {  	s2 =	sadd.s32 $0x60, s11;
	[sflag:s7] =	ssyncadd.s32 @!p2 $0xFFFFC000  }
0x1ba: {  	[tilespmem:s20], [sflag:$0x8] =	stream.linear.gather [hbm4b:s2+s31], $0x100, $0x38;
	[tilespmem:$0x1A800] =	vst v63  }
0x1bb: {  	_ =	swait.ge [sflag:s22], $0x100  }
0x1bc: {  	[sflag:s22] =	ssyncset.done $0x0  }
0x1bd: {  	[sflag:s22] =	ssyncadd.s32 $0xFFFFFF00  }
0x1be: {  	[tilespmem:s23], [sflag:$0x4] =	stream.indirect.gather [hbm4b:s29+s0], $0x40, s18, s0, $0xb8;
	[tilespmem:$0x1A800] =	vst v63  }
0x1bf: {  	_ =	swait.ge [sflag:s6], $0x4000  }
0x1c0: {  	[sflag:s6] =	ssyncset.done $0x0  }
0x1c1: {  	s2 =	simm.s32 @p1 $0x6;
	[sflag:s6] =	ssyncadd.s32 $0xFFFFC000  }
0x1c2: {  	_ =	swait.ge @p1 [sflag:s2], $0x100  }
0x1c3: {  	s11 =	simm.s32 @p1 $0xD;
	s12 =	simm.s32 @p1 $0xA100;
	[sflag:s2] =	ssyncset.done @p1 $0x0  }
0x1c4: {  	s7 =	simm.s32 @p1 $0xE800;
	[sflag:s2] =	ssyncadd.s32 @p1 $0xFFFFFF00;
	s2 =	simm.s32 @p1 $0x100  }
0x1c5: {  	[spmem:s3] =	stream.indirect.scatter.add.f32 @p1 [tilespmem:s7], [sflag:$0xE], $0x40, s12, s2, $0xb8;
	[tilespmem:$0x1A800] =	vst v63  }
0x1c6: {  	_ =	swait.ge @p1 [sflag:s11], $0x4000  }
0x1c7: {  	[sflag:s11] =	ssyncset.done @p1 $0x0  }
0x1c8: {  	s2 =	simm.s32 @p1 $0x3;
	[sflag:s11] =	ssyncadd.s32 @p1 $0xFFFFC000  }
0x1c9: {  	_ =	swait.ge @p1 [sflag:s2], $0x4000  }
0x1ca: {  	s7 =	sadd.s32 @!p1 $0xA0, s5;
	[sflag:s2] =	ssyncset.done @p1 $0x0  }
0x1cb: {  	s11 =	simm.s32 @!p1 $0x6;
	[sflag:s2] =	ssyncadd.s32 @p1 $0xFFFFC000;
	s2 =	simm.s32 @!p1 $0xA500  }
0x1cc: {  	[tilespmem:s2], [sflag:$0xA] =	stream.linear.gather @!p1 [hbm4b:s7+s10], $0x100, $0x38;
	[tilespmem:$0x1A800] =	vst v63  }
0x1cd: {  	_ =	swait.ge @!p1 [sflag:s11], $0x100  }
0x1ce: {  	s17 =	simm.s32 @!p1 $0xA100;
	s12 =	simm.s32 @!p1 $0xD;
	[sflag:s11] =	ssyncset.done @!p1 $0x0  }
0x1cf: {  	s7 =	simm.s32 @!p1 $0xE800;
	[sflag:s11] =	ssyncadd.s32 @!p1 $0xFFFFFF00;
	s11 =	simm.s32 @!p1 $0x100  }
0x1d0: {  	[spmem:s3] =	stream.indirect.scatter.add.f32 @!p1 [tilespmem:s7], [sflag:$0xE], $0x40, s17, s11, $0xb8;
	[tilespmem:$0x1A800] =	vst v63  }
0x1d1: {  	_ =	swait.ge @!p1 [sflag:s12], $0x4000  }
0x1d2: {  	s18 =	sadd.s32 @!p1 $0x0, s21;
	[sflag:s12] =	ssyncset.done @!p1 $0x0  }
0x1d3: {  	s24 =	sadd.s32 @!p1 $0x80, s18;
	[sflag:s12] =	ssyncadd.s32 @!p1 $0xFFFFC000;
	s12 =	simm.s32 @!p1 $0xA000  }
0x1d4: {  	[tilespmem:s12], [sflag:$0x5] =	stream.linear.gather @!p1 [hbm4b:s24+s10], $0x100, $0x38;
	[tilespmem:$0x1A800] =	vst v63  }
0x1d5: {  	s12 =	simm.s32 @!p1 $0x9  }
0x1d6: {  	_ =	swait.ge @!p1 [sflag:s12], $0x100  }
0x1d7: {  	[sflag:s12] =	ssyncset.done @!p1 $0x0  }
0x1d8: {  	[sflag:s12] =	ssyncadd.s32 @!p1 $0xFFFFFF00;
	s12 =	simm.s32 @!p1 $0xA800  }
0x1d9: {  	[tilespmem:s12], [sflag:$0x1] =	stream.indirect.gather @!p1 [hbm4b:s29+s11], $0x40, s1, s11, $0xb8;
	[tilespmem:$0x1A800] =	vst v63  }
0x1da: {  	s1 =	simm.s32 @!p1 $0x3  }
0x1db: {  	_ =	swait.ge @!p1 [sflag:s1], $0x4000  }
0x1dc: {  	[sflag:s1] =	ssyncset.done @!p1 $0x0  }
0x1dd: {  	s12 =	sadd.s32 @!p1 $0xC0, s5;
	[sflag:s1] =	ssyncadd.s32 @!p1 $0xFFFFC000;
	s1 =	simm.s32 @!p1 $0xA600  }
0x1de: {  	[tilespmem:s1], [sflag:$0xB] =	stream.linear.gather @!p1 [hbm4b:s12+s10], $0x100, $0x38;
	[tilespmem:$0x1A800] =	vst v63  }
0x1df: {  	_ =	swait.ge [sflag:s9], $0x100  }
0x1e0: {  	[sflag:s9] =	ssyncset.done $0x0  }
0x1e1: {  	[sflag:s9] =	ssyncadd.s32 $0xFFFFFF00  }
0x1e2: {  	[spmem:s3] =	stream.indirect.scatter.add.f32 [tilespmem:s8], [sflag:$0xF], $0x40, s13, s0, $0xb8;
	[tilespmem:$0x1A800] =	vst v63  }
0x1e3: {  	_ =	swait.ge [sflag:s26], $0x4000  }
0x1e4: {  	[sflag:s26] =	ssyncset.done $0x0  }
0x1e5: {  	s1 =	simm.s32 @p1 $0x4;
	[sflag:s26] =	ssyncadd.s32 $0xFFFFC000  }
0x1e6: {  	_ =	swait.ge @p1 [sflag:s1], $0x4000  }
0x1e7: {  	[sflag:s1] =	ssyncset.done @p1 $0x0  }
0x1e8: {  	[sflag:s1] =	ssyncadd.s32 @p1 $0xFFFFC000;
	s1 =	sadd.s32 @!p1 $0xA0, s18  }
0x1e9: {  	[tilespmem:s17], [sflag:$0x6] =	stream.linear.gather @!p1 [hbm4b:s1+s10], $0x100, $0x38;
	[tilespmem:$0x1A800] =	vst v63  }
0x1ea: {  	s1 =	simm.s32 @!p1 $0xA  }
0x1eb: {  	_ =	swait.ge @!p1 [sflag:s1], $0x100  }
0x1ec: {  	[sflag:s1] =	ssyncset.done @!p1 $0x0  }
0x1ed: {  	[sflag:s1] =	ssyncadd.s32 @!p1 $0xFFFFFF00;
	s1 =	simm.s32 @!p1 $0x4  }
0x1ee: {  	[tilespmem:s7], [sflag:$0x2] =	stream.indirect.gather @!p1 [hbm4b:s29+s11], $0x40, s2, s11, $0xb8;
	[tilespmem:$0x1A800] =	vst v63  }
0x1ef: {  	_ =	swait.ge @!p1 [sflag:s1], $0x4000  }
0x1f0: {  	[sflag:s1] =	ssyncset.done @!p1 $0x0  }
0x1f1: {  	s2 =	sadd.s32 @!p1 $0xE0, s5;
	[sflag:s1] =	ssyncadd.s32 @!p1 $0xFFFFC000;
	s1 =	simm.s32 @!p1 $0xA700  }
0x1f2: {  	[tilespmem:s1], [sflag:$0xC] =	stream.linear.gather @!p1 [hbm4b:s2+s10], $0x100, $0x38;
	[tilespmem:$0x1A800] =	vst v63  }
0x1f3: {  	p3 =	por $0x0, $0x0;
	_ =	swait.ge [sflag:s28], $0x100  }
0x1f4: {  	s24 =	simm.s32 $0x100;
	s17 =	simm.s32 $0x80;
	[sflag:s28] =	ssyncset.done $0x0  }
.LBB2_6:
0x1f5: {  	s1 =	simm.s32 @!p3 $0xF;
	[sflag:s28] =	ssyncadd.s32 $0xFFFFFF00  }
0x1f6: {  	[spmem:s3] =	stream.indirect.scatter.add.f32 [tilespmem:s23], [sflag:$0x10], $0x40, s20, s0, $0xb8;
	[tilespmem:$0x1A800] =	vst v63  }
0x1f7: {  	_ =	swait.ge @!p3 [sflag:s1], $0x4000  }
0x1f8: {  	s7 =	sadd.s32 s17, s21;
	[sflag:s1] =	ssyncset.done @!p3 $0x0  }
0x1f9: {  	s18 =	sadd.s32 $0x40, s7;
	[sflag:s1] =	ssyncadd.s32 @!p3 $0xFFFFC000  }
0x1fa: {  	[tilespmem:s13], [sflag:$0x7] =	stream.linear.gather [hbm4b:s18+s31], $0x100, $0x38;
	[tilespmem:$0x1A800] =	vst v63  }
0x1fb: {  	_ =	swait.ge [sflag:s14], $0x100  }
0x1fc: {  	[sflag:s14] =	ssyncset.done $0x0  }
0x1fd: {  	[sflag:s14] =	ssyncadd.s32 $0xFFFFFF00  }
0x1fe: {  	[tilespmem:s8], [sflag:$0x3] =	stream.indirect.gather [hbm4b:s29+s0], $0x40, s30, s0, $0xb8;
	[tilespmem:$0x1A800] =	vst v63  }
0x1ff: {  	p2 =	seq.s32 s17, $0x980;
	_ =	swait.ge [sflag:s16], $0x4000  }
0x200: {  	s5 =	simm.s32 @!p2 $0xA400;
	s1 =	sadd.s32 @!p2 s17, s25;
	[sflag:s16] =	ssyncset.done $0x0  }
0x201: {  	s11 =	simm.s32 @!p2 $0x0;
	s10 =	sadd.s32 @!p2 $0x80, s1;
	[sflag:s16] =	ssyncadd.s32 $0xFFFFC000  }
0x202: {  	[tilespmem:s5], [sflag:$0x9] =	stream.linear.gather @!p2 [hbm4b:s10+s11], $0x100, $0x38;
	[tilespmem:$0x1A800] =	vst v63  }
0x203: {  	_ =	swait.ge [sflag:s19], $0x100  }
0x204: {  	s12 =	sadd.s32 @!p2 s17, s21;
	s17 =	simm.s32 $0xA800;
	[sflag:s19] =	ssyncset.done $0x0  }
0x205: {  	s25 =	simm.s32 $0xA000;
	s29 =	simm.s32 @!p3 $0x10;
	[sflag:s19] =	ssyncadd.s32 $0xFFFFFF00  }
0x206: {  	[spmem:s3] =	stream.indirect.scatter.add.f32 [tilespmem:s17], [sflag:$0xD], $0x40, s25, s0, $0xb8;
	[tilespmem:$0x1A800] =	vst v63  }
0x207: {  	_ =	swait.ge @!p3 [sflag:s29], $0x4000  }
0x208: {  	s2 =	smov.u32 s24;
	[sflag:s29] =	ssyncset.done @!p3 $0x0  }
0x209: {  	s17 =	smov.u32 s2;
	s2 =	sadd.s32 $0x60, s7;
	[sflag:s29] =	ssyncadd.s32 @!p3 $0xFFFFC000  }
0x20a: {  	[tilespmem:s20], [sflag:$0x8] =	stream.linear.gather [hbm4b:s2+s31], $0x100, $0x38;
	[tilespmem:$0x1A800] =	vst v63  }
0x20b: {  	_ =	swait.ge [sflag:s22], $0x100  }
0x20c: {  	[sflag:s22] =	ssyncset.done $0x0  }
0x20d: {  	s7 =	simm.s32 $0xA700;
	[sflag:s22] =	ssyncadd.s32 $0xFFFFFF00  }
0x20e: {  	[tilespmem:s23], [sflag:$0x4] =	stream.indirect.gather [hbm4b:s15+s0], $0x40, s7, s0, $0xb8;
	[tilespmem:$0x1A800] =	vst v63  }
0x20f: {  	_ =	swait.ge [sflag:s6], $0x4000  }
0x210: {  	s30 =	sadd.s32 @!p2 $0xA0, s1;
	s10 =	sadd.s32 @!p2 $0xC0, s1;
	[sflag:s6] =	ssyncset.done $0x0  }
0x211: {  	s25 =	sadd.s32 @!p2 $0xE0, s1;
	s1 =	simm.s32 @p2 $0x6;
	[sflag:s6] =	ssyncadd.s32 $0xFFFFC000  }
0x212: {  	_ =	swait.ge @p2 [sflag:s1], $0x100  }
0x213: {  	s29 =	simm.s32 @p2 $0xA100;
	s2 =	simm.s32 @p2 $0xE800;
	[sflag:s1] =	ssyncset.done @p2 $0x0  }
0x214: {  	s7 =	simm.s32 @p2 $0xD;
	[sflag:s1] =	ssyncadd.s32 @p2 $0xFFFFFF00;
	s1 =	simm.s32 @p2 $0x100  }
0x215: {  	[spmem:s3] =	stream.indirect.scatter.add.f32 @p2 [tilespmem:s2], [sflag:$0xE], $0x40, s29, s1, $0xb8;
	[tilespmem:$0x1A800] =	vst v63  }
0x216: {  	_ =	swait.ge @p2 [sflag:s7], $0x4000  }
0x217: {  	[sflag:s7] =	ssyncset.done @p2 $0x0  }
0x218: {  	s1 =	simm.s32 @p2 $0x3;
	[sflag:s7] =	ssyncadd.s32 @p2 $0xFFFFC000  }
0x219: {  	_ =	swait.ge @p2 [sflag:s1], $0x4000  }
0x21a: {  	[sflag:s1] =	ssyncset.done @p2 $0x0  }
0x21b: {  	s29 =	simm.s32 @!p2 $0xA500;
	[sflag:s1] =	ssyncadd.s32 @p2 $0xFFFFC000;
	s1 =	simm.s32 @!p2 $0x6  }
0x21c: {  	[tilespmem:s29], [sflag:$0xA] =	stream.linear.gather @!p2 [hbm4b:s30+s11], $0x100, $0x38;
	[tilespmem:$0x1A800] =	vst v63  }
0x21d: {  	_ =	swait.ge @!p2 [sflag:s1], $0x100  }
0x21e: {  	s31 =	simm.s32 @!p2 $0x100;
	s2 =	simm.s32 @!p2 $0xD;
	[sflag:s1] =	ssyncset.done @!p2 $0x0  }
0x21f: {  	s30 =	simm.s32 @!p2 $0xE800;
	[sflag:s1] =	ssyncadd.s32 @!p2 $0xFFFFFF00;
	s1 =	simm.s32 @!p2 $0xA100  }
0x220: {  	[spmem:s3] =	stream.indirect.scatter.add.f32 @!p2 [tilespmem:s30], [sflag:$0xE], $0x40, s1, s31, $0xb8;
	[tilespmem:$0x1A800] =	vst v63  }
0x221: {  	_ =	swait.ge @!p2 [sflag:s2], $0x4000  }
0x222: {  	s18 =	sadd.s32 @!p2 $0x80, s12;
	[sflag:s2] =	ssyncset.done @!p2 $0x0  }
0x223: {  	s7 =	simm.s32 @!p2 $0x9;
	[sflag:s2] =	ssyncadd.s32 @!p2 $0xFFFFC000;
	s2 =	simm.s32 @!p2 $0xA000  }
0x224: {  	[tilespmem:s2], [sflag:$0x5] =	stream.linear.gather @!p2 [hbm4b:s18+s11], $0x100, $0x38;
	[tilespmem:$0x1A800] =	vst v63  }
0x225: {  	_ =	swait.ge @!p2 [sflag:s7], $0x100  }
0x226: {  	[sflag:s7] =	ssyncset.done @!p2 $0x0  }
0x227: {  	s2 =	simm.s32 @!p2 $0xA800;
	[sflag:s7] =	ssyncadd.s32 @!p2 $0xFFFFFF00;
	s7 =	simm.s32 @!p2 $0x3  }
0x228: {  	[tilespmem:s2], [sflag:$0x1] =	stream.indirect.gather @!p2 [hbm4b:s15+s31], $0x40, s5, s31, $0xb8;
	[tilespmem:$0x1A800] =	vst v63  }
0x229: {  	_ =	swait.ge @!p2 [sflag:s7], $0x4000  }
0x22a: {  	[sflag:s7] =	ssyncset.done @!p2 $0x0  }
0x22b: {  	s2 =	simm.s32 @!p2 $0xA600;
	[sflag:s7] =	ssyncadd.s32 @!p2 $0xFFFFC000  }
0x22c: {  	[tilespmem:s2], [sflag:$0xB] =	stream.linear.gather @!p2 [hbm4b:s10+s11], $0x100, $0x38;
	[tilespmem:$0x1A800] =	vst v63  }
0x22d: {  	_ =	swait.ge [sflag:s9], $0x100  }
0x22e: {  	[sflag:s9] =	ssyncset.done $0x0  }
0x22f: {  	[sflag:s9] =	ssyncadd.s32 $0xFFFFFF00  }
0x230: {  	[spmem:s3] =	stream.indirect.scatter.add.f32 [tilespmem:s8], [sflag:$0xF], $0x40, s13, s0, $0xb8;
	[tilespmem:$0x1A800] =	vst v63  }
0x231: {  	_ =	swait.ge [sflag:s26], $0x4000  }
0x232: {  	[sflag:s26] =	ssyncset.done $0x0  }
0x233: {  	s2 =	simm.s32 @p2 $0x4;
	[sflag:s26] =	ssyncadd.s32 $0xFFFFC000  }
0x234: {  	_ =	swait.ge @p2 [sflag:s2], $0x4000  }
0x235: {  	[sflag:s2] =	ssyncset.done @p2 $0x0  }
0x236: {  	s12 =	sadd.s32 @!p2 $0xA0, s12;
	[sflag:s2] =	ssyncadd.s32 @p2 $0xFFFFC000;
	s2 =	simm.s32 @!p2 $0xA  }
0x237: {  	[tilespmem:s1], [sflag:$0x6] =	stream.linear.gather @!p2 [hbm4b:s12+s11], $0x100, $0x38;
	[tilespmem:$0x1A800] =	vst v63  }
0x238: {  	_ =	swait.ge @!p2 [sflag:s2], $0x100  }
0x239: {  	[sflag:s2] =	ssyncset.done @!p2 $0x0  }
0x23a: {  	s24 =	sadd.s32 $0x80, s24;
	s1 =	simm.s32 @!p2 $0x4;
	[sflag:s2] =	ssyncadd.s32 @!p2 $0xFFFFFF00  }
0x23b: {  	[tilespmem:s30], [sflag:$0x2] =	stream.indirect.gather @!p2 [hbm4b:s15+s31], $0x40, s29, s31, $0xb8;
	[tilespmem:$0x1A800] =	vst v63  }
0x23c: {  	p1 =	sne.s32 s24, $0xA00;
	_ =	swait.ge @!p2 [sflag:s1], $0x4000  }
.Ltmp5:
0x23d: {  	[sflag:s1] =	ssyncset.done @!p2 $0x0;
	(pc) =	sbr.rel @p1 .LBB2_6-.Ltmp5, $4  }
0x23e: {  	p3 =	seq.s32 s17, $0x0;
	[sflag:s1] =	ssyncadd.s32 @!p2 $0xFFFFC000;
	s1 =	simm.s32 @!p2 $0xA700  }
0x23f: {  	[tilespmem:s1], [sflag:$0xC] =	stream.linear.gather @!p2 [hbm4b:s25+s11], $0x100, $0x38;
	[tilespmem:$0x1A800] =	vst v63  }
0x240: {  	s30 =	simm.s32 $0xA600;
	s25 =	rddreg [dreg:$0x5];
	_ =	swait.ge [sflag:s28], $0x100  }
0x241: {  	s31 =	simm.s32 $0x0;
	s29 =	smov.u32 s15;
	[sflag:s28] =	ssyncset.done $0x0  }
.Ltmp6:
0x242: {  	_ = 	snop;
	(pc) =	sbr.rel .LBB2_7-.Ltmp6, $1  }
0x243: {  	_ =	sdelay $0x3  }
.LBB2_9:
0x244: {  	_ =	sfence.sel $0x180000  }
0x245: {  	[bflag:$0x0] =	sbarrier.arrive $0xFFFF  }
0x246: {  	_ =	strace $0x9000004A  }
0x247: {  	s0 =	stileid.u32;
	[bflag:$0x2] =	sbarrier.arrive $0xFFFF  }
0x248: {  	p0 =	sne.s32 s0, $0x0;
	s0 =	rddreg [dreg:$0x4]  }
0x249: {  	s0 =	sadd.s32 @!p0 $0x100000, s0  }
0x24a: {  	[sflag:s0] =	ssyncadd.tile.s32 @!p0 $0x1;
	_ =	shalt  }
.Lfunc_end2:
_tile_overlayer_lowered:
.L_overlay_start_2:
0x24b: {  	(tag) =	ssettag $0x2  }
0x24c: {  	s0 =	rddreg [dreg:$0x0];
	s2 =	stileid.u32  }
0x24d: {  	s1 =	rddreg [dreg:$0x1];
	p0 =	sne.s32 s2, $0x0  }
0x24e: {  	s3 =	rddreg [dreg:$0x2];
	[bflag:$0x3] =	sbarrier.arrive $0xFFFF;
	s2 =	simm.s32 @!p0 $0x1C11  }
0x24f: {  	[timem:s3], [sflag:s2] =	dma.local @!p0 [hbm:s0], s1  }
0x250: {  	s0 =	simm.s32 @!p0 $0x11  }
0x251: {  	_ =	swait.ge @!p0 [sflag:s0], s1  }
0x252: {  	s1 =	ssub.s32 @!p0 $0x0, s1;
	[sflag:s0] =	ssyncset.done @!p0 $0x0  }
0x253: {  	[sflag:s0] =	ssyncadd.s32 @!p0 s1  }
0x254: {  	[bflag:$0x3] =	sbarrier.arrive $0xFFFF  }
0x255: {  	_ =	shalt  }

// kernel: kernel.7.cloned.1.call-start
scs
__scs_entry_jumppad:
0x0: {  	(pc) =	sbr.rel $0x88, $3  }
0x1: {  	(tag) =	ssettag $0x0;
	lr =	simm.s32 $0x1  }
0x2: {  	[smem:$0x3F91] =	sst lr;
	_ =	strace $0xD0000000  }
0x3: {  	_ = 	snop  }
0x4: {  	_ = 	snop  }
0x5: {  	_ = 	snop  }
0x6: {  	_ = 	snop  }
0x7: {  	_ = 	snop  }
__scs_overlays_trampoline_lowered:
0x8: {  	[smem:$0x3FA0] =	sst s0  }
0x9: {  	[smem:$0x3FA1] =	sst s1  }
0xa: {  	[smem:$0x3FA2] =	sst s2  }
0xb: {  	[smem:$0x3FA3] =	sst s3  }
0xc: {  	[smem:$0x3FA4] =	sst s4  }
0xd: {  	[smem:$0x3FA5] =	sst s5  }
0xe: {  	[smem:$0x3FA6] =	sst s6  }
0xf: {  	[smem:$0x3FA7] =	sst s7  }
0x10: {  	[smem:$0x3FA8] =	sst s8  }
0x11: {  	[smem:$0x3FA9] =	sst s9;
	s0 =	simm.s32 @!p0 $0x0  }
0x12: {  	s1 =	sld [smem:$0x3F8F];
	s0 =	simm.s32 @p0 $0x1  }
0x13: {  	[smem:$0x3FAA] =	sst s0;
	s0 =	simm.s32 @!p1 $0x0  }
0x14: {  	s2 =	sld [smem:$0x3F8E];
	s0 =	simm.s32 @p1 $0x1  }
0x15: {  	[smem:$0x3FAB] =	sst s0;
	s0 =	simm.s32 @!p2 $0x0  }
0x16: {  	s3 =	sld [smem:$0x3FDB];
	s0 =	simm.s32 @p2 $0x1  }
0x17: {  	s4 =	simm.s32 $0x1BF5;
	[smem:$0x3FAD] =	sst s0  }
0x18: {  	s0 =	sld [smem:$0x3F90];
	_ =	swait.ge [sflag:s4], $0x0  }
0x19: {  	s7 =	sld [smem:$0x3F91]  }
0x1a: {  	s8 =	sadd.s32 $0xFFFFE003, lr  }
0x1b: {  	s9 =	sadd.s32 $0xFFFFFEF7, lr;
	s5 =	simm.s32 $0xFFFFFFFF;
	p2 =	slt.u32 s8, $0xFFFFF086  }
0x1c: {  	p1 =	slt.u32 s9, $0xF7A;
	s5 =	simm.s32 @!p2 $0x0  }
0x1d: {  	s5 =	simm.s32 @p1 $0x1;
	p0 =	seq.s32 s7, s2  }
0x1e: {  	s7 =	smul.u32 @!p0 $0xF7A, s2;
	p2 =	seq.s32 @!p0 s5, $0x0  }
0x1f: {  	s9 =	smul.u32 $0xF7A, s1;
	s8 =	simm.s32 @!p0 $0x1BF5;
	p2 =	por !p2, p0  }
0x20: {  	[sflag:s8] =	ssyncset.s32 @!p0 $0xFFFFF086;
	s6 =	sadd.s32 @!p0 s3, s7;
	s7 =	simm.s32 @!p0 $0x108  }
0x21: {  	s3 =	sadd.s32 s3, s9;
	s6 =	sadd.s32 @!p0 $0x88, s6;
	s7 =	simm.s32 @p2 $0x1082  }
0x22: {  	[simem:s7], [sflag:s8] =	dma.local @!p0 [hbm:s6], $0xF7A  }
0x23: {  	s9 =	sor.u32 $0xD0000000, s2;
	s6 =	simm.s32 $0x108;
	_ =	swait.ge @!p0 [sflag:s8], $0x0  }
0x24: {  	s3 =	sadd.s32 $0x88, s3;
	s6 =	simm.s32 @!p1 $0x1082;
	[sflag:s4] =	ssyncset.s32 $0xFFFFF086  }
0x25: {  	[simem:s6], [sflag:s4] =	dma.local [hbm:s3], $0xF7A  }
0x26: {  	[smem:$0x3F91] =	sst s1;
	(tag) =	ssettag s2;
	_ =	strace s9  }
0x27: {  	s1 =	sld [smem:$0x3FA1]  }
0x28: {  	s2 =	sld [smem:$0x3FA2]  }
0x29: {  	s4 =	sld [smem:$0x3FA4]  }
0x2a: {  	p0 =	seq.s32 s5, $0x0;
	s5 =	sld [smem:$0x3FA5]  }
0x2b: {  	s6 =	sld [smem:$0x3FA6]  }
0x2c: {  	s7 =	sld [smem:$0x3FA7]  }
0x2d: {  	s3 =	simm.s32 $0x108;
	s8 =	sld [smem:$0x3FA8]  }
0x2e: {  	s3 =	simm.s32 @!p0 $0x1082;
	s9 =	sld [smem:$0x3FA9]  }
0x2f: {  	lr =	sadd.s32 s0, s3;
	s0 =	sld [smem:$0x3FA0]  }
0x30: {  	s3 =	sld [smem:$0x3FA3]  }
0x31: {  	[smem:$0x3FAC] =	sst s10  }
0x32: {  	s10 =	sld [smem:$0x3FAA];
	_ =	sdelay $0x3  }
0x33: {  	p0 =	seq.s32 s10, $0x1;
	s10 =	sld [smem:$0x3FAC];
	_ =	sdelay $0x3  }
0x34: {  	[smem:$0x3FAC] =	sst s10  }
0x35: {  	s10 =	sld [smem:$0x3FAB];
	_ =	sdelay $0x3  }
0x36: {  	p1 =	seq.s32 s10, $0x1;
	s10 =	sld [smem:$0x3FAC];
	_ =	sdelay $0x3  }
0x37: {  	[smem:$0x3FAC] =	sst s10  }
0x38: {  	s10 =	sld [smem:$0x3FAD]  }
0x39: {  	_ = 	snop;
	(pc) =	sbr.ind lr, $3  }
0x3a: {  	_ = 	snop  }
0x3b: {  	_ = 	snop  }
0x3c: {  	p2 =	seq.s32 s10, $0x1;
	s10 =	sld [smem:$0x3FAC]  }
0x3d: {  	_ =	shalt  }
0x3e: {  	_ =	shalt  }
0x3f: {  	_ =	shalt  }
0x40: {  	_ =	shalt  }
0x41: {  	_ =	shalt  }
0x42: {  	_ =	shalt  }
0x43: {  	_ =	shalt  }
0x44: {  	_ =	shalt  }
0x45: {  	_ =	shalt  }
0x46: {  	_ =	shalt  }
0x47: {  	_ =	shalt  }
0x48: {  	_ =	shalt  }
0x49: {  	_ =	shalt  }
0x4a: {  	_ =	shalt  }
0x4b: {  	_ =	shalt  }
0x4c: {  	_ =	shalt  }
0x4d: {  	_ =	shalt  }
0x4e: {  	_ =	shalt  }
0x4f: {  	_ =	shalt  }
0x50: {  	_ =	shalt  }
0x51: {  	_ =	shalt  }
0x52: {  	_ =	shalt  }
0x53: {  	_ =	shalt  }
0x54: {  	_ =	shalt  }
0x55: {  	_ =	shalt  }
0x56: {  	_ =	shalt  }
0x57: {  	_ =	shalt  }
0x58: {  	_ =	shalt  }
0x59: {  	_ =	shalt  }
0x5a: {  	_ =	shalt  }
0x5b: {  	_ =	shalt  }
0x5c: {  	_ =	shalt  }
0x5d: {  	_ =	shalt  }
0x5e: {  	_ =	shalt  }
0x5f: {  	_ =	shalt  }
0x60: {  	_ =	shalt  }
0x61: {  	_ =	shalt  }
0x62: {  	_ =	shalt  }
0x63: {  	_ =	shalt  }
0x64: {  	_ =	shalt  }
0x65: {  	_ =	shalt  }
0x66: {  	_ =	shalt  }
0x67: {  	_ =	shalt  }
0x68: {  	_ =	shalt  }
0x69: {  	_ =	shalt  }
0x6a: {  	_ =	shalt  }
0x6b: {  	_ =	shalt  }
0x6c: {  	_ =	shalt  }
0x6d: {  	_ =	shalt  }
0x6e: {  	_ =	shalt  }
0x6f: {  	_ =	shalt  }
0x70: {  	_ =	shalt  }
0x71: {  	_ =	shalt  }
0x72: {  	_ =	shalt  }
0x73: {  	_ =	shalt  }
0x74: {  	_ =	shalt  }
0x75: {  	_ =	shalt  }
0x76: {  	_ =	shalt  }
0x77: {  	_ =	shalt  }
0x78: {  	_ =	shalt  }
0x79: {  	_ =	shalt  }
0x7a: {  	_ =	shalt  }
0x7b: {  	_ =	shalt  }
0x7c: {  	_ =	shalt  }
0x7d: {  	_ =	shalt  }
0x7e: {  	_ =	shalt  }
0x7f: {  	_ =	shalt  }
0x80: {  	_ =	shalt  }
0x81: {  	_ =	shalt  }
0x82: {  	_ =	shalt  }
0x83: {  	_ =	shalt  }
0x84: {  	_ =	shalt  }
0x85: {  	_ =	shalt  }
0x86: {  	_ =	shalt  }
0x87: {  	_ =	shalt  }
.Lfunc_end0:
.L_simem_size_0:
called_computation_lowered:
.L_overlay_start_0:
0x88: {  	s2 =	sld [smem:$0x3FD9]  }
0x89: {  	s3 =	sld [smem:$0x3FFE];
	_ =	sdelay $0x1  }
0x8a: {  	s1 =	srdreg.scid  }
0x8b: {  	s0 =	sand.u32 $0x1, s1  }
0x8c: {  	s14 =	sshll.u32 s0, $0xA;
	s2 =	sadd.s32 s3, s2  }
0x8d: {  	s2 =	sadd.s32 s2, s14  }
0x8e: {  	[smem:$0x3FB8] =	sst s2  }
0x8f: {  	_ = 	snop  }
0x90: {  	s2 =	sld [smem:$0x3FD0];
	_ =	sdelay $0x2  }
0x91: {  	s15 =	simm.s32 $0xA;
	s4 =	simm.s32 $0x10  }
0x92: {  	[smem:s4], [sflag:s15] =	dma.local [hbm:s2], $0x1  }
0x93: {  	_ =	swait.eq [sflag:s15], $0x1  }
0x94: {  	[sflag:s15] =	ssyncset.done $0x0  }
0x95: {  	s16 =	sld [smem:$0x10];
	[sflag:s15] =	ssyncadd.s32 $0xFFFFFFFF  }
0x96: {  	s17 =	sld [smem:$0x11];
	(tm) =	ssettm $0x1  }
0x97: {  	s18 =	sld [smem:$0x3FFB];
	_ =	sdelay $0x3  }
0x98: {  	_ =	strace s18  }
0x99: {  	s4 =	sld [smem:$0x3FFC];
	_ =	sdelay $0x3  }
0x9a: {  	_ =	strace s4  }
0x9b: {  	s4 =	sld [smem:$0x3FFD];
	_ =	sdelay $0x3  }
0x9c: {  	_ =	strace s4  }
0x9d: {  	_ =	strace $0x8FFFFFFF  }
0x9e: {  	s19 =	sld [smem:$0x3FDB];
	_ =	sdelay $0x1  }
0x9f: {  	s5 =	simm.s32 $_scs_section_size  }
0xa0: {  	s6 =	simm.s32 $_size__tile_overlayer_lowered;
	s7 =	simm.s32 $_tile_overlayer_lowered  }
0xa1: {  	s22 =	simm.s32 $0x1BFF;
	s21 =	sshll.u32 s7, $0x1;
	s4 =	sadd.s32 s5, s19  }
0xa2: {  	s8 =	simm.s32 $0x0;
	s20 =	sshll.u32 s6, $0x1;
	s6 =	sadd.s32 s21, s4  }
0xa3: {  	[timem:s8], [sflag:s22] =	dma.local [hbm:s6], s20  }
0xa4: {  	_ =	swait.ge [sflag:s22], s20  }
0xa5: {  	s5 =	ssub.s32 $0x0, s20;
	[sflag:s22] =	ssyncset.done $0x0  }
0xa6: {  	[sflag:s22] =	ssyncadd.s32 s5;
	_ =	sdelay $0x1  }
0xa7: {  	s23 =	simm.s32 $0x1B8B  }
0xa8: {  	_ =	swait.ge [sflag:s23], $0x1  }
0xa9: {  	[sflag:s23] =	ssyncset.done $0x0  }
0xaa: {  	s25 =	simm.s32 $0x1B8E;
	s24 =	sld [smem:$0x3FFE];
	[sflag:s23] =	ssyncadd.s32 $0xFFFFFFFF  }
0xab: {  	s26 =	simm.s32 $execute0_lowered;
	[smem:$0x3FD2] =	sst s25  }
0xac: {  	s6 =	sshll.u32 s26, $0x1;
	_ =	strace $0x80000046;
	[dreg:$0x1] =	wrdreg $0xFFFFFFFF  }
0xad: {  	s28 =	simm.s32 $_size_execute0_lowered;
	s4 =	sadd.s32 s4, s6;
	[dreg:$0x0] =	wrdreg $0x0  }
0xae: {  	s6 =	sshll.u32 s28, $0x1;
	[dreg:$0x2] =	wrdreg s4  }
0xaf: {  	[dreg:$0x3] =	wrdreg s6  }
0xb0: {  	[dreg:$0x4] =	wrdreg $0xC0  }
0xb1: {  	_ =	task [dreg:s8], $0x5FFFF  }
0xb2: {  	[dreg:$0x1] =	wrdreg $0xFFFFFFFF  }
0xb3: {  	[dreg:$0x0] =	wrdreg $0x60  }
0xb4: {  	[dreg:$0x2] =	wrdreg s17  }
0xb5: {  	[dreg:$0x3] =	wrdreg s16  }
0xb6: {  	[dreg:$0x4] =	wrdreg s24  }
0xb7: {  	[dreg:$0x5] =	wrdreg $0x0  }
0xb8: {  	[dreg:$0x6] =	wrdreg $0xA0000  }
0xb9: {  	[dreg:$0x7] =	wrdreg $0x9  }
0xba: {  	_ =	task.clear_ibuf [dreg:s8], $0x8FFFF;
	_ =	strace $0x90000046  }
0xbb: {  	s29 =	simm.s32 $0x9;
	_ =	strace $0x80000048  }
0xbc: {  	_ =	swait.ge [sflag:s29], $0x1  }
0xbd: {  	[sflag:s29] =	ssyncadd.s32 $0xFFFFFFFF  }
0xbe: {  	_ =	strace $0x90000048  }
0xbf: {  	_ =	sfence  }
0xc0: {  	s30 =	sld [smem:$0x0];
	_ =	sdelay $0x2  }
0xc1: {  	s31 =	sshll.u32 s1, $0xD;
	s1 =	sshrl.u32 s1, $0x2  }
0xc2: {  	s3 =	sand.u32 $0x4000, s31;
	s1 =	sadd.s32 s1, s30  }
0xc3: {  	s0 =	sor.u32 s3, s0;
	s1 =	sshll.u32 s1, $0x11  }
0xc4: {  	s0 =	sor.u32 s1, s0  }
0xc5: {  	s0 =	sadd.s32 $0x8F2B, s0  }
0xc6: {  	[sflag:s0] =	ssyncadd.remote.s32 $0x1  }
0xc7: {  	_ =	sfence.sel $0xFFFF  }
0xc8: {  	[dreg:$0x0] =	wrdreg $0xFFFFFFFF;
	(pc) =	sbr.abs _section_cstart, $3  }
0xc9: {  	[dreg:$0x1] =	wrdreg $0xFFFFFFFF  }
0xca: {  	_ =	task.clear_ibuf [dreg:s8], $0x2FFFF;
	_ =	strace $0x9FFFFFFF  }
0xcb: {  	(tm) =	ssettm $0x7FFFFFFF  }
tec
execute0_lowered:
.L_overlay_start_1:
0x0: {  	(tag) =	ssettag $0x1  }
0x1: {  	s20 =	rddreg [dreg:$0x0]  }
0x2: {  	s19 =	rddreg [dreg:$0x1]  }
0x3: {  	s0 =	rddreg [dreg:$0x2]  }
0x4: {  	s3 =	rddreg [dreg:$0x3]  }
0x5: {  	s4 =	rddreg [dreg:$0x4];
	s12 =	simm.s32 $0x0  }
0x6: {  	s21 =	srdreg.scid;
	s13 =	stileid.u32;
	s31 =	simm.s32 $0xBA00  }
0x7: {  	[smem:$0x7FF] =	sst s12;
	s1 =	sadd.s32 $0x16200, s0;
	s7 =	sadd.s32 $0x78C00, s0  }
0x8: {  	s8 =	sadd.s32 $0x78800, s0;
	_ =	strace $0x80000047;
	[dreg:$0x9] =	wrdreg s7  }
0x9: {  	s2 =	sadd.s32 $0x2200, s0;
	s22 =	sadd.s32 $0x78600, s0;
	[dreg:$0xa] =	wrdreg s8  }
0xa: {  	s5 =	sadd.s32 $0x20200, s0;
	s10 =	sadd.s32 $0x7A000, s0;
	[dreg:$0xb] =	wrdreg s22  }
0xb: {  	s6 =	sadd.s32 $0xC200, s0;
	s24 =	sadd.s32 $0x93000, s0;
	[dreg:$0xc] =	wrdreg s10  }
0xc: {  	s11 =	sadd.s32 $0x8E000, s0;
	s28 =	smul.u32 $0xA000, s13;
	[dreg:$0xd] =	wrdreg s24  }
0xd: {  	s9 =	smul.u32 $0xA00, s13;
	s0 =	sadd.s32 $0x90800, s0;
	[dreg:$0xe] =	wrdreg s11  }
0xe: {  	s14 =	smul.u32 $0x1400, s13;
	[dreg:$0x14] =	wrdreg s0;
	s15 =	sadd.s32 s28, s3  }
0xf: {  	s7 =	sand.u32 $0x1, s21;
	s17 =	sshrl.u32 s28, $0x3;
	[dreg:$0x16] =	wrdreg s15  }
0x10: {  	s26 =	sor.u32 $0x20, s9;
	s22 =	sadd.s32 s14, s4;
	[dreg:$0x17] =	wrdreg s17  }
0x11: {  	s21 =	sadd.s32 s5, s9;
	s18 =	sadd.s32 s6, s9;
	[dreg:$0x18] =	wrdreg s22  }
0x12: {  	s16 =	sadd.s32 s1, s9;
	s9 =	sadd.s32 s2, s9;
	[dreg:$0x6] =	wrdreg s21  }
0x13: {  	s30 =	simm.s32 $0x100;
	s10 =	sshll.u32 s13, $0x6;
	[dreg:$0x8] =	wrdreg s9  }
0x14: {  	s11 =	simm.s32 $0x15;
	s23 =	ssub.s32 $0x2, s7;
	[dreg:$0x10] =	wrdreg s18  }
0x15: {  	p0 =	sne.s32 s7, $0x0;
	s5 =	sadd.s32 s5, s26;
	[dreg:$0x7] =	wrdreg s16  }
0x16: {  	s7 =	simm.s32 $0x10400;
	s29 =	sadd.s32 s6, s26;
	[dreg:$0xf] =	wrdreg s5  }
0x17: {  	s25 =	sshrl.u32 s23, $0x1;
	s1 =	sadd.s32 s1, s26;
	[dreg:$0x11] =	wrdreg s29  }
0x18: {  	s6 =	sadd.s32 s2, s26;
	s26 =	sadd.s32 $0x60, s21;
	[dreg:$0x12] =	wrdreg s1  }
0x19: {  	s28 =	sadd.s32 $0x40, s16;
	s15 =	simm.s32 $0xC400;
	[dreg:$0x13] =	wrdreg s6  }
0x1a: {  	s8 =	ssub.s32 s23, s25;
	s5 =	sor.u32 $0x1C15, s10;
	[dreg:$0x1c] =	wrdreg s26  }
0x1b: {  	s23 =	sshrl.u32 s14, $0x3;
	s25 =	sadd.s32 $0x40, s21;
	[dreg:$0x1d] =	wrdreg s28  }
.Ltmp0:
0x1c: {  	s29 =	sadd.s32 $0x60, s16;
	[dreg:$0x19] =	wrdreg s23;
	(pc) =	sbr.rel .LBB2_1-.Ltmp0, $4  }
0x1d: {  	s14 =	simm.s32 $0xBC00;
	s10 =	simm.s32 $0x9;
	[dreg:$0x1b] =	wrdreg s25  }
0x1e: {  	s6 =	simm.s32 $0x0;
	s24 =	smax.u32 s8, $0x1;
	[dreg:$0x1e] =	wrdreg s29  }
0x1f: {  	s25 =	simm.s32 $0xBB00;
	s8 =	simm.s32 $0xB400;
	[dreg:$0x15] =	wrdreg s5  }
0x20: {  	s23 =	simm.s32 $0xB700;
	[dreg:$0x1a] =	wrdreg s24;
	s24 =	simm.s32 $0x10  }
.LBB2_7:
0x21: {  	s18 =	simm.s32 $0xB700;
	s1 =	simm.s32 @!p1 $0x13  }
0x22: {  	[spmem:s14] =	stream.indirect.scatter.add.f32 [tilespmem:s26], [sflag:$0x4], $0x8, s18, s30, $0xb8;
	[tilespmem:$0x1C400] =	vst v63  }
0x23: {  	_ =	swait.ge @!p1 [sflag:s1], $0x4000  }
0x24: {  	[sflag:s1] =	ssyncset.done @!p1 $0x0  }
0x25: {  	[sflag:s1] =	ssyncadd.s32 @!p1 $0xFFFFC000;
	s1 =	simm.s32 @!p1 $0x3  }
0x26: {  	_ =	swait.ge @!p1 [sflag:s1], $0x800  }
0x27: {  	s5 =	sadd.s32 s11, s7;
	[sflag:s1] =	ssyncset.done @!p1 $0x0  }
0x28: {  	s15 =	simm.s32 $0x0;
	s23 =	sadd.s32 $0x40, s5;
	[sflag:s1] =	ssyncadd.s32 @!p1 $0xFFFFF800  }
0x29: {  	[tilespmem:s20], [sflag:$0xB] =	stream.linear.gather [hbm4b:s23+s15], $0x100, $0x38;
	[tilespmem:$0x1C400] =	vst v63  }
0x2a: {  	_ =	swait.ge [sflag:s16], $0x100  }
0x2b: {  	[sflag:s16] =	ssyncset.done $0x0  }
0x2c: {  	s3 =	simm.s32 $0x14400;
	[sflag:s16] =	ssyncadd.s32 $0xFFFFFF00  }
0x2d: {  	[tilespmem:s3], [sflag:$0x7] =	stream.indirect.gather [hbm4b:s19+s30], $0x40, s31, s30, $0xb8;
	[tilespmem:$0x1C400] =	vst v63  }
0x2e: {  	p2 =	seq.s32 s11, $0x980;
	s24 =	simm.s32 $0x9;
	_ =	swait.ge [sflag:s10], $0x4000  }
0x2f: {  	s9 =	simm.s32 @!p2 $0xB800;
	s1 =	sadd.s32 @!p2 s11, s21;
	[sflag:s10] =	ssyncset.done $0x0  }
0x30: {  	s2 =	simm.s32 @!p2 $0x0;
	s12 =	sadd.s32 @!p2 $0x80, s1;
	[sflag:s10] =	ssyncadd.s32 $0xFFFFC000  }
0x31: {  	[tilespmem:s9], [sflag:$0xD] =	stream.linear.gather @!p2 [hbm4b:s12+s2], $0x100, $0x38;
	[tilespmem:$0x1C400] =	vst v63  }
0x32: {  	_ =	swait.ge [sflag:s24], $0x100  }
0x33: {  	[sflag:s24] =	ssyncset.done $0x0  }
0x34: {  	s25 =	simm.s32 $0xB400;
	s16 =	simm.s32 $0xC400;
	[sflag:s24] =	ssyncadd.s32 $0xFFFFFF00  }
0x35: {  	[spmem:s4] =	stream.indirect.scatter.add.f32 [tilespmem:s16], [sflag:$0x11], $0x40, s25, s30, $0xb8;
	[tilespmem:$0x1C400] =	vst v63  }
0x36: {  	s12 =	simm.s32 @!p1 $0x14  }
0x37: {  	[spmem:s14] =	stream.indirect.scatter.add.f32 [tilespmem:s26], [sflag:$0x1], $0x8, s25, s30, $0xb8;
	[tilespmem:$0x1C400] =	vst v63  }
0x38: {  	_ =	swait.ge @!p1 [sflag:s12], $0x4000  }
0x39: {  	[sflag:s12] =	ssyncset.done @!p1 $0x0  }
0x3a: {  	[sflag:s12] =	ssyncadd.s32 @!p1 $0xFFFFC000;
	s12 =	simm.s32 @!p1 $0x4  }
0x3b: {  	_ =	swait.ge @!p1 [sflag:s12], $0x800  }
0x3c: {  	[sflag:s12] =	ssyncset.done @!p1 $0x0  }
0x3d: {  	s5 =	sadd.s32 $0x60, s5;
	s23 =	simm.s32 $0x10;
	[sflag:s12] =	ssyncadd.s32 @!p1 $0xFFFFF800  }
0x3e: {  	[tilespmem:s18], [sflag:$0xC] =	stream.linear.gather [hbm4b:s5+s15], $0x100, $0x38;
	[tilespmem:$0x1C400] =	vst v63  }
0x3f: {  	_ =	swait.ge [sflag:s23], $0x100  }
0x40: {  	[sflag:s23] =	ssyncset.done $0x0  }
0x41: {  	s24 =	simm.s32 $0x18400;
	s25 =	simm.s32 $0xBB00;
	[sflag:s23] =	ssyncadd.s32 $0xFFFFFF00  }
0x42: {  	[tilespmem:s24], [sflag:$0x8] =	stream.indirect.gather [hbm4b:s19+s30], $0x40, s25, s30, $0xb8;
	[tilespmem:$0x1C400] =	vst v63  }
0x43: {  	_ =	swait.ge [sflag:s28], $0x4000  }
0x44: {  	[sflag:s28] =	ssyncset.done $0x0  }
0x45: {  	s12 =	simm.s32 @!p2 $0xB900;
	s5 =	sadd.s32 @!p2 $0xA0, s1;
	[sflag:s28] =	ssyncadd.s32 $0xFFFFC000  }
0x46: {  	[tilespmem:s12], [sflag:$0xE] =	stream.linear.gather @!p2 [hbm4b:s5+s2], $0x100, $0x38;
	[tilespmem:$0x1C400] =	vst v63  }
0x47: {  	_ =	swait.ge [sflag:s29], $0x100  }
0x48: {  	[sflag:s29] =	ssyncset.done $0x0  }
0x49: {  	s28 =	simm.s32 $0x10400;
	[sflag:s29] =	ssyncadd.s32 $0xFFFFFF00;
	s29 =	simm.s32 $0xB500  }
0x4a: {  	[spmem:s4] =	stream.indirect.scatter.add.f32 [tilespmem:s28], [sflag:$0x12], $0x40, s29, s30, $0xb8;
	[tilespmem:$0x1C400] =	vst v63  }
0x4b: {  	_ = 	snop  }
0x4c: {  	[spmem:s14] =	stream.indirect.scatter.add.f32 [tilespmem:s26], [sflag:$0x2], $0x8, s29, s30, $0xb8;
	[tilespmem:$0x1C400] =	vst v63  }
0x4d: {  	_ =	swait.ge [sflag:s0], $0x4000  }
0x4e: {  	[sflag:s0] =	ssyncset.done $0x0  }
0x4f: {  	[sflag:s0] =	ssyncadd.s32 $0xFFFFC000  }
0x50: {  	_ =	swait.ge [sflag:s22], $0x800  }
0x51: {  	[sflag:s22] =	ssyncset.done $0x0  }
0x52: {  	s5 =	simm.s32 @p2 $0x7;
	[sflag:s22] =	ssyncadd.s32 $0xFFFFF800  }
0x53: {  	_ =	swait.ge @p2 [sflag:s5], $0x4000  }
0x54: {  	s11 =	sadd.s32 @!p2 s11, s7;
	[sflag:s5] =	ssyncset.done @p2 $0x0  }
0x55: {  	s15 =	sadd.s32 @!p2 $0x80, s11;
	[sflag:s5] =	ssyncadd.s32 @p2 $0xFFFFC000;
	s5 =	simm.s32 @!p2 $0xB400  }
0x56: {  	[tilespmem:s5], [sflag:$0x9] =	stream.linear.gather @!p2 [hbm4b:s15+s2], $0x100, $0x38;
	[tilespmem:$0x1C400] =	vst v63  }
0x57: {  	s5 =	simm.s32 @!p2 $0xD  }
0x58: {  	_ =	swait.ge @!p2 [sflag:s5], $0x100  }
0x59: {  	[sflag:s5] =	ssyncset.done @!p2 $0x0  }
0x5a: {  	s15 =	simm.s32 @!p2 $0x100;
	[sflag:s5] =	ssyncadd.s32 @!p2 $0xFFFFFF00;
	s5 =	simm.s32 @!p2 $0xC400  }
0x5b: {  	[tilespmem:s5], [sflag:$0x5] =	stream.indirect.gather @!p2 [hbm4b:s19+s15], $0x40, s9, s15, $0xb8;
	[tilespmem:$0x1C400] =	vst v63  }
0x5c: {  	s5 =	simm.s32 @!p2 $0x7  }
0x5d: {  	_ =	swait.ge @!p2 [sflag:s5], $0x4000  }
0x5e: {  	[sflag:s5] =	ssyncset.done @!p2 $0x0  }
0x5f: {  	s9 =	sadd.s32 @!p2 $0xC0, s1;
	[sflag:s5] =	ssyncadd.s32 @!p2 $0xFFFFC000;
	s5 =	simm.s32 @!p2 $0xBA00  }
0x60: {  	[tilespmem:s5], [sflag:$0xF] =	stream.linear.gather @!p2 [hbm4b:s9+s2], $0x100, $0x38;
	[tilespmem:$0x1C400] =	vst v63  }
0x61: {  	_ =	swait.ge [sflag:s6], $0x100  }
0x62: {  	[sflag:s6] =	ssyncset.done $0x0  }
0x63: {  	[sflag:s6] =	ssyncadd.s32 $0xFFFFFF00  }
0x64: {  	[spmem:s4] =	stream.indirect.scatter.add.f32 [tilespmem:s3], [sflag:$0x13], $0x40, s20, s30, $0xb8;
	[tilespmem:$0x1C400] =	vst v63  }
0x65: {  	_ = 	snop  }
0x66: {  	[spmem:s14] =	stream.indirect.scatter.add.f32 [tilespmem:s26], [sflag:$0x3], $0x8, s20, s30, $0xb8;
	[tilespmem:$0x1C400] =	vst v63  }
0x67: {  	_ =	swait.ge [sflag:s13], $0x4000  }
0x68: {  	[sflag:s13] =	ssyncset.done $0x0  }
0x69: {  	[sflag:s13] =	ssyncadd.s32 $0xFFFFC000  }
0x6a: {  	_ =	swait.ge [sflag:s17], $0x800  }
0x6b: {  	[sflag:s17] =	ssyncset.done $0x0  }
0x6c: {  	s5 =	simm.s32 @p2 $0x8;
	[sflag:s17] =	ssyncadd.s32 $0xFFFFF800  }
0x6d: {  	_ =	swait.ge @p2 [sflag:s5], $0x4000  }
0x6e: {  	[sflag:s5] =	ssyncset.done @p2 $0x0  }
0x6f: {  	s9 =	sadd.s32 @!p2 $0xA0, s11;
	[sflag:s5] =	ssyncadd.s32 @p2 $0xFFFFC000;
	s5 =	simm.s32 @!p2 $0xB500  }
0x70: {  	[tilespmem:s5], [sflag:$0xA] =	stream.linear.gather @!p2 [hbm4b:s9+s2], $0x100, $0x38;
	[tilespmem:$0x1C400] =	vst v63  }
0x71: {  	s5 =	simm.s32 @!p2 $0xE  }
0x72: {  	_ =	swait.ge @!p2 [sflag:s5], $0x100  }
0x73: {  	[sflag:s5] =	ssyncset.done @!p2 $0x0  }
0x74: {  	[sflag:s5] =	ssyncadd.s32 @!p2 $0xFFFFFF00;
	s5 =	simm.s32 @!p2 $0x10400  }
0x75: {  	[tilespmem:s5], [sflag:$0x6] =	stream.indirect.gather @!p2 [hbm4b:s19+s15], $0x40, s12, s15, $0xb8;
	[tilespmem:$0x1C400] =	vst v63  }
0x76: {  	s5 =	simm.s32 @!p2 $0x8  }
0x77: {  	_ =	swait.ge @!p2 [sflag:s5], $0x4000  }
0x78: {  	[sflag:s5] =	ssyncset.done @!p2 $0x0  }
0x79: {  	s1 =	sadd.s32 @!p2 $0xE0, s1;
	[sflag:s5] =	ssyncadd.s32 @!p2 $0xFFFFC000;
	s5 =	simm.s32 @!p2 $0xBB00  }
0x7a: {  	[tilespmem:s5], [sflag:$0x10] =	stream.linear.gather @!p2 [hbm4b:s1+s2], $0x100, $0x38;
	[tilespmem:$0x1C400] =	vst v63  }
0x7b: {  	_ =	swait.ge [sflag:s8], $0x100  }
0x7c: {  	s10 =	simm.s32 $0x9;
	s2 =	rddreg [dreg:$0xd]  }
0x7d: {  	s23 =	simm.s32 $0xB700;
	s25 =	simm.s32 $0xBB00;
	s1 =	rddreg [dreg:$0x14]  }
0x7e: {  	s3 =	smov.u32 s4;
	[sflag:s8] =	ssyncset.done $0x0;
	s16 =	rddreg [dreg:$0x7]  }
0x7f: {  	s12 =	simm.s32 $0x0;
	s6 =	rddreg [dreg:$0x1f];
	[sflag:s8] =	ssyncadd.s32 $0xFFFFFF00  }
0x80: {  	[spmem:s4] =	stream.indirect.scatter.add.f32 [tilespmem:s24], [sflag:$0x14], $0x40, s18, s30, $0xb8;
	[tilespmem:$0x1C400] =	vst v63  }
0x81: {  	s20 =	rddreg [dreg:$0x0];
	s24 =	simm.s32 $0x10;
	s4 =	smov.u32 s14  }
0x82: {  	[spmem:s14] =	stream.indirect.scatter.add.f32 [tilespmem:s26], [sflag:$0x4], $0x8, s18, s30, $0xb8;
	[tilespmem:$0x1C400] =	vst v63  }
0x83: {  	s18 =	smov.u32 s7;
	s7 =	simm.s32 $0x10400;
	s14 =	simm.s32 $0xBC00  }
.LBB2_8:
0x84: {  	s0 =	simm.s32 $0x13  }
0x85: {  	_ =	swait.ge [sflag:s0], $0x4000  }
0x86: {  	[sflag:s0] =	ssyncset.done $0x0  }
0x87: {  	s13 =	simm.s32 $0x3;
	[sflag:s0] =	ssyncadd.s32 $0xFFFFC000  }
0x88: {  	_ =	swait.ge [sflag:s13], $0x800  }
0x89: {  	[sflag:s13] =	ssyncset.done $0x0  }
0x8a: {  	s15 =	simm.s32 $0x14;
	[sflag:s13] =	ssyncadd.s32 $0xFFFFF800  }
0x8b: {  	_ =	swait.ge [sflag:s15], $0x4000  }
0x8c: {  	[sflag:s15] =	ssyncset.done $0x0  }
0x8d: {  	s17 =	simm.s32 $0x4;
	[sflag:s15] =	ssyncadd.s32 $0xFFFFC000  }
0x8e: {  	_ =	swait.ge [sflag:s17], $0x800  }
0x8f: {  	[sflag:s17] =	ssyncset.done $0x0  }
0x90: {  	[sflag:s17] =	ssyncadd.s32 $0xFFFFF800  }
0x91: {  	s5 =	rddreg [dreg:$0x17];
	[bflag:$0x0] =	sbarrier.arrive $0xFFFF  }
0x92: {  	s22 =	sld [smem:$0x7FC];
	_ =	sdelay $0x1  }
0x93: {  	s11 =	simm.s32 $0x15;
	s2 =	sadd.s32 s2, s5;
	s5 =	rddreg [dreg:$0x15]  }
0x94: {  	[hbm:s2], [sflag:s5] =	dma.local [spmem:s22], $0x1400  }
0x95: {  	_ =	swait.ge [sflag:s11], $0x1400  }
0x96: {  	s28 =	sld [smem:$0x7FD]  }
0x97: {  	[sflag:s11] =	ssyncset.done $0x0;
	s26 =	rddreg [dreg:$0x19]  }
0x98: {  	s1 =	sadd.s32 s1, s26;
	[sflag:s11] =	ssyncadd.s32 $0xFFFFEC00  }
0x99: {  	[hbm:s1], [sflag:s5] =	dma.local [spmem:s28], $0x280  }
0x9a: {  	_ =	swait.ge [sflag:s11], $0x280  }
0x9b: {  	s6 =	sadd.s32 $0x1, s6;
	s29 =	rddreg [dreg:$0x1a]  }
0x9c: {  	p1 =	sne.s32 s6, s29  }
.Ltmp1:
0x9d: {  	_ = 	snop;
	(pc) =	sbr.rel @!p1 .LBB2_9-.Ltmp1, $3  }
0x9e: {  	_ =	sdelay $0x1  }
0x9f: {  	s8 =	simm.s32 $0xB400;
	[sflag:s11] =	ssyncset.done $0x0  }
0xa0: {  	s15 =	simm.s32 $0xC400;
	s9 =	rddreg [dreg:$0x8];
	[sflag:s11] =	ssyncadd.s32 $0xFFFFFD80  }
.LBB2_1:
0xa1: {  	[dreg:$0x1f] =	wrdreg s6  }
0xa2: {  	s1 =	rddreg [dreg:$0x16]  }
0xa3: {  	s17 =	rddreg [dreg:$0x9];
	s0 =	sshrl.u32 s1, $0x3  }
0xa4: {  	[smem:$0x7FC] =	sst s0  }
0xa5: {  	[spmem:s0], [sflag:s5] =	dma.local [hbm:s17], $0x1400  }
0xa6: {  	_ =	swait.ge [sflag:s11], $0x1400  }
0xa7: {  	s22 =	rddreg [dreg:$0x18]  }
0xa8: {  	[sflag:s11] =	ssyncset.done $0x0;
	s28 =	rddreg [dreg:$0xa];
	s26 =	sshrl.u32 s22, $0x3  }
0xa9: {  	[sflag:s11] =	ssyncadd.s32 $0xFFFFEC00;
	[smem:$0x7FD] =	sst s26  }
0xaa: {  	[spmem:s26], [sflag:s5] =	dma.local [hbm:s28], $0x280  }
0xab: {  	_ =	swait.ge [sflag:s11], $0x280  }
0xac: {  	[sflag:s11] =	ssyncset.done $0x0  }
0xad: {  	s29 =	rddreg [dreg:$0xb];
	[sflag:s11] =	ssyncadd.s32 $0xFFFFFD80  }
0xae: {  	[tilespmem:s14], [sflag:$0x15] =	stream.linear.gather [hbm4b:s29+s12], $0x800, $0x38;
	[tilespmem:$0x1C400] =	vst v63  }
.Ltmp2:
0xaf: {  	_ =	swait.ge [sflag:s11], $0x800;
	(pc) =	sbr.rel @p0 .LBB2_5-.Ltmp2, $4  }
0xb0: {  	[sflag:s11] =	ssyncset.done $0x0  }
0xb1: {  	[sflag:s11] =	ssyncadd.s32 $0xFFFFF800  }
0xb2: {  	[bflag:$0x0] =	sbarrier.arrive $0xFFFF  }
0xb3: {  	s1 =	simm.s32 $0x0;
	s5 =	simm.s32 $0xB800  }
0xb4: {  	[tilespmem:s5], [sflag:$0xD] =	stream.linear.gather [hbm4b:s16+s1], $0x100, $0x38;
	[tilespmem:$0x1C400] =	vst v63  }
0xb5: {  	s2 =	rddreg [dreg:$0x12];
	s11 =	simm.s32 $0xB900  }
0xb6: {  	[tilespmem:s11], [sflag:$0xE] =	stream.linear.gather [hbm4b:s2+s1], $0x100, $0x38;
	[tilespmem:$0x1C400] =	vst v63  }
0xb7: {  	s0 =	rddreg [dreg:$0x1d]  }
0xb8: {  	[tilespmem:s31], [sflag:$0xF] =	stream.linear.gather [hbm4b:s0+s1], $0x100, $0x38;
	[tilespmem:$0x1C400] =	vst v63  }
0xb9: {  	s6 =	rddreg [dreg:$0x1e]  }
0xba: {  	[tilespmem:s25], [sflag:$0x10] =	stream.linear.gather [hbm4b:s6+s1], $0x100, $0x38;
	[tilespmem:$0x1C400] =	vst v63  }
0xbb: {  	_ = 	snop  }
0xbc: {  	[tilespmem:s8], [sflag:$0x9] =	stream.linear.gather [hbm4b:s9+s1], $0x100, $0x38;
	[tilespmem:$0x1C400] =	vst v63  }
0xbd: {  	s13 =	rddreg [dreg:$0x13];
	s17 =	simm.s32 $0xD;
	s6 =	simm.s32 $0xB500  }
0xbe: {  	[tilespmem:s6], [sflag:$0xA] =	stream.linear.gather [hbm4b:s13+s1], $0x100, $0x38;
	[tilespmem:$0x1C400] =	vst v63  }
0xbf: {  	_ =	swait.ge [sflag:s17], $0x100  }
0xc0: {  	[sflag:s17] =	ssyncset.done $0x0  }
0xc1: {  	s18 =	simm.s32 $0xE;
	[sflag:s17] =	ssyncadd.s32 $0xFFFFFF00  }
0xc2: {  	[tilespmem:s15], [sflag:$0x5] =	stream.indirect.gather [hbm4b:s20+s30], $0x40, s5, s30, $0xb8;
	[tilespmem:$0x1C400] =	vst v63  }
0xc3: {  	p1 =	por $0x1, $0x1;
	_ =	swait.ge [sflag:s18], $0x100  }
0xc4: {  	p2 =	por p1, p1;
	[sflag:s18] =	ssyncset.done $0x0  }
0xc5: {  	s1 =	simm.s32 @!p2 $0x13;
	[sflag:s18] =	ssyncadd.s32 $0xFFFFFF00  }
0xc6: {  	[tilespmem:s7], [sflag:$0x6] =	stream.indirect.gather [hbm4b:s20+s30], $0x40, s11, s30, $0xb8;
	[tilespmem:$0x1C400] =	vst v63  }
0xc7: {  	_ =	swait.ge @!p2 [sflag:s1], $0x4000  }
0xc8: {  	[sflag:s1] =	ssyncset.done @!p2 $0x0  }
0xc9: {  	[sflag:s1] =	ssyncadd.s32 @!p2 $0xFFFFC000;
	s1 =	simm.s32 @!p2 $0x3  }
0xca: {  	s19 =	sadd.s32 $0x0, s9;
	_ =	swait.ge @!p2 [sflag:s1], $0x800  }
0xcb: {  	s26 =	simm.s32 $0xB600;
	s22 =	sadd.s32 $0x40, s19;
	[sflag:s1] =	ssyncset.done @!p2 $0x0  }
0xcc: {  	s0 =	smov.u32 s16;
	s16 =	simm.s32 $0xF;
	[sflag:s1] =	ssyncadd.s32 @!p2 $0xFFFFF800  }
0xcd: {  	[tilespmem:s26], [sflag:$0xB] =	stream.linear.gather [hbm4b:s22+s12], $0x100, $0x38;
	[tilespmem:$0x1C400] =	vst v63  }
0xce: {  	_ =	swait.ge [sflag:s16], $0x100  }
0xcf: {  	[sflag:s16] =	ssyncset.done $0x0  }
0xd0: {  	s13 =	simm.s32 $0x14400;
	s7 =	simm.s32 $0x5;
	[sflag:s16] =	ssyncadd.s32 $0xFFFFFF00  }
0xd1: {  	[tilespmem:s13], [sflag:$0x7] =	stream.indirect.gather [hbm4b:s20+s30], $0x40, s31, s30, $0xb8;
	[tilespmem:$0x1C400] =	vst v63  }
0xd2: {  	p1 =	por $0x0, $0x0;
	_ =	swait.ge [sflag:s7], $0x4000  }
0xd3: {  	s2 =	simm.s32 @!p1 $0x0;
	s1 =	sadd.s32 @!p1 $0x0, s0;
	[sflag:s7] =	ssyncset.done $0x0  }
0xd4: {  	s11 =	simm.s32 @!p1 $0xB800;
	s15 =	sadd.s32 @!p1 $0x80, s1;
	[sflag:s7] =	ssyncadd.s32 $0xFFFFC000  }
0xd5: {  	[tilespmem:s11], [sflag:$0xD] =	stream.linear.gather @!p1 [hbm4b:s15+s2], $0x100, $0x38;
	[tilespmem:$0x1C400] =	vst v63  }
0xd6: {  	_ =	swait.ge [sflag:s10], $0x100  }
0xd7: {  	[sflag:s10] =	ssyncset.done $0x0  }
0xd8: {  	s17 =	simm.s32 $0xB400;
	s18 =	simm.s32 $0xC400;
	[sflag:s10] =	ssyncadd.s32 $0xFFFFFF00  }
0xd9: {  	[spmem:s3] =	stream.indirect.scatter.add.f32 [tilespmem:s18], [sflag:$0x11], $0x40, s17, s30, $0xb8;
	[tilespmem:$0x1C400] =	vst v63  }
0xda: {  	s15 =	simm.s32 @!p2 $0x14  }
0xdb: {  	[spmem:s4] =	stream.indirect.scatter.add.f32 [tilespmem:s14], [sflag:$0x1], $0x8, s17, s30, $0xb8;
	[tilespmem:$0x1C400] =	vst v63  }
0xdc: {  	_ =	swait.ge @!p2 [sflag:s15], $0x4000  }
0xdd: {  	[sflag:s15] =	ssyncset.done @!p2 $0x0  }
0xde: {  	[sflag:s15] =	ssyncadd.s32 @!p2 $0xFFFFC000;
	s15 =	simm.s32 @!p2 $0x4  }
0xdf: {  	_ =	swait.ge @!p2 [sflag:s15], $0x800  }
0xe0: {  	[sflag:s15] =	ssyncset.done @!p2 $0x0  }
0xe1: {  	s5 =	sadd.s32 $0x60, s19;
	[sflag:s15] =	ssyncadd.s32 @!p2 $0xFFFFF800  }
0xe2: {  	[tilespmem:s23], [sflag:$0xC] =	stream.linear.gather [hbm4b:s5+s12], $0x100, $0x38;
	[tilespmem:$0x1C400] =	vst v63  }
0xe3: {  	_ =	swait.ge [sflag:s24], $0x100  }
0xe4: {  	[sflag:s24] =	ssyncset.done $0x0  }
0xe5: {  	s28 =	simm.s32 $0x6;
	s22 =	simm.s32 $0x18400;
	[sflag:s24] =	ssyncadd.s32 $0xFFFFFF00  }
0xe6: {  	[tilespmem:s22], [sflag:$0x8] =	stream.indirect.gather [hbm4b:s20+s30], $0x40, s25, s30, $0xb8;
	[tilespmem:$0x1C400] =	vst v63  }
0xe7: {  	_ =	swait.ge [sflag:s28], $0x4000  }
0xe8: {  	s29 =	simm.s32 $0xA;
	[sflag:s28] =	ssyncset.done $0x0  }
0xe9: {  	s15 =	simm.s32 @!p1 $0xB900;
	s5 =	sadd.s32 @!p1 $0xA0, s1;
	[sflag:s28] =	ssyncadd.s32 $0xFFFFC000  }
0xea: {  	[tilespmem:s15], [sflag:$0xE] =	stream.linear.gather @!p1 [hbm4b:s5+s2], $0x100, $0x38;
	[tilespmem:$0x1C400] =	vst v63  }
0xeb: {  	_ =	swait.ge [sflag:s29], $0x100  }
0xec: {  	[sflag:s29] =	ssyncset.done $0x0  }
0xed: {  	s21 =	simm.s32 $0x10400;
	[sflag:s29] =	ssyncadd.s32 $0xFFFFFF00  }
0xee: {  	[spmem:s3] =	stream.indirect.scatter.add.f32 [tilespmem:s21], [sflag:$0x12], $0x40, s6, s30, $0xb8;
	[tilespmem:$0x1C400] =	vst v63  }
0xef: {  	s0 =	simm.s32 $0x11  }
0xf0: {  	[spmem:s4] =	stream.indirect.scatter.add.f32 [tilespmem:s14], [sflag:$0x2], $0x8, s6, s30, $0xb8;
	[tilespmem:$0x1C400] =	vst v63  }
0xf1: {  	_ =	swait.ge [sflag:s0], $0x4000  }
0xf2: {  	[sflag:s0] =	ssyncset.done $0x0  }
0xf3: {  	s22 =	simm.s32 $0x1;
	[sflag:s0] =	ssyncadd.s32 $0xFFFFC000  }
0xf4: {  	_ =	swait.ge [sflag:s22], $0x800  }
0xf5: {  	[sflag:s22] =	ssyncset.done $0x0  }
0xf6: {  	s5 =	simm.s32 @p1 $0x7;
	[sflag:s22] =	ssyncadd.s32 $0xFFFFF800  }
0xf7: {  	_ =	swait.ge @p1 [sflag:s5], $0x4000  }
0xf8: {  	s18 =	sadd.s32 @!p1 $0x0, s9;
	[sflag:s5] =	ssyncset.done @p1 $0x0  }
0xf9: {  	s19 =	sadd.s32 @!p1 $0x80, s18;
	[sflag:s5] =	ssyncadd.s32 @p1 $0xFFFFC000;
	s5 =	simm.s32 @!p1 $0xB400  }
0xfa: {  	[tilespmem:s5], [sflag:$0x9] =	stream.linear.gather @!p1 [hbm4b:s19+s2], $0x100, $0x38;
	[tilespmem:$0x1C400] =	vst v63  }
0xfb: {  	s5 =	simm.s32 @!p1 $0xD  }
0xfc: {  	_ =	swait.ge @!p1 [sflag:s5], $0x100  }
0xfd: {  	[sflag:s5] =	ssyncset.done @!p1 $0x0  }
0xfe: {  	s19 =	simm.s32 @!p1 $0x100;
	[sflag:s5] =	ssyncadd.s32 @!p1 $0xFFFFFF00;
	s5 =	simm.s32 @!p1 $0xC400  }
0xff: {  	[tilespmem:s5], [sflag:$0x5] =	stream.indirect.gather @!p1 [hbm4b:s20+s19], $0x40, s11, s19, $0xb8;
	[tilespmem:$0x1C400] =	vst v63  }
0x100: {  	s5 =	simm.s32 @!p1 $0x7  }
0x101: {  	_ =	swait.ge @!p1 [sflag:s5], $0x4000  }
0x102: {  	s6 =	simm.s32 $0xB;
	[sflag:s5] =	ssyncset.done @!p1 $0x0  }
0x103: {  	s11 =	sadd.s32 @!p1 $0xC0, s1;
	[sflag:s5] =	ssyncadd.s32 @!p1 $0xFFFFC000;
	s5 =	simm.s32 @!p1 $0xBA00  }
0x104: {  	[tilespmem:s5], [sflag:$0xF] =	stream.linear.gather @!p1 [hbm4b:s11+s2], $0x100, $0x38;
	[tilespmem:$0x1C400] =	vst v63  }
0x105: {  	_ =	swait.ge [sflag:s6], $0x100  }
0x106: {  	[sflag:s6] =	ssyncset.done $0x0  }
0x107: {  	[sflag:s6] =	ssyncadd.s32 $0xFFFFFF00  }
0x108: {  	[spmem:s3] =	stream.indirect.scatter.add.f32 [tilespmem:s13], [sflag:$0x13], $0x40, s26, s30, $0xb8;
	[tilespmem:$0x1C400] =	vst v63  }
0x109: {  	s13 =	simm.s32 $0x12  }
0x10a: {  	[spmem:s4] =	stream.indirect.scatter.add.f32 [tilespmem:s14], [sflag:$0x3], $0x8, s26, s30, $0xb8;
	[tilespmem:$0x1C400] =	vst v63  }
0x10b: {  	_ =	swait.ge [sflag:s13], $0x4000  }
0x10c: {  	[sflag:s13] =	ssyncset.done $0x0  }
0x10d: {  	s17 =	simm.s32 $0x2;
	[sflag:s13] =	ssyncadd.s32 $0xFFFFC000  }
0x10e: {  	_ =	swait.ge [sflag:s17], $0x800  }
0x10f: {  	[sflag:s17] =	ssyncset.done $0x0  }
0x110: {  	s5 =	simm.s32 @p1 $0x8;
	[sflag:s17] =	ssyncadd.s32 $0xFFFFF800  }
0x111: {  	_ =	swait.ge @p1 [sflag:s5], $0x4000  }
0x112: {  	[sflag:s5] =	ssyncset.done @p1 $0x0  }
0x113: {  	s11 =	sadd.s32 @!p1 $0xA0, s18;
	[sflag:s5] =	ssyncadd.s32 @p1 $0xFFFFC000;
	s5 =	simm.s32 @!p1 $0xB500  }
0x114: {  	[tilespmem:s5], [sflag:$0xA] =	stream.linear.gather @!p1 [hbm4b:s11+s2], $0x100, $0x38;
	[tilespmem:$0x1C400] =	vst v63  }
0x115: {  	s5 =	simm.s32 @!p1 $0xE  }
0x116: {  	_ =	swait.ge @!p1 [sflag:s5], $0x100  }
0x117: {  	[sflag:s5] =	ssyncset.done @!p1 $0x0  }
0x118: {  	[sflag:s5] =	ssyncadd.s32 @!p1 $0xFFFFFF00;
	s5 =	simm.s32 @!p1 $0x10400  }
0x119: {  	[tilespmem:s5], [sflag:$0x6] =	stream.indirect.gather @!p1 [hbm4b:s20+s19], $0x40, s15, s19, $0xb8;
	[tilespmem:$0x1C400] =	vst v63  }
0x11a: {  	s5 =	simm.s32 @!p1 $0x8  }
0x11b: {  	_ =	swait.ge @!p1 [sflag:s5], $0x4000  }
0x11c: {  	s1 =	sadd.s32 @!p1 $0xE0, s1;
	[sflag:s5] =	ssyncset.done @!p1 $0x0  }
0x11d: {  	s26 =	simm.s32 $0xC;
	[sflag:s5] =	ssyncadd.s32 @!p1 $0xFFFFC000;
	s5 =	simm.s32 @!p1 $0xBB00  }
0x11e: {  	[tilespmem:s5], [sflag:$0x10] =	stream.linear.gather @!p1 [hbm4b:s1+s2], $0x100, $0x38;
	[tilespmem:$0x1C400] =	vst v63  }
0x11f: {  	p6 =	por $0x0, $0x0;
	_ =	swait.ge [sflag:s26], $0x100  }
0x120: {  	s25 =	simm.s32 $0x18400;
	s18 =	simm.s32 $0x100;
	[sflag:s26] =	ssyncset.done $0x0  }
0x121: {  	s11 =	simm.s32 $0x80;
	p1 =	por p6, p6;
	[sflag:s26] =	ssyncadd.s32 $0xFFFFFF00  }
0x122: {  	[spmem:s3] =	stream.indirect.scatter.add.f32 [tilespmem:s25], [sflag:$0x14], $0x40, s23, s30, $0xb8;
	[tilespmem:$0x1C400] =	vst v63  }
.LBB2_3:
0x123: {  	[spmem:s4] =	stream.indirect.scatter.add.f32 [tilespmem:s14], [sflag:$0x4], $0x8, s23, s30, $0xb8;
	[tilespmem:$0x1C400] =	vst v63  }
0x124: {  	s1 =	simm.s32 @!p1 $0x13  }
0x125: {  	_ =	swait.ge @!p1 [sflag:s1], $0x4000  }
0x126: {  	[sflag:s1] =	ssyncset.done @!p1 $0x0  }
0x127: {  	[sflag:s1] =	ssyncadd.s32 @!p1 $0xFFFFC000;
	s1 =	simm.s32 @!p1 $0x3  }
0x128: {  	_ =	swait.ge @!p1 [sflag:s1], $0x800  }
0x129: {  	s12 =	sadd.s32 s11, s9;
	s8 =	simm.s32 $0x0;
	[sflag:s1] =	ssyncset.done @!p1 $0x0  }
0x12a: {  	s26 =	simm.s32 $0xB600;
	s2 =	sadd.s32 $0x40, s12;
	[sflag:s1] =	ssyncadd.s32 @!p1 $0xFFFFF800  }
0x12b: {  	[tilespmem:s26], [sflag:$0xB] =	stream.linear.gather [hbm4b:s2+s8], $0x100, $0x38;
	[tilespmem:$0x1C400] =	vst v63  }
0x12c: {  	_ =	swait.ge [sflag:s16], $0x100  }
0x12d: {  	[sflag:s16] =	ssyncset.done $0x0  }
0x12e: {  	[sflag:s16] =	ssyncadd.s32 $0xFFFFFF00;
	s16 =	simm.s32 $0x14400  }
0x12f: {  	[tilespmem:s16], [sflag:$0x7] =	stream.indirect.gather [hbm4b:s20+s30], $0x40, s31, s30, $0xb8;
	[tilespmem:$0x1C400] =	vst v63  }
0x130: {  	_ =	swait.ge [sflag:s7], $0x4000  }
0x131: {  	p3 =	seq.s32 s11, $0x980;
	s1 =	rddreg [dreg:$0x7]  }
0x132: {  	s2 =	simm.s32 @!p3 $0xB800;
	[sflag:s7] =	ssyncset.done $0x0;
	s21 =	sadd.s32 @!p3 s11, s1  }
0x133: {  	s31 =	simm.s32 @!p3 $0x0;
	[sflag:s7] =	ssyncadd.s32 $0xFFFFC000;
	s1 =	sadd.s32 @!p3 $0x80, s21  }
0x134: {  	[tilespmem:s2], [sflag:$0xD] =	stream.linear.gather @!p3 [hbm4b:s1+s31], $0x100, $0x38;
	[tilespmem:$0x1C400] =	vst v63  }
0x135: {  	_ =	swait.ge [sflag:s10], $0x100  }
0x136: {  	s25 =	simm.s32 $0xB400;
	[sflag:s10] =	ssyncset.done $0x0  }
0x137: {  	s1 =	sadd.s32 @!p3 s11, s9;
	s11 =	simm.s32 $0xC400;
	[sflag:s10] =	ssyncadd.s32 $0xFFFFFF00  }
0x138: {  	[spmem:s3] =	stream.indirect.scatter.add.f32 [tilespmem:s11], [sflag:$0x11], $0x40, s25, s30, $0xb8;
	[tilespmem:$0x1C400] =	vst v63  }
0x139: {  	s9 =	simm.s32 @!p1 $0x14  }
0x13a: {  	[spmem:s4] =	stream.indirect.scatter.add.f32 [tilespmem:s14], [sflag:$0x1], $0x8, s25, s30, $0xb8;
	[tilespmem:$0x1C400] =	vst v63  }
0x13b: {  	s5 =	smov.u32 s18;
	_ =	swait.ge @!p1 [sflag:s9], $0x4000  }
0x13c: {  	p4 =	seq.s32 s5, $0x0;
	[sflag:s9] =	ssyncset.done @!p1 $0x0  }
0x13d: {  	s11 =	smov.u32 s5;
	s5 =	simm.s32 @!p1 $0x4;
	[sflag:s9] =	ssyncadd.s32 @!p1 $0xFFFFC000  }
0x13e: {  	_ =	swait.ge @!p1 [sflag:s5], $0x800  }
0x13f: {  	[sflag:s5] =	ssyncset.done @!p1 $0x0  }
0x140: {  	s12 =	sadd.s32 $0x60, s12;
	[sflag:s5] =	ssyncadd.s32 @!p1 $0xFFFFF800  }
0x141: {  	[tilespmem:s23], [sflag:$0xC] =	stream.linear.gather [hbm4b:s12+s8], $0x100, $0x38;
	[tilespmem:$0x1C400] =	vst v63  }
0x142: {  	_ =	swait.ge [sflag:s24], $0x100  }
0x143: {  	[sflag:s24] =	ssyncset.done $0x0  }
0x144: {  	[sflag:s24] =	ssyncadd.s32 $0xFFFFFF00  }
0x145: {  	s25 =	simm.s32 $0x18400;
	s12 =	simm.s32 $0xBB00;
	s9 =	rddreg [dreg:$0x0]  }
0x146: {  	[tilespmem:s25], [sflag:$0x8] =	stream.indirect.gather [hbm4b:s9+s30], $0x40, s12, s30, $0xb8;
	[tilespmem:$0x1C400] =	vst v63  }
0x147: {  	_ =	swait.ge [sflag:s28], $0x4000  }
0x148: {  	[sflag:s28] =	ssyncset.done $0x0  }
0x149: {  	s20 =	sadd.s32 @!p3 $0xA0, s21;
	s5 =	simm.s32 @!p3 $0xB900;
	[sflag:s28] =	ssyncadd.s32 $0xFFFFC000  }
0x14a: {  	[tilespmem:s5], [sflag:$0xE] =	stream.linear.gather @!p3 [hbm4b:s20+s31], $0x100, $0x38;
	[tilespmem:$0x1C400] =	vst v63  }
0x14b: {  	s20 =	rddreg [dreg:$0x0];
	_ =	swait.ge [sflag:s29], $0x100  }
0x14c: {  	[sflag:s29] =	ssyncset.done $0x0  }
0x14d: {  	s8 =	simm.s32 $0x10400;
	s9 =	simm.s32 $0xB500;
	[sflag:s29] =	ssyncadd.s32 $0xFFFFFF00  }
0x14e: {  	[spmem:s3] =	stream.indirect.scatter.add.f32 [tilespmem:s8], [sflag:$0x12], $0x40, s9, s30, $0xb8;
	[tilespmem:$0x1C400] =	vst v63  }
0x14f: {  	_ = 	snop  }
0x150: {  	[spmem:s4] =	stream.indirect.scatter.add.f32 [tilespmem:s14], [sflag:$0x2], $0x8, s9, s30, $0xb8;
	[tilespmem:$0x1C400] =	vst v63  }
0x151: {  	_ =	swait.ge [sflag:s0], $0x4000  }
0x152: {  	[sflag:s0] =	ssyncset.done $0x0  }
0x153: {  	[sflag:s0] =	ssyncadd.s32 $0xFFFFC000  }
0x154: {  	_ =	swait.ge [sflag:s22], $0x800  }
0x155: {  	[sflag:s22] =	ssyncset.done $0x0  }
0x156: {  	s9 =	simm.s32 @p3 $0x7;
	[sflag:s22] =	ssyncadd.s32 $0xFFFFF800  }
0x157: {  	_ =	swait.ge @p3 [sflag:s9], $0x4000  }
0x158: {  	s19 =	sadd.s32 @!p3 $0x80, s1;
	[sflag:s9] =	ssyncset.done @p3 $0x0  }
0x159: {  	s12 =	simm.s32 @!p3 $0xD;
	[sflag:s9] =	ssyncadd.s32 @p3 $0xFFFFC000;
	s9 =	simm.s32 @!p3 $0xB400  }
0x15a: {  	[tilespmem:s9], [sflag:$0x9] =	stream.linear.gather @!p3 [hbm4b:s19+s31], $0x100, $0x38;
	[tilespmem:$0x1C400] =	vst v63  }
0x15b: {  	_ =	swait.ge @!p3 [sflag:s12], $0x100  }
0x15c: {  	s9 =	simm.s32 @!p3 $0x100;
	[sflag:s12] =	ssyncset.done @!p3 $0x0  }
0x15d: {  	s19 =	simm.s32 @!p3 $0x7;
	[sflag:s12] =	ssyncadd.s32 @!p3 $0xFFFFFF00;
	s12 =	simm.s32 @!p3 $0xC400  }
0x15e: {  	[tilespmem:s12], [sflag:$0x5] =	stream.indirect.gather @!p3 [hbm4b:s20+s9], $0x40, s2, s9, $0xb8;
	[tilespmem:$0x1C400] =	vst v63  }
0x15f: {  	_ =	swait.ge @!p3 [sflag:s19], $0x4000  }
0x160: {  	[sflag:s19] =	ssyncset.done @!p3 $0x0  }
0x161: {  	s15 =	sadd.s32 @!p3 $0xC0, s21;
	s2 =	simm.s32 @!p3 $0xBA00;
	[sflag:s19] =	ssyncadd.s32 @!p3 $0xFFFFC000  }
0x162: {  	[tilespmem:s2], [sflag:$0xF] =	stream.linear.gather @!p3 [hbm4b:s15+s31], $0x100, $0x38;
	[tilespmem:$0x1C400] =	vst v63  }
0x163: {  	_ =	swait.ge [sflag:s6], $0x100  }
0x164: {  	[sflag:s6] =	ssyncset.done $0x0  }
0x165: {  	[sflag:s6] =	ssyncadd.s32 $0xFFFFFF00  }
0x166: {  	[spmem:s3] =	stream.indirect.scatter.add.f32 [tilespmem:s16], [sflag:$0x13], $0x40, s26, s30, $0xb8;
	[tilespmem:$0x1C400] =	vst v63  }
0x167: {  	_ = 	snop  }
0x168: {  	[spmem:s4] =	stream.indirect.scatter.add.f32 [tilespmem:s14], [sflag:$0x3], $0x8, s26, s30, $0xb8;
	[tilespmem:$0x1C400] =	vst v63  }
0x169: {  	_ =	swait.ge [sflag:s13], $0x4000  }
0x16a: {  	[sflag:s13] =	ssyncset.done $0x0  }
0x16b: {  	[sflag:s13] =	ssyncadd.s32 $0xFFFFC000  }
0x16c: {  	_ =	swait.ge [sflag:s17], $0x800  }
0x16d: {  	[sflag:s17] =	ssyncset.done $0x0  }
0x16e: {  	s2 =	simm.s32 @p3 $0x8;
	[sflag:s17] =	ssyncadd.s32 $0xFFFFF800  }
0x16f: {  	_ =	swait.ge @p3 [sflag:s2], $0x4000  }
0x170: {  	s1 =	sadd.s32 @!p3 $0xA0, s1;
	[sflag:s2] =	ssyncset.done @p3 $0x0  }
0x171: {  	s12 =	simm.s32 @!p3 $0xE;
	[sflag:s2] =	ssyncadd.s32 @p3 $0xFFFFC000;
	s2 =	simm.s32 @!p3 $0xB500  }
0x172: {  	[tilespmem:s2], [sflag:$0xA] =	stream.linear.gather @!p3 [hbm4b:s1+s31], $0x100, $0x38;
	[tilespmem:$0x1C400] =	vst v63  }
0x173: {  	_ =	swait.ge @!p3 [sflag:s12], $0x100  }
0x174: {  	[sflag:s12] =	ssyncset.done @!p3 $0x0  }
0x175: {  	s1 =	simm.s32 @!p3 $0x10400;
	s2 =	simm.s32 @!p3 $0x8;
	[sflag:s12] =	ssyncadd.s32 @!p3 $0xFFFFFF00  }
0x176: {  	[tilespmem:s1], [sflag:$0x6] =	stream.indirect.gather @!p3 [hbm4b:s20+s9], $0x40, s5, s9, $0xb8;
	[tilespmem:$0x1C400] =	vst v63  }
0x177: {  	s18 =	sadd.s32 $0x80, s18;
	s9 =	rddreg [dreg:$0x8];
	_ =	swait.ge @!p3 [sflag:s2], $0x4000  }
0x178: {  	p2 =	seq.s32 s18, $0xA00;
	[sflag:s2] =	ssyncset.done @!p3 $0x0  }
0x179: {  	s21 =	sadd.s32 @!p3 $0xE0, s21;
	s1 =	simm.s32 @!p3 $0xBB00;
	[sflag:s2] =	ssyncadd.s32 @!p3 $0xFFFFC000  }
0x17a: {  	[tilespmem:s1], [sflag:$0x10] =	stream.linear.gather @!p3 [hbm4b:s21+s31], $0x100, $0x38;
	[tilespmem:$0x1C400] =	vst v63  }
.Ltmp3:
0x17b: {  	s19 =	simm.s32 $0xC;
	(pc) =	sbr.rel @!p2 .LBB2_3-.Ltmp3, $4  }
0x17c: {  	_ =	swait.ge [sflag:s19], $0x100  }
0x17d: {  	p1 =	por p4, p4;
	[sflag:s19] =	ssyncset.done $0x0  }
0x17e: {  	s16 =	simm.s32 $0xF;
	s31 =	simm.s32 $0xBA00;
	[sflag:s19] =	ssyncadd.s32 $0xFFFFFF00  }
0x17f: {  	[spmem:s3] =	stream.indirect.scatter.add.f32 [tilespmem:s25], [sflag:$0x14], $0x40, s23, s30, $0xb8;
	[tilespmem:$0x1C400] =	vst v63  }
0x180: {  	[spmem:s4] =	stream.indirect.scatter.add.f32 [tilespmem:s14], [sflag:$0x4], $0x8, s23, s30, $0xb8;
	[tilespmem:$0x1C400] =	vst v63  }
0x181: {  	s1 =	simm.s32 @!p1 $0x13  }
0x182: {  	_ =	swait.ge @!p1 [sflag:s1], $0x4000  }
0x183: {  	[sflag:s1] =	ssyncset.done @!p1 $0x0  }
0x184: {  	[sflag:s1] =	ssyncadd.s32 @!p1 $0xFFFFC000;
	s1 =	simm.s32 @!p1 $0x3  }
0x185: {  	_ =	swait.ge @!p1 [sflag:s1], $0x800  }
0x186: {  	s5 =	sadd.s32 s11, s9;
	s8 =	simm.s32 $0x0;
	[sflag:s1] =	ssyncset.done @!p1 $0x0  }
0x187: {  	s21 =	simm.s32 $0xB600;
	s18 =	sadd.s32 $0x40, s5;
	[sflag:s1] =	ssyncadd.s32 @!p1 $0xFFFFF800  }
0x188: {  	[tilespmem:s21], [sflag:$0xB] =	stream.linear.gather [hbm4b:s18+s8], $0x100, $0x38;
	[tilespmem:$0x1C400] =	vst v63  }
0x189: {  	_ =	swait.ge [sflag:s16], $0x100  }
0x18a: {  	[sflag:s16] =	ssyncset.done $0x0  }
0x18b: {  	s18 =	simm.s32 $0x14400;
	[sflag:s16] =	ssyncadd.s32 $0xFFFFFF00  }
0x18c: {  	[tilespmem:s18], [sflag:$0x7] =	stream.indirect.gather [hbm4b:s20+s30], $0x40, s31, s30, $0xb8;
	[tilespmem:$0x1C400] =	vst v63  }
0x18d: {  	_ =	swait.ge [sflag:s7], $0x4000  }
0x18e: {  	p2 =	seq.s32 s11, $0x980;
	s15 =	smov.u32 s9;
	s16 =	rddreg [dreg:$0x7]  }
0x18f: {  	s9 =	simm.s32 @!p2 $0xB800;
	[sflag:s7] =	ssyncset.done $0x0;
	s1 =	sadd.s32 @!p2 s11, s16  }
0x190: {  	s2 =	simm.s32 @!p2 $0x0;
	[sflag:s7] =	ssyncadd.s32 $0xFFFFC000;
	s12 =	sadd.s32 @!p2 $0x80, s1  }
0x191: {  	[tilespmem:s9], [sflag:$0xD] =	stream.linear.gather @!p2 [hbm4b:s12+s2], $0x100, $0x38;
	[tilespmem:$0x1C400] =	vst v63  }
0x192: {  	_ =	swait.ge [sflag:s10], $0x100  }
0x193: {  	[sflag:s10] =	ssyncset.done $0x0  }
0x194: {  	s26 =	simm.s32 $0xC400;
	s7 =	simm.s32 $0xB400;
	[sflag:s10] =	ssyncadd.s32 $0xFFFFFF00  }
0x195: {  	[spmem:s3] =	stream.indirect.scatter.add.f32 [tilespmem:s26], [sflag:$0x11], $0x40, s7, s30, $0xb8;
	[tilespmem:$0x1C400] =	vst v63  }
0x196: {  	s12 =	simm.s32 @!p1 $0x14  }
0x197: {  	[spmem:s4] =	stream.indirect.scatter.add.f32 [tilespmem:s14], [sflag:$0x1], $0x8, s7, s30, $0xb8;
	[tilespmem:$0x1C400] =	vst v63  }
0x198: {  	_ =	swait.ge @!p1 [sflag:s12], $0x4000  }
0x199: {  	[sflag:s12] =	ssyncset.done @!p1 $0x0  }
0x19a: {  	[sflag:s12] =	ssyncadd.s32 @!p1 $0xFFFFC000;
	s12 =	simm.s32 @!p1 $0x4  }
0x19b: {  	_ =	swait.ge @!p1 [sflag:s12], $0x800  }
0x19c: {  	[sflag:s12] =	ssyncset.done @!p1 $0x0  }
0x19d: {  	s5 =	sadd.s32 $0x60, s5;
	[sflag:s12] =	ssyncadd.s32 @!p1 $0xFFFFF800  }
0x19e: {  	[tilespmem:s23], [sflag:$0xC] =	stream.linear.gather [hbm4b:s5+s8], $0x100, $0x38;
	[tilespmem:$0x1C400] =	vst v63  }
0x19f: {  	_ =	swait.ge [sflag:s24], $0x100  }
0x1a0: {  	[sflag:s24] =	ssyncset.done $0x0  }
0x1a1: {  	s26 =	simm.s32 $0xBB00;
	[sflag:s24] =	ssyncadd.s32 $0xFFFFFF00  }
0x1a2: {  	[tilespmem:s25], [sflag:$0x8] =	stream.indirect.gather [hbm4b:s20+s30], $0x40, s26, s30, $0xb8;
	[tilespmem:$0x1C400] =	vst v63  }
0x1a3: {  	_ =	swait.ge [sflag:s28], $0x4000  }
0x1a4: {  	[sflag:s28] =	ssyncset.done $0x0  }
0x1a5: {  	s12 =	simm.s32 @!p2 $0xB900;
	s5 =	sadd.s32 @!p2 $0xA0, s1;
	[sflag:s28] =	ssyncadd.s32 $0xFFFFC000  }
0x1a6: {  	[tilespmem:s12], [sflag:$0xE] =	stream.linear.gather @!p2 [hbm4b:s5+s2], $0x100, $0x38;
	[tilespmem:$0x1C400] =	vst v63  }
0x1a7: {  	_ =	swait.ge [sflag:s29], $0x100  }
0x1a8: {  	[sflag:s29] =	ssyncset.done $0x0  }
0x1a9: {  	s28 =	simm.s32 $0xB500;
	[sflag:s29] =	ssyncadd.s32 $0xFFFFFF00;
	s29 =	simm.s32 $0x10400  }
0x1aa: {  	[spmem:s3] =	stream.indirect.scatter.add.f32 [tilespmem:s29], [sflag:$0x12], $0x40, s28, s30, $0xb8;
	[tilespmem:$0x1C400] =	vst v63  }
0x1ab: {  	_ = 	snop  }
0x1ac: {  	[spmem:s4] =	stream.indirect.scatter.add.f32 [tilespmem:s14], [sflag:$0x2], $0x8, s28, s30, $0xb8;
	[tilespmem:$0x1C400] =	vst v63  }
0x1ad: {  	_ =	swait.ge [sflag:s0], $0x4000  }
0x1ae: {  	[sflag:s0] =	ssyncset.done $0x0  }
0x1af: {  	[sflag:s0] =	ssyncadd.s32 $0xFFFFC000  }
0x1b0: {  	_ =	swait.ge [sflag:s22], $0x800  }
0x1b1: {  	[sflag:s22] =	ssyncset.done $0x0  }
0x1b2: {  	s5 =	simm.s32 @p2 $0x7;
	[sflag:s22] =	ssyncadd.s32 $0xFFFFF800  }
0x1b3: {  	_ =	swait.ge @p2 [sflag:s5], $0x4000  }
0x1b4: {  	s11 =	sadd.s32 @!p2 s11, s15;
	[sflag:s5] =	ssyncset.done @p2 $0x0  }
0x1b5: {  	s15 =	sadd.s32 @!p2 $0x80, s11;
	[sflag:s5] =	ssyncadd.s32 @p2 $0xFFFFC000;
	s5 =	simm.s32 @!p2 $0xB400  }
0x1b6: {  	[tilespmem:s5], [sflag:$0x9] =	stream.linear.gather @!p2 [hbm4b:s15+s2], $0x100, $0x38;
	[tilespmem:$0x1C400] =	vst v63  }
0x1b7: {  	s5 =	simm.s32 @!p2 $0xD  }
0x1b8: {  	_ =	swait.ge @!p2 [sflag:s5], $0x100  }
0x1b9: {  	[sflag:s5] =	ssyncset.done @!p2 $0x0  }
0x1ba: {  	s15 =	simm.s32 @!p2 $0x100;
	[sflag:s5] =	ssyncadd.s32 @!p2 $0xFFFFFF00;
	s5 =	simm.s32 @!p2 $0xC400  }
0x1bb: {  	[tilespmem:s5], [sflag:$0x5] =	stream.indirect.gather @!p2 [hbm4b:s20+s15], $0x40, s9, s15, $0xb8;
	[tilespmem:$0x1C400] =	vst v63  }
0x1bc: {  	s5 =	simm.s32 @!p2 $0x7  }
0x1bd: {  	_ =	swait.ge @!p2 [sflag:s5], $0x4000  }
0x1be: {  	[sflag:s5] =	ssyncset.done @!p2 $0x0  }
0x1bf: {  	s9 =	sadd.s32 @!p2 $0xC0, s1;
	[sflag:s5] =	ssyncadd.s32 @!p2 $0xFFFFC000;
	s5 =	simm.s32 @!p2 $0xBA00  }
0x1c0: {  	[tilespmem:s5], [sflag:$0xF] =	stream.linear.gather @!p2 [hbm4b:s9+s2], $0x100, $0x38;
	[tilespmem:$0x1C400] =	vst v63  }
0x1c1: {  	_ =	swait.ge [sflag:s6], $0x100  }
0x1c2: {  	[sflag:s6] =	ssyncset.done $0x0  }
0x1c3: {  	[sflag:s6] =	ssyncadd.s32 $0xFFFFFF00  }
0x1c4: {  	[spmem:s3] =	stream.indirect.scatter.add.f32 [tilespmem:s18], [sflag:$0x13], $0x40, s21, s30, $0xb8;
	[tilespmem:$0x1C400] =	vst v63  }
0x1c5: {  	_ = 	snop  }
0x1c6: {  	[spmem:s4] =	stream.indirect.scatter.add.f32 [tilespmem:s14], [sflag:$0x3], $0x8, s21, s30, $0xb8;
	[tilespmem:$0x1C400] =	vst v63  }
0x1c7: {  	_ =	swait.ge [sflag:s13], $0x4000  }
0x1c8: {  	[sflag:s13] =	ssyncset.done $0x0  }
0x1c9: {  	[sflag:s13] =	ssyncadd.s32 $0xFFFFC000  }
0x1ca: {  	_ =	swait.ge [sflag:s17], $0x800  }
0x1cb: {  	[sflag:s17] =	ssyncset.done $0x0  }
0x1cc: {  	s5 =	simm.s32 @p2 $0x8;
	[sflag:s17] =	ssyncadd.s32 $0xFFFFF800  }
0x1cd: {  	_ =	swait.ge @p2 [sflag:s5], $0x4000  }
0x1ce: {  	[sflag:s5] =	ssyncset.done @p2 $0x0  }
0x1cf: {  	s9 =	sadd.s32 @!p2 $0xA0, s11;
	[sflag:s5] =	ssyncadd.s32 @p2 $0xFFFFC000;
	s5 =	simm.s32 @!p2 $0xB500  }
0x1d0: {  	[tilespmem:s5], [sflag:$0xA] =	stream.linear.gather @!p2 [hbm4b:s9+s2], $0x100, $0x38;
	[tilespmem:$0x1C400] =	vst v63  }
0x1d1: {  	s5 =	simm.s32 @!p2 $0xE  }
0x1d2: {  	_ =	swait.ge @!p2 [sflag:s5], $0x100  }
0x1d3: {  	[sflag:s5] =	ssyncset.done @!p2 $0x0  }
0x1d4: {  	[sflag:s5] =	ssyncadd.s32 @!p2 $0xFFFFFF00;
	s5 =	simm.s32 @!p2 $0x10400  }
0x1d5: {  	[tilespmem:s5], [sflag:$0x6] =	stream.indirect.gather @!p2 [hbm4b:s20+s15], $0x40, s12, s15, $0xb8;
	[tilespmem:$0x1C400] =	vst v63  }
0x1d6: {  	s5 =	simm.s32 @!p2 $0x8  }
0x1d7: {  	_ =	swait.ge @!p2 [sflag:s5], $0x4000  }
0x1d8: {  	[sflag:s5] =	ssyncset.done @!p2 $0x0  }
0x1d9: {  	s1 =	sadd.s32 @!p2 $0xE0, s1;
	[sflag:s5] =	ssyncadd.s32 @!p2 $0xFFFFC000;
	s5 =	simm.s32 @!p2 $0xBB00  }
0x1da: {  	[tilespmem:s5], [sflag:$0x10] =	stream.linear.gather @!p2 [hbm4b:s1+s2], $0x100, $0x38;
	[tilespmem:$0x1C400] =	vst v63  }
0x1db: {  	_ =	swait.ge [sflag:s19], $0x100  }
0x1dc: {  	s2 =	rddreg [dreg:$0xc]  }
0x1dd: {  	s1 =	rddreg [dreg:$0xe]  }
0x1de: {  	s21 =	rddreg [dreg:$0x6]  }
.Ltmp4:
0x1df: {  	[sflag:s19] =	ssyncset.done $0x0;
	s18 =	rddreg [dreg:$0x10];
	(pc) =	sbr.rel .LBB2_8-.Ltmp4, $4  }
0x1e0: {  	s7 =	simm.s32 $0x10400;
	s6 =	rddreg [dreg:$0x1f];
	[sflag:s19] =	ssyncadd.s32 $0xFFFFFF00  }
0x1e1: {  	[spmem:s3] =	stream.indirect.scatter.add.f32 [tilespmem:s25], [sflag:$0x14], $0x40, s23, s30, $0xb8;
	[tilespmem:$0x1C400] =	vst v63  }
0x1e2: {  	s12 =	simm.s32 $0x0;
	s19 =	rddreg [dreg:$0x1];
	s25 =	simm.s32 $0xBB00  }
0x1e3: {  	[spmem:s4] =	stream.indirect.scatter.add.f32 [tilespmem:s14], [sflag:$0x4], $0x8, s23, s30, $0xb8;
	[tilespmem:$0x1C400] =	vst v63  }
.LBB2_5:
0x1e4: {  	[tilespmem:s5], [sflag:$0xD] =	stream.linear.gather [hbm4b:s21+s1], $0x100, $0x38;
	[tilespmem:$0x1C400] =	vst v63  }
0x1e5: {  	s2 =	rddreg [dreg:$0xf];
	s7 =	simm.s32 $0xB900  }
0x1e6: {  	[tilespmem:s7], [sflag:$0xE] =	stream.linear.gather [hbm4b:s2+s1], $0x100, $0x38;
	[tilespmem:$0x1C400] =	vst v63  }
0x1e7: {  	s13 =	rddreg [dreg:$0x1b]  }
0x1e8: {  	[tilespmem:s31], [sflag:$0xF] =	stream.linear.gather [hbm4b:s13+s1], $0x100, $0x38;
	[tilespmem:$0x1C400] =	vst v63  }
0x1e9: {  	s14 =	rddreg [dreg:$0x1c]  }
0x1ea: {  	[tilespmem:s25], [sflag:$0x10] =	stream.linear.gather [hbm4b:s14+s1], $0x100, $0x38;
	[tilespmem:$0x1C400] =	vst v63  }
0x1eb: {  	_ = 	snop  }
0x1ec: {  	[tilespmem:s8], [sflag:$0x9] =	stream.linear.gather [hbm4b:s18+s1], $0x100, $0x38;
	[tilespmem:$0x1C400] =	vst v63  }
0x1ed: {  	s16 =	rddreg [dreg:$0x11];
	s6 =	simm.s32 $0xB500;
	s17 =	simm.s32 $0xD  }
0x1ee: {  	[tilespmem:s6], [sflag:$0xA] =	stream.linear.gather [hbm4b:s16+s1], $0x100, $0x38;
	[tilespmem:$0x1C400] =	vst v63  }
0x1ef: {  	_ =	swait.ge [sflag:s17], $0x100  }
0x1f0: {  	[sflag:s17] =	ssyncset.done $0x0  }
0x1f1: {  	s20 =	simm.s32 $0xE;
	[sflag:s17] =	ssyncadd.s32 $0xFFFFFF00  }
0x1f2: {  	[tilespmem:s15], [sflag:$0x5] =	stream.indirect.gather [hbm4b:s19+s30], $0x40, s5, s30, $0xb8;
	[tilespmem:$0x1C400] =	vst v63  }
0x1f3: {  	p1 =	por $0x1, $0x1;
	_ =	swait.ge [sflag:s20], $0x100  }
0x1f4: {  	p2 =	por p1, p1;
	[sflag:s20] =	ssyncset.done $0x0  }
0x1f5: {  	s0 =	simm.s32 $0x10400;
	s1 =	simm.s32 @!p2 $0x13;
	[sflag:s20] =	ssyncadd.s32 $0xFFFFFF00  }
0x1f6: {  	[tilespmem:s0], [sflag:$0x6] =	stream.indirect.gather [hbm4b:s19+s30], $0x40, s7, s30, $0xb8;
	[tilespmem:$0x1C400] =	vst v63  }
0x1f7: {  	_ =	swait.ge @!p2 [sflag:s1], $0x4000  }
0x1f8: {  	[sflag:s1] =	ssyncset.done @!p2 $0x0  }
0x1f9: {  	[sflag:s1] =	ssyncadd.s32 @!p2 $0xFFFFC000;
	s1 =	simm.s32 @!p2 $0x3  }
0x1fa: {  	s22 =	sadd.s32 $0x0, s18;
	_ =	swait.ge @!p2 [sflag:s1], $0x800  }
0x1fb: {  	s2 =	sadd.s32 $0x40, s22;
	[sflag:s1] =	ssyncset.done @!p2 $0x0  }
0x1fc: {  	s16 =	simm.s32 $0xF;
	s20 =	simm.s32 $0xB600;
	[sflag:s1] =	ssyncadd.s32 @!p2 $0xFFFFF800  }
0x1fd: {  	[tilespmem:s20], [sflag:$0xB] =	stream.linear.gather [hbm4b:s2+s12], $0x100, $0x38;
	[tilespmem:$0x1C400] =	vst v63  }
0x1fe: {  	_ =	swait.ge [sflag:s16], $0x100  }
0x1ff: {  	s10 =	simm.s32 $0x5;
	[sflag:s16] =	ssyncset.done $0x0  }
0x200: {  	p1 =	por $0x0, $0x0;
	s7 =	simm.s32 $0x14400;
	[sflag:s16] =	ssyncadd.s32 $0xFFFFFF00  }
0x201: {  	[tilespmem:s7], [sflag:$0x7] =	stream.indirect.gather [hbm4b:s19+s30], $0x40, s31, s30, $0xb8;
	[tilespmem:$0x1C400] =	vst v63  }
0x202: {  	s9 =	simm.s32 @!p1 $0xB800;
	_ =	swait.ge [sflag:s10], $0x4000  }
0x203: {  	s17 =	simm.s32 $0x9;
	s1 =	sadd.s32 @!p1 $0x0, s21;
	[sflag:s10] =	ssyncset.done $0x0  }
0x204: {  	s11 =	sadd.s32 @!p1 $0x80, s1;
	s2 =	simm.s32 @!p1 $0x0;
	[sflag:s10] =	ssyncadd.s32 $0xFFFFC000  }
0x205: {  	[tilespmem:s9], [sflag:$0xD] =	stream.linear.gather @!p1 [hbm4b:s11+s2], $0x100, $0x38;
	[tilespmem:$0x1C400] =	vst v63  }
0x206: {  	_ =	swait.ge [sflag:s17], $0x100  }
0x207: {  	[sflag:s17] =	ssyncset.done $0x0  }
0x208: {  	s14 =	smov.u32 s4;
	s4 =	smov.u32 s3;
	[sflag:s17] =	ssyncadd.s32 $0xFFFFFF00  }
0x209: {  	[spmem:s4] =	stream.indirect.scatter.add.f32 [tilespmem:s15], [sflag:$0x11], $0x40, s8, s30, $0xb8;
	[tilespmem:$0x1C400] =	vst v63  }
0x20a: {  	s26 =	simm.s32 $0xBC00;
	s11 =	simm.s32 @!p2 $0x14  }
0x20b: {  	[spmem:s14] =	stream.indirect.scatter.add.f32 [tilespmem:s26], [sflag:$0x1], $0x8, s8, s30, $0xb8;
	[tilespmem:$0x1C400] =	vst v63  }
0x20c: {  	_ =	swait.ge @!p2 [sflag:s11], $0x4000  }
0x20d: {  	[sflag:s11] =	ssyncset.done @!p2 $0x0  }
0x20e: {  	[sflag:s11] =	ssyncadd.s32 @!p2 $0xFFFFC000;
	s11 =	simm.s32 @!p2 $0x4  }
0x20f: {  	_ =	swait.ge @!p2 [sflag:s11], $0x800  }
0x210: {  	s24 =	simm.s32 $0xB700;
	[sflag:s11] =	ssyncset.done @!p2 $0x0  }
0x211: {  	s13 =	simm.s32 $0x10;
	s5 =	sadd.s32 $0x60, s22;
	[sflag:s11] =	ssyncadd.s32 @!p2 $0xFFFFF800  }
0x212: {  	[tilespmem:s24], [sflag:$0xC] =	stream.linear.gather [hbm4b:s5+s12], $0x100, $0x38;
	[tilespmem:$0x1C400] =	vst v63  }
0x213: {  	_ =	swait.ge [sflag:s13], $0x100  }
0x214: {  	[sflag:s13] =	ssyncset.done $0x0  }
0x215: {  	s23 =	simm.s32 $0x18400;
	s28 =	simm.s32 $0x6;
	[sflag:s13] =	ssyncadd.s32 $0xFFFFFF00  }
0x216: {  	[tilespmem:s23], [sflag:$0x8] =	stream.indirect.gather [hbm4b:s19+s30], $0x40, s25, s30, $0xb8;
	[tilespmem:$0x1C400] =	vst v63  }
0x217: {  	_ =	swait.ge [sflag:s28], $0x4000  }
0x218: {  	s29 =	simm.s32 $0xA;
	[sflag:s28] =	ssyncset.done $0x0  }
0x219: {  	s11 =	simm.s32 @!p1 $0xB900;
	s5 =	sadd.s32 @!p1 $0xA0, s1;
	[sflag:s28] =	ssyncadd.s32 $0xFFFFC000  }
0x21a: {  	[tilespmem:s11], [sflag:$0xE] =	stream.linear.gather @!p1 [hbm4b:s5+s2], $0x100, $0x38;
	[tilespmem:$0x1C400] =	vst v63  }
0x21b: {  	_ =	swait.ge [sflag:s29], $0x100  }
0x21c: {  	[sflag:s29] =	ssyncset.done $0x0  }
0x21d: {  	[sflag:s29] =	ssyncadd.s32 $0xFFFFFF00  }
0x21e: {  	[spmem:s4] =	stream.indirect.scatter.add.f32 [tilespmem:s0], [sflag:$0x12], $0x40, s6, s30, $0xb8;
	[tilespmem:$0x1C400] =	vst v63  }
0x21f: {  	s0 =	simm.s32 $0x11  }
0x220: {  	[spmem:s14] =	stream.indirect.scatter.add.f32 [tilespmem:s26], [sflag:$0x2], $0x8, s6, s30, $0xb8;
	[tilespmem:$0x1C400] =	vst v63  }
0x221: {  	_ =	swait.ge [sflag:s0], $0x4000  }
0x222: {  	[sflag:s0] =	ssyncset.done $0x0  }
0x223: {  	s22 =	simm.s32 $0x1;
	[sflag:s0] =	ssyncadd.s32 $0xFFFFC000  }
0x224: {  	_ =	swait.ge [sflag:s22], $0x800  }
0x225: {  	[sflag:s22] =	ssyncset.done $0x0  }
0x226: {  	s5 =	simm.s32 @p1 $0x7;
	[sflag:s22] =	ssyncadd.s32 $0xFFFFF800  }
0x227: {  	_ =	swait.ge @p1 [sflag:s5], $0x4000  }
0x228: {  	s12 =	sadd.s32 @!p1 $0x0, s18;
	[sflag:s5] =	ssyncset.done @p1 $0x0  }
0x229: {  	s15 =	sadd.s32 @!p1 $0x80, s12;
	[sflag:s5] =	ssyncadd.s32 @p1 $0xFFFFC000;
	s5 =	simm.s32 @!p1 $0xB400  }
0x22a: {  	[tilespmem:s5], [sflag:$0x9] =	stream.linear.gather @!p1 [hbm4b:s15+s2], $0x100, $0x38;
	[tilespmem:$0x1C400] =	vst v63  }
0x22b: {  	s5 =	simm.s32 @!p1 $0xD  }
0x22c: {  	_ =	swait.ge @!p1 [sflag:s5], $0x100  }
0x22d: {  	[sflag:s5] =	ssyncset.done @!p1 $0x0  }
0x22e: {  	s15 =	simm.s32 @!p1 $0x100;
	[sflag:s5] =	ssyncadd.s32 @!p1 $0xFFFFFF00;
	s5 =	simm.s32 @!p1 $0xC400  }
0x22f: {  	[tilespmem:s5], [sflag:$0x5] =	stream.indirect.gather @!p1 [hbm4b:s19+s15], $0x40, s9, s15, $0xb8;
	[tilespmem:$0x1C400] =	vst v63  }
0x230: {  	s5 =	simm.s32 @!p1 $0x7  }
0x231: {  	_ =	swait.ge @!p1 [sflag:s5], $0x4000  }
0x232: {  	s6 =	simm.s32 $0xB;
	[sflag:s5] =	ssyncset.done @!p1 $0x0  }
0x233: {  	s9 =	sadd.s32 @!p1 $0xC0, s1;
	[sflag:s5] =	ssyncadd.s32 @!p1 $0xFFFFC000;
	s5 =	simm.s32 @!p1 $0xBA00  }
0x234: {  	[tilespmem:s5], [sflag:$0xF] =	stream.linear.gather @!p1 [hbm4b:s9+s2], $0x100, $0x38;
	[tilespmem:$0x1C400] =	vst v63  }
0x235: {  	_ =	swait.ge [sflag:s6], $0x100  }
0x236: {  	[sflag:s6] =	ssyncset.done $0x0  }
0x237: {  	[sflag:s6] =	ssyncadd.s32 $0xFFFFFF00  }
0x238: {  	[spmem:s4] =	stream.indirect.scatter.add.f32 [tilespmem:s7], [sflag:$0x13], $0x40, s20, s30, $0xb8;
	[tilespmem:$0x1C400] =	vst v63  }
0x239: {  	s13 =	simm.s32 $0x12  }
0x23a: {  	[spmem:s14] =	stream.indirect.scatter.add.f32 [tilespmem:s26], [sflag:$0x3], $0x8, s20, s30, $0xb8;
	[tilespmem:$0x1C400] =	vst v63  }
0x23b: {  	_ =	swait.ge [sflag:s13], $0x4000  }
0x23c: {  	[sflag:s13] =	ssyncset.done $0x0  }
0x23d: {  	s17 =	simm.s32 $0x2;
	[sflag:s13] =	ssyncadd.s32 $0xFFFFC000  }
0x23e: {  	_ =	swait.ge [sflag:s17], $0x800  }
0x23f: {  	[sflag:s17] =	ssyncset.done $0x0  }
0x240: {  	s5 =	simm.s32 @p1 $0x8;
	[sflag:s17] =	ssyncadd.s32 $0xFFFFF800  }
0x241: {  	_ =	swait.ge @p1 [sflag:s5], $0x4000  }
0x242: {  	[sflag:s5] =	ssyncset.done @p1 $0x0  }
0x243: {  	s9 =	sadd.s32 @!p1 $0xA0, s12;
	[sflag:s5] =	ssyncadd.s32 @p1 $0xFFFFC000;
	s5 =	simm.s32 @!p1 $0xB500  }
0x244: {  	[tilespmem:s5], [sflag:$0xA] =	stream.linear.gather @!p1 [hbm4b:s9+s2], $0x100, $0x38;
	[tilespmem:$0x1C400] =	vst v63  }
0x245: {  	s5 =	simm.s32 @!p1 $0xE  }
0x246: {  	_ =	swait.ge @!p1 [sflag:s5], $0x100  }
0x247: {  	[sflag:s5] =	ssyncset.done @!p1 $0x0  }
0x248: {  	[sflag:s5] =	ssyncadd.s32 @!p1 $0xFFFFFF00;
	s5 =	simm.s32 @!p1 $0x10400  }
0x249: {  	[tilespmem:s5], [sflag:$0x6] =	stream.indirect.gather @!p1 [hbm4b:s19+s15], $0x40, s11, s15, $0xb8;
	[tilespmem:$0x1C400] =	vst v63  }
0x24a: {  	s5 =	simm.s32 @!p1 $0x8  }
0x24b: {  	_ =	swait.ge @!p1 [sflag:s5], $0x4000  }
0x24c: {  	s8 =	simm.s32 $0xC;
	[sflag:s5] =	ssyncset.done @!p1 $0x0  }
0x24d: {  	s1 =	sadd.s32 @!p1 $0xE0, s1;
	[sflag:s5] =	ssyncadd.s32 @!p1 $0xFFFFC000;
	s5 =	simm.s32 @!p1 $0xBB00  }
0x24e: {  	[tilespmem:s5], [sflag:$0x10] =	stream.linear.gather @!p1 [hbm4b:s1+s2], $0x100, $0x38;
	[tilespmem:$0x1C400] =	vst v63  }
0x24f: {  	p6 =	por $0x0, $0x0;
	_ =	swait.ge [sflag:s8], $0x100  }
0x250: {  	s7 =	smov.u32 s18;
	s18 =	simm.s32 $0x100;
	[sflag:s8] =	ssyncset.done $0x0  }
0x251: {  	s11 =	simm.s32 $0x80;
	p1 =	por p6, p6;
	[sflag:s8] =	ssyncadd.s32 $0xFFFFFF00  }
0x252: {  	[spmem:s4] =	stream.indirect.scatter.add.f32 [tilespmem:s23], [sflag:$0x14], $0x40, s24, s30, $0xb8;
	[tilespmem:$0x1C400] =	vst v63  }
.LBB2_6:
0x253: {  	s25 =	simm.s32 $0xB700;
	s1 =	simm.s32 @!p1 $0x13  }
0x254: {  	[spmem:s14] =	stream.indirect.scatter.add.f32 [tilespmem:s26], [sflag:$0x4], $0x8, s25, s30, $0xb8;
	[tilespmem:$0x1C400] =	vst v63  }
0x255: {  	_ =	swait.ge @!p1 [sflag:s1], $0x4000  }
0x256: {  	[sflag:s1] =	ssyncset.done @!p1 $0x0  }
0x257: {  	[sflag:s1] =	ssyncadd.s32 @!p1 $0xFFFFC000;
	s1 =	simm.s32 @!p1 $0x3  }
0x258: {  	_ =	swait.ge @!p1 [sflag:s1], $0x800  }
0x259: {  	s9 =	sadd.s32 s11, s7;
	[sflag:s1] =	ssyncset.done @!p1 $0x0  }
0x25a: {  	s23 =	simm.s32 $0x0;
	s15 =	sadd.s32 $0x40, s9;
	[sflag:s1] =	ssyncadd.s32 @!p1 $0xFFFFF800  }
0x25b: {  	[tilespmem:s20], [sflag:$0xB] =	stream.linear.gather [hbm4b:s15+s23], $0x100, $0x38;
	[tilespmem:$0x1C400] =	vst v63  }
0x25c: {  	_ =	swait.ge [sflag:s16], $0x100  }
0x25d: {  	[sflag:s16] =	ssyncset.done $0x0  }
0x25e: {  	s3 =	simm.s32 $0x14400;
	[sflag:s16] =	ssyncadd.s32 $0xFFFFFF00  }
0x25f: {  	[tilespmem:s3], [sflag:$0x7] =	stream.indirect.gather [hbm4b:s19+s30], $0x40, s31, s30, $0xb8;
	[tilespmem:$0x1C400] =	vst v63  }
0x260: {  	p3 =	seq.s32 s11, $0x980;
	s24 =	simm.s32 $0x9;
	_ =	swait.ge [sflag:s10], $0x4000  }
0x261: {  	s12 =	sadd.s32 @!p3 s11, s21;
	s2 =	simm.s32 @!p3 $0xB800;
	[sflag:s10] =	ssyncset.done $0x0  }
0x262: {  	s1 =	sadd.s32 @!p3 $0x80, s12;
	s31 =	simm.s32 @!p3 $0x0;
	[sflag:s10] =	ssyncadd.s32 $0xFFFFC000  }
0x263: {  	[tilespmem:s2], [sflag:$0xD] =	stream.linear.gather @!p3 [hbm4b:s1+s31], $0x100, $0x38;
	[tilespmem:$0x1C400] =	vst v63  }
0x264: {  	s21 =	sadd.s32 @!p3 $0xE0, s12;
	_ =	swait.ge [sflag:s24], $0x100  }
0x265: {  	s20 =	sadd.s32 @!p3 $0xA0, s12;
	s15 =	sadd.s32 @!p3 $0xC0, s12;
	[sflag:s24] =	ssyncset.done $0x0  }
0x266: {  	s12 =	simm.s32 $0xC400;
	[sflag:s24] =	ssyncadd.s32 $0xFFFFFF00;
	s24 =	simm.s32 $0xB400  }
0x267: {  	[spmem:s4] =	stream.indirect.scatter.add.f32 [tilespmem:s12], [sflag:$0x11], $0x40, s24, s30, $0xb8;
	[tilespmem:$0x1C400] =	vst v63  }
0x268: {  	s12 =	simm.s32 @!p1 $0x14  }
0x269: {  	[spmem:s14] =	stream.indirect.scatter.add.f32 [tilespmem:s26], [sflag:$0x1], $0x8, s24, s30, $0xb8;
	[tilespmem:$0x1C400] =	vst v63  }
0x26a: {  	s5 =	smov.u32 s18;
	_ =	swait.ge @!p1 [sflag:s12], $0x4000  }
0x26b: {  	p4 =	seq.s32 s5, $0x0;
	s1 =	sadd.s32 @!p3 s11, s7;
	[sflag:s12] =	ssyncset.done @!p1 $0x0  }
0x26c: {  	s11 =	smov.u32 s5;
	s5 =	simm.s32 @!p1 $0x4;
	[sflag:s12] =	ssyncadd.s32 @!p1 $0xFFFFC000  }
0x26d: {  	_ =	swait.ge @!p1 [sflag:s5], $0x800  }
0x26e: {  	[sflag:s5] =	ssyncset.done @!p1 $0x0  }
0x26f: {  	s24 =	sadd.s32 $0x60, s9;
	s9 =	simm.s32 $0x10;
	[sflag:s5] =	ssyncadd.s32 @!p1 $0xFFFFF800  }
0x270: {  	[tilespmem:s25], [sflag:$0xC] =	stream.linear.gather [hbm4b:s24+s23], $0x100, $0x38;
	[tilespmem:$0x1C400] =	vst v63  }
0x271: {  	_ =	swait.ge [sflag:s9], $0x100  }
0x272: {  	[sflag:s9] =	ssyncset.done $0x0  }
0x273: {  	[sflag:s9] =	ssyncadd.s32 $0xFFFFFF00  }
0x274: {  	s12 =	simm.s32 $0xBB00;
	s24 =	simm.s32 $0x18400;
	s5 =	rddreg [dreg:$0x1]  }
0x275: {  	[tilespmem:s24], [sflag:$0x8] =	stream.indirect.gather [hbm4b:s5+s30], $0x40, s12, s30, $0xb8;
	[tilespmem:$0x1C400] =	vst v63  }
0x276: {  	_ =	swait.ge [sflag:s28], $0x4000  }
0x277: {  	[sflag:s28] =	ssyncset.done $0x0  }
0x278: {  	s5 =	simm.s32 @!p3 $0xB900;
	[sflag:s28] =	ssyncadd.s32 $0xFFFFC000  }
0x279: {  	[tilespmem:s5], [sflag:$0xE] =	stream.linear.gather @!p3 [hbm4b:s20+s31], $0x100, $0x38;
	[tilespmem:$0x1C400] =	vst v63  }
0x27a: {  	_ =	swait.ge [sflag:s29], $0x100  }
0x27b: {  	[sflag:s29] =	ssyncset.done $0x0  }
0x27c: {  	s23 =	simm.s32 $0xB500;
	s20 =	simm.s32 $0x10400;
	[sflag:s29] =	ssyncadd.s32 $0xFFFFFF00  }
0x27d: {  	[spmem:s4] =	stream.indirect.scatter.add.f32 [tilespmem:s20], [sflag:$0x12], $0x40, s23, s30, $0xb8;
	[tilespmem:$0x1C400] =	vst v63  }
0x27e: {  	_ = 	snop  }
0x27f: {  	[spmem:s14] =	stream.indirect.scatter.add.f32 [tilespmem:s26], [sflag:$0x2], $0x8, s23, s30, $0xb8;
	[tilespmem:$0x1C400] =	vst v63  }
0x280: {  	_ =	swait.ge [sflag:s0], $0x4000  }
0x281: {  	[sflag:s0] =	ssyncset.done $0x0  }
0x282: {  	[sflag:s0] =	ssyncadd.s32 $0xFFFFC000  }
0x283: {  	_ =	swait.ge [sflag:s22], $0x800  }
0x284: {  	[sflag:s22] =	ssyncset.done $0x0  }
0x285: {  	s9 =	simm.s32 @p3 $0x7;
	[sflag:s22] =	ssyncadd.s32 $0xFFFFF800  }
0x286: {  	_ =	swait.ge @p3 [sflag:s9], $0x4000  }
0x287: {  	s19 =	sadd.s32 @!p3 $0x80, s1;
	[sflag:s9] =	ssyncset.done @p3 $0x0  }
0x288: {  	s12 =	simm.s32 @!p3 $0xD;
	[sflag:s9] =	ssyncadd.s32 @p3 $0xFFFFC000;
	s9 =	simm.s32 @!p3 $0xB400  }
0x289: {  	[tilespmem:s9], [sflag:$0x9] =	stream.linear.gather @!p3 [hbm4b:s19+s31], $0x100, $0x38;
	[tilespmem:$0x1C400] =	vst v63  }
0x28a: {  	_ =	swait.ge @!p3 [sflag:s12], $0x100  }
0x28b: {  	[sflag:s12] =	ssyncset.done @!p3 $0x0  }
0x28c: {  	s9 =	simm.s32 @!p3 $0x100;
	[sflag:s12] =	ssyncadd.s32 @!p3 $0xFFFFFF00  }
0x28d: {  	s19 =	simm.s32 @!p3 $0x7;
	s12 =	simm.s32 @!p3 $0xC400;
	s20 =	rddreg [dreg:$0x1]  }
0x28e: {  	[tilespmem:s12], [sflag:$0x5] =	stream.indirect.gather @!p3 [hbm4b:s20+s9], $0x40, s2, s9, $0xb8;
	[tilespmem:$0x1C400] =	vst v63  }
0x28f: {  	_ =	swait.ge @!p3 [sflag:s19], $0x4000  }
0x290: {  	[sflag:s19] =	ssyncset.done @!p3 $0x0  }
0x291: {  	s2 =	simm.s32 @!p3 $0xBA00;
	[sflag:s19] =	ssyncadd.s32 @!p3 $0xFFFFC000  }
0x292: {  	[tilespmem:s2], [sflag:$0xF] =	stream.linear.gather @!p3 [hbm4b:s15+s31], $0x100, $0x38;
	[tilespmem:$0x1C400] =	vst v63  }
0x293: {  	s19 =	rddreg [dreg:$0x1];
	_ =	swait.ge [sflag:s6], $0x100  }
0x294: {  	[sflag:s6] =	ssyncset.done $0x0  }
0x295: {  	s20 =	simm.s32 $0xB600;
	[sflag:s6] =	ssyncadd.s32 $0xFFFFFF00  }
0x296: {  	[spmem:s4] =	stream.indirect.scatter.add.f32 [tilespmem:s3], [sflag:$0x13], $0x40, s20, s30, $0xb8;
	[tilespmem:$0x1C400] =	vst v63  }
0x297: {  	_ = 	snop  }
0x298: {  	[spmem:s14] =	stream.indirect.scatter.add.f32 [tilespmem:s26], [sflag:$0x3], $0x8, s20, s30, $0xb8;
	[tilespmem:$0x1C400] =	vst v63  }
0x299: {  	_ =	swait.ge [sflag:s13], $0x4000  }
0x29a: {  	[sflag:s13] =	ssyncset.done $0x0  }
0x29b: {  	[sflag:s13] =	ssyncadd.s32 $0xFFFFC000  }
0x29c: {  	_ =	swait.ge [sflag:s17], $0x800  }
0x29d: {  	[sflag:s17] =	ssyncset.done $0x0  }
0x29e: {  	s2 =	simm.s32 @p3 $0x8;
	[sflag:s17] =	ssyncadd.s32 $0xFFFFF800  }
0x29f: {  	_ =	swait.ge @p3 [sflag:s2], $0x4000  }
0x2a0: {  	s1 =	sadd.s32 @!p3 $0xA0, s1;
	[sflag:s2] =	ssyncset.done @p3 $0x0  }
0x2a1: {  	s12 =	simm.s32 @!p3 $0xE;
	[sflag:s2] =	ssyncadd.s32 @p3 $0xFFFFC000;
	s2 =	simm.s32 @!p3 $0xB500  }
0x2a2: {  	[tilespmem:s2], [sflag:$0xA] =	stream.linear.gather @!p3 [hbm4b:s1+s31], $0x100, $0x38;
	[tilespmem:$0x1C400] =	vst v63  }
0x2a3: {  	_ =	swait.ge @!p3 [sflag:s12], $0x100  }
0x2a4: {  	[sflag:s12] =	ssyncset.done @!p3 $0x0  }
0x2a5: {  	s1 =	simm.s32 @!p3 $0x10400;
	s2 =	simm.s32 @!p3 $0x8;
	[sflag:s12] =	ssyncadd.s32 @!p3 $0xFFFFFF00  }
0x2a6: {  	[tilespmem:s1], [sflag:$0x6] =	stream.indirect.gather @!p3 [hbm4b:s19+s9], $0x40, s5, s9, $0xb8;
	[tilespmem:$0x1C400] =	vst v63  }
0x2a7: {  	_ =	swait.ge @!p3 [sflag:s2], $0x4000  }
0x2a8: {  	s18 =	sadd.s32 $0x80, s18;
	[sflag:s2] =	ssyncset.done @!p3 $0x0  }
0x2a9: {  	p2 =	sne.s32 s18, $0xA00;
	s1 =	simm.s32 @!p3 $0xBB00;
	[sflag:s2] =	ssyncadd.s32 @!p3 $0xFFFFC000  }
0x2aa: {  	[tilespmem:s1], [sflag:$0x10] =	stream.linear.gather @!p3 [hbm4b:s21+s31], $0x100, $0x38;
	[tilespmem:$0x1C400] =	vst v63  }
.Ltmp5:
0x2ab: {  	_ = 	snop;
	(pc) =	sbr.rel @p2 .LBB2_6-.Ltmp5, $4  }
0x2ac: {  	s21 =	rddreg [dreg:$0x6];
	_ =	swait.ge [sflag:s8], $0x100  }
0x2ad: {  	[sflag:s8] =	ssyncset.done $0x0  }
0x2ae: {  	p1 =	por p4, p4;
	s31 =	simm.s32 $0xBA00;
	[sflag:s8] =	ssyncadd.s32 $0xFFFFFF00  }
0x2af: {  	[spmem:s4] =	stream.indirect.scatter.add.f32 [tilespmem:s24], [sflag:$0x14], $0x40, s25, s30, $0xb8;
	[tilespmem:$0x1C400] =	vst v63  }
.Ltmp6:
0x2b0: {  	_ = 	snop;
	(pc) =	sbr.rel .LBB2_7-.Ltmp6, $1  }
0x2b1: {  	_ =	sdelay $0x3  }
.LBB2_9:
0x2b2: {  	_ =	sfence.sel $0x180000  }
0x2b3: {  	[bflag:$0x0] =	sbarrier.arrive $0xFFFF  }
0x2b4: {  	_ =	strace $0x90000047  }
0x2b5: {  	s0 =	stileid.u32;
	[bflag:$0x2] =	sbarrier.arrive $0xFFFF  }
0x2b6: {  	p0 =	sne.s32 s0, $0x0;
	s0 =	rddreg [dreg:$0x5]  }
0x2b7: {  	s0 =	sadd.s32 @!p0 $0x100000, s0  }
0x2b8: {  	[sflag:s0] =	ssyncadd.tile.s32 @!p0 $0x1;
	_ =	shalt  }
.Lfunc_end2:
_tile_overlayer_lowered:
.L_overlay_start_2:
0x2b9: {  	(tag) =	ssettag $0x2  }
0x2ba: {  	s0 =	rddreg [dreg:$0x0];
	s2 =	stileid.u32  }
0x2bb: {  	s1 =	rddreg [dreg:$0x1];
	p0 =	sne.s32 s2, $0x0  }
0x2bc: {  	s3 =	rddreg [dreg:$0x2];
	[bflag:$0x3] =	sbarrier.arrive $0xFFFF;
	s2 =	simm.s32 @!p0 $0x1C15  }
0x2bd: {  	[timem:s3], [sflag:s2] =	dma.local @!p0 [hbm:s0], s1  }
0x2be: {  	s0 =	simm.s32 @!p0 $0x15  }
0x2bf: {  	_ =	swait.ge @!p0 [sflag:s0], s1  }
0x2c0: {  	s1 =	ssub.s32 @!p0 $0x0, s1;
	[sflag:s0] =	ssyncset.done @!p0 $0x0  }
0x2c1: {  	[sflag:s0] =	ssyncadd.s32 @!p0 s1  }
0x2c2: {  	[bflag:$0x3] =	sbarrier.arrive $0xFFFF  }
0x2c3: {  	_ =	shalt  }

</sc_bundles>
